<compile_context>
chip_gen: v7x
topology: tpu7x:2x2x1
jax: 0.10.2.dev20260603
libtpu: 0.0.44.dev20260713+nightly
codegen_flags: <defaults>
</compile_context>

<pallas_src>
import jax
import jax.numpy as jnp
from jax import lax
from jax.experimental import pallas as pl
from jax.experimental.pallas import tpu as pltpu
from jax.experimental.pallas import tpu_sc as plsc

N = 10000
E = 320000
F = 16
NC, NS = 2, 16
NW = NC * NS
EW = E // NW
CHUNK = 512
NFULL = EW // CHUNK
TAIL = EW - NFULL * CHUNK
NT = NFULL + 1
NB = 4
PADN = 10112
RPS = PADN // NS

_mesh = plsc.VectorSubcoreMesh(core_axis_name="c", subcore_axis_name="s")
_acc_out = jax.ShapeDtypeStruct((NC * PADN, F), jnp.float32)
_sc_params = pltpu.CompilerParams(use_tc_tiling_on_sc=False)


def _clen(j):
    return CHUNK if j < NFULL else TAIL


@pl.kernel(
    out_type=_acc_out,
    mesh=_mesh,
    scratch_types=[
        pltpu.VMEM((EW,), jnp.int32),
        pltpu.VMEM((CHUNK, F), jnp.float32),
        pltpu.VMEM_SHARED((PADN, F), jnp.float32),
    ] + [pltpu.SemaphoreType.DMA] * NB,
    compiler_params=_sc_params,
)
def _deg(ei_hbm, zeros_hbm, ones_hbm, out_hbm, didx, ones_v, acc, *ssems):
    cid = lax.axis_index("c")
    sid = lax.axis_index("s")
    wid = sid * NC + cid
    base = wid * EW
    pltpu.sync_copy(zeros_hbm, acc.at[pl.ds(sid * RPS, RPS)])
    pltpu.sync_copy(ones_hbm, ones_v)
    pltpu.sync_copy(ei_hbm.at[1, pl.ds(base, EW)], didx)
    plsc.subcore_barrier()

    def sd(j, b):
        ll = _clen(j)
        src = ones_v if ll == CHUNK else ones_v.at[pl.ds(0, TAIL)]
        return pltpu.make_async_copy(
            src, acc.at[didx.at[pl.ds(j * CHUNK, ll)]], ssems[b])

    for j0 in range(0, NT, NB):
        for b in range(NB):
            j = j0 + b
            if j >= NT:
                break
            if j - NB >= 0:
                sd(j - NB, b).wait()
            sd(j, b).start(add=True)
    for b in range(NB):
        j = NT - NB + b
        if j >= 0:
            sd(j, b).wait()
    plsc.subcore_barrier()
    pltpu.sync_copy(acc.at[pl.ds(sid * RPS, RPS)],
                    out_hbm.at[pl.ds((cid * NS + sid) * RPS, RPS)])


@pl.kernel(
    out_type=_acc_out,
    mesh=_mesh,
    scratch_types=[
        pltpu.VMEM((EW,), jnp.int32),
        pltpu.VMEM((EW,), jnp.int32),
        [pltpu.VMEM((CHUNK, F), jnp.float32)] * NB,
        pltpu.VMEM_SHARED((PADN, F), jnp.float32),
        [pltpu.SemaphoreType.DMA] * NB,
        [pltpu.SemaphoreType.DMA] * NB,
    ],
    compiler_params=_sc_params,
)
def _agg(h_hbm, ei_hbm, zeros_hbm, out_hbm, sidx, didx, rows, acc,
         gsems, ssems):
    cid = lax.axis_index("c")
    sid = lax.axis_index("s")
    wid = sid * NC + cid
    base = wid * EW
    pltpu.sync_copy(zeros_hbm, acc.at[pl.ds(sid * RPS, RPS)])
    pltpu.sync_copy(ei_hbm.at[0, pl.ds(base, EW)], sidx)
    pltpu.sync_copy(ei_hbm.at[1, pl.ds(base, EW)], didx)
    plsc.subcore_barrier()

    def buf(j, b):
        return rows[b] if _clen(j) == CHUNK else rows[b].at[pl.ds(0, TAIL)]

    def gd(j, b):
        idx = sidx.at[pl.ds(j * CHUNK, _clen(j))]
        return pltpu.make_async_copy(h_hbm.at[idx], buf(j, b), gsems[b])

    def sd(j, b):
        idx = didx.at[pl.ds(j * CHUNK, _clen(j))]
        return pltpu.make_async_copy(buf(j, b), acc.at[idx], ssems[b])

    for b in range(NB):
        gd(b, b).start()
    for j0 in range(0, NT, NB):
        for b in range(NB):
            j = j0 + b
            if j >= NT:
                break
            gd(j, b).wait()
            sd(j, b).start(add=True)
        for b in range(NB):
            j = j0 + b
            if j >= NT:
                break
            sd(j, b).wait()
            if j + NB < NT:
                gd(j + NB, b).start()
    plsc.subcore_barrier()
    pltpu.sync_copy(acc.at[pl.ds(sid * RPS, RPS)],
                    out_hbm.at[pl.ds((cid * NS + sid) * RPS, RPS)])


def _tc1_body(x_ref, w1_ref, degp_ref, h1s_ref, dinv_ref):
    deg = degp_ref[0:N, 0:1] + degp_ref[PADN:PADN + N, 0:1] + 1.0
    dinv = lax.rsqrt(deg)
    h1 = jnp.dot(x_ref[...], w1_ref[...], preferred_element_type=jnp.float32)
    h1s_ref[...] = h1 * dinv
    dinv_ref[...] = dinv


_tc1 = pl.pallas_call(
    _tc1_body,
    out_shape=(jax.ShapeDtypeStruct((N, F), jnp.float32),
               jax.ShapeDtypeStruct((N, 1), jnp.float32)),
)


def _tc2_body(sp_ref, h1s_ref, dinv_ref, w2_ref, b1_ref, h2s_ref):
    s = sp_ref[0:N, :] + sp_ref[PADN:PADN + N, :]
    dinv = dinv_ref[...]
    z1 = jnp.maximum((s + h1s_ref[...]) * dinv + b1_ref[...], 0.0)
    h2 = jnp.dot(z1, w2_ref[...], preferred_element_type=jnp.float32)
    h2s_ref[...] = h2 * dinv


_tc2 = pl.pallas_call(
    _tc2_body,
    out_shape=jax.ShapeDtypeStruct((N, F), jnp.float32),
)


def _tc3_body(sp_ref, h2s_ref, dinv_ref, b2_ref, out_ref):
    s = sp_ref[0:N, :] + sp_ref[PADN:PADN + N, :]
    out_ref[...] = (s + h2s_ref[...]) * dinv_ref[...] + b2_ref[...]


_tc3 = pl.pallas_call(
    _tc3_body,
    out_shape=jax.ShapeDtypeStruct((N, F), jnp.float32),
)


def kernel(x, edge_index, W1, b1, W2, b2):
    ei = edge_index.astype(jnp.int32)
    zeros = jnp.zeros((RPS, F), jnp.float32)
    ones = jnp.ones((CHUNK, F), jnp.float32)

    degp = _deg(ei, zeros, ones)
    h1s, dinv = _tc1(x, W1, degp)
    s1p = _agg(h1s, ei, zeros)
    h2s = _tc2(s1p, h1s, dinv, W2, b1.reshape(1, F))
    s2p = _agg(h2s, ei, zeros)
    return _tc3(s2p, h2s, dinv, b2.reshape(1, F))

# --- scband reference (transcript-rebuilt; emitter-appended) ---
"""Pipeline reference for scband-gcn-84086869721211 (READ-ONLY COPY).

The authoritative reference and input builder live on the scoring server;
editing this copy changes nothing except your own understanding.
"""

import jax, jax.numpy as jnp
import numpy as np

N_NODES = 10000

def gcn_conv(x, edge_index, W, b):
    N = x.shape[0]
    src = edge_index[0]
    dst = edge_index[1]
    loop = jnp.arange(N, dtype=src.dtype)
    src = jnp.concatenate([src, loop])
    dst = jnp.concatenate([dst, loop])
    # symmetric gcn normalization with edge_weight = 1
    deg = jnp.zeros((N,), dtype=x.dtype).at[dst].add(1.0)
    dinv = jnp.where(deg > 0, 1.0 / jnp.sqrt(deg), 0.0)
    norm = dinv[src] * dinv[dst]
    h = x @ W
    msg = h[src] * norm[:, None]
    out = jnp.zeros((N, W.shape[1]), dtype=x.dtype).at[dst].add(msg)
    return out + b


def setup_inputs(seed: int = 0) -> dict:
    key = jax.random.key(seed)
    k1, k2, k3, k4 = jax.random.split(key, 4)
    x = jax.random.normal(k1, (N_NODES, 128), dtype=jnp.float32)
    edge_index = jax.random.randint(k2, (2, 320000), 0, N_NODES, dtype=jnp.int64)
    W1 = jax.random.normal(k3, (128, 16), dtype=jnp.float32) * 0.05
    b1 = jnp.zeros((16,), dtype=jnp.float32)
    W2 = jax.random.normal(k4, (16, 16), dtype=jnp.float32) * 0.05
    b2 = jnp.zeros((16,), dtype=jnp.float32)
    return {"x": x, "edge_index": edge_index, "W1": W1, "b1": b1, "W2": W2, "b2": b2}


def reference(x, edge_index, W1, b1, W2, b2):
    # eval-mode: dropout is identity; edge_weight is forced to None in the module
    h = jax.nn.relu(gcn_conv(x, edge_index, W1, b1))
    out = gcn_conv(h, edge_index, W2, b2)
    return out

if __name__ == "__main__":
    import jax
    _d = setup_inputs()
    print(jax.jit(kernel)(*tuple(_d.values())))

</pallas_src>

<mosaic_0001>
#map = affine_map<(d0, d1) -> (0, 0)>
module attributes {stable_mosaic.version = 14 : i64} {
  func.func @_agg(%arg0: i32, %arg1: i32, %arg2: memref<10000x16xf32, #tpu.memory_space<hbm>>, %arg3: memref<2x320000xi32, #tpu.memory_space<hbm>>, %arg4: memref<632x16xf32, #tpu.memory_space<hbm>>, %arg5: memref<20224x16xf32, #tpu.memory_space<hbm>>, %arg6: memref<10000xi32, #tpu.memory_space<vmem>>, %arg7: memref<10000xi32, #tpu.memory_space<vmem>>, %arg8: memref<512x16xf32, #tpu.memory_space<vmem>>, %arg9: memref<512x16xf32, #tpu.memory_space<vmem>>, %arg10: memref<512x16xf32, #tpu.memory_space<vmem>>, %arg11: memref<512x16xf32, #tpu.memory_space<vmem>>, %arg12: memref<10112x16xf32, #tpu.memory_space<vmem_shared>>, %arg13: memref<!tpu.dma_semaphore, #tpu.memory_space<semaphore_mem>>, %arg14: memref<!tpu.dma_semaphore, #tpu.memory_space<semaphore_mem>>, %arg15: memref<!tpu.dma_semaphore, #tpu.memory_space<semaphore_mem>>, %arg16: memref<!tpu.dma_semaphore, #tpu.memory_space<semaphore_mem>>, %arg17: memref<!tpu.dma_semaphore, #tpu.memory_space<semaphore_mem>>, %arg18: memref<!tpu.dma_semaphore, #tpu.memory_space<semaphore_mem>>, %arg19: memref<!tpu.dma_semaphore, #tpu.memory_space<semaphore_mem>>, %arg20: memref<!tpu.dma_semaphore, #tpu.memory_space<semaphore_mem>>) attributes {dimension_semantics = [#tpu.dimension_semantics<core_parallel>, #tpu.dimension_semantics<subcore_parallel>], iteration_bounds = array<i64: 2, 16>, scalar_prefetch = 0 : i64, scratch_operands = 15 : i64, tpu.core_type = #tpu.core_type<sc_vector_subcore>, window_params = [{transform_indices = #map}, {transform_indices = #map}, {transform_indices = #map}, {transform_indices = #map}]} {
    %mul3A = arith.constant 2 : i32
    %mul3A_0 = arith.muli %arg1, %mul3A : i32
    %add3A = arith.addi %mul3A_0, %arg0 : i32
    %mul3A_1 = arith.constant 10000 : i32
    %mul3A_2 = arith.muli %add3A, %mul3A_1 : i32
    %mul3A_3 = arith.constant 632 : i32
    %mul3A_4 = arith.muli %arg1, %mul3A_3 : i32
    "tpu.region"() ({
      %run_scoped3A_424 = tpu.sem_alloc : memref<!tpu.dma_semaphore, #tpu.memory_space<semaphore_mem>>
      %dma_start3A_425 = arith.constant 0 : i32
      %dma_start3A_426 = tpu.memref_slice %arg12[%mul3A_4, %dma_start3A_425] : memref<10112x16xf32, #tpu.memory_space<vmem_shared>> -> memref<632x16xf32, #tpu.memory_space<vmem_shared>>
      tpu.enqueue_dma source(%arg4 : memref<632x16xf32, #tpu.memory_space<hbm>>) target(%dma_start3A_426 : memref<632x16xf32, #tpu.memory_space<vmem_shared>>) target_semaphore(%run_scoped3A_424 : memref<!tpu.dma_semaphore, #tpu.memory_space<semaphore_mem>>)
      %dma_wait3A_427 = arith.constant 0 : i32
      %dma_wait3A_428 = tpu.memref_slice %arg12[%mul3A_4, %dma_wait3A_427] : memref<10112x16xf32, #tpu.memory_space<vmem_shared>> -> memref<632x16xf32, #tpu.memory_space<vmem_shared>>
      tpu.wait_dma2 semaphore(%run_scoped3A_424 : memref<!tpu.dma_semaphore, #tpu.memory_space<semaphore_mem>>) src(%arg4 : memref<632x16xf32, #tpu.memory_space<hbm>>) dst(%dma_wait3A_428 : memref<632x16xf32, #tpu.memory_space<vmem_shared>>)
      tpu.yield
    }) : () -> ()
    %run_scoped3A = arith.constant 0 : i32
    "tpu.region"() ({
      %run_scoped3A_424 = tpu.sem_alloc : memref<!tpu.dma_semaphore, #tpu.memory_space<semaphore_mem>>
      %dma_start3A_425 = tpu.memref_slice %arg3[%run_scoped3A, %mul3A_2] : memref<2x320000xi32, #tpu.memory_space<hbm>> -> memref<1x10000xi32, #tpu.memory_space<hbm>>
      %dma_start3A_426 = tpu.memref_squeeze %dma_start3A_425 : memref<1x10000xi32, #tpu.memory_space<hbm>> -> memref<10000xi32, #tpu.memory_space<hbm>>
      %dma_start3A_427 = tpu.memref_slice %arg3[%run_scoped3A, %mul3A_2] : memref<2x320000xi32, #tpu.memory_space<hbm>> -> memref<1x10000xi32, #tpu.memory_space<hbm>>
      %dma_start3A_428 = tpu.memref_squeeze %dma_start3A_427 : memref<1x10000xi32, #tpu.memory_space<hbm>> -> memref<10000xi32, #tpu.memory_space<hbm>>
      tpu.enqueue_dma source(%dma_start3A_428 : memref<10000xi32, #tpu.memory_space<hbm>>) target(%arg6 : memref<10000xi32, #tpu.memory_space<vmem>>) target_semaphore(%run_scoped3A_424 : memref<!tpu.dma_semaphore, #tpu.memory_space<semaphore_mem>>)
      %dma_wait3A_429 = tpu.memref_slice %arg3[%run_scoped3A, %mul3A_2] : memref<2x320000xi32, #tpu.memory_space<hbm>> -> memref<1x10000xi32, #tpu.memory_space<hbm>>
      %dma_wait3A_430 = tpu.memref_squeeze %dma_wait3A_429 : memref<1x10000xi32, #tpu.memory_space<hbm>> -> memref<10000xi32, #tpu.memory_space<hbm>>
      %dma_wait3A_431 = tpu.memref_slice %arg3[%run_scoped3A, %mul3A_2] : memref<2x320000xi32, #tpu.memory_space<hbm>> -> memref<1x10000xi32, #tpu.memory_space<hbm>>
      %dma_wait3A_432 = tpu.memref_squeeze %dma_wait3A_431 : memref<1x10000xi32, #tpu.memory_space<hbm>> -> memref<10000xi32, #tpu.memory_space<hbm>>
      tpu.wait_dma2 semaphore(%run_scoped3A_424 : memref<!tpu.dma_semaphore, #tpu.memory_space<semaphore_mem>>) src(%dma_wait3A_432 : memref<10000xi32, #tpu.memory_space<hbm>>) dst(%arg6 : memref<10000xi32, #tpu.memory_space<vmem>>)
      tpu.yield
    }) : () -> ()
    %run_scoped3A_5 = arith.constant 1 : i32
    "tpu.region"() ({
      %run_scoped3A_424 = tpu.sem_alloc : memref<!tpu.dma_semaphore, #tpu.memory_space<semaphore_mem>>
      %dma_start3A_425 = tpu.memref_slice %arg3[%run_scoped3A_5, %mul3A_2] : memref<2x320000xi32, #tpu.memory_space<hbm>> -> memref<1x10000xi32, #tpu.memory_space<hbm>>
      %dma_start3A_426 = tpu.memref_squeeze %dma_start3A_425 : memref<1x10000xi32, #tpu.memory_space<hbm>> -> memref<10000xi32, #tpu.memory_space<hbm>>
      %dma_start3A_427 = tpu.memref_slice %arg3[%run_scoped3A_5, %mul3A_2] : memref<2x320000xi32, #tpu.memory_space<hbm>> -> memref<1x10000xi32, #tpu.memory_space<hbm>>
      %dma_start3A_428 = tpu.memref_squeeze %dma_start3A_427 : memref<1x10000xi32, #tpu.memory_space<hbm>> -> memref<10000xi32, #tpu.memory_space<hbm>>
      tpu.enqueue_dma source(%dma_start3A_428 : memref<10000xi32, #tpu.memory_space<hbm>>) target(%arg7 : memref<10000xi32, #tpu.memory_space<vmem>>) target_semaphore(%run_scoped3A_424 : memref<!tpu.dma_semaphore, #tpu.memory_space<semaphore_mem>>)
      %dma_wait3A_429 = tpu.memref_slice %arg3[%run_scoped3A_5, %mul3A_2] : memref<2x320000xi32, #tpu.memory_space<hbm>> -> memref<1x10000xi32, #tpu.memory_space<hbm>>
      %dma_wait3A_430 = tpu.memref_squeeze %dma_wait3A_429 : memref<1x10000xi32, #tpu.memory_space<hbm>> -> memref<10000xi32, #tpu.memory_space<hbm>>
      %dma_wait3A_431 = tpu.memref_slice %arg3[%run_scoped3A_5, %mul3A_2] : memref<2x320000xi32, #tpu.memory_space<hbm>> -> memref<1x10000xi32, #tpu.memory_space<hbm>>
      %dma_wait3A_432 = tpu.memref_squeeze %dma_wait3A_431 : memref<1x10000xi32, #tpu.memory_space<hbm>> -> memref<10000xi32, #tpu.memory_space<hbm>>
      tpu.wait_dma2 semaphore(%run_scoped3A_424 : memref<!tpu.dma_semaphore, #tpu.memory_space<semaphore_mem>>) src(%dma_wait3A_432 : memref<10000xi32, #tpu.memory_space<hbm>>) dst(%arg7 : memref<10000xi32, #tpu.memory_space<vmem>>)
      tpu.yield
    }) : () -> ()
    %barrier3A = arith.constant 0 : index
    tpu.barrier barrier_id(%barrier3A)
    %dma_start3A = arith.constant 0 : i32
    %dma_start3A_6 = tpu.memref_slice %arg6[%dma_start3A] : memref<10000xi32, #tpu.memory_space<vmem>> -> memref<512xi32, #tpu.memory_space<vmem>>
    %dma_start3A_7 = arith.constant 0 : i32
    %dma_start3A_8 = arith.constant 0 : i32
    %dma_start3A_9 = tpu.memref_slice %arg2[%dma_start3A_7, %dma_start3A_8] : memref<10000x16xf32, #tpu.memory_space<hbm>> -> memref<10000x16xf32, #tpu.memory_space<hbm>>
    tpu.enqueue_indirect_dma source(%dma_start3A_9 : memref<10000x16xf32, #tpu.memory_space<hbm>>) target(%arg8 : memref<512x16xf32, #tpu.memory_space<vmem>>) offsets(%dma_start3A_6 : memref<512xi32, #tpu.memory_space<vmem>>) semaphore(%arg13 : memref<!tpu.dma_semaphore, #tpu.memory_space<semaphore_mem>>)
    %dma_start3A_10 = arith.constant 512 : i32
    %dma_start3A_11 = tpu.memref_slice %arg6[%dma_start3A_10] : memref<10000xi32, #tpu.memory_space<vmem>> -> memref<512xi32, #tpu.memory_space<vmem>>
    %dma_start3A_12 = arith.constant 0 : i32
    %dma_start3A_13 = arith.constant 0 : i32
    %dma_start3A_14 = tpu.memref_slice %arg2[%dma_start3A_12, %dma_start3A_13] : memref<10000x16xf32, #tpu.memory_space<hbm>> -> memref<10000x16xf32, #tpu.memory_space<hbm>>
    tpu.enqueue_indirect_dma source(%dma_start3A_14 : memref<10000x16xf32, #tpu.memory_space<hbm>>) target(%arg9 : memref<512x16xf32, #tpu.memory_space<vmem>>) offsets(%dma_start3A_11 : memref<512xi32, #tpu.memory_space<vmem>>) semaphore(%arg14 : memref<!tpu.dma_semaphore, #tpu.memory_space<semaphore_mem>>)
    %dma_start3A_15 = arith.constant 1024 : i32
    %dma_start3A_16 = tpu.memref_slice %arg6[%dma_start3A_15] : memref<10000xi32, #tpu.memory_space<vmem>> -> memref<512xi32, #tpu.memory_space<vmem>>
    %dma_start3A_17 = arith.constant 0 : i32
    %dma_start3A_18 = arith.constant 0 : i32
    %dma_start3A_19 = tpu.memref_slice %arg2[%dma_start3A_17, %dma_start3A_18] : memref<10000x16xf32, #tpu.memory_space<hbm>> -> memref<10000x16xf32, #tpu.memory_space<hbm>>
    tpu.enqueue_indirect_dma source(%dma_start3A_19 : memref<10000x16xf32, #tpu.memory_space<hbm>>) target(%arg10 : memref<512x16xf32, #tpu.memory_space<vmem>>) offsets(%dma_start3A_16 : memref<512xi32, #tpu.memory_space<vmem>>) semaphore(%arg15 : memref<!tpu.dma_semaphore, #tpu.memory_space<semaphore_mem>>)
    %dma_start3A_20 = arith.constant 1536 : i32
    %dma_start3A_21 = tpu.memref_slice %arg6[%dma_start3A_20] : memref<10000xi32, #tpu.memory_space<vmem>> -> memref<512xi32, #tpu.memory_space<vmem>>
    %dma_start3A_22 = arith.constant 0 : i32
    %dma_start3A_23 = arith.constant 0 : i32
    %dma_start3A_24 = tpu.memref_slice %arg2[%dma_start3A_22, %dma_start3A_23] : memref<10000x16xf32, #tpu.memory_space<hbm>> -> memref<10000x16xf32, #tpu.memory_space<hbm>>
    tpu.enqueue_indirect_dma source(%dma_start3A_24 : memref<10000x16xf32, #tpu.memory_space<hbm>>) target(%arg11 : memref<512x16xf32, #tpu.memory_space<vmem>>) offsets(%dma_start3A_21 : memref<512xi32, #tpu.memory_space<vmem>>) semaphore(%arg16 : memref<!tpu.dma_semaphore, #tpu.memory_space<semaphore_mem>>)
    %dma_wait3A = arith.constant 0 : i32
    %dma_wait3A_25 = tpu.memref_slice %arg6[%dma_wait3A] : memref<10000xi32, #tpu.memory_space<vmem>> -> memref<512xi32, #tpu.memory_space<vmem>>
    %dma_wait3A_26 = arith.constant 0 : i32
    %dma_wait3A_27 = arith.constant 0 : i32
    %dma_wait3A_28 = tpu.memref_slice %arg2[%dma_wait3A_26, %dma_wait3A_27] : memref<10000x16xf32, #tpu.memory_space<hbm>> -> memref<10000x16xf32, #tpu.memory_space<hbm>>
    tpu.wait_indirect_dma semaphore(%arg13 : memref<!tpu.dma_semaphore, #tpu.memory_space<semaphore_mem>>) src(%dma_wait3A_28 : memref<10000x16xf32, #tpu.memory_space<hbm>>) dst(%arg8 : memref<512x16xf32, #tpu.memory_space<vmem>>)
    %dma_start3A_29 = arith.constant 0 : i32
    %dma_start3A_30 = tpu.memref_slice %arg7[%dma_start3A_29] : memref<10000xi32, #tpu.memory_space<vmem>> -> memref<512xi32, #tpu.memory_space<vmem>>
    %dma_start3A_31 = arith.constant 0 : i32
    %dma_start3A_32 = arith.constant 0 : i32
    %dma_start3A_33 = tpu.memref_slice %arg12[%dma_start3A_31, %dma_start3A_32] : memref<10112x16xf32, #tpu.memory_space<vmem_shared>> -> memref<10112x16xf32, #tpu.memory_space<vmem_shared>>
    tpu.enqueue_indirect_dma source(%arg8 : memref<512x16xf32, #tpu.memory_space<vmem>>) target(%dma_start3A_33 : memref<10112x16xf32, #tpu.memory_space<vmem_shared>>) offsets(%dma_start3A_30 : memref<512xi32, #tpu.memory_space<vmem>>) semaphore(%arg17 : memref<!tpu.dma_semaphore, #tpu.memory_space<semaphore_mem>>) {add = true}
    %dma_wait3A_34 = arith.constant 512 : i32
    %dma_wait3A_35 = tpu.memref_slice %arg6[%dma_wait3A_34] : memref<10000xi32, #tpu.memory_space<vmem>> -> memref<512xi32, #tpu.memory_space<vmem>>
    %dma_wait3A_36 = arith.constant 0 : i32
    %dma_wait3A_37 = arith.constant 0 : i32
    %dma_wait3A_38 = tpu.memref_slice %arg2[%dma_wait3A_36, %dma_wait3A_37] : memref<10000x16xf32, #tpu.memory_space<hbm>> -> memref<10000x16xf32, #tpu.memory_space<hbm>>
    tpu.wait_indirect_dma semaphore(%arg14 : memref<!tpu.dma_semaphore, #tpu.memory_space<semaphore_mem>>) src(%dma_wait3A_38 : memref<10000x16xf32, #tpu.memory_space<hbm>>) dst(%arg9 : memref<512x16xf32, #tpu.memory_space<vmem>>)
    %dma_start3A_39 = arith.constant 512 : i32
    %dma_start3A_40 = tpu.memref_slice %arg7[%dma_start3A_39] : memref<10000xi32, #tpu.memory_space<vmem>> -> memref<512xi32, #tpu.memory_space<vmem>>
    %dma_start3A_41 = arith.constant 0 : i32
    %dma_start3A_42 = arith.constant 0 : i32
    %dma_start3A_43 = tpu.memref_slice %arg12[%dma_start3A_41, %dma_start3A_42] : memref<10112x16xf32, #tpu.memory_space<vmem_shared>> -> memref<10112x16xf32, #tpu.memory_space<vmem_shared>>
    tpu.enqueue_indirect_dma source(%arg9 : memref<512x16xf32, #tpu.memory_space<vmem>>) target(%dma_start3A_43 : memref<10112x16xf32, #tpu.memory_space<vmem_shared>>) offsets(%dma_start3A_40 : memref<512xi32, #tpu.memory_space<vmem>>) semaphore(%arg18 : memref<!tpu.dma_semaphore, #tpu.memory_space<semaphore_mem>>) {add = true}
    %dma_wait3A_44 = arith.constant 1024 : i32
    %dma_wait3A_45 = tpu.memref_slice %arg6[%dma_wait3A_44] : memref<10000xi32, #tpu.memory_space<vmem>> -> memref<512xi32, #tpu.memory_space<vmem>>
    %dma_wait3A_46 = arith.constant 0 : i32
    %dma_wait3A_47 = arith.constant 0 : i32
    %dma_wait3A_48 = tpu.memref_slice %arg2[%dma_wait3A_46, %dma_wait3A_47] : memref<10000x16xf32, #tpu.memory_space<hbm>> -> memref<10000x16xf32, #tpu.memory_space<hbm>>
    tpu.wait_indirect_dma semaphore(%arg15 : memref<!tpu.dma_semaphore, #tpu.memory_space<semaphore_mem>>) src(%dma_wait3A_48 : memref<10000x16xf32, #tpu.memory_space<hbm>>) dst(%arg10 : memref<512x16xf32, #tpu.memory_space<vmem>>)
    %dma_start3A_49 = arith.constant 1024 : i32
    %dma_start3A_50 = tpu.memref_slice %arg7[%dma_start3A_49] : memref<10000xi32, #tpu.memory_space<vmem>> -> memref<512xi32, #tpu.memory_space<vmem>>
    %dma_start3A_51 = arith.constant 0 : i32
    %dma_start3A_52 = arith.constant 0 : i32
    %dma_start3A_53 = tpu.memref_slice %arg12[%dma_start3A_51, %dma_start3A_52] : memref<10112x16xf32, #tpu.memory_space<vmem_shared>> -> memref<10112x16xf32, #tpu.memory_space<vmem_shared>>
    tpu.enqueue_indirect_dma source(%arg10 : memref<512x16xf32, #tpu.memory_space<vmem>>) target(%dma_start3A_53 : memref<10112x16xf32, #tpu.memory_space<vmem_shared>>) offsets(%dma_start3A_50 : memref<512xi32, #tpu.memory_space<vmem>>) semaphore(%arg19 : memref<!tpu.dma_semaphore, #tpu.memory_space<semaphore_mem>>) {add = true}
    %dma_wait3A_54 = arith.constant 1536 : i32
    %dma_wait3A_55 = tpu.memref_slice %arg6[%dma_wait3A_54] : memref<10000xi32, #tpu.memory_space<vmem>> -> memref<512xi32, #tpu.memory_space<vmem>>
    %dma_wait3A_56 = arith.constant 0 : i32
    %dma_wait3A_57 = arith.constant 0 : i32
    %dma_wait3A_58 = tpu.memref_slice %arg2[%dma_wait3A_56, %dma_wait3A_57] : memref<10000x16xf32, #tpu.memory_space<hbm>> -> memref<10000x16xf32, #tpu.memory_space<hbm>>
    tpu.wait_indirect_dma semaphore(%arg16 : memref<!tpu.dma_semaphore, #tpu.memory_space<semaphore_mem>>) src(%dma_wait3A_58 : memref<10000x16xf32, #tpu.memory_space<hbm>>) dst(%arg11 : memref<512x16xf32, #tpu.memory_space<vmem>>)
    %dma_start3A_59 = arith.constant 1536 : i32
    %dma_start3A_60 = tpu.memref_slice %arg7[%dma_start3A_59] : memref<10000xi32, #tpu.memory_space<vmem>> -> memref<512xi32, #tpu.memory_space<vmem>>
    %dma_start3A_61 = arith.constant 0 : i32
    %dma_start3A_62 = arith.constant 0 : i32
    %dma_start3A_63 = tpu.memref_slice %arg12[%dma_start3A_61, %dma_start3A_62] : memref<10112x16xf32, #tpu.memory_space<vmem_shared>> -> memref<10112x16xf32, #tpu.memory_space<vmem_shared>>
    tpu.enqueue_indirect_dma source(%arg11 : memref<512x16xf32, #tpu.memory_space<vmem>>) target(%dma_start3A_63 : memref<10112x16xf32, #tpu.memory_space<vmem_shared>>) offsets(%dma_start3A_60 : memref<512xi32, #tpu.memory_space<vmem>>) semaphore(%arg20 : memref<!tpu.dma_semaphore, #tpu.memory_space<semaphore_mem>>) {add = true}
    %dma_wait3A_64 = arith.constant 0 : i32
    %dma_wait3A_65 = tpu.memref_slice %arg7[%dma_wait3A_64] : memref<10000xi32, #tpu.memory_space<vmem>> -> memref<512xi32, #tpu.memory_space<vmem>>
    %dma_wait3A_66 = arith.constant 0 : i32
    %dma_wait3A_67 = arith.constant 0 : i32
    %dma_wait3A_68 = tpu.memref_slice %arg12[%dma_wait3A_66, %dma_wait3A_67] : memref<10112x16xf32, #tpu.memory_space<vmem_shared>> -> memref<10112x16xf32, #tpu.memory_space<vmem_shared>>
    tpu.wait_indirect_dma semaphore(%arg17 : memref<!tpu.dma_semaphore, #tpu.memory_space<semaphore_mem>>) src(%arg8 : memref<512x16xf32, #tpu.memory_space<vmem>>) dst(%dma_wait3A_68 : memref<10112x16xf32, #tpu.memory_space<vmem_shared>>)
    %dma_start3A_69 = arith.constant 2048 : i32
    %dma_start3A_70 = tpu.memref_slice %arg6[%dma_start3A_69] : memref<10000xi32, #tpu.memory_space<vmem>> -> memref<512xi32, #tpu.memory_space<vmem>>
    %dma_start3A_71 = arith.constant 0 : i32
    %dma_start3A_72 = arith.constant 0 : i32
    %dma_start3A_73 = tpu.memref_slice %arg2[%dma_start3A_71, %dma_start3A_72] : memref<10000x16xf32, #tpu.memory_space<hbm>> -> memref<10000x16xf32, #tpu.memory_space<hbm>>
    tpu.enqueue_indirect_dma source(%dma_start3A_73 : memref<10000x16xf32, #tpu.memory_space<hbm>>) target(%arg8 : memref<512x16xf32, #tpu.memory_space<vmem>>) offsets(%dma_start3A_70 : memref<512xi32, #tpu.memory_space<vmem>>) semaphore(%arg13 : memref<!tpu.dma_semaphore, #tpu.memory_space<semaphore_mem>>)
    %dma_wait3A_74 = arith.constant 512 : i32
    %dma_wait3A_75 = tpu.memref_slice %arg7[%dma_wait3A_74] : memref<10000xi32, #tpu.memory_space<vmem>> -> memref<512xi32, #tpu.memory_space<vmem>>
    %dma_wait3A_76 = arith.constant 0 : i32
    %dma_wait3A_77 = arith.constant 0 : i32
    %dma_wait3A_78 = tpu.memref_slice %arg12[%dma_wait3A_76, %dma_wait3A_77] : memref<10112x16xf32, #tpu.memory_space<vmem_shared>> -> memref<10112x16xf32, #tpu.memory_space<vmem_shared>>
    tpu.wait_indirect_dma semaphore(%arg18 : memref<!tpu.dma_semaphore, #tpu.memory_space<semaphore_mem>>) src(%arg9 : memref<512x16xf32, #tpu.memory_space<vmem>>) dst(%dma_wait3A_78 : memref<10112x16xf32, #tpu.memory_space<vmem_shared>>)
    %dma_start3A_79 = arith.constant 2560 : i32
    %dma_start3A_80 = tpu.memref_slice %arg6[%dma_start3A_79] : memref<10000xi32, #tpu.memory_space<vmem>> -> memref<512xi32, #tpu.memory_space<vmem>>
    %dma_start3A_81 = arith.constant 0 : i32
    %dma_start3A_82 = arith.constant 0 : i32
    %dma_start3A_83 = tpu.memref_slice %arg2[%dma_start3A_81, %dma_start3A_82] : memref<10000x16xf32, #tpu.memory_space<hbm>> -> memref<10000x16xf32, #tpu.memory_space<hbm>>
    tpu.enqueue_indirect_dma source(%dma_start3A_83 : memref<10000x16xf32, #tpu.memory_space<hbm>>) target(%arg9 : memref<512x16xf32, #tpu.memory_space<vmem>>) offsets(%dma_start3A_80 : memref<512xi32, #tpu.memory_space<vmem>>) semaphore(%arg14 : memref<!tpu.dma_semaphore, #tpu.memory_space<semaphore_mem>>)
    %dma_wait3A_84 = arith.constant 1024 : i32
    %dma_wait3A_85 = tpu.memref_slice %arg7[%dma_wait3A_84] : memref<10000xi32, #tpu.memory_space<vmem>> -> memref<512xi32, #tpu.memory_space<vmem>>
    %dma_wait3A_86 = arith.constant 0 : i32
    %dma_wait3A_87 = arith.constant 0 : i32
    %dma_wait3A_88 = tpu.memref_slice %arg12[%dma_wait3A_86, %dma_wait3A_87] : memref<10112x16xf32, #tpu.memory_space<vmem_shared>> -> memref<10112x16xf32, #tpu.memory_space<vmem_shared>>
    tpu.wait_indirect_dma semaphore(%arg19 : memref<!tpu.dma_semaphore, #tpu.memory_space<semaphore_mem>>) src(%arg10 : memref<512x16xf32, #tpu.memory_space<vmem>>) dst(%dma_wait3A_88 : memref<10112x16xf32, #tpu.memory_space<vmem_shared>>)
    %dma_start3A_89 = arith.constant 3072 : i32
    %dma_start3A_90 = tpu.memref_slice %arg6[%dma_start3A_89] : memref<10000xi32, #tpu.memory_space<vmem>> -> memref<512xi32, #tpu.memory_space<vmem>>
    %dma_start3A_91 = arith.constant 0 : i32
    %dma_start3A_92 = arith.constant 0 : i32
    %dma_start3A_93 = tpu.memref_slice %arg2[%dma_start3A_91, %dma_start3A_92] : memref<10000x16xf32, #tpu.memory_space<hbm>> -> memref<10000x16xf32, #tpu.memory_space<hbm>>
    tpu.enqueue_indirect_dma source(%dma_start3A_93 : memref<10000x16xf32, #tpu.memory_space<hbm>>) target(%arg10 : memref<512x16xf32, #tpu.memory_space<vmem>>) offsets(%dma_start3A_90 : memref<512xi32, #tpu.memory_space<vmem>>) semaphore(%arg15 : memref<!tpu.dma_semaphore, #tpu.memory_space<semaphore_mem>>)
    %dma_wait3A_94 = arith.constant 1536 : i32
    %dma_wait3A_95 = tpu.memref_slice %arg7[%dma_wait3A_94] : memref<10000xi32, #tpu.memory_space<vmem>> -> memref<512xi32, #tpu.memory_space<vmem>>
    %dma_wait3A_96 = arith.constant 0 : i32
    %dma_wait3A_97 = arith.constant 0 : i32
    %dma_wait3A_98 = tpu.memref_slice %arg12[%dma_wait3A_96, %dma_wait3A_97] : memref<10112x16xf32, #tpu.memory_space<vmem_shared>> -> memref<10112x16xf32, #tpu.memory_space<vmem_shared>>
    tpu.wait_indirect_dma semaphore(%arg20 : memref<!tpu.dma_semaphore, #tpu.memory_space<semaphore_mem>>) src(%arg11 : memref<512x16xf32, #tpu.memory_space<vmem>>) dst(%dma_wait3A_98 : memref<10112x16xf32, #tpu.memory_space<vmem_shared>>)
    %dma_start3A_99 = arith.constant 3584 : i32
    %dma_start3A_100 = tpu.memref_slice %arg6[%dma_start3A_99] : memref<10000xi32, #tpu.memory_space<vmem>> -> memref<512xi32, #tpu.memory_space<vmem>>
    %dma_start3A_101 = arith.constant 0 : i32
    %dma_start3A_102 = arith.constant 0 : i32
    %dma_start3A_103 = tpu.memref_slice %arg2[%dma_start3A_101, %dma_start3A_102] : memref<10000x16xf32, #tpu.memory_space<hbm>> -> memref<10000x16xf32, #tpu.memory_space<hbm>>
    tpu.enqueue_indirect_dma source(%dma_start3A_103 : memref<10000x16xf32, #tpu.memory_space<hbm>>) target(%arg11 : memref<512x16xf32, #tpu.memory_space<vmem>>) offsets(%dma_start3A_100 : memref<512xi32, #tpu.memory_space<vmem>>) semaphore(%arg16 : memref<!tpu.dma_semaphore, #tpu.memory_space<semaphore_mem>>)
    %dma_wait3A_104 = arith.constant 2048 : i32
    %dma_wait3A_105 = tpu.memref_slice %arg6[%dma_wait3A_104] : memref<10000xi32, #tpu.memory_space<vmem>> -> memref<512xi32, #tpu.memory_space<vmem>>
    %dma_wait3A_106 = arith.constant 0 : i32
    %dma_wait3A_107 = arith.constant 0 : i32
    %dma_wait3A_108 = tpu.memref_slice %arg2[%dma_wait3A_106, %dma_wait3A_107] : memref<10000x16xf32, #tpu.memory_space<hbm>> -> memref<10000x16xf32, #tpu.memory_space<hbm>>
    tpu.wait_indirect_dma semaphore(%arg13 : memref<!tpu.dma_semaphore, #tpu.memory_space<semaphore_mem>>) src(%dma_wait3A_108 : memref<10000x16xf32, #tpu.memory_space<hbm>>) dst(%arg8 : memref<512x16xf32, #tpu.memory_space<vmem>>)
    %dma_start3A_109 = arith.constant 2048 : i32
    %dma_start3A_110 = tpu.memref_slice %arg7[%dma_start3A_109] : memref<10000xi32, #tpu.memory_space<vmem>> -> memref<512xi32, #tpu.memory_space<vmem>>
    %dma_start3A_111 = arith.constant 0 : i32
    %dma_start3A_112 = arith.constant 0 : i32
    %dma_start3A_113 = tpu.memref_slice %arg12[%dma_start3A_111, %dma_start3A_112] : memref<10112x16xf32, #tpu.memory_space<vmem_shared>> -> memref<10112x16xf32, #tpu.memory_space<vmem_shared>>
    tpu.enqueue_indirect_dma source(%arg8 : memref<512x16xf32, #tpu.memory_space<vmem>>) target(%dma_start3A_113 : memref<10112x16xf32, #tpu.memory_space<vmem_shared>>) offsets(%dma_start3A_110 : memref<512xi32, #tpu.memory_space<vmem>>) semaphore(%arg17 : memref<!tpu.dma_semaphore, #tpu.memory_space<semaphore_mem>>) {add = true}
    %dma_wait3A_114 = arith.constant 2560 : i32
    %dma_wait3A_115 = tpu.memref_slice %arg6[%dma_wait3A_114] : memref<10000xi32, #tpu.memory_space<vmem>> -> memref<512xi32, #tpu.memory_space<vmem>>
    %dma_wait3A_116 = arith.constant 0 : i32
    %dma_wait3A_117 = arith.constant 0 : i32
    %dma_wait3A_118 = tpu.memref_slice %arg2[%dma_wait3A_116, %dma_wait3A_117] : memref<10000x16xf32, #tpu.memory_space<hbm>> -> memref<10000x16xf32, #tpu.memory_space<hbm>>
    tpu.wait_indirect_dma semaphore(%arg14 : memref<!tpu.dma_semaphore, #tpu.memory_space<semaphore_mem>>) src(%dma_wait3A_118 : memref<10000x16xf32, #tpu.memory_space<hbm>>) dst(%arg9 : memref<512x16xf32, #tpu.memory_space<vmem>>)
    %dma_start3A_119 = arith.constant 2560 : i32
    %dma_start3A_120 = tpu.memref_slice %arg7[%dma_start3A_119] : memref<10000xi32, #tpu.memory_space<vmem>> -> memref<512xi32, #tpu.memory_space<vmem>>
    %dma_start3A_121 = arith.constant 0 : i32
    %dma_start3A_122 = arith.constant 0 : i32
    %dma_start3A_123 = tpu.memref_slice %arg12[%dma_start3A_121, %dma_start3A_122] : memref<10112x16xf32, #tpu.memory_space<vmem_shared>> -> memref<10112x16xf32, #tpu.memory_space<vmem_shared>>
    tpu.enqueue_indirect_dma source(%arg9 : memref<512x16xf32, #tpu.memory_space<vmem>>) target(%dma_start3A_123 : memref<10112x16xf32, #tpu.memory_space<vmem_shared>>) offsets(%dma_start3A_120 : memref<512xi32, #tpu.memory_space<vmem>>) semaphore(%arg18 : memref<!tpu.dma_semaphore, #tpu.memory_space<semaphore_mem>>) {add = true}
    %dma_wait3A_124 = arith.constant 3072 : i32
    %dma_wait3A_125 = tpu.memref_slice %arg6[%dma_wait3A_124] : memref<10000xi32, #tpu.memory_space<vmem>> -> memref<512xi32, #tpu.memory_space<vmem>>
    %dma_wait3A_126 = arith.constant 0 : i32
    %dma_wait3A_127 = arith.constant 0 : i32
    %dma_wait3A_128 = tpu.memref_slice %arg2[%dma_wait3A_126, %dma_wait3A_127] : memref<10000x16xf32, #tpu.memory_space<hbm>> -> memref<10000x16xf32, #tpu.memory_space<hbm>>
    tpu.wait_indirect_dma semaphore(%arg15 : memref<!tpu.dma_semaphore, #tpu.memory_space<semaphore_mem>>) src(%dma_wait3A_128 : memref<10000x16xf32, #tpu.memory_space<hbm>>) dst(%arg10 : memref<512x16xf32, #tpu.memory_space<vmem>>)
    %dma_start3A_129 = arith.constant 3072 : i32
    %dma_start3A_130 = tpu.memref_slice %arg7[%dma_start3A_129] : memref<10000xi32, #tpu.memory_space<vmem>> -> memref<512xi32, #tpu.memory_space<vmem>>
    %dma_start3A_131 = arith.constant 0 : i32
    %dma_start3A_132 = arith.constant 0 : i32
    %dma_start3A_133 = tpu.memref_slice %arg12[%dma_start3A_131, %dma_start3A_132] : memref<10112x16xf32, #tpu.memory_space<vmem_shared>> -> memref<10112x16xf32, #tpu.memory_space<vmem_shared>>
    tpu.enqueue_indirect_dma source(%arg10 : memref<512x16xf32, #tpu.memory_space<vmem>>) target(%dma_start3A_133 : memref<10112x16xf32, #tpu.memory_space<vmem_shared>>) offsets(%dma_start3A_130 : memref<512xi32, #tpu.memory_space<vmem>>) semaphore(%arg19 : memref<!tpu.dma_semaphore, #tpu.memory_space<semaphore_mem>>) {add = true}
    %dma_wait3A_134 = arith.constant 3584 : i32
    %dma_wait3A_135 = tpu.memref_slice %arg6[%dma_wait3A_134] : memref<10000xi32, #tpu.memory_space<vmem>> -> memref<512xi32, #tpu.memory_space<vmem>>
    %dma_wait3A_136 = arith.constant 0 : i32
    %dma_wait3A_137 = arith.constant 0 : i32
    %dma_wait3A_138 = tpu.memref_slice %arg2[%dma_wait3A_136, %dma_wait3A_137] : memref<10000x16xf32, #tpu.memory_space<hbm>> -> memref<10000x16xf32, #tpu.memory_space<hbm>>
    tpu.wait_indirect_dma semaphore(%arg16 : memref<!tpu.dma_semaphore, #tpu.memory_space<semaphore_mem>>) src(%dma_wait3A_138 : memref<10000x16xf32, #tpu.memory_space<hbm>>) dst(%arg11 : memref<512x16xf32, #tpu.memory_space<vmem>>)
    %dma_start3A_139 = arith.constant 3584 : i32
    %dma_start3A_140 = tpu.memref_slice %arg7[%dma_start3A_139] : memref<10000xi32, #tpu.memory_space<vmem>> -> memref<512xi32, #tpu.memory_space<vmem>>
    %dma_start3A_141 = arith.constant 0 : i32
    %dma_start3A_142 = arith.constant 0 : i32
    %dma_start3A_143 = tpu.memref_slice %arg12[%dma_start3A_141, %dma_start3A_142] : memref<10112x16xf32, #tpu.memory_space<vmem_shared>> -> memref<10112x16xf32, #tpu.memory_space<vmem_shared>>
    tpu.enqueue_indirect_dma source(%arg11 : memref<512x16xf32, #tpu.memory_space<vmem>>) target(%dma_start3A_143 : memref<10112x16xf32, #tpu.memory_space<vmem_shared>>) offsets(%dma_start3A_140 : memref<512xi32, #tpu.memory_space<vmem>>) semaphore(%arg20 : memref<!tpu.dma_semaphore, #tpu.memory_space<semaphore_mem>>) {add = true}
    %dma_wait3A_144 = arith.constant 2048 : i32
    %dma_wait3A_145 = tpu.memref_slice %arg7[%dma_wait3A_144] : memref<10000xi32, #tpu.memory_space<vmem>> -> memref<512xi32, #tpu.memory_space<vmem>>
    %dma_wait3A_146 = arith.constant 0 : i32
    %dma_wait3A_147 = arith.constant 0 : i32
    %dma_wait3A_148 = tpu.memref_slice %arg12[%dma_wait3A_146, %dma_wait3A_147] : memref<10112x16xf32, #tpu.memory_space<vmem_shared>> -> memref<10112x16xf32, #tpu.memory_space<vmem_shared>>
    tpu.wait_indirect_dma semaphore(%arg17 : memref<!tpu.dma_semaphore, #tpu.memory_space<semaphore_mem>>) src(%arg8 : memref<512x16xf32, #tpu.memory_space<vmem>>) dst(%dma_wait3A_148 : memref<10112x16xf32, #tpu.memory_space<vmem_shared>>)
    %dma_start3A_149 = arith.constant 4096 : i32
    %dma_start3A_150 = tpu.memref_slice %arg6[%dma_start3A_149] : memref<10000xi32, #tpu.memory_space<vmem>> -> memref<512xi32, #tpu.memory_space<vmem>>
    %dma_start3A_151 = arith.constant 0 : i32
    %dma_start3A_152 = arith.constant 0 : i32
    %dma_start3A_153 = tpu.memref_slice %arg2[%dma_start3A_151, %dma_start3A_152] : memref<10000x16xf32, #tpu.memory_space<hbm>> -> memref<10000x16xf32, #tpu.memory_space<hbm>>
    tpu.enqueue_indirect_dma source(%dma_start3A_153 : memref<10000x16xf32, #tpu.memory_space<hbm>>) target(%arg8 : memref<512x16xf32, #tpu.memory_space<vmem>>) offsets(%dma_start3A_150 : memref<512xi32, #tpu.memory_space<vmem>>) semaphore(%arg13 : memref<!tpu.dma_semaphore, #tpu.memory_space<semaphore_mem>>)
    %dma_wait3A_154 = arith.constant 2560 : i32
    %dma_wait3A_155 = tpu.memref_slice %arg7[%dma_wait3A_154] : memref<10000xi32, #tpu.memory_space<vmem>> -> memref<512xi32, #tpu.memory_space<vmem>>
    %dma_wait3A_156 = arith.constant 0 : i32
    %dma_wait3A_157 = arith.constant 0 : i32
    %dma_wait3A_158 = tpu.memref_slice %arg12[%dma_wait3A_156, %dma_wait3A_157] : memref<10112x16xf32, #tpu.memory_space<vmem_shared>> -> memref<10112x16xf32, #tpu.memory_space<vmem_shared>>
    tpu.wait_indirect_dma semaphore(%arg18 : memref<!tpu.dma_semaphore, #tpu.memory_space<semaphore_mem>>) src(%arg9 : memref<512x16xf32, #tpu.memory_space<vmem>>) dst(%dma_wait3A_158 : memref<10112x16xf32, #tpu.memory_space<vmem_shared>>)
    %dma_start3A_159 = arith.constant 4608 : i32
    %dma_start3A_160 = tpu.memref_slice %arg6[%dma_start3A_159] : memref<10000xi32, #tpu.memory_space<vmem>> -> memref<512xi32, #tpu.memory_space<vmem>>
    %dma_start3A_161 = arith.constant 0 : i32
    %dma_start3A_162 = arith.constant 0 : i32
    %dma_start3A_163 = tpu.memref_slice %arg2[%dma_start3A_161, %dma_start3A_162] : memref<10000x16xf32, #tpu.memory_space<hbm>> -> memref<10000x16xf32, #tpu.memory_space<hbm>>
    tpu.enqueue_indirect_dma source(%dma_start3A_163 : memref<10000x16xf32, #tpu.memory_space<hbm>>) target(%arg9 : memref<512x16xf32, #tpu.memory_space<vmem>>) offsets(%dma_start3A_160 : memref<512xi32, #tpu.memory_space<vmem>>) semaphore(%arg14 : memref<!tpu.dma_semaphore, #tpu.memory_space<semaphore_mem>>)
    %dma_wait3A_164 = arith.constant 3072 : i32
    %dma_wait3A_165 = tpu.memref_slice %arg7[%dma_wait3A_164] : memref<10000xi32, #tpu.memory_space<vmem>> -> memref<512xi32, #tpu.memory_space<vmem>>
    %dma_wait3A_166 = arith.constant 0 : i32
    %dma_wait3A_167 = arith.constant 0 : i32
    %dma_wait3A_168 = tpu.memref_slice %arg12[%dma_wait3A_166, %dma_wait3A_167] : memref<10112x16xf32, #tpu.memory_space<vmem_shared>> -> memref<10112x16xf32, #tpu.memory_space<vmem_shared>>
    tpu.wait_indirect_dma semaphore(%arg19 : memref<!tpu.dma_semaphore, #tpu.memory_space<semaphore_mem>>) src(%arg10 : memref<512x16xf32, #tpu.memory_space<vmem>>) dst(%dma_wait3A_168 : memref<10112x16xf32, #tpu.memory_space<vmem_shared>>)
    %dma_start3A_169 = arith.constant 5120 : i32
    %dma_start3A_170 = tpu.memref_slice %arg6[%dma_start3A_169] : memref<10000xi32, #tpu.memory_space<vmem>> -> memref<512xi32, #tpu.memory_space<vmem>>
    %dma_start3A_171 = arith.constant 0 : i32
    %dma_start3A_172 = arith.constant 0 : i32
    %dma_start3A_173 = tpu.memref_slice %arg2[%dma_start3A_171, %dma_start3A_172] : memref<10000x16xf32, #tpu.memory_space<hbm>> -> memref<10000x16xf32, #tpu.memory_space<hbm>>
    tpu.enqueue_indirect_dma source(%dma_start3A_173 : memref<10000x16xf32, #tpu.memory_space<hbm>>) target(%arg10 : memref<512x16xf32, #tpu.memory_space<vmem>>) offsets(%dma_start3A_170 : memref<512xi32, #tpu.memory_space<vmem>>) semaphore(%arg15 : memref<!tpu.dma_semaphore, #tpu.memory_space<semaphore_mem>>)
    %dma_wait3A_174 = arith.constant 3584 : i32
    %dma_wait3A_175 = tpu.memref_slice %arg7[%dma_wait3A_174] : memref<10000xi32, #tpu.memory_space<vmem>> -> memref<512xi32, #tpu.memory_space<vmem>>
    %dma_wait3A_176 = arith.constant 0 : i32
    %dma_wait3A_177 = arith.constant 0 : i32
    %dma_wait3A_178 = tpu.memref_slice %arg12[%dma_wait3A_176, %dma_wait3A_177] : memref<10112x16xf32, #tpu.memory_space<vmem_shared>> -> memref<10112x16xf32, #tpu.memory_space<vmem_shared>>
    tpu.wait_indirect_dma semaphore(%arg20 : memref<!tpu.dma_semaphore, #tpu.memory_space<semaphore_mem>>) src(%arg11 : memref<512x16xf32, #tpu.memory_space<vmem>>) dst(%dma_wait3A_178 : memref<10112x16xf32, #tpu.memory_space<vmem_shared>>)
    %dma_start3A_179 = arith.constant 5632 : i32
    %dma_start3A_180 = tpu.memref_slice %arg6[%dma_start3A_179] : memref<10000xi32, #tpu.memory_space<vmem>> -> memref<512xi32, #tpu.memory_space<vmem>>
    %dma_start3A_181 = arith.constant 0 : i32
    %dma_start3A_182 = arith.constant 0 : i32
    %dma_start3A_183 = tpu.memref_slice %arg2[%dma_start3A_181, %dma_start3A_182] : memref<10000x16xf32, #tpu.memory_space<hbm>> -> memref<10000x16xf32, #tpu.memory_space<hbm>>
    tpu.enqueue_indirect_dma source(%dma_start3A_183 : memref<10000x16xf32, #tpu.memory_space<hbm>>) target(%arg11 : memref<512x16xf32, #tpu.memory_space<vmem>>) offsets(%dma_start3A_180 : memref<512xi32, #tpu.memory_space<vmem>>) semaphore(%arg16 : memref<!tpu.dma_semaphore, #tpu.memory_space<semaphore_mem>>)
    %dma_wait3A_184 = arith.constant 4096 : i32
    %dma_wait3A_185 = tpu.memref_slice %arg6[%dma_wait3A_184] : memref<10000xi32, #tpu.memory_space<vmem>> -> memref<512xi32, #tpu.memory_space<vmem>>
    %dma_wait3A_186 = arith.constant 0 : i32
    %dma_wait3A_187 = arith.constant 0 : i32
    %dma_wait3A_188 = tpu.memref_slice %arg2[%dma_wait3A_186, %dma_wait3A_187] : memref<10000x16xf32, #tpu.memory_space<hbm>> -> memref<10000x16xf32, #tpu.memory_space<hbm>>
    tpu.wait_indirect_dma semaphore(%arg13 : memref<!tpu.dma_semaphore, #tpu.memory_space<semaphore_mem>>) src(%dma_wait3A_188 : memref<10000x16xf32, #tpu.memory_space<hbm>>) dst(%arg8 : memref<512x16xf32, #tpu.memory_space<vmem>>)
    %dma_start3A_189 = arith.constant 4096 : i32
    %dma_start3A_190 = tpu.memref_slice %arg7[%dma_start3A_189] : memref<10000xi32, #tpu.memory_space<vmem>> -> memref<512xi32, #tpu.memory_space<vmem>>
    %dma_start3A_191 = arith.constant 0 : i32
    %dma_start3A_192 = arith.constant 0 : i32
    %dma_start3A_193 = tpu.memref_slice %arg12[%dma_start3A_191, %dma_start3A_192] : memref<10112x16xf32, #tpu.memory_space<vmem_shared>> -> memref<10112x16xf32, #tpu.memory_space<vmem_shared>>
    tpu.enqueue_indirect_dma source(%arg8 : memref<512x16xf32, #tpu.memory_space<vmem>>) target(%dma_start3A_193 : memref<10112x16xf32, #tpu.memory_space<vmem_shared>>) offsets(%dma_start3A_190 : memref<512xi32, #tpu.memory_space<vmem>>) semaphore(%arg17 : memref<!tpu.dma_semaphore, #tpu.memory_space<semaphore_mem>>) {add = true}
    %dma_wait3A_194 = arith.constant 4608 : i32
    %dma_wait3A_195 = tpu.memref_slice %arg6[%dma_wait3A_194] : memref<10000xi32, #tpu.memory_space<vmem>> -> memref<512xi32, #tpu.memory_space<vmem>>
    %dma_wait3A_196 = arith.constant 0 : i32
    %dma_wait3A_197 = arith.constant 0 : i32
    %dma_wait3A_198 = tpu.memref_slice %arg2[%dma_wait3A_196, %dma_wait3A_197] : memref<10000x16xf32, #tpu.memory_space<hbm>> -> memref<10000x16xf32, #tpu.memory_space<hbm>>
    tpu.wait_indirect_dma semaphore(%arg14 : memref<!tpu.dma_semaphore, #tpu.memory_space<semaphore_mem>>) src(%dma_wait3A_198 : memref<10000x16xf32, #tpu.memory_space<hbm>>) dst(%arg9 : memref<512x16xf32, #tpu.memory_space<vmem>>)
    %dma_start3A_199 = arith.constant 4608 : i32
    %dma_start3A_200 = tpu.memref_slice %arg7[%dma_start3A_199] : memref<10000xi32, #tpu.memory_space<vmem>> -> memref<512xi32, #tpu.memory_space<vmem>>
    %dma_start3A_201 = arith.constant 0 : i32
    %dma_start3A_202 = arith.constant 0 : i32
    %dma_start3A_203 = tpu.memref_slice %arg12[%dma_start3A_201, %dma_start3A_202] : memref<10112x16xf32, #tpu.memory_space<vmem_shared>> -> memref<10112x16xf32, #tpu.memory_space<vmem_shared>>
    tpu.enqueue_indirect_dma source(%arg9 : memref<512x16xf32, #tpu.memory_space<vmem>>) target(%dma_start3A_203 : memref<10112x16xf32, #tpu.memory_space<vmem_shared>>) offsets(%dma_start3A_200 : memref<512xi32, #tpu.memory_space<vmem>>) semaphore(%arg18 : memref<!tpu.dma_semaphore, #tpu.memory_space<semaphore_mem>>) {add = true}
    %dma_wait3A_204 = arith.constant 5120 : i32
    %dma_wait3A_205 = tpu.memref_slice %arg6[%dma_wait3A_204] : memref<10000xi32, #tpu.memory_space<vmem>> -> memref<512xi32, #tpu.memory_space<vmem>>
    %dma_wait3A_206 = arith.constant 0 : i32
    %dma_wait3A_207 = arith.constant 0 : i32
    %dma_wait3A_208 = tpu.memref_slice %arg2[%dma_wait3A_206, %dma_wait3A_207] : memref<10000x16xf32, #tpu.memory_space<hbm>> -> memref<10000x16xf32, #tpu.memory_space<hbm>>
    tpu.wait_indirect_dma semaphore(%arg15 : memref<!tpu.dma_semaphore, #tpu.memory_space<semaphore_mem>>) src(%dma_wait3A_208 : memref<10000x16xf32, #tpu.memory_space<hbm>>) dst(%arg10 : memref<512x16xf32, #tpu.memory_space<vmem>>)
    %dma_start3A_209 = arith.constant 5120 : i32
    %dma_start3A_210 = tpu.memref_slice %arg7[%dma_start3A_209] : memref<10000xi32, #tpu.memory_space<vmem>> -> memref<512xi32, #tpu.memory_space<vmem>>
    %dma_start3A_211 = arith.constant 0 : i32
    %dma_start3A_212 = arith.constant 0 : i32
    %dma_start3A_213 = tpu.memref_slice %arg12[%dma_start3A_211, %dma_start3A_212] : memref<10112x16xf32, #tpu.memory_space<vmem_shared>> -> memref<10112x16xf32, #tpu.memory_space<vmem_shared>>
    tpu.enqueue_indirect_dma source(%arg10 : memref<512x16xf32, #tpu.memory_space<vmem>>) target(%dma_start3A_213 : memref<10112x16xf32, #tpu.memory_space<vmem_shared>>) offsets(%dma_start3A_210 : memref<512xi32, #tpu.memory_space<vmem>>) semaphore(%arg19 : memref<!tpu.dma_semaphore, #tpu.memory_space<semaphore_mem>>) {add = true}
    %dma_wait3A_214 = arith.constant 5632 : i32
    %dma_wait3A_215 = tpu.memref_slice %arg6[%dma_wait3A_214] : memref<10000xi32, #tpu.memory_space<vmem>> -> memref<512xi32, #tpu.memory_space<vmem>>
    %dma_wait3A_216 = arith.constant 0 : i32
    %dma_wait3A_217 = arith.constant 0 : i32
    %dma_wait3A_218 = tpu.memref_slice %arg2[%dma_wait3A_216, %dma_wait3A_217] : memref<10000x16xf32, #tpu.memory_space<hbm>> -> memref<10000x16xf32, #tpu.memory_space<hbm>>
    tpu.wait_indirect_dma semaphore(%arg16 : memref<!tpu.dma_semaphore, #tpu.memory_space<semaphore_mem>>) src(%dma_wait3A_218 : memref<10000x16xf32, #tpu.memory_space<hbm>>) dst(%arg11 : memref<512x16xf32, #tpu.memory_space<vmem>>)
    %dma_start3A_219 = arith.constant 5632 : i32
    %dma_start3A_220 = tpu.memref_slice %arg7[%dma_start3A_219] : memref<10000xi32, #tpu.memory_space<vmem>> -> memref<512xi32, #tpu.memory_space<vmem>>
    %dma_start3A_221 = arith.constant 0 : i32
    %dma_start3A_222 = arith.constant 0 : i32
    %dma_start3A_223 = tpu.memref_slice %arg12[%dma_start3A_221, %dma_start3A_222] : memref<10112x16xf32, #tpu.memory_space<vmem_shared>> -> memref<10112x16xf32, #tpu.memory_space<vmem_shared>>
    tpu.enqueue_indirect_dma source(%arg11 : memref<512x16xf32, #tpu.memory_space<vmem>>) target(%dma_start3A_223 : memref<10112x16xf32, #tpu.memory_space<vmem_shared>>) offsets(%dma_start3A_220 : memref<512xi32, #tpu.memory_space<vmem>>) semaphore(%arg20 : memref<!tpu.dma_semaphore, #tpu.memory_space<semaphore_mem>>) {add = true}
    %dma_wait3A_224 = arith.constant 4096 : i32
    %dma_wait3A_225 = tpu.memref_slice %arg7[%dma_wait3A_224] : memref<10000xi32, #tpu.memory_space<vmem>> -> memref<512xi32, #tpu.memory_space<vmem>>
    %dma_wait3A_226 = arith.constant 0 : i32
    %dma_wait3A_227 = arith.constant 0 : i32
    %dma_wait3A_228 = tpu.memref_slice %arg12[%dma_wait3A_226, %dma_wait3A_227] : memref<10112x16xf32, #tpu.memory_space<vmem_shared>> -> memref<10112x16xf32, #tpu.memory_space<vmem_shared>>
    tpu.wait_indirect_dma semaphore(%arg17 : memref<!tpu.dma_semaphore, #tpu.memory_space<semaphore_mem>>) src(%arg8 : memref<512x16xf32, #tpu.memory_space<vmem>>) dst(%dma_wait3A_228 : memref<10112x16xf32, #tpu.memory_space<vmem_shared>>)
    %dma_start3A_229 = arith.constant 6144 : i32
    %dma_start3A_230 = tpu.memref_slice %arg6[%dma_start3A_229] : memref<10000xi32, #tpu.memory_space<vmem>> -> memref<512xi32, #tpu.memory_space<vmem>>
    %dma_start3A_231 = arith.constant 0 : i32
    %dma_start3A_232 = arith.constant 0 : i32
    %dma_start3A_233 = tpu.memref_slice %arg2[%dma_start3A_231, %dma_start3A_232] : memref<10000x16xf32, #tpu.memory_space<hbm>> -> memref<10000x16xf32, #tpu.memory_space<hbm>>
    tpu.enqueue_indirect_dma source(%dma_start3A_233 : memref<10000x16xf32, #tpu.memory_space<hbm>>) target(%arg8 : memref<512x16xf32, #tpu.memory_space<vmem>>) offsets(%dma_start3A_230 : memref<512xi32, #tpu.memory_space<vmem>>) semaphore(%arg13 : memref<!tpu.dma_semaphore, #tpu.memory_space<semaphore_mem>>)
    %dma_wait3A_234 = arith.constant 4608 : i32
    %dma_wait3A_235 = tpu.memref_slice %arg7[%dma_wait3A_234] : memref<10000xi32, #tpu.memory_space<vmem>> -> memref<512xi32, #tpu.memory_space<vmem>>
    %dma_wait3A_236 = arith.constant 0 : i32
    %dma_wait3A_237 = arith.constant 0 : i32
    %dma_wait3A_238 = tpu.memref_slice %arg12[%dma_wait3A_236, %dma_wait3A_237] : memref<10112x16xf32, #tpu.memory_space<vmem_shared>> -> memref<10112x16xf32, #tpu.memory_space<vmem_shared>>
    tpu.wait_indirect_dma semaphore(%arg18 : memref<!tpu.dma_semaphore, #tpu.memory_space<semaphore_mem>>) src(%arg9 : memref<512x16xf32, #tpu.memory_space<vmem>>) dst(%dma_wait3A_238 : memref<10112x16xf32, #tpu.memory_space<vmem_shared>>)
    %dma_start3A_239 = arith.constant 6656 : i32
    %dma_start3A_240 = tpu.memref_slice %arg6[%dma_start3A_239] : memref<10000xi32, #tpu.memory_space<vmem>> -> memref<512xi32, #tpu.memory_space<vmem>>
    %dma_start3A_241 = arith.constant 0 : i32
    %dma_start3A_242 = arith.constant 0 : i32
    %dma_start3A_243 = tpu.memref_slice %arg2[%dma_start3A_241, %dma_start3A_242] : memref<10000x16xf32, #tpu.memory_space<hbm>> -> memref<10000x16xf32, #tpu.memory_space<hbm>>
    tpu.enqueue_indirect_dma source(%dma_start3A_243 : memref<10000x16xf32, #tpu.memory_space<hbm>>) target(%arg9 : memref<512x16xf32, #tpu.memory_space<vmem>>) offsets(%dma_start3A_240 : memref<512xi32, #tpu.memory_space<vmem>>) semaphore(%arg14 : memref<!tpu.dma_semaphore, #tpu.memory_space<semaphore_mem>>)
    %dma_wait3A_244 = arith.constant 5120 : i32
    %dma_wait3A_245 = tpu.memref_slice %arg7[%dma_wait3A_244] : memref<10000xi32, #tpu.memory_space<vmem>> -> memref<512xi32, #tpu.memory_space<vmem>>
    %dma_wait3A_246 = arith.constant 0 : i32
    %dma_wait3A_247 = arith.constant 0 : i32
    %dma_wait3A_248 = tpu.memref_slice %arg12[%dma_wait3A_246, %dma_wait3A_247] : memref<10112x16xf32, #tpu.memory_space<vmem_shared>> -> memref<10112x16xf32, #tpu.memory_space<vmem_shared>>
    tpu.wait_indirect_dma semaphore(%arg19 : memref<!tpu.dma_semaphore, #tpu.memory_space<semaphore_mem>>) src(%arg10 : memref<512x16xf32, #tpu.memory_space<vmem>>) dst(%dma_wait3A_248 : memref<10112x16xf32, #tpu.memory_space<vmem_shared>>)
    %dma_start3A_249 = arith.constant 7168 : i32
    %dma_start3A_250 = tpu.memref_slice %arg6[%dma_start3A_249] : memref<10000xi32, #tpu.memory_space<vmem>> -> memref<512xi32, #tpu.memory_space<vmem>>
    %dma_start3A_251 = arith.constant 0 : i32
    %dma_start3A_252 = arith.constant 0 : i32
    %dma_start3A_253 = tpu.memref_slice %arg2[%dma_start3A_251, %dma_start3A_252] : memref<10000x16xf32, #tpu.memory_space<hbm>> -> memref<10000x16xf32, #tpu.memory_space<hbm>>
    tpu.enqueue_indirect_dma source(%dma_start3A_253 : memref<10000x16xf32, #tpu.memory_space<hbm>>) target(%arg10 : memref<512x16xf32, #tpu.memory_space<vmem>>) offsets(%dma_start3A_250 : memref<512xi32, #tpu.memory_space<vmem>>) semaphore(%arg15 : memref<!tpu.dma_semaphore, #tpu.memory_space<semaphore_mem>>)
    %dma_wait3A_254 = arith.constant 5632 : i32
    %dma_wait3A_255 = tpu.memref_slice %arg7[%dma_wait3A_254] : memref<10000xi32, #tpu.memory_space<vmem>> -> memref<512xi32, #tpu.memory_space<vmem>>
    %dma_wait3A_256 = arith.constant 0 : i32
    %dma_wait3A_257 = arith.constant 0 : i32
    %dma_wait3A_258 = tpu.memref_slice %arg12[%dma_wait3A_256, %dma_wait3A_257] : memref<10112x16xf32, #tpu.memory_space<vmem_shared>> -> memref<10112x16xf32, #tpu.memory_space<vmem_shared>>
    tpu.wait_indirect_dma semaphore(%arg20 : memref<!tpu.dma_semaphore, #tpu.memory_space<semaphore_mem>>) src(%arg11 : memref<512x16xf32, #tpu.memory_space<vmem>>) dst(%dma_wait3A_258 : memref<10112x16xf32, #tpu.memory_space<vmem_shared>>)
    %dma_start3A_259 = arith.constant 7680 : i32
    %dma_start3A_260 = tpu.memref_slice %arg6[%dma_start3A_259] : memref<10000xi32, #tpu.memory_space<vmem>> -> memref<512xi32, #tpu.memory_space<vmem>>
    %dma_start3A_261 = arith.constant 0 : i32
    %dma_start3A_262 = arith.constant 0 : i32
    %dma_start3A_263 = tpu.memref_slice %arg2[%dma_start3A_261, %dma_start3A_262] : memref<10000x16xf32, #tpu.memory_space<hbm>> -> memref<10000x16xf32, #tpu.memory_space<hbm>>
    tpu.enqueue_indirect_dma source(%dma_start3A_263 : memref<10000x16xf32, #tpu.memory_space<hbm>>) target(%arg11 : memref<512x16xf32, #tpu.memory_space<vmem>>) offsets(%dma_start3A_260 : memref<512xi32, #tpu.memory_space<vmem>>) semaphore(%arg16 : memref<!tpu.dma_semaphore, #tpu.memory_space<semaphore_mem>>)
    %dma_wait3A_264 = arith.constant 6144 : i32
    %dma_wait3A_265 = tpu.memref_slice %arg6[%dma_wait3A_264] : memref<10000xi32, #tpu.memory_space<vmem>> -> memref<512xi32, #tpu.memory_space<vmem>>
    %dma_wait3A_266 = arith.constant 0 : i32
    %dma_wait3A_267 = arith.constant 0 : i32
    %dma_wait3A_268 = tpu.memref_slice %arg2[%dma_wait3A_266, %dma_wait3A_267] : memref<10000x16xf32, #tpu.memory_space<hbm>> -> memref<10000x16xf32, #tpu.memory_space<hbm>>
    tpu.wait_indirect_dma semaphore(%arg13 : memref<!tpu.dma_semaphore, #tpu.memory_space<semaphore_mem>>) src(%dma_wait3A_268 : memref<10000x16xf32, #tpu.memory_space<hbm>>) dst(%arg8 : memref<512x16xf32, #tpu.memory_space<vmem>>)
    %dma_start3A_269 = arith.constant 6144 : i32
    %dma_start3A_270 = tpu.memref_slice %arg7[%dma_start3A_269] : memref<10000xi32, #tpu.memory_space<vmem>> -> memref<512xi32, #tpu.memory_space<vmem>>
    %dma_start3A_271 = arith.constant 0 : i32
    %dma_start3A_272 = arith.constant 0 : i32
    %dma_start3A_273 = tpu.memref_slice %arg12[%dma_start3A_271, %dma_start3A_272] : memref<10112x16xf32, #tpu.memory_space<vmem_shared>> -> memref<10112x16xf32, #tpu.memory_space<vmem_shared>>
    tpu.enqueue_indirect_dma source(%arg8 : memref<512x16xf32, #tpu.memory_space<vmem>>) target(%dma_start3A_273 : memref<10112x16xf32, #tpu.memory_space<vmem_shared>>) offsets(%dma_start3A_270 : memref<512xi32, #tpu.memory_space<vmem>>) semaphore(%arg17 : memref<!tpu.dma_semaphore, #tpu.memory_space<semaphore_mem>>) {add = true}
    %dma_wait3A_274 = arith.constant 6656 : i32
    %dma_wait3A_275 = tpu.memref_slice %arg6[%dma_wait3A_274] : memref<10000xi32, #tpu.memory_space<vmem>> -> memref<512xi32, #tpu.memory_space<vmem>>
    %dma_wait3A_276 = arith.constant 0 : i32
    %dma_wait3A_277 = arith.constant 0 : i32
    %dma_wait3A_278 = tpu.memref_slice %arg2[%dma_wait3A_276, %dma_wait3A_277] : memref<10000x16xf32, #tpu.memory_space<hbm>> -> memref<10000x16xf32, #tpu.memory_space<hbm>>
    tpu.wait_indirect_dma semaphore(%arg14 : memref<!tpu.dma_semaphore, #tpu.memory_space<semaphore_mem>>) src(%dma_wait3A_278 : memref<10000x16xf32, #tpu.memory_space<hbm>>) dst(%arg9 : memref<512x16xf32, #tpu.memory_space<vmem>>)
    %dma_start3A_279 = arith.constant 6656 : i32
    %dma_start3A_280 = tpu.memref_slice %arg7[%dma_start3A_279] : memref<10000xi32, #tpu.memory_space<vmem>> -> memref<512xi32, #tpu.memory_space<vmem>>
    %dma_start3A_281 = arith.constant 0 : i32
    %dma_start3A_282 = arith.constant 0 : i32
    %dma_start3A_283 = tpu.memref_slice %arg12[%dma_start3A_281, %dma_start3A_282] : memref<10112x16xf32, #tpu.memory_space<vmem_shared>> -> memref<10112x16xf32, #tpu.memory_space<vmem_shared>>
    tpu.enqueue_indirect_dma source(%arg9 : memref<512x16xf32, #tpu.memory_space<vmem>>) target(%dma_start3A_283 : memref<10112x16xf32, #tpu.memory_space<vmem_shared>>) offsets(%dma_start3A_280 : memref<512xi32, #tpu.memory_space<vmem>>) semaphore(%arg18 : memref<!tpu.dma_semaphore, #tpu.memory_space<semaphore_mem>>) {add = true}
    %dma_wait3A_284 = arith.constant 7168 : i32
    %dma_wait3A_285 = tpu.memref_slice %arg6[%dma_wait3A_284] : memref<10000xi32, #tpu.memory_space<vmem>> -> memref<512xi32, #tpu.memory_space<vmem>>
    %dma_wait3A_286 = arith.constant 0 : i32
    %dma_wait3A_287 = arith.constant 0 : i32
    %dma_wait3A_288 = tpu.memref_slice %arg2[%dma_wait3A_286, %dma_wait3A_287] : memref<10000x16xf32, #tpu.memory_space<hbm>> -> memref<10000x16xf32, #tpu.memory_space<hbm>>
    tpu.wait_indirect_dma semaphore(%arg15 : memref<!tpu.dma_semaphore, #tpu.memory_space<semaphore_mem>>) src(%dma_wait3A_288 : memref<10000x16xf32, #tpu.memory_space<hbm>>) dst(%arg10 : memref<512x16xf32, #tpu.memory_space<vmem>>)
    %dma_start3A_289 = arith.constant 7168 : i32
    %dma_start3A_290 = tpu.memref_slice %arg7[%dma_start3A_289] : memref<10000xi32, #tpu.memory_space<vmem>> -> memref<512xi32, #tpu.memory_space<vmem>>
    %dma_start3A_291 = arith.constant 0 : i32
    %dma_start3A_292 = arith.constant 0 : i32
    %dma_start3A_293 = tpu.memref_slice %arg12[%dma_start3A_291, %dma_start3A_292] : memref<10112x16xf32, #tpu.memory_space<vmem_shared>> -> memref<10112x16xf32, #tpu.memory_space<vmem_shared>>
    tpu.enqueue_indirect_dma source(%arg10 : memref<512x16xf32, #tpu.memory_space<vmem>>) target(%dma_start3A_293 : memref<10112x16xf32, #tpu.memory_space<vmem_shared>>) offsets(%dma_start3A_290 : memref<512xi32, #tpu.memory_space<vmem>>) semaphore(%arg19 : memref<!tpu.dma_semaphore, #tpu.memory_space<semaphore_mem>>) {add = true}
    %dma_wait3A_294 = arith.constant 7680 : i32
    %dma_wait3A_295 = tpu.memref_slice %arg6[%dma_wait3A_294] : memref<10000xi32, #tpu.memory_space<vmem>> -> memref<512xi32, #tpu.memory_space<vmem>>
    %dma_wait3A_296 = arith.constant 0 : i32
    %dma_wait3A_297 = arith.constant 0 : i32
    %dma_wait3A_298 = tpu.memref_slice %arg2[%dma_wait3A_296, %dma_wait3A_297] : memref<10000x16xf32, #tpu.memory_space<hbm>> -> memref<10000x16xf32, #tpu.memory_space<hbm>>
    tpu.wait_indirect_dma semaphore(%arg16 : memref<!tpu.dma_semaphore, #tpu.memory_space<semaphore_mem>>) src(%dma_wait3A_298 : memref<10000x16xf32, #tpu.memory_space<hbm>>) dst(%arg11 : memref<512x16xf32, #tpu.memory_space<vmem>>)
    %dma_start3A_299 = arith.constant 7680 : i32
    %dma_start3A_300 = tpu.memref_slice %arg7[%dma_start3A_299] : memref<10000xi32, #tpu.memory_space<vmem>> -> memref<512xi32, #tpu.memory_space<vmem>>
    %dma_start3A_301 = arith.constant 0 : i32
    %dma_start3A_302 = arith.constant 0 : i32
    %dma_start3A_303 = tpu.memref_slice %arg12[%dma_start3A_301, %dma_start3A_302] : memref<10112x16xf32, #tpu.memory_space<vmem_shared>> -> memref<10112x16xf32, #tpu.memory_space<vmem_shared>>
    tpu.enqueue_indirect_dma source(%arg11 : memref<512x16xf32, #tpu.memory_space<vmem>>) target(%dma_start3A_303 : memref<10112x16xf32, #tpu.memory_space<vmem_shared>>) offsets(%dma_start3A_300 : memref<512xi32, #tpu.memory_space<vmem>>) semaphore(%arg20 : memref<!tpu.dma_semaphore, #tpu.memory_space<semaphore_mem>>) {add = true}
    %dma_wait3A_304 = arith.constant 6144 : i32
    %dma_wait3A_305 = tpu.memref_slice %arg7[%dma_wait3A_304] : memref<10000xi32, #tpu.memory_space<vmem>> -> memref<512xi32, #tpu.memory_space<vmem>>
    %dma_wait3A_306 = arith.constant 0 : i32
    %dma_wait3A_307 = arith.constant 0 : i32
    %dma_wait3A_308 = tpu.memref_slice %arg12[%dma_wait3A_306, %dma_wait3A_307] : memref<10112x16xf32, #tpu.memory_space<vmem_shared>> -> memref<10112x16xf32, #tpu.memory_space<vmem_shared>>
    tpu.wait_indirect_dma semaphore(%arg17 : memref<!tpu.dma_semaphore, #tpu.memory_space<semaphore_mem>>) src(%arg8 : memref<512x16xf32, #tpu.memory_space<vmem>>) dst(%dma_wait3A_308 : memref<10112x16xf32, #tpu.memory_space<vmem_shared>>)
    %dma_start3A_309 = arith.constant 8192 : i32
    %dma_start3A_310 = tpu.memref_slice %arg6[%dma_start3A_309] : memref<10000xi32, #tpu.memory_space<vmem>> -> memref<512xi32, #tpu.memory_space<vmem>>
    %dma_start3A_311 = arith.constant 0 : i32
    %dma_start3A_312 = arith.constant 0 : i32
    %dma_start3A_313 = tpu.memref_slice %arg2[%dma_start3A_311, %dma_start3A_312] : memref<10000x16xf32, #tpu.memory_space<hbm>> -> memref<10000x16xf32, #tpu.memory_space<hbm>>
    tpu.enqueue_indirect_dma source(%dma_start3A_313 : memref<10000x16xf32, #tpu.memory_space<hbm>>) target(%arg8 : memref<512x16xf32, #tpu.memory_space<vmem>>) offsets(%dma_start3A_310 : memref<512xi32, #tpu.memory_space<vmem>>) semaphore(%arg13 : memref<!tpu.dma_semaphore, #tpu.memory_space<semaphore_mem>>)
    %dma_wait3A_314 = arith.constant 6656 : i32
    %dma_wait3A_315 = tpu.memref_slice %arg7[%dma_wait3A_314] : memref<10000xi32, #tpu.memory_space<vmem>> -> memref<512xi32, #tpu.memory_space<vmem>>
    %dma_wait3A_316 = arith.constant 0 : i32
    %dma_wait3A_317 = arith.constant 0 : i32
    %dma_wait3A_318 = tpu.memref_slice %arg12[%dma_wait3A_316, %dma_wait3A_317] : memref<10112x16xf32, #tpu.memory_space<vmem_shared>> -> memref<10112x16xf32, #tpu.memory_space<vmem_shared>>
    tpu.wait_indirect_dma semaphore(%arg18 : memref<!tpu.dma_semaphore, #tpu.memory_space<semaphore_mem>>) src(%arg9 : memref<512x16xf32, #tpu.memory_space<vmem>>) dst(%dma_wait3A_318 : memref<10112x16xf32, #tpu.memory_space<vmem_shared>>)
    %dma_start3A_319 = arith.constant 8704 : i32
    %dma_start3A_320 = tpu.memref_slice %arg6[%dma_start3A_319] : memref<10000xi32, #tpu.memory_space<vmem>> -> memref<512xi32, #tpu.memory_space<vmem>>
    %dma_start3A_321 = arith.constant 0 : i32
    %dma_start3A_322 = arith.constant 0 : i32
    %dma_start3A_323 = tpu.memref_slice %arg2[%dma_start3A_321, %dma_start3A_322] : memref<10000x16xf32, #tpu.memory_space<hbm>> -> memref<10000x16xf32, #tpu.memory_space<hbm>>
    tpu.enqueue_indirect_dma source(%dma_start3A_323 : memref<10000x16xf32, #tpu.memory_space<hbm>>) target(%arg9 : memref<512x16xf32, #tpu.memory_space<vmem>>) offsets(%dma_start3A_320 : memref<512xi32, #tpu.memory_space<vmem>>) semaphore(%arg14 : memref<!tpu.dma_semaphore, #tpu.memory_space<semaphore_mem>>)
    %dma_wait3A_324 = arith.constant 7168 : i32
    %dma_wait3A_325 = tpu.memref_slice %arg7[%dma_wait3A_324] : memref<10000xi32, #tpu.memory_space<vmem>> -> memref<512xi32, #tpu.memory_space<vmem>>
    %dma_wait3A_326 = arith.constant 0 : i32
    %dma_wait3A_327 = arith.constant 0 : i32
    %dma_wait3A_328 = tpu.memref_slice %arg12[%dma_wait3A_326, %dma_wait3A_327] : memref<10112x16xf32, #tpu.memory_space<vmem_shared>> -> memref<10112x16xf32, #tpu.memory_space<vmem_shared>>
    tpu.wait_indirect_dma semaphore(%arg19 : memref<!tpu.dma_semaphore, #tpu.memory_space<semaphore_mem>>) src(%arg10 : memref<512x16xf32, #tpu.memory_space<vmem>>) dst(%dma_wait3A_328 : memref<10112x16xf32, #tpu.memory_space<vmem_shared>>)
    %dma_start3A_329 = arith.constant 9216 : i32
    %dma_start3A_330 = tpu.memref_slice %arg6[%dma_start3A_329] : memref<10000xi32, #tpu.memory_space<vmem>> -> memref<512xi32, #tpu.memory_space<vmem>>
    %dma_start3A_331 = arith.constant 0 : i32
    %dma_start3A_332 = arith.constant 0 : i32
    %dma_start3A_333 = tpu.memref_slice %arg2[%dma_start3A_331, %dma_start3A_332] : memref<10000x16xf32, #tpu.memory_space<hbm>> -> memref<10000x16xf32, #tpu.memory_space<hbm>>
    tpu.enqueue_indirect_dma source(%dma_start3A_333 : memref<10000x16xf32, #tpu.memory_space<hbm>>) target(%arg10 : memref<512x16xf32, #tpu.memory_space<vmem>>) offsets(%dma_start3A_330 : memref<512xi32, #tpu.memory_space<vmem>>) semaphore(%arg15 : memref<!tpu.dma_semaphore, #tpu.memory_space<semaphore_mem>>)
    %dma_wait3A_334 = arith.constant 7680 : i32
    %dma_wait3A_335 = tpu.memref_slice %arg7[%dma_wait3A_334] : memref<10000xi32, #tpu.memory_space<vmem>> -> memref<512xi32, #tpu.memory_space<vmem>>
    %dma_wait3A_336 = arith.constant 0 : i32
    %dma_wait3A_337 = arith.constant 0 : i32
    %dma_wait3A_338 = tpu.memref_slice %arg12[%dma_wait3A_336, %dma_wait3A_337] : memref<10112x16xf32, #tpu.memory_space<vmem_shared>> -> memref<10112x16xf32, #tpu.memory_space<vmem_shared>>
    tpu.wait_indirect_dma semaphore(%arg20 : memref<!tpu.dma_semaphore, #tpu.memory_space<semaphore_mem>>) src(%arg11 : memref<512x16xf32, #tpu.memory_space<vmem>>) dst(%dma_wait3A_338 : memref<10112x16xf32, #tpu.memory_space<vmem_shared>>)
    %dma_start3A_339 = arith.constant 0 : i32
    %dma_start3A_340 = arith.constant 0 : i32
    %dma_start3A_341 = tpu.memref_slice %arg11[%dma_start3A_339, %dma_start3A_340] : memref<512x16xf32, #tpu.memory_space<vmem>> -> memref<272x16xf32, #tpu.memory_space<vmem>>
    %dma_start3A_342 = arith.constant 9728 : i32
    %dma_start3A_343 = tpu.memref_slice %arg6[%dma_start3A_342] : memref<10000xi32, #tpu.memory_space<vmem>> -> memref<272xi32, #tpu.memory_space<vmem>>
    %dma_start3A_344 = arith.constant 0 : i32
    %dma_start3A_345 = arith.constant 0 : i32
    %dma_start3A_346 = tpu.memref_slice %arg2[%dma_start3A_344, %dma_start3A_345] : memref<10000x16xf32, #tpu.memory_space<hbm>> -> memref<10000x16xf32, #tpu.memory_space<hbm>>
    tpu.enqueue_indirect_dma source(%dma_start3A_346 : memref<10000x16xf32, #tpu.memory_space<hbm>>) target(%dma_start3A_341 : memref<272x16xf32, #tpu.memory_space<vmem>>) offsets(%dma_start3A_343 : memref<272xi32, #tpu.memory_space<vmem>>) semaphore(%arg16 : memref<!tpu.dma_semaphore, #tpu.memory_space<semaphore_mem>>)
    %dma_wait3A_347 = arith.constant 8192 : i32
    %dma_wait3A_348 = tpu.memref_slice %arg6[%dma_wait3A_347] : memref<10000xi32, #tpu.memory_space<vmem>> -> memref<512xi32, #tpu.memory_space<vmem>>
    %dma_wait3A_349 = arith.constant 0 : i32
    %dma_wait3A_350 = arith.constant 0 : i32
    %dma_wait3A_351 = tpu.memref_slice %arg2[%dma_wait3A_349, %dma_wait3A_350] : memref<10000x16xf32, #tpu.memory_space<hbm>> -> memref<10000x16xf32, #tpu.memory_space<hbm>>
    tpu.wait_indirect_dma semaphore(%arg13 : memref<!tpu.dma_semaphore, #tpu.memory_space<semaphore_mem>>) src(%dma_wait3A_351 : memref<10000x16xf32, #tpu.memory_space<hbm>>) dst(%arg8 : memref<512x16xf32, #tpu.memory_space<vmem>>)
    %dma_start3A_352 = arith.constant 8192 : i32
    %dma_start3A_353 = tpu.memref_slice %arg7[%dma_start3A_352] : memref<10000xi32, #tpu.memory_space<vmem>> -> memref<512xi32, #tpu.memory_space<vmem>>
    %dma_start3A_354 = arith.constant 0 : i32
    %dma_start3A_355 = arith.constant 0 : i32
    %dma_start3A_356 = tpu.memref_slice %arg12[%dma_start3A_354, %dma_start3A_355] : memref<10112x16xf32, #tpu.memory_space<vmem_shared>> -> memref<10112x16xf32, #tpu.memory_space<vmem_shared>>
    tpu.enqueue_indirect_dma source(%arg8 : memref<512x16xf32, #tpu.memory_space<vmem>>) target(%dma_start3A_356 : memref<10112x16xf32, #tpu.memory_space<vmem_shared>>) offsets(%dma_start3A_353 : memref<512xi32, #tpu.memory_space<vmem>>) semaphore(%arg17 : memref<!tpu.dma_semaphore, #tpu.memory_space<semaphore_mem>>) {add = true}
    %dma_wait3A_357 = arith.constant 8704 : i32
    %dma_wait3A_358 = tpu.memref_slice %arg6[%dma_wait3A_357] : memref<10000xi32, #tpu.memory_space<vmem>> -> memref<512xi32, #tpu.memory_space<vmem>>
    %dma_wait3A_359 = arith.constant 0 : i32
    %dma_wait3A_360 = arith.constant 0 : i32
    %dma_wait3A_361 = tpu.memref_slice %arg2[%dma_wait3A_359, %dma_wait3A_360] : memref<10000x16xf32, #tpu.memory_space<hbm>> -> memref<10000x16xf32, #tpu.memory_space<hbm>>
    tpu.wait_indirect_dma semaphore(%arg14 : memref<!tpu.dma_semaphore, #tpu.memory_space<semaphore_mem>>) src(%dma_wait3A_361 : memref<10000x16xf32, #tpu.memory_space<hbm>>) dst(%arg9 : memref<512x16xf32, #tpu.memory_space<vmem>>)
    %dma_start3A_362 = arith.constant 8704 : i32
    %dma_start3A_363 = tpu.memref_slice %arg7[%dma_start3A_362] : memref<10000xi32, #tpu.memory_space<vmem>> -> memref<512xi32, #tpu.memory_space<vmem>>
    %dma_start3A_364 = arith.constant 0 : i32
    %dma_start3A_365 = arith.constant 0 : i32
    %dma_start3A_366 = tpu.memref_slice %arg12[%dma_start3A_364, %dma_start3A_365] : memref<10112x16xf32, #tpu.memory_space<vmem_shared>> -> memref<10112x16xf32, #tpu.memory_space<vmem_shared>>
    tpu.enqueue_indirect_dma source(%arg9 : memref<512x16xf32, #tpu.memory_space<vmem>>) target(%dma_start3A_366 : memref<10112x16xf32, #tpu.memory_space<vmem_shared>>) offsets(%dma_start3A_363 : memref<512xi32, #tpu.memory_space<vmem>>) semaphore(%arg18 : memref<!tpu.dma_semaphore, #tpu.memory_space<semaphore_mem>>) {add = true}
    %dma_wait3A_367 = arith.constant 9216 : i32
    %dma_wait3A_368 = tpu.memref_slice %arg6[%dma_wait3A_367] : memref<10000xi32, #tpu.memory_space<vmem>> -> memref<512xi32, #tpu.memory_space<vmem>>
    %dma_wait3A_369 = arith.constant 0 : i32
    %dma_wait3A_370 = arith.constant 0 : i32
    %dma_wait3A_371 = tpu.memref_slice %arg2[%dma_wait3A_369, %dma_wait3A_370] : memref<10000x16xf32, #tpu.memory_space<hbm>> -> memref<10000x16xf32, #tpu.memory_space<hbm>>
    tpu.wait_indirect_dma semaphore(%arg15 : memref<!tpu.dma_semaphore, #tpu.memory_space<semaphore_mem>>) src(%dma_wait3A_371 : memref<10000x16xf32, #tpu.memory_space<hbm>>) dst(%arg10 : memref<512x16xf32, #tpu.memory_space<vmem>>)
    %dma_start3A_372 = arith.constant 9216 : i32
    %dma_start3A_373 = tpu.memref_slice %arg7[%dma_start3A_372] : memref<10000xi32, #tpu.memory_space<vmem>> -> memref<512xi32, #tpu.memory_space<vmem>>
    %dma_start3A_374 = arith.constant 0 : i32
    %dma_start3A_375 = arith.constant 0 : i32
    %dma_start3A_376 = tpu.memref_slice %arg12[%dma_start3A_374, %dma_start3A_375] : memref<10112x16xf32, #tpu.memory_space<vmem_shared>> -> memref<10112x16xf32, #tpu.memory_space<vmem_shared>>
    tpu.enqueue_indirect_dma source(%arg10 : memref<512x16xf32, #tpu.memory_space<vmem>>) target(%dma_start3A_376 : memref<10112x16xf32, #tpu.memory_space<vmem_shared>>) offsets(%dma_start3A_373 : memref<512xi32, #tpu.memory_space<vmem>>) semaphore(%arg19 : memref<!tpu.dma_semaphore, #tpu.memory_space<semaphore_mem>>) {add = true}
    %dma_wait3A_377 = arith.constant 0 : i32
    %dma_wait3A_378 = arith.constant 0 : i32
    %dma_wait3A_379 = tpu.memref_slice %arg11[%dma_wait3A_377, %dma_wait3A_378] : memref<512x16xf32, #tpu.memory_space<vmem>> -> memref<272x16xf32, #tpu.memory_space<vmem>>
    %dma_wait3A_380 = arith.constant 9728 : i32
    %dma_wait3A_381 = tpu.memref_slice %arg6[%dma_wait3A_380] : memref<10000xi32, #tpu.memory_space<vmem>> -> memref<272xi32, #tpu.memory_space<vmem>>
    %dma_wait3A_382 = arith.constant 0 : i32
    %dma_wait3A_383 = arith.constant 0 : i32
    %dma_wait3A_384 = tpu.memref_slice %arg2[%dma_wait3A_382, %dma_wait3A_383] : memref<10000x16xf32, #tpu.memory_space<hbm>> -> memref<10000x16xf32, #tpu.memory_space<hbm>>
    tpu.wait_indirect_dma semaphore(%arg16 : memref<!tpu.dma_semaphore, #tpu.memory_space<semaphore_mem>>) src(%dma_wait3A_384 : memref<10000x16xf32, #tpu.memory_space<hbm>>) dst(%dma_wait3A_379 : memref<272x16xf32, #tpu.memory_space<vmem>>)
    %dma_start3A_385 = arith.constant 0 : i32
    %dma_start3A_386 = arith.constant 0 : i32
    %dma_start3A_387 = tpu.memref_slice %arg11[%dma_start3A_385, %dma_start3A_386] : memref<512x16xf32, #tpu.memory_space<vmem>> -> memref<272x16xf32, #tpu.memory_space<vmem>>
    %dma_start3A_388 = arith.constant 9728 : i32
    %dma_start3A_389 = tpu.memref_slice %arg7[%dma_start3A_388] : memref<10000xi32, #tpu.memory_space<vmem>> -> memref<272xi32, #tpu.memory_space<vmem>>
    %dma_start3A_390 = arith.constant 0 : i32
    %dma_start3A_391 = arith.constant 0 : i32
    %dma_start3A_392 = tpu.memref_slice %arg12[%dma_start3A_390, %dma_start3A_391] : memref<10112x16xf32, #tpu.memory_space<vmem_shared>> -> memref<10112x16xf32, #tpu.memory_space<vmem_shared>>
    tpu.enqueue_indirect_dma source(%dma_start3A_387 : memref<272x16xf32, #tpu.memory_space<vmem>>) target(%dma_start3A_392 : memref<10112x16xf32, #tpu.memory_space<vmem_shared>>) offsets(%dma_start3A_389 : memref<272xi32, #tpu.memory_space<vmem>>) semaphore(%arg20 : memref<!tpu.dma_semaphore, #tpu.memory_space<semaphore_mem>>) {add = true}
    %dma_wait3A_393 = arith.constant 8192 : i32
    %dma_wait3A_394 = tpu.memref_slice %arg7[%dma_wait3A_393] : memref<10000xi32, #tpu.memory_space<vmem>> -> memref<512xi32, #tpu.memory_space<vmem>>
    %dma_wait3A_395 = arith.constant 0 : i32
    %dma_wait3A_396 = arith.constant 0 : i32
    %dma_wait3A_397 = tpu.memref_slice %arg12[%dma_wait3A_395, %dma_wait3A_396] : memref<10112x16xf32, #tpu.memory_space<vmem_shared>> -> memref<10112x16xf32, #tpu.memory_space<vmem_shared>>
    tpu.wait_indirect_dma semaphore(%arg17 : memref<!tpu.dma_semaphore, #tpu.memory_space<semaphore_mem>>) src(%arg8 : memref<512x16xf32, #tpu.memory_space<vmem>>) dst(%dma_wait3A_397 : memref<10112x16xf32, #tpu.memory_space<vmem_shared>>)
    %dma_wait3A_398 = arith.constant 8704 : i32
    %dma_wait3A_399 = tpu.memref_slice %arg7[%dma_wait3A_398] : memref<10000xi32, #tpu.memory_space<vmem>> -> memref<512xi32, #tpu.memory_space<vmem>>
    %dma_wait3A_400 = arith.constant 0 : i32
    %dma_wait3A_401 = arith.constant 0 : i32
    %dma_wait3A_402 = tpu.memref_slice %arg12[%dma_wait3A_400, %dma_wait3A_401] : memref<10112x16xf32, #tpu.memory_space<vmem_shared>> -> memref<10112x16xf32, #tpu.memory_space<vmem_shared>>
    tpu.wait_indirect_dma semaphore(%arg18 : memref<!tpu.dma_semaphore, #tpu.memory_space<semaphore_mem>>) src(%arg9 : memref<512x16xf32, #tpu.memory_space<vmem>>) dst(%dma_wait3A_402 : memref<10112x16xf32, #tpu.memory_space<vmem_shared>>)
    %dma_wait3A_403 = arith.constant 9216 : i32
    %dma_wait3A_404 = tpu.memref_slice %arg7[%dma_wait3A_403] : memref<10000xi32, #tpu.memory_space<vmem>> -> memref<512xi32, #tpu.memory_space<vmem>>
    %dma_wait3A_405 = arith.constant 0 : i32
    %dma_wait3A_406 = arith.constant 0 : i32
    %dma_wait3A_407 = tpu.memref_slice %arg12[%dma_wait3A_405, %dma_wait3A_406] : memref<10112x16xf32, #tpu.memory_space<vmem_shared>> -> memref<10112x16xf32, #tpu.memory_space<vmem_shared>>
    tpu.wait_indirect_dma semaphore(%arg19 : memref<!tpu.dma_semaphore, #tpu.memory_space<semaphore_mem>>) src(%arg10 : memref<512x16xf32, #tpu.memory_space<vmem>>) dst(%dma_wait3A_407 : memref<10112x16xf32, #tpu.memory_space<vmem_shared>>)
    %dma_wait3A_408 = arith.constant 0 : i32
    %dma_wait3A_409 = arith.constant 0 : i32
    %dma_wait3A_410 = tpu.memref_slice %arg11[%dma_wait3A_408, %dma_wait3A_409] : memref<512x16xf32, #tpu.memory_space<vmem>> -> memref<272x16xf32, #tpu.memory_space<vmem>>
    %dma_wait3A_411 = arith.constant 9728 : i32
    %dma_wait3A_412 = tpu.memref_slice %arg7[%dma_wait3A_411] : memref<10000xi32, #tpu.memory_space<vmem>> -> memref<272xi32, #tpu.memory_space<vmem>>
    %dma_wait3A_413 = arith.constant 0 : i32
    %dma_wait3A_414 = arith.constant 0 : i32
    %dma_wait3A_415 = tpu.memref_slice %arg12[%dma_wait3A_413, %dma_wait3A_414] : memref<10112x16xf32, #tpu.memory_space<vmem_shared>> -> memref<10112x16xf32, #tpu.memory_space<vmem_shared>>
    tpu.wait_indirect_dma semaphore(%arg20 : memref<!tpu.dma_semaphore, #tpu.memory_space<semaphore_mem>>) src(%dma_wait3A_410 : memref<272x16xf32, #tpu.memory_space<vmem>>) dst(%dma_wait3A_415 : memref<10112x16xf32, #tpu.memory_space<vmem_shared>>)
    %barrier3A_416 = arith.constant 0 : index
    tpu.barrier barrier_id(%barrier3A_416)
    %mul3A_417 = arith.constant 632 : i32
    %mul3A_418 = arith.muli %arg1, %mul3A_417 : i32
    %mul3A_419 = arith.constant 16 : i32
    %mul3A_420 = arith.muli %arg0, %mul3A_419 : i32
    %add3A_421 = arith.addi %mul3A_420, %arg1 : i32
    %mul3A_422 = arith.constant 632 : i32
    %mul3A_423 = arith.muli %add3A_421, %mul3A_422 : i32
    "tpu.region"() ({
      %run_scoped3A_424 = tpu.sem_alloc : memref<!tpu.dma_semaphore, #tpu.memory_space<semaphore_mem>>
      %dma_start3A_425 = arith.constant 0 : i32
      %dma_start3A_426 = tpu.memref_slice %arg5[%mul3A_423, %dma_start3A_425] : memref<20224x16xf32, #tpu.memory_space<hbm>> -> memref<632x16xf32, #tpu.memory_space<hbm>>
      %dma_start3A_427 = arith.constant 0 : i32
      %dma_start3A_428 = tpu.memref_slice %arg12[%mul3A_418, %dma_start3A_427] : memref<10112x16xf32, #tpu.memory_space<vmem_shared>> -> memref<632x16xf32, #tpu.memory_space<vmem_shared>>
      tpu.enqueue_dma source(%dma_start3A_428 : memref<632x16xf32, #tpu.memory_space<vmem_shared>>) target(%dma_start3A_426 : memref<632x16xf32, #tpu.memory_space<hbm>>) target_semaphore(%run_scoped3A_424 : memref<!tpu.dma_semaphore, #tpu.memory_space<semaphore_mem>>)
      %dma_wait3A_429 = arith.constant 0 : i32
      %dma_wait3A_430 = tpu.memref_slice %arg5[%mul3A_423, %dma_wait3A_429] : memref<20224x16xf32, #tpu.memory_space<hbm>> -> memref<632x16xf32, #tpu.memory_space<hbm>>
      %dma_wait3A_431 = arith.constant 0 : i32
      %dma_wait3A_432 = tpu.memref_slice %arg12[%mul3A_418, %dma_wait3A_431] : memref<10112x16xf32, #tpu.memory_space<vmem_shared>> -> memref<632x16xf32, #tpu.memory_space<vmem_shared>>
      tpu.wait_dma2 semaphore(%run_scoped3A_424 : memref<!tpu.dma_semaphore, #tpu.memory_space<semaphore_mem>>) src(%dma_wait3A_432 : memref<632x16xf32, #tpu.memory_space<vmem_shared>>) dst(%dma_wait3A_430 : memref<632x16xf32, #tpu.memory_space<hbm>>)
      tpu.yield
    }) : () -> ()
    return
  }
}

#map = affine_map<(d0, d1) -> (0, 0)>
module attributes {stable_mosaic.version = 14 : i64} {
  func.func @_deg(%arg0: i32, %arg1: i32, %arg2: memref<2x320000xi32, #tpu.memory_space<hbm>>, %arg3: memref<632x16xf32, #tpu.memory_space<hbm>>, %arg4: memref<512x16xf32, #tpu.memory_space<hbm>>, %arg5: memref<20224x16xf32, #tpu.memory_space<hbm>>, %arg6: memref<10000xi32, #tpu.memory_space<vmem>>, %arg7: memref<512x16xf32, #tpu.memory_space<vmem>>, %arg8: memref<10112x16xf32, #tpu.memory_space<vmem_shared>>, %arg9: memref<!tpu.dma_semaphore, #tpu.memory_space<semaphore_mem>>, %arg10: memref<!tpu.dma_semaphore, #tpu.memory_space<semaphore_mem>>, %arg11: memref<!tpu.dma_semaphore, #tpu.memory_space<semaphore_mem>>, %arg12: memref<!tpu.dma_semaphore, #tpu.memory_space<semaphore_mem>>) attributes {dimension_semantics = [#tpu.dimension_semantics<core_parallel>, #tpu.dimension_semantics<subcore_parallel>], iteration_bounds = array<i64: 2, 16>, scalar_prefetch = 0 : i64, scratch_operands = 7 : i64, tpu.core_type = #tpu.core_type<sc_vector_subcore>, window_params = [{transform_indices = #map}, {transform_indices = #map}, {transform_indices = #map}, {transform_indices = #map}]} {
    %mul3A = arith.constant 2 : i32
    %mul3A_0 = arith.muli %arg1, %mul3A : i32
    %add3A = arith.addi %mul3A_0, %arg0 : i32
    %mul3A_1 = arith.constant 10000 : i32
    %mul3A_2 = arith.muli %add3A, %mul3A_1 : i32
    %mul3A_3 = arith.constant 632 : i32
    %mul3A_4 = arith.muli %arg1, %mul3A_3 : i32
    "tpu.region"() ({
      %run_scoped3A_217 = tpu.sem_alloc : memref<!tpu.dma_semaphore, #tpu.memory_space<semaphore_mem>>
      %dma_start3A_218 = arith.constant 0 : i32
      %dma_start3A_219 = tpu.memref_slice %arg8[%mul3A_4, %dma_start3A_218] : memref<10112x16xf32, #tpu.memory_space<vmem_shared>> -> memref<632x16xf32, #tpu.memory_space<vmem_shared>>
      tpu.enqueue_dma source(%arg3 : memref<632x16xf32, #tpu.memory_space<hbm>>) target(%dma_start3A_219 : memref<632x16xf32, #tpu.memory_space<vmem_shared>>) target_semaphore(%run_scoped3A_217 : memref<!tpu.dma_semaphore, #tpu.memory_space<semaphore_mem>>)
      %dma_wait3A_220 = arith.constant 0 : i32
      %dma_wait3A_221 = tpu.memref_slice %arg8[%mul3A_4, %dma_wait3A_220] : memref<10112x16xf32, #tpu.memory_space<vmem_shared>> -> memref<632x16xf32, #tpu.memory_space<vmem_shared>>
      tpu.wait_dma2 semaphore(%run_scoped3A_217 : memref<!tpu.dma_semaphore, #tpu.memory_space<semaphore_mem>>) src(%arg3 : memref<632x16xf32, #tpu.memory_space<hbm>>) dst(%dma_wait3A_221 : memref<632x16xf32, #tpu.memory_space<vmem_shared>>)
      tpu.yield
    }) : () -> ()
    "tpu.region"() ({
      %run_scoped3A_217 = tpu.sem_alloc : memref<!tpu.dma_semaphore, #tpu.memory_space<semaphore_mem>>
      tpu.enqueue_dma source(%arg4 : memref<512x16xf32, #tpu.memory_space<hbm>>) target(%arg7 : memref<512x16xf32, #tpu.memory_space<vmem>>) target_semaphore(%run_scoped3A_217 : memref<!tpu.dma_semaphore, #tpu.memory_space<semaphore_mem>>)
      tpu.wait_dma2 semaphore(%run_scoped3A_217 : memref<!tpu.dma_semaphore, #tpu.memory_space<semaphore_mem>>) src(%arg4 : memref<512x16xf32, #tpu.memory_space<hbm>>) dst(%arg7 : memref<512x16xf32, #tpu.memory_space<vmem>>)
      tpu.yield
    }) : () -> ()
    %run_scoped3A = arith.constant 1 : i32
    "tpu.region"() ({
      %run_scoped3A_217 = tpu.sem_alloc : memref<!tpu.dma_semaphore, #tpu.memory_space<semaphore_mem>>
      %dma_start3A_218 = tpu.memref_slice %arg2[%run_scoped3A, %mul3A_2] : memref<2x320000xi32, #tpu.memory_space<hbm>> -> memref<1x10000xi32, #tpu.memory_space<hbm>>
      %dma_start3A_219 = tpu.memref_squeeze %dma_start3A_218 : memref<1x10000xi32, #tpu.memory_space<hbm>> -> memref<10000xi32, #tpu.memory_space<hbm>>
      %dma_start3A_220 = tpu.memref_slice %arg2[%run_scoped3A, %mul3A_2] : memref<2x320000xi32, #tpu.memory_space<hbm>> -> memref<1x10000xi32, #tpu.memory_space<hbm>>
      %dma_start3A_221 = tpu.memref_squeeze %dma_start3A_220 : memref<1x10000xi32, #tpu.memory_space<hbm>> -> memref<10000xi32, #tpu.memory_space<hbm>>
      tpu.enqueue_dma source(%dma_start3A_221 : memref<10000xi32, #tpu.memory_space<hbm>>) target(%arg6 : memref<10000xi32, #tpu.memory_space<vmem>>) target_semaphore(%run_scoped3A_217 : memref<!tpu.dma_semaphore, #tpu.memory_space<semaphore_mem>>)
      %dma_wait3A_222 = tpu.memref_slice %arg2[%run_scoped3A, %mul3A_2] : memref<2x320000xi32, #tpu.memory_space<hbm>> -> memref<1x10000xi32, #tpu.memory_space<hbm>>
      %dma_wait3A_223 = tpu.memref_squeeze %dma_wait3A_222 : memref<1x10000xi32, #tpu.memory_space<hbm>> -> memref<10000xi32, #tpu.memory_space<hbm>>
      %dma_wait3A_224 = tpu.memref_slice %arg2[%run_scoped3A, %mul3A_2] : memref<2x320000xi32, #tpu.memory_space<hbm>> -> memref<1x10000xi32, #tpu.memory_space<hbm>>
      %dma_wait3A_225 = tpu.memref_squeeze %dma_wait3A_224 : memref<1x10000xi32, #tpu.memory_space<hbm>> -> memref<10000xi32, #tpu.memory_space<hbm>>
      tpu.wait_dma2 semaphore(%run_scoped3A_217 : memref<!tpu.dma_semaphore, #tpu.memory_space<semaphore_mem>>) src(%dma_wait3A_225 : memref<10000xi32, #tpu.memory_space<hbm>>) dst(%arg6 : memref<10000xi32, #tpu.memory_space<vmem>>)
      tpu.yield
    }) : () -> ()
    %barrier3A = arith.constant 0 : index
    tpu.barrier barrier_id(%barrier3A)
    %dma_start3A = arith.constant 0 : i32
    %dma_start3A_5 = tpu.memref_slice %arg6[%dma_start3A] : memref<10000xi32, #tpu.memory_space<vmem>> -> memref<512xi32, #tpu.memory_space<vmem>>
    %dma_start3A_6 = arith.constant 0 : i32
    %dma_start3A_7 = arith.constant 0 : i32
    %dma_start3A_8 = tpu.memref_slice %arg8[%dma_start3A_6, %dma_start3A_7] : memref<10112x16xf32, #tpu.memory_space<vmem_shared>> -> memref<10112x16xf32, #tpu.memory_space<vmem_shared>>
    tpu.enqueue_indirect_dma source(%arg7 : memref<512x16xf32, #tpu.memory_space<vmem>>) target(%dma_start3A_8 : memref<10112x16xf32, #tpu.memory_space<vmem_shared>>) offsets(%dma_start3A_5 : memref<512xi32, #tpu.memory_space<vmem>>) semaphore(%arg9 : memref<!tpu.dma_semaphore, #tpu.memory_space<semaphore_mem>>) {add = true}
    %dma_start3A_9 = arith.constant 512 : i32
    %dma_start3A_10 = tpu.memref_slice %arg6[%dma_start3A_9] : memref<10000xi32, #tpu.memory_space<vmem>> -> memref<512xi32, #tpu.memory_space<vmem>>
    %dma_start3A_11 = arith.constant 0 : i32
    %dma_start3A_12 = arith.constant 0 : i32
    %dma_start3A_13 = tpu.memref_slice %arg8[%dma_start3A_11, %dma_start3A_12] : memref<10112x16xf32, #tpu.memory_space<vmem_shared>> -> memref<10112x16xf32, #tpu.memory_space<vmem_shared>>
    tpu.enqueue_indirect_dma source(%arg7 : memref<512x16xf32, #tpu.memory_space<vmem>>) target(%dma_start3A_13 : memref<10112x16xf32, #tpu.memory_space<vmem_shared>>) offsets(%dma_start3A_10 : memref<512xi32, #tpu.memory_space<vmem>>) semaphore(%arg10 : memref<!tpu.dma_semaphore, #tpu.memory_space<semaphore_mem>>) {add = true}
    %dma_start3A_14 = arith.constant 1024 : i32
    %dma_start3A_15 = tpu.memref_slice %arg6[%dma_start3A_14] : memref<10000xi32, #tpu.memory_space<vmem>> -> memref<512xi32, #tpu.memory_space<vmem>>
    %dma_start3A_16 = arith.constant 0 : i32
    %dma_start3A_17 = arith.constant 0 : i32
    %dma_start3A_18 = tpu.memref_slice %arg8[%dma_start3A_16, %dma_start3A_17] : memref<10112x16xf32, #tpu.memory_space<vmem_shared>> -> memref<10112x16xf32, #tpu.memory_space<vmem_shared>>
    tpu.enqueue_indirect_dma source(%arg7 : memref<512x16xf32, #tpu.memory_space<vmem>>) target(%dma_start3A_18 : memref<10112x16xf32, #tpu.memory_space<vmem_shared>>) offsets(%dma_start3A_15 : memref<512xi32, #tpu.memory_space<vmem>>) semaphore(%arg11 : memref<!tpu.dma_semaphore, #tpu.memory_space<semaphore_mem>>) {add = true}
    %dma_start3A_19 = arith.constant 1536 : i32
    %dma_start3A_20 = tpu.memref_slice %arg6[%dma_start3A_19] : memref<10000xi32, #tpu.memory_space<vmem>> -> memref<512xi32, #tpu.memory_space<vmem>>
    %dma_start3A_21 = arith.constant 0 : i32
    %dma_start3A_22 = arith.constant 0 : i32
    %dma_start3A_23 = tpu.memref_slice %arg8[%dma_start3A_21, %dma_start3A_22] : memref<10112x16xf32, #tpu.memory_space<vmem_shared>> -> memref<10112x16xf32, #tpu.memory_space<vmem_shared>>
    tpu.enqueue_indirect_dma source(%arg7 : memref<512x16xf32, #tpu.memory_space<vmem>>) target(%dma_start3A_23 : memref<10112x16xf32, #tpu.memory_space<vmem_shared>>) offsets(%dma_start3A_20 : memref<512xi32, #tpu.memory_space<vmem>>) semaphore(%arg12 : memref<!tpu.dma_semaphore, #tpu.memory_space<semaphore_mem>>) {add = true}
    %dma_wait3A = arith.constant 0 : i32
    %dma_wait3A_24 = tpu.memref_slice %arg6[%dma_wait3A] : memref<10000xi32, #tpu.memory_space<vmem>> -> memref<512xi32, #tpu.memory_space<vmem>>
    %dma_wait3A_25 = arith.constant 0 : i32
    %dma_wait3A_26 = arith.constant 0 : i32
    %dma_wait3A_27 = tpu.memref_slice %arg8[%dma_wait3A_25, %dma_wait3A_26] : memref<10112x16xf32, #tpu.memory_space<vmem_shared>> -> memref<10112x16xf32, #tpu.memory_space<vmem_shared>>
    tpu.wait_indirect_dma semaphore(%arg9 : memref<!tpu.dma_semaphore, #tpu.memory_space<semaphore_mem>>) src(%arg7 : memref<512x16xf32, #tpu.memory_space<vmem>>) dst(%dma_wait3A_27 : memref<10112x16xf32, #tpu.memory_space<vmem_shared>>)
    %dma_start3A_28 = arith.constant 2048 : i32
    %dma_start3A_29 = tpu.memref_slice %arg6[%dma_start3A_28] : memref<10000xi32, #tpu.memory_space<vmem>> -> memref<512xi32, #tpu.memory_space<vmem>>
    %dma_start3A_30 = arith.constant 0 : i32
    %dma_start3A_31 = arith.constant 0 : i32
    %dma_start3A_32 = tpu.memref_slice %arg8[%dma_start3A_30, %dma_start3A_31] : memref<10112x16xf32, #tpu.memory_space<vmem_shared>> -> memref<10112x16xf32, #tpu.memory_space<vmem_shared>>
    tpu.enqueue_indirect_dma source(%arg7 : memref<512x16xf32, #tpu.memory_space<vmem>>) target(%dma_start3A_32 : memref<10112x16xf32, #tpu.memory_space<vmem_shared>>) offsets(%dma_start3A_29 : memref<512xi32, #tpu.memory_space<vmem>>) semaphore(%arg9 : memref<!tpu.dma_semaphore, #tpu.memory_space<semaphore_mem>>) {add = true}
    %dma_wait3A_33 = arith.constant 512 : i32
    %dma_wait3A_34 = tpu.memref_slice %arg6[%dma_wait3A_33] : memref<10000xi32, #tpu.memory_space<vmem>> -> memref<512xi32, #tpu.memory_space<vmem>>
    %dma_wait3A_35 = arith.constant 0 : i32
    %dma_wait3A_36 = arith.constant 0 : i32
    %dma_wait3A_37 = tpu.memref_slice %arg8[%dma_wait3A_35, %dma_wait3A_36] : memref<10112x16xf32, #tpu.memory_space<vmem_shared>> -> memref<10112x16xf32, #tpu.memory_space<vmem_shared>>
    tpu.wait_indirect_dma semaphore(%arg10 : memref<!tpu.dma_semaphore, #tpu.memory_space<semaphore_mem>>) src(%arg7 : memref<512x16xf32, #tpu.memory_space<vmem>>) dst(%dma_wait3A_37 : memref<10112x16xf32, #tpu.memory_space<vmem_shared>>)
    %dma_start3A_38 = arith.constant 2560 : i32
    %dma_start3A_39 = tpu.memref_slice %arg6[%dma_start3A_38] : memref<10000xi32, #tpu.memory_space<vmem>> -> memref<512xi32, #tpu.memory_space<vmem>>
    %dma_start3A_40 = arith.constant 0 : i32
    %dma_start3A_41 = arith.constant 0 : i32
    %dma_start3A_42 = tpu.memref_slice %arg8[%dma_start3A_40, %dma_start3A_41] : memref<10112x16xf32, #tpu.memory_space<vmem_shared>> -> memref<10112x16xf32, #tpu.memory_space<vmem_shared>>
    tpu.enqueue_indirect_dma source(%arg7 : memref<512x16xf32, #tpu.memory_space<vmem>>) target(%dma_start3A_42 : memref<10112x16xf32, #tpu.memory_space<vmem_shared>>) offsets(%dma_start3A_39 : memref<512xi32, #tpu.memory_space<vmem>>) semaphore(%arg10 : memref<!tpu.dma_semaphore, #tpu.memory_space<semaphore_mem>>) {add = true}
    %dma_wait3A_43 = arith.constant 1024 : i32
    %dma_wait3A_44 = tpu.memref_slice %arg6[%dma_wait3A_43] : memref<10000xi32, #tpu.memory_space<vmem>> -> memref<512xi32, #tpu.memory_space<vmem>>
    %dma_wait3A_45 = arith.constant 0 : i32
    %dma_wait3A_46 = arith.constant 0 : i32
    %dma_wait3A_47 = tpu.memref_slice %arg8[%dma_wait3A_45, %dma_wait3A_46] : memref<10112x16xf32, #tpu.memory_space<vmem_shared>> -> memref<10112x16xf32, #tpu.memory_space<vmem_shared>>
    tpu.wait_indirect_dma semaphore(%arg11 : memref<!tpu.dma_semaphore, #tpu.memory_space<semaphore_mem>>) src(%arg7 : memref<512x16xf32, #tpu.memory_space<vmem>>) dst(%dma_wait3A_47 : memref<10112x16xf32, #tpu.memory_space<vmem_shared>>)
    %dma_start3A_48 = arith.constant 3072 : i32
    %dma_start3A_49 = tpu.memref_slice %arg6[%dma_start3A_48] : memref<10000xi32, #tpu.memory_space<vmem>> -> memref<512xi32, #tpu.memory_space<vmem>>
    %dma_start3A_50 = arith.constant 0 : i32
    %dma_start3A_51 = arith.constant 0 : i32
    %dma_start3A_52 = tpu.memref_slice %arg8[%dma_start3A_50, %dma_start3A_51] : memref<10112x16xf32, #tpu.memory_space<vmem_shared>> -> memref<10112x16xf32, #tpu.memory_space<vmem_shared>>
    tpu.enqueue_indirect_dma source(%arg7 : memref<512x16xf32, #tpu.memory_space<vmem>>) target(%dma_start3A_52 : memref<10112x16xf32, #tpu.memory_space<vmem_shared>>) offsets(%dma_start3A_49 : memref<512xi32, #tpu.memory_space<vmem>>) semaphore(%arg11 : memref<!tpu.dma_semaphore, #tpu.memory_space<semaphore_mem>>) {add = true}
    %dma_wait3A_53 = arith.constant 1536 : i32
    %dma_wait3A_54 = tpu.memref_slice %arg6[%dma_wait3A_53] : memref<10000xi32, #tpu.memory_space<vmem>> -> memref<512xi32, #tpu.memory_space<vmem>>
    %dma_wait3A_55 = arith.constant 0 : i32
    %dma_wait3A_56 = arith.constant 0 : i32
    %dma_wait3A_57 = tpu.memref_slice %arg8[%dma_wait3A_55, %dma_wait3A_56] : memref<10112x16xf32, #tpu.memory_space<vmem_shared>> -> memref<10112x16xf32, #tpu.memory_space<vmem_shared>>
    tpu.wait_indirect_dma semaphore(%arg12 : memref<!tpu.dma_semaphore, #tpu.memory_space<semaphore_mem>>) src(%arg7 : memref<512x16xf32, #tpu.memory_space<vmem>>) dst(%dma_wait3A_57 : memref<10112x16xf32, #tpu.memory_space<vmem_shared>>)
    %dma_start3A_58 = arith.constant 3584 : i32
    %dma_start3A_59 = tpu.memref_slice %arg6[%dma_start3A_58] : memref<10000xi32, #tpu.memory_space<vmem>> -> memref<512xi32, #tpu.memory_space<vmem>>
    %dma_start3A_60 = arith.constant 0 : i32
    %dma_start3A_61 = arith.constant 0 : i32
    %dma_start3A_62 = tpu.memref_slice %arg8[%dma_start3A_60, %dma_start3A_61] : memref<10112x16xf32, #tpu.memory_space<vmem_shared>> -> memref<10112x16xf32, #tpu.memory_space<vmem_shared>>
    tpu.enqueue_indirect_dma source(%arg7 : memref<512x16xf32, #tpu.memory_space<vmem>>) target(%dma_start3A_62 : memref<10112x16xf32, #tpu.memory_space<vmem_shared>>) offsets(%dma_start3A_59 : memref<512xi32, #tpu.memory_space<vmem>>) semaphore(%arg12 : memref<!tpu.dma_semaphore, #tpu.memory_space<semaphore_mem>>) {add = true}
    %dma_wait3A_63 = arith.constant 2048 : i32
    %dma_wait3A_64 = tpu.memref_slice %arg6[%dma_wait3A_63] : memref<10000xi32, #tpu.memory_space<vmem>> -> memref<512xi32, #tpu.memory_space<vmem>>
    %dma_wait3A_65 = arith.constant 0 : i32
    %dma_wait3A_66 = arith.constant 0 : i32
    %dma_wait3A_67 = tpu.memref_slice %arg8[%dma_wait3A_65, %dma_wait3A_66] : memref<10112x16xf32, #tpu.memory_space<vmem_shared>> -> memref<10112x16xf32, #tpu.memory_space<vmem_shared>>
    tpu.wait_indirect_dma semaphore(%arg9 : memref<!tpu.dma_semaphore, #tpu.memory_space<semaphore_mem>>) src(%arg7 : memref<512x16xf32, #tpu.memory_space<vmem>>) dst(%dma_wait3A_67 : memref<10112x16xf32, #tpu.memory_space<vmem_shared>>)
    %dma_start3A_68 = arith.constant 4096 : i32
    %dma_start3A_69 = tpu.memref_slice %arg6[%dma_start3A_68] : memref<10000xi32, #tpu.memory_space<vmem>> -> memref<512xi32, #tpu.memory_space<vmem>>
    %dma_start3A_70 = arith.constant 0 : i32
    %dma_start3A_71 = arith.constant 0 : i32
    %dma_start3A_72 = tpu.memref_slice %arg8[%dma_start3A_70, %dma_start3A_71] : memref<10112x16xf32, #tpu.memory_space<vmem_shared>> -> memref<10112x16xf32, #tpu.memory_space<vmem_shared>>
    tpu.enqueue_indirect_dma source(%arg7 : memref<512x16xf32, #tpu.memory_space<vmem>>) target(%dma_start3A_72 : memref<10112x16xf32, #tpu.memory_space<vmem_shared>>) offsets(%dma_start3A_69 : memref<512xi32, #tpu.memory_space<vmem>>) semaphore(%arg9 : memref<!tpu.dma_semaphore, #tpu.memory_space<semaphore_mem>>) {add = true}
    %dma_wait3A_73 = arith.constant 2560 : i32
    %dma_wait3A_74 = tpu.memref_slice %arg6[%dma_wait3A_73] : memref<10000xi32, #tpu.memory_space<vmem>> -> memref<512xi32, #tpu.memory_space<vmem>>
    %dma_wait3A_75 = arith.constant 0 : i32
    %dma_wait3A_76 = arith.constant 0 : i32
    %dma_wait3A_77 = tpu.memref_slice %arg8[%dma_wait3A_75, %dma_wait3A_76] : memref<10112x16xf32, #tpu.memory_space<vmem_shared>> -> memref<10112x16xf32, #tpu.memory_space<vmem_shared>>
    tpu.wait_indirect_dma semaphore(%arg10 : memref<!tpu.dma_semaphore, #tpu.memory_space<semaphore_mem>>) src(%arg7 : memref<512x16xf32, #tpu.memory_space<vmem>>) dst(%dma_wait3A_77 : memref<10112x16xf32, #tpu.memory_space<vmem_shared>>)
    %dma_start3A_78 = arith.constant 4608 : i32
    %dma_start3A_79 = tpu.memref_slice %arg6[%dma_start3A_78] : memref<10000xi32, #tpu.memory_space<vmem>> -> memref<512xi32, #tpu.memory_space<vmem>>
    %dma_start3A_80 = arith.constant 0 : i32
    %dma_start3A_81 = arith.constant 0 : i32
    %dma_start3A_82 = tpu.memref_slice %arg8[%dma_start3A_80, %dma_start3A_81] : memref<10112x16xf32, #tpu.memory_space<vmem_shared>> -> memref<10112x16xf32, #tpu.memory_space<vmem_shared>>
    tpu.enqueue_indirect_dma source(%arg7 : memref<512x16xf32, #tpu.memory_space<vmem>>) target(%dma_start3A_82 : memref<10112x16xf32, #tpu.memory_space<vmem_shared>>) offsets(%dma_start3A_79 : memref<512xi32, #tpu.memory_space<vmem>>) semaphore(%arg10 : memref<!tpu.dma_semaphore, #tpu.memory_space<semaphore_mem>>) {add = true}
    %dma_wait3A_83 = arith.constant 3072 : i32
    %dma_wait3A_84 = tpu.memref_slice %arg6[%dma_wait3A_83] : memref<10000xi32, #tpu.memory_space<vmem>> -> memref<512xi32, #tpu.memory_space<vmem>>
    %dma_wait3A_85 = arith.constant 0 : i32
    %dma_wait3A_86 = arith.constant 0 : i32
    %dma_wait3A_87 = tpu.memref_slice %arg8[%dma_wait3A_85, %dma_wait3A_86] : memref<10112x16xf32, #tpu.memory_space<vmem_shared>> -> memref<10112x16xf32, #tpu.memory_space<vmem_shared>>
    tpu.wait_indirect_dma semaphore(%arg11 : memref<!tpu.dma_semaphore, #tpu.memory_space<semaphore_mem>>) src(%arg7 : memref<512x16xf32, #tpu.memory_space<vmem>>) dst(%dma_wait3A_87 : memref<10112x16xf32, #tpu.memory_space<vmem_shared>>)
    %dma_start3A_88 = arith.constant 5120 : i32
    %dma_start3A_89 = tpu.memref_slice %arg6[%dma_start3A_88] : memref<10000xi32, #tpu.memory_space<vmem>> -> memref<512xi32, #tpu.memory_space<vmem>>
    %dma_start3A_90 = arith.constant 0 : i32
    %dma_start3A_91 = arith.constant 0 : i32
    %dma_start3A_92 = tpu.memref_slice %arg8[%dma_start3A_90, %dma_start3A_91] : memref<10112x16xf32, #tpu.memory_space<vmem_shared>> -> memref<10112x16xf32, #tpu.memory_space<vmem_shared>>
    tpu.enqueue_indirect_dma source(%arg7 : memref<512x16xf32, #tpu.memory_space<vmem>>) target(%dma_start3A_92 : memref<10112x16xf32, #tpu.memory_space<vmem_shared>>) offsets(%dma_start3A_89 : memref<512xi32, #tpu.memory_space<vmem>>) semaphore(%arg11 : memref<!tpu.dma_semaphore, #tpu.memory_space<semaphore_mem>>) {add = true}
    %dma_wait3A_93 = arith.constant 3584 : i32
    %dma_wait3A_94 = tpu.memref_slice %arg6[%dma_wait3A_93] : memref<10000xi32, #tpu.memory_space<vmem>> -> memref<512xi32, #tpu.memory_space<vmem>>
    %dma_wait3A_95 = arith.constant 0 : i32
    %dma_wait3A_96 = arith.constant 0 : i32
    %dma_wait3A_97 = tpu.memref_slice %arg8[%dma_wait3A_95, %dma_wait3A_96] : memref<10112x16xf32, #tpu.memory_space<vmem_shared>> -> memref<10112x16xf32, #tpu.memory_space<vmem_shared>>
    tpu.wait_indirect_dma semaphore(%arg12 : memref<!tpu.dma_semaphore, #tpu.memory_space<semaphore_mem>>) src(%arg7 : memref<512x16xf32, #tpu.memory_space<vmem>>) dst(%dma_wait3A_97 : memref<10112x16xf32, #tpu.memory_space<vmem_shared>>)
    %dma_start3A_98 = arith.constant 5632 : i32
    %dma_start3A_99 = tpu.memref_slice %arg6[%dma_start3A_98] : memref<10000xi32, #tpu.memory_space<vmem>> -> memref<512xi32, #tpu.memory_space<vmem>>
    %dma_start3A_100 = arith.constant 0 : i32
    %dma_start3A_101 = arith.constant 0 : i32
    %dma_start3A_102 = tpu.memref_slice %arg8[%dma_start3A_100, %dma_start3A_101] : memref<10112x16xf32, #tpu.memory_space<vmem_shared>> -> memref<10112x16xf32, #tpu.memory_space<vmem_shared>>
    tpu.enqueue_indirect_dma source(%arg7 : memref<512x16xf32, #tpu.memory_space<vmem>>) target(%dma_start3A_102 : memref<10112x16xf32, #tpu.memory_space<vmem_shared>>) offsets(%dma_start3A_99 : memref<512xi32, #tpu.memory_space<vmem>>) semaphore(%arg12 : memref<!tpu.dma_semaphore, #tpu.memory_space<semaphore_mem>>) {add = true}
    %dma_wait3A_103 = arith.constant 4096 : i32
    %dma_wait3A_104 = tpu.memref_slice %arg6[%dma_wait3A_103] : memref<10000xi32, #tpu.memory_space<vmem>> -> memref<512xi32, #tpu.memory_space<vmem>>
    %dma_wait3A_105 = arith.constant 0 : i32
    %dma_wait3A_106 = arith.constant 0 : i32
    %dma_wait3A_107 = tpu.memref_slice %arg8[%dma_wait3A_105, %dma_wait3A_106] : memref<10112x16xf32, #tpu.memory_space<vmem_shared>> -> memref<10112x16xf32, #tpu.memory_space<vmem_shared>>
    tpu.wait_indirect_dma semaphore(%arg9 : memref<!tpu.dma_semaphore, #tpu.memory_space<semaphore_mem>>) src(%arg7 : memref<512x16xf32, #tpu.memory_space<vmem>>) dst(%dma_wait3A_107 : memref<10112x16xf32, #tpu.memory_space<vmem_shared>>)
    %dma_start3A_108 = arith.constant 6144 : i32
    %dma_start3A_109 = tpu.memref_slice %arg6[%dma_start3A_108] : memref<10000xi32, #tpu.memory_space<vmem>> -> memref<512xi32, #tpu.memory_space<vmem>>
    %dma_start3A_110 = arith.constant 0 : i32
    %dma_start3A_111 = arith.constant 0 : i32
    %dma_start3A_112 = tpu.memref_slice %arg8[%dma_start3A_110, %dma_start3A_111] : memref<10112x16xf32, #tpu.memory_space<vmem_shared>> -> memref<10112x16xf32, #tpu.memory_space<vmem_shared>>
    tpu.enqueue_indirect_dma source(%arg7 : memref<512x16xf32, #tpu.memory_space<vmem>>) target(%dma_start3A_112 : memref<10112x16xf32, #tpu.memory_space<vmem_shared>>) offsets(%dma_start3A_109 : memref<512xi32, #tpu.memory_space<vmem>>) semaphore(%arg9 : memref<!tpu.dma_semaphore, #tpu.memory_space<semaphore_mem>>) {add = true}
    %dma_wait3A_113 = arith.constant 4608 : i32
    %dma_wait3A_114 = tpu.memref_slice %arg6[%dma_wait3A_113] : memref<10000xi32, #tpu.memory_space<vmem>> -> memref<512xi32, #tpu.memory_space<vmem>>
    %dma_wait3A_115 = arith.constant 0 : i32
    %dma_wait3A_116 = arith.constant 0 : i32
    %dma_wait3A_117 = tpu.memref_slice %arg8[%dma_wait3A_115, %dma_wait3A_116] : memref<10112x16xf32, #tpu.memory_space<vmem_shared>> -> memref<10112x16xf32, #tpu.memory_space<vmem_shared>>
    tpu.wait_indirect_dma semaphore(%arg10 : memref<!tpu.dma_semaphore, #tpu.memory_space<semaphore_mem>>) src(%arg7 : memref<512x16xf32, #tpu.memory_space<vmem>>) dst(%dma_wait3A_117 : memref<10112x16xf32, #tpu.memory_space<vmem_shared>>)
    %dma_start3A_118 = arith.constant 6656 : i32
    %dma_start3A_119 = tpu.memref_slice %arg6[%dma_start3A_118] : memref<10000xi32, #tpu.memory_space<vmem>> -> memref<512xi32, #tpu.memory_space<vmem>>
    %dma_start3A_120 = arith.constant 0 : i32
    %dma_start3A_121 = arith.constant 0 : i32
    %dma_start3A_122 = tpu.memref_slice %arg8[%dma_start3A_120, %dma_start3A_121] : memref<10112x16xf32, #tpu.memory_space<vmem_shared>> -> memref<10112x16xf32, #tpu.memory_space<vmem_shared>>
    tpu.enqueue_indirect_dma source(%arg7 : memref<512x16xf32, #tpu.memory_space<vmem>>) target(%dma_start3A_122 : memref<10112x16xf32, #tpu.memory_space<vmem_shared>>) offsets(%dma_start3A_119 : memref<512xi32, #tpu.memory_space<vmem>>) semaphore(%arg10 : memref<!tpu.dma_semaphore, #tpu.memory_space<semaphore_mem>>) {add = true}
    %dma_wait3A_123 = arith.constant 5120 : i32
    %dma_wait3A_124 = tpu.memref_slice %arg6[%dma_wait3A_123] : memref<10000xi32, #tpu.memory_space<vmem>> -> memref<512xi32, #tpu.memory_space<vmem>>
    %dma_wait3A_125 = arith.constant 0 : i32
    %dma_wait3A_126 = arith.constant 0 : i32
    %dma_wait3A_127 = tpu.memref_slice %arg8[%dma_wait3A_125, %dma_wait3A_126] : memref<10112x16xf32, #tpu.memory_space<vmem_shared>> -> memref<10112x16xf32, #tpu.memory_space<vmem_shared>>
    tpu.wait_indirect_dma semaphore(%arg11 : memref<!tpu.dma_semaphore, #tpu.memory_space<semaphore_mem>>) src(%arg7 : memref<512x16xf32, #tpu.memory_space<vmem>>) dst(%dma_wait3A_127 : memref<10112x16xf32, #tpu.memory_space<vmem_shared>>)
    %dma_start3A_128 = arith.constant 7168 : i32
    %dma_start3A_129 = tpu.memref_slice %arg6[%dma_start3A_128] : memref<10000xi32, #tpu.memory_space<vmem>> -> memref<512xi32, #tpu.memory_space<vmem>>
    %dma_start3A_130 = arith.constant 0 : i32
    %dma_start3A_131 = arith.constant 0 : i32
    %dma_start3A_132 = tpu.memref_slice %arg8[%dma_start3A_130, %dma_start3A_131] : memref<10112x16xf32, #tpu.memory_space<vmem_shared>> -> memref<10112x16xf32, #tpu.memory_space<vmem_shared>>
    tpu.enqueue_indirect_dma source(%arg7 : memref<512x16xf32, #tpu.memory_space<vmem>>) target(%dma_start3A_132 : memref<10112x16xf32, #tpu.memory_space<vmem_shared>>) offsets(%dma_start3A_129 : memref<512xi32, #tpu.memory_space<vmem>>) semaphore(%arg11 : memref<!tpu.dma_semaphore, #tpu.memory_space<semaphore_mem>>) {add = true}
    %dma_wait3A_133 = arith.constant 5632 : i32
    %dma_wait3A_134 = tpu.memref_slice %arg6[%dma_wait3A_133] : memref<10000xi32, #tpu.memory_space<vmem>> -> memref<512xi32, #tpu.memory_space<vmem>>
    %dma_wait3A_135 = arith.constant 0 : i32
    %dma_wait3A_136 = arith.constant 0 : i32
    %dma_wait3A_137 = tpu.memref_slice %arg8[%dma_wait3A_135, %dma_wait3A_136] : memref<10112x16xf32, #tpu.memory_space<vmem_shared>> -> memref<10112x16xf32, #tpu.memory_space<vmem_shared>>
    tpu.wait_indirect_dma semaphore(%arg12 : memref<!tpu.dma_semaphore, #tpu.memory_space<semaphore_mem>>) src(%arg7 : memref<512x16xf32, #tpu.memory_space<vmem>>) dst(%dma_wait3A_137 : memref<10112x16xf32, #tpu.memory_space<vmem_shared>>)
    %dma_start3A_138 = arith.constant 7680 : i32
    %dma_start3A_139 = tpu.memref_slice %arg6[%dma_start3A_138] : memref<10000xi32, #tpu.memory_space<vmem>> -> memref<512xi32, #tpu.memory_space<vmem>>
    %dma_start3A_140 = arith.constant 0 : i32
    %dma_start3A_141 = arith.constant 0 : i32
    %dma_start3A_142 = tpu.memref_slice %arg8[%dma_start3A_140, %dma_start3A_141] : memref<10112x16xf32, #tpu.memory_space<vmem_shared>> -> memref<10112x16xf32, #tpu.memory_space<vmem_shared>>
    tpu.enqueue_indirect_dma source(%arg7 : memref<512x16xf32, #tpu.memory_space<vmem>>) target(%dma_start3A_142 : memref<10112x16xf32, #tpu.memory_space<vmem_shared>>) offsets(%dma_start3A_139 : memref<512xi32, #tpu.memory_space<vmem>>) semaphore(%arg12 : memref<!tpu.dma_semaphore, #tpu.memory_space<semaphore_mem>>) {add = true}
    %dma_wait3A_143 = arith.constant 6144 : i32
    %dma_wait3A_144 = tpu.memref_slice %arg6[%dma_wait3A_143] : memref<10000xi32, #tpu.memory_space<vmem>> -> memref<512xi32, #tpu.memory_space<vmem>>
    %dma_wait3A_145 = arith.constant 0 : i32
    %dma_wait3A_146 = arith.constant 0 : i32
    %dma_wait3A_147 = tpu.memref_slice %arg8[%dma_wait3A_145, %dma_wait3A_146] : memref<10112x16xf32, #tpu.memory_space<vmem_shared>> -> memref<10112x16xf32, #tpu.memory_space<vmem_shared>>
    tpu.wait_indirect_dma semaphore(%arg9 : memref<!tpu.dma_semaphore, #tpu.memory_space<semaphore_mem>>) src(%arg7 : memref<512x16xf32, #tpu.memory_space<vmem>>) dst(%dma_wait3A_147 : memref<10112x16xf32, #tpu.memory_space<vmem_shared>>)
    %dma_start3A_148 = arith.constant 8192 : i32
    %dma_start3A_149 = tpu.memref_slice %arg6[%dma_start3A_148] : memref<10000xi32, #tpu.memory_space<vmem>> -> memref<512xi32, #tpu.memory_space<vmem>>
    %dma_start3A_150 = arith.constant 0 : i32
    %dma_start3A_151 = arith.constant 0 : i32
    %dma_start3A_152 = tpu.memref_slice %arg8[%dma_start3A_150, %dma_start3A_151] : memref<10112x16xf32, #tpu.memory_space<vmem_shared>> -> memref<10112x16xf32, #tpu.memory_space<vmem_shared>>
    tpu.enqueue_indirect_dma source(%arg7 : memref<512x16xf32, #tpu.memory_space<vmem>>) target(%dma_start3A_152 : memref<10112x16xf32, #tpu.memory_space<vmem_shared>>) offsets(%dma_start3A_149 : memref<512xi32, #tpu.memory_space<vmem>>) semaphore(%arg9 : memref<!tpu.dma_semaphore, #tpu.memory_space<semaphore_mem>>) {add = true}
    %dma_wait3A_153 = arith.constant 6656 : i32
    %dma_wait3A_154 = tpu.memref_slice %arg6[%dma_wait3A_153] : memref<10000xi32, #tpu.memory_space<vmem>> -> memref<512xi32, #tpu.memory_space<vmem>>
    %dma_wait3A_155 = arith.constant 0 : i32
    %dma_wait3A_156 = arith.constant 0 : i32
    %dma_wait3A_157 = tpu.memref_slice %arg8[%dma_wait3A_155, %dma_wait3A_156] : memref<10112x16xf32, #tpu.memory_space<vmem_shared>> -> memref<10112x16xf32, #tpu.memory_space<vmem_shared>>
    tpu.wait_indirect_dma semaphore(%arg10 : memref<!tpu.dma_semaphore, #tpu.memory_space<semaphore_mem>>) src(%arg7 : memref<512x16xf32, #tpu.memory_space<vmem>>) dst(%dma_wait3A_157 : memref<10112x16xf32, #tpu.memory_space<vmem_shared>>)
    %dma_start3A_158 = arith.constant 8704 : i32
    %dma_start3A_159 = tpu.memref_slice %arg6[%dma_start3A_158] : memref<10000xi32, #tpu.memory_space<vmem>> -> memref<512xi32, #tpu.memory_space<vmem>>
    %dma_start3A_160 = arith.constant 0 : i32
    %dma_start3A_161 = arith.constant 0 : i32
    %dma_start3A_162 = tpu.memref_slice %arg8[%dma_start3A_160, %dma_start3A_161] : memref<10112x16xf32, #tpu.memory_space<vmem_shared>> -> memref<10112x16xf32, #tpu.memory_space<vmem_shared>>
    tpu.enqueue_indirect_dma source(%arg7 : memref<512x16xf32, #tpu.memory_space<vmem>>) target(%dma_start3A_162 : memref<10112x16xf32, #tpu.memory_space<vmem_shared>>) offsets(%dma_start3A_159 : memref<512xi32, #tpu.memory_space<vmem>>) semaphore(%arg10 : memref<!tpu.dma_semaphore, #tpu.memory_space<semaphore_mem>>) {add = true}
    %dma_wait3A_163 = arith.constant 7168 : i32
    %dma_wait3A_164 = tpu.memref_slice %arg6[%dma_wait3A_163] : memref<10000xi32, #tpu.memory_space<vmem>> -> memref<512xi32, #tpu.memory_space<vmem>>
    %dma_wait3A_165 = arith.constant 0 : i32
    %dma_wait3A_166 = arith.constant 0 : i32
    %dma_wait3A_167 = tpu.memref_slice %arg8[%dma_wait3A_165, %dma_wait3A_166] : memref<10112x16xf32, #tpu.memory_space<vmem_shared>> -> memref<10112x16xf32, #tpu.memory_space<vmem_shared>>
    tpu.wait_indirect_dma semaphore(%arg11 : memref<!tpu.dma_semaphore, #tpu.memory_space<semaphore_mem>>) src(%arg7 : memref<512x16xf32, #tpu.memory_space<vmem>>) dst(%dma_wait3A_167 : memref<10112x16xf32, #tpu.memory_space<vmem_shared>>)
    %dma_start3A_168 = arith.constant 9216 : i32
    %dma_start3A_169 = tpu.memref_slice %arg6[%dma_start3A_168] : memref<10000xi32, #tpu.memory_space<vmem>> -> memref<512xi32, #tpu.memory_space<vmem>>
    %dma_start3A_170 = arith.constant 0 : i32
    %dma_start3A_171 = arith.constant 0 : i32
    %dma_start3A_172 = tpu.memref_slice %arg8[%dma_start3A_170, %dma_start3A_171] : memref<10112x16xf32, #tpu.memory_space<vmem_shared>> -> memref<10112x16xf32, #tpu.memory_space<vmem_shared>>
    tpu.enqueue_indirect_dma source(%arg7 : memref<512x16xf32, #tpu.memory_space<vmem>>) target(%dma_start3A_172 : memref<10112x16xf32, #tpu.memory_space<vmem_shared>>) offsets(%dma_start3A_169 : memref<512xi32, #tpu.memory_space<vmem>>) semaphore(%arg11 : memref<!tpu.dma_semaphore, #tpu.memory_space<semaphore_mem>>) {add = true}
    %dma_wait3A_173 = arith.constant 7680 : i32
    %dma_wait3A_174 = tpu.memref_slice %arg6[%dma_wait3A_173] : memref<10000xi32, #tpu.memory_space<vmem>> -> memref<512xi32, #tpu.memory_space<vmem>>
    %dma_wait3A_175 = arith.constant 0 : i32
    %dma_wait3A_176 = arith.constant 0 : i32
    %dma_wait3A_177 = tpu.memref_slice %arg8[%dma_wait3A_175, %dma_wait3A_176] : memref<10112x16xf32, #tpu.memory_space<vmem_shared>> -> memref<10112x16xf32, #tpu.memory_space<vmem_shared>>
    tpu.wait_indirect_dma semaphore(%arg12 : memref<!tpu.dma_semaphore, #tpu.memory_space<semaphore_mem>>) src(%arg7 : memref<512x16xf32, #tpu.memory_space<vmem>>) dst(%dma_wait3A_177 : memref<10112x16xf32, #tpu.memory_space<vmem_shared>>)
    %dma_start3A_178 = arith.constant 0 : i32
    %dma_start3A_179 = arith.constant 0 : i32
    %dma_start3A_180 = tpu.memref_slice %arg7[%dma_start3A_178, %dma_start3A_179] : memref<512x16xf32, #tpu.memory_space<vmem>> -> memref<272x16xf32, #tpu.memory_space<vmem>>
    %dma_start3A_181 = arith.constant 9728 : i32
    %dma_start3A_182 = tpu.memref_slice %arg6[%dma_start3A_181] : memref<10000xi32, #tpu.memory_space<vmem>> -> memref<272xi32, #tpu.memory_space<vmem>>
    %dma_start3A_183 = arith.constant 0 : i32
    %dma_start3A_184 = arith.constant 0 : i32
    %dma_start3A_185 = tpu.memref_slice %arg8[%dma_start3A_183, %dma_start3A_184] : memref<10112x16xf32, #tpu.memory_space<vmem_shared>> -> memref<10112x16xf32, #tpu.memory_space<vmem_shared>>
    tpu.enqueue_indirect_dma source(%dma_start3A_180 : memref<272x16xf32, #tpu.memory_space<vmem>>) target(%dma_start3A_185 : memref<10112x16xf32, #tpu.memory_space<vmem_shared>>) offsets(%dma_start3A_182 : memref<272xi32, #tpu.memory_space<vmem>>) semaphore(%arg12 : memref<!tpu.dma_semaphore, #tpu.memory_space<semaphore_mem>>) {add = true}
    %dma_wait3A_186 = arith.constant 8192 : i32
    %dma_wait3A_187 = tpu.memref_slice %arg6[%dma_wait3A_186] : memref<10000xi32, #tpu.memory_space<vmem>> -> memref<512xi32, #tpu.memory_space<vmem>>
    %dma_wait3A_188 = arith.constant 0 : i32
    %dma_wait3A_189 = arith.constant 0 : i32
    %dma_wait3A_190 = tpu.memref_slice %arg8[%dma_wait3A_188, %dma_wait3A_189] : memref<10112x16xf32, #tpu.memory_space<vmem_shared>> -> memref<10112x16xf32, #tpu.memory_space<vmem_shared>>
    tpu.wait_indirect_dma semaphore(%arg9 : memref<!tpu.dma_semaphore, #tpu.memory_space<semaphore_mem>>) src(%arg7 : memref<512x16xf32, #tpu.memory_space<vmem>>) dst(%dma_wait3A_190 : memref<10112x16xf32, #tpu.memory_space<vmem_shared>>)
    %dma_wait3A_191 = arith.constant 8704 : i32
    %dma_wait3A_192 = tpu.memref_slice %arg6[%dma_wait3A_191] : memref<10000xi32, #tpu.memory_space<vmem>> -> memref<512xi32, #tpu.memory_space<vmem>>
    %dma_wait3A_193 = arith.constant 0 : i32
    %dma_wait3A_194 = arith.constant 0 : i32
    %dma_wait3A_195 = tpu.memref_slice %arg8[%dma_wait3A_193, %dma_wait3A_194] : memref<10112x16xf32, #tpu.memory_space<vmem_shared>> -> memref<10112x16xf32, #tpu.memory_space<vmem_shared>>
    tpu.wait_indirect_dma semaphore(%arg10 : memref<!tpu.dma_semaphore, #tpu.memory_space<semaphore_mem>>) src(%arg7 : memref<512x16xf32, #tpu.memory_space<vmem>>) dst(%dma_wait3A_195 : memref<10112x16xf32, #tpu.memory_space<vmem_shared>>)
    %dma_wait3A_196 = arith.constant 9216 : i32
    %dma_wait3A_197 = tpu.memref_slice %arg6[%dma_wait3A_196] : memref<10000xi32, #tpu.memory_space<vmem>> -> memref<512xi32, #tpu.memory_space<vmem>>
    %dma_wait3A_198 = arith.constant 0 : i32
    %dma_wait3A_199 = arith.constant 0 : i32
    %dma_wait3A_200 = tpu.memref_slice %arg8[%dma_wait3A_198, %dma_wait3A_199] : memref<10112x16xf32, #tpu.memory_space<vmem_shared>> -> memref<10112x16xf32, #tpu.memory_space<vmem_shared>>
    tpu.wait_indirect_dma semaphore(%arg11 : memref<!tpu.dma_semaphore, #tpu.memory_space<semaphore_mem>>) src(%arg7 : memref<512x16xf32, #tpu.memory_space<vmem>>) dst(%dma_wait3A_200 : memref<10112x16xf32, #tpu.memory_space<vmem_shared>>)
    %dma_wait3A_201 = arith.constant 0 : i32
    %dma_wait3A_202 = arith.constant 0 : i32
    %dma_wait3A_203 = tpu.memref_slice %arg7[%dma_wait3A_201, %dma_wait3A_202] : memref<512x16xf32, #tpu.memory_space<vmem>> -> memref<272x16xf32, #tpu.memory_space<vmem>>
    %dma_wait3A_204 = arith.constant 9728 : i32
    %dma_wait3A_205 = tpu.memref_slice %arg6[%dma_wait3A_204] : memref<10000xi32, #tpu.memory_space<vmem>> -> memref<272xi32, #tpu.memory_space<vmem>>
    %dma_wait3A_206 = arith.constant 0 : i32
    %dma_wait3A_207 = arith.constant 0 : i32
    %dma_wait3A_208 = tpu.memref_slice %arg8[%dma_wait3A_206, %dma_wait3A_207] : memref<10112x16xf32, #tpu.memory_space<vmem_shared>> -> memref<10112x16xf32, #tpu.memory_space<vmem_shared>>
    tpu.wait_indirect_dma semaphore(%arg12 : memref<!tpu.dma_semaphore, #tpu.memory_space<semaphore_mem>>) src(%dma_wait3A_203 : memref<272x16xf32, #tpu.memory_space<vmem>>) dst(%dma_wait3A_208 : memref<10112x16xf32, #tpu.memory_space<vmem_shared>>)
    %barrier3A_209 = arith.constant 0 : index
    tpu.barrier barrier_id(%barrier3A_209)
    %mul3A_210 = arith.constant 632 : i32
    %mul3A_211 = arith.muli %arg1, %mul3A_210 : i32
    %mul3A_212 = arith.constant 16 : i32
    %mul3A_213 = arith.muli %arg0, %mul3A_212 : i32
    %add3A_214 = arith.addi %mul3A_213, %arg1 : i32
    %mul3A_215 = arith.constant 632 : i32
    %mul3A_216 = arith.muli %add3A_214, %mul3A_215 : i32
    "tpu.region"() ({
      %run_scoped3A_217 = tpu.sem_alloc : memref<!tpu.dma_semaphore, #tpu.memory_space<semaphore_mem>>
      %dma_start3A_218 = arith.constant 0 : i32
      %dma_start3A_219 = tpu.memref_slice %arg5[%mul3A_216, %dma_start3A_218] : memref<20224x16xf32, #tpu.memory_space<hbm>> -> memref<632x16xf32, #tpu.memory_space<hbm>>
      %dma_start3A_220 = arith.constant 0 : i32
      %dma_start3A_221 = tpu.memref_slice %arg8[%mul3A_211, %dma_start3A_220] : memref<10112x16xf32, #tpu.memory_space<vmem_shared>> -> memref<632x16xf32, #tpu.memory_space<vmem_shared>>
      tpu.enqueue_dma source(%dma_start3A_221 : memref<632x16xf32, #tpu.memory_space<vmem_shared>>) target(%dma_start3A_219 : memref<632x16xf32, #tpu.memory_space<hbm>>) target_semaphore(%run_scoped3A_217 : memref<!tpu.dma_semaphore, #tpu.memory_space<semaphore_mem>>)
      %dma_wait3A_222 = arith.constant 0 : i32
      %dma_wait3A_223 = tpu.memref_slice %arg5[%mul3A_216, %dma_wait3A_222] : memref<20224x16xf32, #tpu.memory_space<hbm>> -> memref<632x16xf32, #tpu.memory_space<hbm>>
      %dma_wait3A_224 = arith.constant 0 : i32
      %dma_wait3A_225 = tpu.memref_slice %arg8[%mul3A_211, %dma_wait3A_224] : memref<10112x16xf32, #tpu.memory_space<vmem_shared>> -> memref<632x16xf32, #tpu.memory_space<vmem_shared>>
      tpu.wait_dma2 semaphore(%run_scoped3A_217 : memref<!tpu.dma_semaphore, #tpu.memory_space<semaphore_mem>>) src(%dma_wait3A_225 : memref<632x16xf32, #tpu.memory_space<vmem_shared>>) dst(%dma_wait3A_223 : memref<632x16xf32, #tpu.memory_space<hbm>>)
      tpu.yield
    }) : () -> ()
    return
  }
}

#map = affine_map<(d0, d1) -> (0, 0)>
module attributes {stable_mosaic.version = 14 : i64} {
  func.func @_agg(%arg0: i32, %arg1: i32, %arg2: memref<10000x16xf32, #tpu.memory_space<hbm>>, %arg3: memref<2x320000xi32, #tpu.memory_space<hbm>>, %arg4: memref<632x16xf32, #tpu.memory_space<hbm>>, %arg5: memref<20224x16xf32, #tpu.memory_space<hbm>>, %arg6: memref<10000xi32, #tpu.memory_space<vmem>>, %arg7: memref<10000xi32, #tpu.memory_space<vmem>>, %arg8: memref<512x16xf32, #tpu.memory_space<vmem>>, %arg9: memref<512x16xf32, #tpu.memory_space<vmem>>, %arg10: memref<512x16xf32, #tpu.memory_space<vmem>>, %arg11: memref<512x16xf32, #tpu.memory_space<vmem>>, %arg12: memref<10112x16xf32, #tpu.memory_space<vmem_shared>>, %arg13: memref<!tpu.dma_semaphore, #tpu.memory_space<semaphore_mem>>, %arg14: memref<!tpu.dma_semaphore, #tpu.memory_space<semaphore_mem>>, %arg15: memref<!tpu.dma_semaphore, #tpu.memory_space<semaphore_mem>>, %arg16: memref<!tpu.dma_semaphore, #tpu.memory_space<semaphore_mem>>, %arg17: memref<!tpu.dma_semaphore, #tpu.memory_space<semaphore_mem>>, %arg18: memref<!tpu.dma_semaphore, #tpu.memory_space<semaphore_mem>>, %arg19: memref<!tpu.dma_semaphore, #tpu.memory_space<semaphore_mem>>, %arg20: memref<!tpu.dma_semaphore, #tpu.memory_space<semaphore_mem>>) attributes {dimension_semantics = [#tpu.dimension_semantics<core_parallel>, #tpu.dimension_semantics<subcore_parallel>], iteration_bounds = array<i64: 2, 16>, scalar_prefetch = 0 : i64, scratch_operands = 15 : i64, tpu.core_type = #tpu.core_type<sc_vector_subcore>, window_params = [{transform_indices = #map}, {transform_indices = #map}, {transform_indices = #map}, {transform_indices = #map}]} {
    %mul3A = arith.constant 2 : i32
    %mul3A_0 = arith.muli %arg1, %mul3A : i32
    %add3A = arith.addi %mul3A_0, %arg0 : i32
    %mul3A_1 = arith.constant 10000 : i32
    %mul3A_2 = arith.muli %add3A, %mul3A_1 : i32
    %mul3A_3 = arith.constant 632 : i32
    %mul3A_4 = arith.muli %arg1, %mul3A_3 : i32
    "tpu.region"() ({
      %run_scoped3A_424 = tpu.sem_alloc : memref<!tpu.dma_semaphore, #tpu.memory_space<semaphore_mem>>
      %dma_start3A_425 = arith.constant 0 : i32
      %dma_start3A_426 = tpu.memref_slice %arg12[%mul3A_4, %dma_start3A_425] : memref<10112x16xf32, #tpu.memory_space<vmem_shared>> -> memref<632x16xf32, #tpu.memory_space<vmem_shared>>
      tpu.enqueue_dma source(%arg4 : memref<632x16xf32, #tpu.memory_space<hbm>>) target(%dma_start3A_426 : memref<632x16xf32, #tpu.memory_space<vmem_shared>>) target_semaphore(%run_scoped3A_424 : memref<!tpu.dma_semaphore, #tpu.memory_space<semaphore_mem>>)
      %dma_wait3A_427 = arith.constant 0 : i32
      %dma_wait3A_428 = tpu.memref_slice %arg12[%mul3A_4, %dma_wait3A_427] : memref<10112x16xf32, #tpu.memory_space<vmem_shared>> -> memref<632x16xf32, #tpu.memory_space<vmem_shared>>
      tpu.wait_dma2 semaphore(%run_scoped3A_424 : memref<!tpu.dma_semaphore, #tpu.memory_space<semaphore_mem>>) src(%arg4 : memref<632x16xf32, #tpu.memory_space<hbm>>) dst(%dma_wait3A_428 : memref<632x16xf32, #tpu.memory_space<vmem_shared>>)
      tpu.yield
    }) : () -> ()
    %run_scoped3A = arith.constant 0 : i32
    "tpu.region"() ({
      %run_scoped3A_424 = tpu.sem_alloc : memref<!tpu.dma_semaphore, #tpu.memory_space<semaphore_mem>>
      %dma_start3A_425 = tpu.memref_slice %arg3[%run_scoped3A, %mul3A_2] : memref<2x320000xi32, #tpu.memory_space<hbm>> -> memref<1x10000xi32, #tpu.memory_space<hbm>>
      %dma_start3A_426 = tpu.memref_squeeze %dma_start3A_425 : memref<1x10000xi32, #tpu.memory_space<hbm>> -> memref<10000xi32, #tpu.memory_space<hbm>>
      %dma_start3A_427 = tpu.memref_slice %arg3[%run_scoped3A, %mul3A_2] : memref<2x320000xi32, #tpu.memory_space<hbm>> -> memref<1x10000xi32, #tpu.memory_space<hbm>>
      %dma_start3A_428 = tpu.memref_squeeze %dma_start3A_427 : memref<1x10000xi32, #tpu.memory_space<hbm>> -> memref<10000xi32, #tpu.memory_space<hbm>>
      tpu.enqueue_dma source(%dma_start3A_428 : memref<10000xi32, #tpu.memory_space<hbm>>) target(%arg6 : memref<10000xi32, #tpu.memory_space<vmem>>) target_semaphore(%run_scoped3A_424 : memref<!tpu.dma_semaphore, #tpu.memory_space<semaphore_mem>>)
      %dma_wait3A_429 = tpu.memref_slice %arg3[%run_scoped3A, %mul3A_2] : memref<2x320000xi32, #tpu.memory_space<hbm>> -> memref<1x10000xi32, #tpu.memory_space<hbm>>
      %dma_wait3A_430 = tpu.memref_squeeze %dma_wait3A_429 : memref<1x10000xi32, #tpu.memory_space<hbm>> -> memref<10000xi32, #tpu.memory_space<hbm>>
      %dma_wait3A_431 = tpu.memref_slice %arg3[%run_scoped3A, %mul3A_2] : memref<2x320000xi32, #tpu.memory_space<hbm>> -> memref<1x10000xi32, #tpu.memory_space<hbm>>
      %dma_wait3A_432 = tpu.memref_squeeze %dma_wait3A_431 : memref<1x10000xi32, #tpu.memory_space<hbm>> -> memref<10000xi32, #tpu.memory_space<hbm>>
      tpu.wait_dma2 semaphore(%run_scoped3A_424 : memref<!tpu.dma_semaphore, #tpu.memory_space<semaphore_mem>>) src(%dma_wait3A_432 : memref<10000xi32, #tpu.memory_space<hbm>>) dst(%arg6 : memref<10000xi32, #tpu.memory_space<vmem>>)
      tpu.yield
    }) : () -> ()
    %run_scoped3A_5 = arith.constant 1 : i32
    "tpu.region"() ({
      %run_scoped3A_424 = tpu.sem_alloc : memref<!tpu.dma_semaphore, #tpu.memory_space<semaphore_mem>>
      %dma_start3A_425 = tpu.memref_slice %arg3[%run_scoped3A_5, %mul3A_2] : memref<2x320000xi32, #tpu.memory_space<hbm>> -> memref<1x10000xi32, #tpu.memory_space<hbm>>
      %dma_start3A_426 = tpu.memref_squeeze %dma_start3A_425 : memref<1x10000xi32, #tpu.memory_space<hbm>> -> memref<10000xi32, #tpu.memory_space<hbm>>
      %dma_start3A_427 = tpu.memref_slice %arg3[%run_scoped3A_5, %mul3A_2] : memref<2x320000xi32, #tpu.memory_space<hbm>> -> memref<1x10000xi32, #tpu.memory_space<hbm>>
      %dma_start3A_428 = tpu.memref_squeeze %dma_start3A_427 : memref<1x10000xi32, #tpu.memory_space<hbm>> -> memref<10000xi32, #tpu.memory_space<hbm>>
      tpu.enqueue_dma source(%dma_start3A_428 : memref<10000xi32, #tpu.memory_space<hbm>>) target(%arg7 : memref<10000xi32, #tpu.memory_space<vmem>>) target_semaphore(%run_scoped3A_424 : memref<!tpu.dma_semaphore, #tpu.memory_space<semaphore_mem>>)
      %dma_wait3A_429 = tpu.memref_slice %arg3[%run_scoped3A_5, %mul3A_2] : memref<2x320000xi32, #tpu.memory_space<hbm>> -> memref<1x10000xi32, #tpu.memory_space<hbm>>
      %dma_wait3A_430 = tpu.memref_squeeze %dma_wait3A_429 : memref<1x10000xi32, #tpu.memory_space<hbm>> -> memref<10000xi32, #tpu.memory_space<hbm>>
      %dma_wait3A_431 = tpu.memref_slice %arg3[%run_scoped3A_5, %mul3A_2] : memref<2x320000xi32, #tpu.memory_space<hbm>> -> memref<1x10000xi32, #tpu.memory_space<hbm>>
      %dma_wait3A_432 = tpu.memref_squeeze %dma_wait3A_431 : memref<1x10000xi32, #tpu.memory_space<hbm>> -> memref<10000xi32, #tpu.memory_space<hbm>>
      tpu.wait_dma2 semaphore(%run_scoped3A_424 : memref<!tpu.dma_semaphore, #tpu.memory_space<semaphore_mem>>) src(%dma_wait3A_432 : memref<10000xi32, #tpu.memory_space<hbm>>) dst(%arg7 : memref<10000xi32, #tpu.memory_space<vmem>>)
      tpu.yield
    }) : () -> ()
    %barrier3A = arith.constant 0 : index
    tpu.barrier barrier_id(%barrier3A)
    %dma_start3A = arith.constant 0 : i32
    %dma_start3A_6 = tpu.memref_slice %arg6[%dma_start3A] : memref<10000xi32, #tpu.memory_space<vmem>> -> memref<512xi32, #tpu.memory_space<vmem>>
    %dma_start3A_7 = arith.constant 0 : i32
    %dma_start3A_8 = arith.constant 0 : i32
    %dma_start3A_9 = tpu.memref_slice %arg2[%dma_start3A_7, %dma_start3A_8] : memref<10000x16xf32, #tpu.memory_space<hbm>> -> memref<10000x16xf32, #tpu.memory_space<hbm>>
    tpu.enqueue_indirect_dma source(%dma_start3A_9 : memref<10000x16xf32, #tpu.memory_space<hbm>>) target(%arg8 : memref<512x16xf32, #tpu.memory_space<vmem>>) offsets(%dma_start3A_6 : memref<512xi32, #tpu.memory_space<vmem>>) semaphore(%arg13 : memref<!tpu.dma_semaphore, #tpu.memory_space<semaphore_mem>>)
    %dma_start3A_10 = arith.constant 512 : i32
    %dma_start3A_11 = tpu.memref_slice %arg6[%dma_start3A_10] : memref<10000xi32, #tpu.memory_space<vmem>> -> memref<512xi32, #tpu.memory_space<vmem>>
    %dma_start3A_12 = arith.constant 0 : i32
    %dma_start3A_13 = arith.constant 0 : i32
    %dma_start3A_14 = tpu.memref_slice %arg2[%dma_start3A_12, %dma_start3A_13] : memref<10000x16xf32, #tpu.memory_space<hbm>> -> memref<10000x16xf32, #tpu.memory_space<hbm>>
    tpu.enqueue_indirect_dma source(%dma_start3A_14 : memref<10000x16xf32, #tpu.memory_space<hbm>>) target(%arg9 : memref<512x16xf32, #tpu.memory_space<vmem>>) offsets(%dma_start3A_11 : memref<512xi32, #tpu.memory_space<vmem>>) semaphore(%arg14 : memref<!tpu.dma_semaphore, #tpu.memory_space<semaphore_mem>>)
    %dma_start3A_15 = arith.constant 1024 : i32
    %dma_start3A_16 = tpu.memref_slice %arg6[%dma_start3A_15] : memref<10000xi32, #tpu.memory_space<vmem>> -> memref<512xi32, #tpu.memory_space<vmem>>
    %dma_start3A_17 = arith.constant 0 : i32
    %dma_start3A_18 = arith.constant 0 : i32
    %dma_start3A_19 = tpu.memref_slice %arg2[%dma_start3A_17, %dma_start3A_18] : memref<10000x16xf32, #tpu.memory_space<hbm>> -> memref<10000x16xf32, #tpu.memory_space<hbm>>
    tpu.enqueue_indirect_dma source(%dma_start3A_19 : memref<10000x16xf32, #tpu.memory_space<hbm>>) target(%arg10 : memref<512x16xf32, #tpu.memory_space<vmem>>) offsets(%dma_start3A_16 : memref<512xi32, #tpu.memory_space<vmem>>) semaphore(%arg15 : memref<!tpu.dma_semaphore, #tpu.memory_space<semaphore_mem>>)
    %dma_start3A_20 = arith.constant 1536 : i32
    %dma_start3A_21 = tpu.memref_slice %arg6[%dma_start3A_20] : memref<10000xi32, #tpu.memory_space<vmem>> -> memref<512xi32, #tpu.memory_space<vmem>>
    %dma_start3A_22 = arith.constant 0 : i32
    %dma_start3A_23 = arith.constant 0 : i32
    %dma_start3A_24 = tpu.memref_slice %arg2[%dma_start3A_22, %dma_start3A_23] : memref<10000x16xf32, #tpu.memory_space<hbm>> -> memref<10000x16xf32, #tpu.memory_space<hbm>>
    tpu.enqueue_indirect_dma source(%dma_start3A_24 : memref<10000x16xf32, #tpu.memory_space<hbm>>) target(%arg11 : memref<512x16xf32, #tpu.memory_space<vmem>>) offsets(%dma_start3A_21 : memref<512xi32, #tpu.memory_space<vmem>>) semaphore(%arg16 : memref<!tpu.dma_semaphore, #tpu.memory_space<semaphore_mem>>)
    %dma_wait3A = arith.constant 0 : i32
    %dma_wait3A_25 = tpu.memref_slice %arg6[%dma_wait3A] : memref<10000xi32, #tpu.memory_space<vmem>> -> memref<512xi32, #tpu.memory_space<vmem>>
    %dma_wait3A_26 = arith.constant 0 : i32
    %dma_wait3A_27 = arith.constant 0 : i32
    %dma_wait3A_28 = tpu.memref_slice %arg2[%dma_wait3A_26, %dma_wait3A_27] : memref<10000x16xf32, #tpu.memory_space<hbm>> -> memref<10000x16xf32, #tpu.memory_space<hbm>>
    tpu.wait_indirect_dma semaphore(%arg13 : memref<!tpu.dma_semaphore, #tpu.memory_space<semaphore_mem>>) src(%dma_wait3A_28 : memref<10000x16xf32, #tpu.memory_space<hbm>>) dst(%arg8 : memref<512x16xf32, #tpu.memory_space<vmem>>)
    %dma_start3A_29 = arith.constant 0 : i32
    %dma_start3A_30 = tpu.memref_slice %arg7[%dma_start3A_29] : memref<10000xi32, #tpu.memory_space<vmem>> -> memref<512xi32, #tpu.memory_space<vmem>>
    %dma_start3A_31 = arith.constant 0 : i32
    %dma_start3A_32 = arith.constant 0 : i32
    %dma_start3A_33 = tpu.memref_slice %arg12[%dma_start3A_31, %dma_start3A_32] : memref<10112x16xf32, #tpu.memory_space<vmem_shared>> -> memref<10112x16xf32, #tpu.memory_space<vmem_shared>>
    tpu.enqueue_indirect_dma source(%arg8 : memref<512x16xf32, #tpu.memory_space<vmem>>) target(%dma_start3A_33 : memref<10112x16xf32, #tpu.memory_space<vmem_shared>>) offsets(%dma_start3A_30 : memref<512xi32, #tpu.memory_space<vmem>>) semaphore(%arg17 : memref<!tpu.dma_semaphore, #tpu.memory_space<semaphore_mem>>) {add = true}
    %dma_wait3A_34 = arith.constant 512 : i32
    %dma_wait3A_35 = tpu.memref_slice %arg6[%dma_wait3A_34] : memref<10000xi32, #tpu.memory_space<vmem>> -> memref<512xi32, #tpu.memory_space<vmem>>
    %dma_wait3A_36 = arith.constant 0 : i32
    %dma_wait3A_37 = arith.constant 0 : i32
    %dma_wait3A_38 = tpu.memref_slice %arg2[%dma_wait3A_36, %dma_wait3A_37] : memref<10000x16xf32, #tpu.memory_space<hbm>> -> memref<10000x16xf32, #tpu.memory_space<hbm>>
    tpu.wait_indirect_dma semaphore(%arg14 : memref<!tpu.dma_semaphore, #tpu.memory_space<semaphore_mem>>) src(%dma_wait3A_38 : memref<10000x16xf32, #tpu.memory_space<hbm>>) dst(%arg9 : memref<512x16xf32, #tpu.memory_space<vmem>>)
    %dma_start3A_39 = arith.constant 512 : i32
    %dma_start3A_40 = tpu.memref_slice %arg7[%dma_start3A_39] : memref<10000xi32, #tpu.memory_space<vmem>> -> memref<512xi32, #tpu.memory_space<vmem>>
    %dma_start3A_41 = arith.constant 0 : i32
    %dma_start3A_42 = arith.constant 0 : i32
    %dma_start3A_43 = tpu.memref_slice %arg12[%dma_start3A_41, %dma_start3A_42] : memref<10112x16xf32, #tpu.memory_space<vmem_shared>> -> memref<10112x16xf32, #tpu.memory_space<vmem_shared>>
    tpu.enqueue_indirect_dma source(%arg9 : memref<512x16xf32, #tpu.memory_space<vmem>>) target(%dma_start3A_43 : memref<10112x16xf32, #tpu.memory_space<vmem_shared>>) offsets(%dma_start3A_40 : memref<512xi32, #tpu.memory_space<vmem>>) semaphore(%arg18 : memref<!tpu.dma_semaphore, #tpu.memory_space<semaphore_mem>>) {add = true}
    %dma_wait3A_44 = arith.constant 1024 : i32
    %dma_wait3A_45 = tpu.memref_slice %arg6[%dma_wait3A_44] : memref<10000xi32, #tpu.memory_space<vmem>> -> memref<512xi32, #tpu.memory_space<vmem>>
    %dma_wait3A_46 = arith.constant 0 : i32
    %dma_wait3A_47 = arith.constant 0 : i32
    %dma_wait3A_48 = tpu.memref_slice %arg2[%dma_wait3A_46, %dma_wait3A_47] : memref<10000x16xf32, #tpu.memory_space<hbm>> -> memref<10000x16xf32, #tpu.memory_space<hbm>>
    tpu.wait_indirect_dma semaphore(%arg15 : memref<!tpu.dma_semaphore, #tpu.memory_space<semaphore_mem>>) src(%dma_wait3A_48 : memref<10000x16xf32, #tpu.memory_space<hbm>>) dst(%arg10 : memref<512x16xf32, #tpu.memory_space<vmem>>)
    %dma_start3A_49 = arith.constant 1024 : i32
    %dma_start3A_50 = tpu.memref_slice %arg7[%dma_start3A_49] : memref<10000xi32, #tpu.memory_space<vmem>> -> memref<512xi32, #tpu.memory_space<vmem>>
    %dma_start3A_51 = arith.constant 0 : i32
    %dma_start3A_52 = arith.constant 0 : i32
    %dma_start3A_53 = tpu.memref_slice %arg12[%dma_start3A_51, %dma_start3A_52] : memref<10112x16xf32, #tpu.memory_space<vmem_shared>> -> memref<10112x16xf32, #tpu.memory_space<vmem_shared>>
    tpu.enqueue_indirect_dma source(%arg10 : memref<512x16xf32, #tpu.memory_space<vmem>>) target(%dma_start3A_53 : memref<10112x16xf32, #tpu.memory_space<vmem_shared>>) offsets(%dma_start3A_50 : memref<512xi32, #tpu.memory_space<vmem>>) semaphore(%arg19 : memref<!tpu.dma_semaphore, #tpu.memory_space<semaphore_mem>>) {add = true}
    %dma_wait3A_54 = arith.constant 1536 : i32
    %dma_wait3A_55 = tpu.memref_slice %arg6[%dma_wait3A_54] : memref<10000xi32, #tpu.memory_space<vmem>> -> memref<512xi32, #tpu.memory_space<vmem>>
    %dma_wait3A_56 = arith.constant 0 : i32
    %dma_wait3A_57 = arith.constant 0 : i32
    %dma_wait3A_58 = tpu.memref_slice %arg2[%dma_wait3A_56, %dma_wait3A_57] : memref<10000x16xf32, #tpu.memory_space<hbm>> -> memref<10000x16xf32, #tpu.memory_space<hbm>>
    tpu.wait_indirect_dma semaphore(%arg16 : memref<!tpu.dma_semaphore, #tpu.memory_space<semaphore_mem>>) src(%dma_wait3A_58 : memref<10000x16xf32, #tpu.memory_space<hbm>>) dst(%arg11 : memref<512x16xf32, #tpu.memory_space<vmem>>)
    %dma_start3A_59 = arith.constant 1536 : i32
    %dma_start3A_60 = tpu.memref_slice %arg7[%dma_start3A_59] : memref<10000xi32, #tpu.memory_space<vmem>> -> memref<512xi32, #tpu.memory_space<vmem>>
    %dma_start3A_61 = arith.constant 0 : i32
    %dma_start3A_62 = arith.constant 0 : i32
    %dma_start3A_63 = tpu.memref_slice %arg12[%dma_start3A_61, %dma_start3A_62] : memref<10112x16xf32, #tpu.memory_space<vmem_shared>> -> memref<10112x16xf32, #tpu.memory_space<vmem_shared>>
    tpu.enqueue_indirect_dma source(%arg11 : memref<512x16xf32, #tpu.memory_space<vmem>>) target(%dma_start3A_63 : memref<10112x16xf32, #tpu.memory_space<vmem_shared>>) offsets(%dma_start3A_60 : memref<512xi32, #tpu.memory_space<vmem>>) semaphore(%arg20 : memref<!tpu.dma_semaphore, #tpu.memory_space<semaphore_mem>>) {add = true}
    %dma_wait3A_64 = arith.constant 0 : i32
    %dma_wait3A_65 = tpu.memref_slice %arg7[%dma_wait3A_64] : memref<10000xi32, #tpu.memory_space<vmem>> -> memref<512xi32, #tpu.memory_space<vmem>>
    %dma_wait3A_66 = arith.constant 0 : i32
    %dma_wait3A_67 = arith.constant 0 : i32
    %dma_wait3A_68 = tpu.memref_slice %arg12[%dma_wait3A_66, %dma_wait3A_67] : memref<10112x16xf32, #tpu.memory_space<vmem_shared>> -> memref<10112x16xf32, #tpu.memory_space<vmem_shared>>
    tpu.wait_indirect_dma semaphore(%arg17 : memref<!tpu.dma_semaphore, #tpu.memory_space<semaphore_mem>>) src(%arg8 : memref<512x16xf32, #tpu.memory_space<vmem>>) dst(%dma_wait3A_68 : memref<10112x16xf32, #tpu.memory_space<vmem_shared>>)
    %dma_start3A_69 = arith.constant 2048 : i32
    %dma_start3A_70 = tpu.memref_slice %arg6[%dma_start3A_69] : memref<10000xi32, #tpu.memory_space<vmem>> -> memref<512xi32, #tpu.memory_space<vmem>>
    %dma_start3A_71 = arith.constant 0 : i32
    %dma_start3A_72 = arith.constant 0 : i32
    %dma_start3A_73 = tpu.memref_slice %arg2[%dma_start3A_71, %dma_start3A_72] : memref<10000x16xf32, #tpu.memory_space<hbm>> -> memref<10000x16xf32, #tpu.memory_space<hbm>>
    tpu.enqueue_indirect_dma source(%dma_start3A_73 : memref<10000x16xf32, #tpu.memory_space<hbm>>) target(%arg8 : memref<512x16xf32, #tpu.memory_space<vmem>>) offsets(%dma_start3A_70 : memref<512xi32, #tpu.memory_space<vmem>>) semaphore(%arg13 : memref<!tpu.dma_semaphore, #tpu.memory_space<semaphore_mem>>)
    %dma_wait3A_74 = arith.constant 512 : i32
    %dma_wait3A_75 = tpu.memref_slice %arg7[%dma_wait3A_74] : memref<10000xi32, #tpu.memory_space<vmem>> -> memref<512xi32, #tpu.memory_space<vmem>>
    %dma_wait3A_76 = arith.constant 0 : i32
    %dma_wait3A_77 = arith.constant 0 : i32
    %dma_wait3A_78 = tpu.memref_slice %arg12[%dma_wait3A_76, %dma_wait3A_77] : memref<10112x16xf32, #tpu.memory_space<vmem_shared>> -> memref<10112x16xf32, #tpu.memory_space<vmem_shared>>
    tpu.wait_indirect_dma semaphore(%arg18 : memref<!tpu.dma_semaphore, #tpu.memory_space<semaphore_mem>>) src(%arg9 : memref<512x16xf32, #tpu.memory_space<vmem>>) dst(%dma_wait3A_78 : memref<10112x16xf32, #tpu.memory_space<vmem_shared>>)
    %dma_start3A_79 = arith.constant 2560 : i32
    %dma_start3A_80 = tpu.memref_slice %arg6[%dma_start3A_79] : memref<10000xi32, #tpu.memory_space<vmem>> -> memref<512xi32, #tpu.memory_space<vmem>>
    %dma_start3A_81 = arith.constant 0 : i32
    %dma_start3A_82 = arith.constant 0 : i32
    %dma_start3A_83 = tpu.memref_slice %arg2[%dma_start3A_81, %dma_start3A_82] : memref<10000x16xf32, #tpu.memory_space<hbm>> -> memref<10000x16xf32, #tpu.memory_space<hbm>>
    tpu.enqueue_indirect_dma source(%dma_start3A_83 : memref<10000x16xf32, #tpu.memory_space<hbm>>) target(%arg9 : memref<512x16xf32, #tpu.memory_space<vmem>>) offsets(%dma_start3A_80 : memref<512xi32, #tpu.memory_space<vmem>>) semaphore(%arg14 : memref<!tpu.dma_semaphore, #tpu.memory_space<semaphore_mem>>)
    %dma_wait3A_84 = arith.constant 1024 : i32
    %dma_wait3A_85 = tpu.memref_slice %arg7[%dma_wait3A_84] : memref<10000xi32, #tpu.memory_space<vmem>> -> memref<512xi32, #tpu.memory_space<vmem>>
    %dma_wait3A_86 = arith.constant 0 : i32
    %dma_wait3A_87 = arith.constant 0 : i32
    %dma_wait3A_88 = tpu.memref_slice %arg12[%dma_wait3A_86, %dma_wait3A_87] : memref<10112x16xf32, #tpu.memory_space<vmem_shared>> -> memref<10112x16xf32, #tpu.memory_space<vmem_shared>>
    tpu.wait_indirect_dma semaphore(%arg19 : memref<!tpu.dma_semaphore, #tpu.memory_space<semaphore_mem>>) src(%arg10 : memref<512x16xf32, #tpu.memory_space<vmem>>) dst(%dma_wait3A_88 : memref<10112x16xf32, #tpu.memory_space<vmem_shared>>)
    %dma_start3A_89 = arith.constant 3072 : i32
    %dma_start3A_90 = tpu.memref_slice %arg6[%dma_start3A_89] : memref<10000xi32, #tpu.memory_space<vmem>> -> memref<512xi32, #tpu.memory_space<vmem>>
    %dma_start3A_91 = arith.constant 0 : i32
    %dma_start3A_92 = arith.constant 0 : i32
    %dma_start3A_93 = tpu.memref_slice %arg2[%dma_start3A_91, %dma_start3A_92] : memref<10000x16xf32, #tpu.memory_space<hbm>> -> memref<10000x16xf32, #tpu.memory_space<hbm>>
    tpu.enqueue_indirect_dma source(%dma_start3A_93 : memref<10000x16xf32, #tpu.memory_space<hbm>>) target(%arg10 : memref<512x16xf32, #tpu.memory_space<vmem>>) offsets(%dma_start3A_90 : memref<512xi32, #tpu.memory_space<vmem>>) semaphore(%arg15 : memref<!tpu.dma_semaphore, #tpu.memory_space<semaphore_mem>>)
    %dma_wait3A_94 = arith.constant 1536 : i32
    %dma_wait3A_95 = tpu.memref_slice %arg7[%dma_wait3A_94] : memref<10000xi32, #tpu.memory_space<vmem>> -> memref<512xi32, #tpu.memory_space<vmem>>
    %dma_wait3A_96 = arith.constant 0 : i32
    %dma_wait3A_97 = arith.constant 0 : i32
    %dma_wait3A_98 = tpu.memref_slice %arg12[%dma_wait3A_96, %dma_wait3A_97] : memref<10112x16xf32, #tpu.memory_space<vmem_shared>> -> memref<10112x16xf32, #tpu.memory_space<vmem_shared>>
    tpu.wait_indirect_dma semaphore(%arg20 : memref<!tpu.dma_semaphore, #tpu.memory_space<semaphore_mem>>) src(%arg11 : memref<512x16xf32, #tpu.memory_space<vmem>>) dst(%dma_wait3A_98 : memref<10112x16xf32, #tpu.memory_space<vmem_shared>>)
    %dma_start3A_99 = arith.constant 3584 : i32
    %dma_start3A_100 = tpu.memref_slice %arg6[%dma_start3A_99] : memref<10000xi32, #tpu.memory_space<vmem>> -> memref<512xi32, #tpu.memory_space<vmem>>
    %dma_start3A_101 = arith.constant 0 : i32
    %dma_start3A_102 = arith.constant 0 : i32
    %dma_start3A_103 = tpu.memref_slice %arg2[%dma_start3A_101, %dma_start3A_102] : memref<10000x16xf32, #tpu.memory_space<hbm>> -> memref<10000x16xf32, #tpu.memory_space<hbm>>
    tpu.enqueue_indirect_dma source(%dma_start3A_103 : memref<10000x16xf32, #tpu.memory_space<hbm>>) target(%arg11 : memref<512x16xf32, #tpu.memory_space<vmem>>) offsets(%dma_start3A_100 : memref<512xi32, #tpu.memory_space<vmem>>) semaphore(%arg16 : memref<!tpu.dma_semaphore, #tpu.memory_space<semaphore_mem>>)
    %dma_wait3A_104 = arith.constant 2048 : i32
    %dma_wait3A_105 = tpu.memref_slice %arg6[%dma_wait3A_104] : memref<10000xi32, #tpu.memory_space<vmem>> -> memref<512xi32, #tpu.memory_space<vmem>>
    %dma_wait3A_106 = arith.constant 0 : i32
    %dma_wait3A_107 = arith.constant 0 : i32
    %dma_wait3A_108 = tpu.memref_slice %arg2[%dma_wait3A_106, %dma_wait3A_107] : memref<10000x16xf32, #tpu.memory_space<hbm>> -> memref<10000x16xf32, #tpu.memory_space<hbm>>
    tpu.wait_indirect_dma semaphore(%arg13 : memref<!tpu.dma_semaphore, #tpu.memory_space<semaphore_mem>>) src(%dma_wait3A_108 : memref<10000x16xf32, #tpu.memory_space<hbm>>) dst(%arg8 : memref<512x16xf32, #tpu.memory_space<vmem>>)
    %dma_start3A_109 = arith.constant 2048 : i32
    %dma_start3A_110 = tpu.memref_slice %arg7[%dma_start3A_109] : memref<10000xi32, #tpu.memory_space<vmem>> -> memref<512xi32, #tpu.memory_space<vmem>>
    %dma_start3A_111 = arith.constant 0 : i32
    %dma_start3A_112 = arith.constant 0 : i32
    %dma_start3A_113 = tpu.memref_slice %arg12[%dma_start3A_111, %dma_start3A_112] : memref<10112x16xf32, #tpu.memory_space<vmem_shared>> -> memref<10112x16xf32, #tpu.memory_space<vmem_shared>>
    tpu.enqueue_indirect_dma source(%arg8 : memref<512x16xf32, #tpu.memory_space<vmem>>) target(%dma_start3A_113 : memref<10112x16xf32, #tpu.memory_space<vmem_shared>>) offsets(%dma_start3A_110 : memref<512xi32, #tpu.memory_space<vmem>>) semaphore(%arg17 : memref<!tpu.dma_semaphore, #tpu.memory_space<semaphore_mem>>) {add = true}
    %dma_wait3A_114 = arith.constant 2560 : i32
    %dma_wait3A_115 = tpu.memref_slice %arg6[%dma_wait3A_114] : memref<10000xi32, #tpu.memory_space<vmem>> -> memref<512xi32, #tpu.memory_space<vmem>>
    %dma_wait3A_116 = arith.constant 0 : i32
    %dma_wait3A_117 = arith.constant 0 : i32
    %dma_wait3A_118 = tpu.memref_slice %arg2[%dma_wait3A_116, %dma_wait3A_117] : memref<10000x16xf32, #tpu.memory_space<hbm>> -> memref<10000x16xf32, #tpu.memory_space<hbm>>
    tpu.wait_indirect_dma semaphore(%arg14 : memref<!tpu.dma_semaphore, #tpu.memory_space<semaphore_mem>>) src(%dma_wait3A_118 : memref<10000x16xf32, #tpu.memory_space<hbm>>) dst(%arg9 : memref<512x16xf32, #tpu.memory_space<vmem>>)
    %dma_start3A_119 = arith.constant 2560 : i32
    %dma_start3A_120 = tpu.memref_slice %arg7[%dma_start3A_119] : memref<10000xi32, #tpu.memory_space<vmem>> -> memref<512xi32, #tpu.memory_space<vmem>>
    %dma_start3A_121 = arith.constant 0 : i32
    %dma_start3A_122 = arith.constant 0 : i32
    %dma_start3A_123 = tpu.memref_slice %arg12[%dma_start3A_121, %dma_start3A_122] : memref<10112x16xf32, #tpu.memory_space<vmem_shared>> -> memref<10112x16xf32, #tpu.memory_space<vmem_shared>>
    tpu.enqueue_indirect_dma source(%arg9 : memref<512x16xf32, #tpu.memory_space<vmem>>) target(%dma_start3A_123 : memref<10112x16xf32, #tpu.memory_space<vmem_shared>>) offsets(%dma_start3A_120 : memref<512xi32, #tpu.memory_space<vmem>>) semaphore(%arg18 : memref<!tpu.dma_semaphore, #tpu.memory_space<semaphore_mem>>) {add = true}
    %dma_wait3A_124 = arith.constant 3072 : i32
    %dma_wait3A_125 = tpu.memref_slice %arg6[%dma_wait3A_124] : memref<10000xi32, #tpu.memory_space<vmem>> -> memref<512xi32, #tpu.memory_space<vmem>>
    %dma_wait3A_126 = arith.constant 0 : i32
    %dma_wait3A_127 = arith.constant 0 : i32
    %dma_wait3A_128 = tpu.memref_slice %arg2[%dma_wait3A_126, %dma_wait3A_127] : memref<10000x16xf32, #tpu.memory_space<hbm>> -> memref<10000x16xf32, #tpu.memory_space<hbm>>
    tpu.wait_indirect_dma semaphore(%arg15 : memref<!tpu.dma_semaphore, #tpu.memory_space<semaphore_mem>>) src(%dma_wait3A_128 : memref<10000x16xf32, #tpu.memory_space<hbm>>) dst(%arg10 : memref<512x16xf32, #tpu.memory_space<vmem>>)
    %dma_start3A_129 = arith.constant 3072 : i32
    %dma_start3A_130 = tpu.memref_slice %arg7[%dma_start3A_129] : memref<10000xi32, #tpu.memory_space<vmem>> -> memref<512xi32, #tpu.memory_space<vmem>>
    %dma_start3A_131 = arith.constant 0 : i32
    %dma_start3A_132 = arith.constant 0 : i32
    %dma_start3A_133 = tpu.memref_slice %arg12[%dma_start3A_131, %dma_start3A_132] : memref<10112x16xf32, #tpu.memory_space<vmem_shared>> -> memref<10112x16xf32, #tpu.memory_space<vmem_shared>>
    tpu.enqueue_indirect_dma source(%arg10 : memref<512x16xf32, #tpu.memory_space<vmem>>) target(%dma_start3A_133 : memref<10112x16xf32, #tpu.memory_space<vmem_shared>>) offsets(%dma_start3A_130 : memref<512xi32, #tpu.memory_space<vmem>>) semaphore(%arg19 : memref<!tpu.dma_semaphore, #tpu.memory_space<semaphore_mem>>) {add = true}
    %dma_wait3A_134 = arith.constant 3584 : i32
    %dma_wait3A_135 = tpu.memref_slice %arg6[%dma_wait3A_134] : memref<10000xi32, #tpu.memory_space<vmem>> -> memref<512xi32, #tpu.memory_space<vmem>>
    %dma_wait3A_136 = arith.constant 0 : i32
    %dma_wait3A_137 = arith.constant 0 : i32
    %dma_wait3A_138 = tpu.memref_slice %arg2[%dma_wait3A_136, %dma_wait3A_137] : memref<10000x16xf32, #tpu.memory_space<hbm>> -> memref<10000x16xf32, #tpu.memory_space<hbm>>
    tpu.wait_indirect_dma semaphore(%arg16 : memref<!tpu.dma_semaphore, #tpu.memory_space<semaphore_mem>>) src(%dma_wait3A_138 : memref<10000x16xf32, #tpu.memory_space<hbm>>) dst(%arg11 : memref<512x16xf32, #tpu.memory_space<vmem>>)
    %dma_start3A_139 = arith.constant 3584 : i32
    %dma_start3A_140 = tpu.memref_slice %arg7[%dma_start3A_139] : memref<10000xi32, #tpu.memory_space<vmem>> -> memref<512xi32, #tpu.memory_space<vmem>>
    %dma_start3A_141 = arith.constant 0 : i32
    %dma_start3A_142 = arith.constant 0 : i32
    %dma_start3A_143 = tpu.memref_slice %arg12[%dma_start3A_141, %dma_start3A_142] : memref<10112x16xf32, #tpu.memory_space<vmem_shared>> -> memref<10112x16xf32, #tpu.memory_space<vmem_shared>>
    tpu.enqueue_indirect_dma source(%arg11 : memref<512x16xf32, #tpu.memory_space<vmem>>) target(%dma_start3A_143 : memref<10112x16xf32, #tpu.memory_space<vmem_shared>>) offsets(%dma_start3A_140 : memref<512xi32, #tpu.memory_space<vmem>>) semaphore(%arg20 : memref<!tpu.dma_semaphore, #tpu.memory_space<semaphore_mem>>) {add = true}
    %dma_wait3A_144 = arith.constant 2048 : i32
    %dma_wait3A_145 = tpu.memref_slice %arg7[%dma_wait3A_144] : memref<10000xi32, #tpu.memory_space<vmem>> -> memref<512xi32, #tpu.memory_space<vmem>>
    %dma_wait3A_146 = arith.constant 0 : i32
    %dma_wait3A_147 = arith.constant 0 : i32
    %dma_wait3A_148 = tpu.memref_slice %arg12[%dma_wait3A_146, %dma_wait3A_147] : memref<10112x16xf32, #tpu.memory_space<vmem_shared>> -> memref<10112x16xf32, #tpu.memory_space<vmem_shared>>
    tpu.wait_indirect_dma semaphore(%arg17 : memref<!tpu.dma_semaphore, #tpu.memory_space<semaphore_mem>>) src(%arg8 : memref<512x16xf32, #tpu.memory_space<vmem>>) dst(%dma_wait3A_148 : memref<10112x16xf32, #tpu.memory_space<vmem_shared>>)
    %dma_start3A_149 = arith.constant 4096 : i32
    %dma_start3A_150 = tpu.memref_slice %arg6[%dma_start3A_149] : memref<10000xi32, #tpu.memory_space<vmem>> -> memref<512xi32, #tpu.memory_space<vmem>>
    %dma_start3A_151 = arith.constant 0 : i32
    %dma_start3A_152 = arith.constant 0 : i32
    %dma_start3A_153 = tpu.memref_slice %arg2[%dma_start3A_151, %dma_start3A_152] : memref<10000x16xf32, #tpu.memory_space<hbm>> -> memref<10000x16xf32, #tpu.memory_space<hbm>>
    tpu.enqueue_indirect_dma source(%dma_start3A_153 : memref<10000x16xf32, #tpu.memory_space<hbm>>) target(%arg8 : memref<512x16xf32, #tpu.memory_space<vmem>>) offsets(%dma_start3A_150 : memref<512xi32, #tpu.memory_space<vmem>>) semaphore(%arg13 : memref<!tpu.dma_semaphore, #tpu.memory_space<semaphore_mem>>)
    %dma_wait3A_154 = arith.constant 2560 : i32
    %dma_wait3A_155 = tpu.memref_slice %arg7[%dma_wait3A_154] : memref<10000xi32, #tpu.memory_space<vmem>> -> memref<512xi32, #tpu.memory_space<vmem>>
    %dma_wait3A_156 = arith.constant 0 : i32
    %dma_wait3A_157 = arith.constant 0 : i32
    %dma_wait3A_158 = tpu.memref_slice %arg12[%dma_wait3A_156, %dma_wait3A_157] : memref<10112x16xf32, #tpu.memory_space<vmem_shared>> -> memref<10112x16xf32, #tpu.memory_space<vmem_shared>>
    tpu.wait_indirect_dma semaphore(%arg18 : memref<!tpu.dma_semaphore, #tpu.memory_space<semaphore_mem>>) src(%arg9 : memref<512x16xf32, #tpu.memory_space<vmem>>) dst(%dma_wait3A_158 : memref<10112x16xf32, #tpu.memory_space<vmem_shared>>)
    %dma_start3A_159 = arith.constant 4608 : i32
    %dma_start3A_160 = tpu.memref_slice %arg6[%dma_start3A_159] : memref<10000xi32, #tpu.memory_space<vmem>> -> memref<512xi32, #tpu.memory_space<vmem>>
    %dma_start3A_161 = arith.constant 0 : i32
    %dma_start3A_162 = arith.constant 0 : i32
    %dma_start3A_163 = tpu.memref_slice %arg2[%dma_start3A_161, %dma_start3A_162] : memref<10000x16xf32, #tpu.memory_space<hbm>> -> memref<10000x16xf32, #tpu.memory_space<hbm>>
    tpu.enqueue_indirect_dma source(%dma_start3A_163 : memref<10000x16xf32, #tpu.memory_space<hbm>>) target(%arg9 : memref<512x16xf32, #tpu.memory_space<vmem>>) offsets(%dma_start3A_160 : memref<512xi32, #tpu.memory_space<vmem>>) semaphore(%arg14 : memref<!tpu.dma_semaphore, #tpu.memory_space<semaphore_mem>>)
    %dma_wait3A_164 = arith.constant 3072 : i32
    %dma_wait3A_165 = tpu.memref_slice %arg7[%dma_wait3A_164] : memref<10000xi32, #tpu.memory_space<vmem>> -> memref<512xi32, #tpu.memory_space<vmem>>
    %dma_wait3A_166 = arith.constant 0 : i32
    %dma_wait3A_167 = arith.constant 0 : i32
    %dma_wait3A_168 = tpu.memref_slice %arg12[%dma_wait3A_166, %dma_wait3A_167] : memref<10112x16xf32, #tpu.memory_space<vmem_shared>> -> memref<10112x16xf32, #tpu.memory_space<vmem_shared>>
    tpu.wait_indirect_dma semaphore(%arg19 : memref<!tpu.dma_semaphore, #tpu.memory_space<semaphore_mem>>) src(%arg10 : memref<512x16xf32, #tpu.memory_space<vmem>>) dst(%dma_wait3A_168 : memref<10112x16xf32, #tpu.memory_space<vmem_shared>>)
    %dma_start3A_169 = arith.constant 5120 : i32
    %dma_start3A_170 = tpu.memref_slice %arg6[%dma_start3A_169] : memref<10000xi32, #tpu.memory_space<vmem>> -> memref<512xi32, #tpu.memory_space<vmem>>
    %dma_start3A_171 = arith.constant 0 : i32
    %dma_start3A_172 = arith.constant 0 : i32
    %dma_start3A_173 = tpu.memref_slice %arg2[%dma_start3A_171, %dma_start3A_172] : memref<10000x16xf32, #tpu.memory_space<hbm>> -> memref<10000x16xf32, #tpu.memory_space<hbm>>
    tpu.enqueue_indirect_dma source(%dma_start3A_173 : memref<10000x16xf32, #tpu.memory_space<hbm>>) target(%arg10 : memref<512x16xf32, #tpu.memory_space<vmem>>) offsets(%dma_start3A_170 : memref<512xi32, #tpu.memory_space<vmem>>) semaphore(%arg15 : memref<!tpu.dma_semaphore, #tpu.memory_space<semaphore_mem>>)
    %dma_wait3A_174 = arith.constant 3584 : i32
    %dma_wait3A_175 = tpu.memref_slice %arg7[%dma_wait3A_174] : memref<10000xi32, #tpu.memory_space<vmem>> -> memref<512xi32, #tpu.memory_space<vmem>>
    %dma_wait3A_176 = arith.constant 0 : i32
    %dma_wait3A_177 = arith.constant 0 : i32
    %dma_wait3A_178 = tpu.memref_slice %arg12[%dma_wait3A_176, %dma_wait3A_177] : memref<10112x16xf32, #tpu.memory_space<vmem_shared>> -> memref<10112x16xf32, #tpu.memory_space<vmem_shared>>
    tpu.wait_indirect_dma semaphore(%arg20 : memref<!tpu.dma_semaphore, #tpu.memory_space<semaphore_mem>>) src(%arg11 : memref<512x16xf32, #tpu.memory_space<vmem>>) dst(%dma_wait3A_178 : memref<10112x16xf32, #tpu.memory_space<vmem_shared>>)
    %dma_start3A_179 = arith.constant 5632 : i32
    %dma_start3A_180 = tpu.memref_slice %arg6[%dma_start3A_179] : memref<10000xi32, #tpu.memory_space<vmem>> -> memref<512xi32, #tpu.memory_space<vmem>>
    %dma_start3A_181 = arith.constant 0 : i32
    %dma_start3A_182 = arith.constant 0 : i32
    %dma_start3A_183 = tpu.memref_slice %arg2[%dma_start3A_181, %dma_start3A_182] : memref<10000x16xf32, #tpu.memory_space<hbm>> -> memref<10000x16xf32, #tpu.memory_space<hbm>>
    tpu.enqueue_indirect_dma source(%dma_start3A_183 : memref<10000x16xf32, #tpu.memory_space<hbm>>) target(%arg11 : memref<512x16xf32, #tpu.memory_space<vmem>>) offsets(%dma_start3A_180 : memref<512xi32, #tpu.memory_space<vmem>>) semaphore(%arg16 : memref<!tpu.dma_semaphore, #tpu.memory_space<semaphore_mem>>)
    %dma_wait3A_184 = arith.constant 4096 : i32
    %dma_wait3A_185 = tpu.memref_slice %arg6[%dma_wait3A_184] : memref<10000xi32, #tpu.memory_space<vmem>> -> memref<512xi32, #tpu.memory_space<vmem>>
    %dma_wait3A_186 = arith.constant 0 : i32
    %dma_wait3A_187 = arith.constant 0 : i32
    %dma_wait3A_188 = tpu.memref_slice %arg2[%dma_wait3A_186, %dma_wait3A_187] : memref<10000x16xf32, #tpu.memory_space<hbm>> -> memref<10000x16xf32, #tpu.memory_space<hbm>>
    tpu.wait_indirect_dma semaphore(%arg13 : memref<!tpu.dma_semaphore, #tpu.memory_space<semaphore_mem>>) src(%dma_wait3A_188 : memref<10000x16xf32, #tpu.memory_space<hbm>>) dst(%arg8 : memref<512x16xf32, #tpu.memory_space<vmem>>)
    %dma_start3A_189 = arith.constant 4096 : i32
    %dma_start3A_190 = tpu.memref_slice %arg7[%dma_start3A_189] : memref<10000xi32, #tpu.memory_space<vmem>> -> memref<512xi32, #tpu.memory_space<vmem>>
    %dma_start3A_191 = arith.constant 0 : i32
    %dma_start3A_192 = arith.constant 0 : i32
    %dma_start3A_193 = tpu.memref_slice %arg12[%dma_start3A_191, %dma_start3A_192] : memref<10112x16xf32, #tpu.memory_space<vmem_shared>> -> memref<10112x16xf32, #tpu.memory_space<vmem_shared>>
    tpu.enqueue_indirect_dma source(%arg8 : memref<512x16xf32, #tpu.memory_space<vmem>>) target(%dma_start3A_193 : memref<10112x16xf32, #tpu.memory_space<vmem_shared>>) offsets(%dma_start3A_190 : memref<512xi32, #tpu.memory_space<vmem>>) semaphore(%arg17 : memref<!tpu.dma_semaphore, #tpu.memory_space<semaphore_mem>>) {add = true}
    %dma_wait3A_194 = arith.constant 4608 : i32
    %dma_wait3A_195 = tpu.memref_slice %arg6[%dma_wait3A_194] : memref<10000xi32, #tpu.memory_space<vmem>> -> memref<512xi32, #tpu.memory_space<vmem>>
    %dma_wait3A_196 = arith.constant 0 : i32
    %dma_wait3A_197 = arith.constant 0 : i32
    %dma_wait3A_198 = tpu.memref_slice %arg2[%dma_wait3A_196, %dma_wait3A_197] : memref<10000x16xf32, #tpu.memory_space<hbm>> -> memref<10000x16xf32, #tpu.memory_space<hbm>>
    tpu.wait_indirect_dma semaphore(%arg14 : memref<!tpu.dma_semaphore, #tpu.memory_space<semaphore_mem>>) src(%dma_wait3A_198 : memref<10000x16xf32, #tpu.memory_space<hbm>>) dst(%arg9 : memref<512x16xf32, #tpu.memory_space<vmem>>)
    %dma_start3A_199 = arith.constant 4608 : i32
    %dma_start3A_200 = tpu.memref_slice %arg7[%dma_start3A_199] : memref<10000xi32, #tpu.memory_space<vmem>> -> memref<512xi32, #tpu.memory_space<vmem>>
    %dma_start3A_201 = arith.constant 0 : i32
    %dma_start3A_202 = arith.constant 0 : i32
    %dma_start3A_203 = tpu.memref_slice %arg12[%dma_start3A_201, %dma_start3A_202] : memref<10112x16xf32, #tpu.memory_space<vmem_shared>> -> memref<10112x16xf32, #tpu.memory_space<vmem_shared>>
    tpu.enqueue_indirect_dma source(%arg9 : memref<512x16xf32, #tpu.memory_space<vmem>>) target(%dma_start3A_203 : memref<10112x16xf32, #tpu.memory_space<vmem_shared>>) offsets(%dma_start3A_200 : memref<512xi32, #tpu.memory_space<vmem>>) semaphore(%arg18 : memref<!tpu.dma_semaphore, #tpu.memory_space<semaphore_mem>>) {add = true}
    %dma_wait3A_204 = arith.constant 5120 : i32
    %dma_wait3A_205 = tpu.memref_slice %arg6[%dma_wait3A_204] : memref<10000xi32, #tpu.memory_space<vmem>> -> memref<512xi32, #tpu.memory_space<vmem>>
    %dma_wait3A_206 = arith.constant 0 : i32
    %dma_wait3A_207 = arith.constant 0 : i32
    %dma_wait3A_208 = tpu.memref_slice %arg2[%dma_wait3A_206, %dma_wait3A_207] : memref<10000x16xf32, #tpu.memory_space<hbm>> -> memref<10000x16xf32, #tpu.memory_space<hbm>>
    tpu.wait_indirect_dma semaphore(%arg15 : memref<!tpu.dma_semaphore, #tpu.memory_space<semaphore_mem>>) src(%dma_wait3A_208 : memref<10000x16xf32, #tpu.memory_space<hbm>>) dst(%arg10 : memref<512x16xf32, #tpu.memory_space<vmem>>)
    %dma_start3A_209 = arith.constant 5120 : i32
    %dma_start3A_210 = tpu.memref_slice %arg7[%dma_start3A_209] : memref<10000xi32, #tpu.memory_space<vmem>> -> memref<512xi32, #tpu.memory_space<vmem>>
    %dma_start3A_211 = arith.constant 0 : i32
    %dma_start3A_212 = arith.constant 0 : i32
    %dma_start3A_213 = tpu.memref_slice %arg12[%dma_start3A_211, %dma_start3A_212] : memref<10112x16xf32, #tpu.memory_space<vmem_shared>> -> memref<10112x16xf32, #tpu.memory_space<vmem_shared>>
    tpu.enqueue_indirect_dma source(%arg10 : memref<512x16xf32, #tpu.memory_space<vmem>>) target(%dma_start3A_213 : memref<10112x16xf32, #tpu.memory_space<vmem_shared>>) offsets(%dma_start3A_210 : memref<512xi32, #tpu.memory_space<vmem>>) semaphore(%arg19 : memref<!tpu.dma_semaphore, #tpu.memory_space<semaphore_mem>>) {add = true}
    %dma_wait3A_214 = arith.constant 5632 : i32
    %dma_wait3A_215 = tpu.memref_slice %arg6[%dma_wait3A_214] : memref<10000xi32, #tpu.memory_space<vmem>> -> memref<512xi32, #tpu.memory_space<vmem>>
    %dma_wait3A_216 = arith.constant 0 : i32
    %dma_wait3A_217 = arith.constant 0 : i32
    %dma_wait3A_218 = tpu.memref_slice %arg2[%dma_wait3A_216, %dma_wait3A_217] : memref<10000x16xf32, #tpu.memory_space<hbm>> -> memref<10000x16xf32, #tpu.memory_space<hbm>>
    tpu.wait_indirect_dma semaphore(%arg16 : memref<!tpu.dma_semaphore, #tpu.memory_space<semaphore_mem>>) src(%dma_wait3A_218 : memref<10000x16xf32, #tpu.memory_space<hbm>>) dst(%arg11 : memref<512x16xf32, #tpu.memory_space<vmem>>)
    %dma_start3A_219 = arith.constant 5632 : i32
    %dma_start3A_220 = tpu.memref_slice %arg7[%dma_start3A_219] : memref<10000xi32, #tpu.memory_space<vmem>> -> memref<512xi32, #tpu.memory_space<vmem>>
    %dma_start3A_221 = arith.constant 0 : i32
    %dma_start3A_222 = arith.constant 0 : i32
    %dma_start3A_223 = tpu.memref_slice %arg12[%dma_start3A_221, %dma_start3A_222] : memref<10112x16xf32, #tpu.memory_space<vmem_shared>> -> memref<10112x16xf32, #tpu.memory_space<vmem_shared>>
    tpu.enqueue_indirect_dma source(%arg11 : memref<512x16xf32, #tpu.memory_space<vmem>>) target(%dma_start3A_223 : memref<10112x16xf32, #tpu.memory_space<vmem_shared>>) offsets(%dma_start3A_220 : memref<512xi32, #tpu.memory_space<vmem>>) semaphore(%arg20 : memref<!tpu.dma_semaphore, #tpu.memory_space<semaphore_mem>>) {add = true}
    %dma_wait3A_224 = arith.constant 4096 : i32
    %dma_wait3A_225 = tpu.memref_slice %arg7[%dma_wait3A_224] : memref<10000xi32, #tpu.memory_space<vmem>> -> memref<512xi32, #tpu.memory_space<vmem>>
    %dma_wait3A_226 = arith.constant 0 : i32
    %dma_wait3A_227 = arith.constant 0 : i32
    %dma_wait3A_228 = tpu.memref_slice %arg12[%dma_wait3A_226, %dma_wait3A_227] : memref<10112x16xf32, #tpu.memory_space<vmem_shared>> -> memref<10112x16xf32, #tpu.memory_space<vmem_shared>>
    tpu.wait_indirect_dma semaphore(%arg17 : memref<!tpu.dma_semaphore, #tpu.memory_space<semaphore_mem>>) src(%arg8 : memref<512x16xf32, #tpu.memory_space<vmem>>) dst(%dma_wait3A_228 : memref<10112x16xf32, #tpu.memory_space<vmem_shared>>)
    %dma_start3A_229 = arith.constant 6144 : i32
    %dma_start3A_230 = tpu.memref_slice %arg6[%dma_start3A_229] : memref<10000xi32, #tpu.memory_space<vmem>> -> memref<512xi32, #tpu.memory_space<vmem>>
    %dma_start3A_231 = arith.constant 0 : i32
    %dma_start3A_232 = arith.constant 0 : i32
    %dma_start3A_233 = tpu.memref_slice %arg2[%dma_start3A_231, %dma_start3A_232] : memref<10000x16xf32, #tpu.memory_space<hbm>> -> memref<10000x16xf32, #tpu.memory_space<hbm>>
    tpu.enqueue_indirect_dma source(%dma_start3A_233 : memref<10000x16xf32, #tpu.memory_space<hbm>>) target(%arg8 : memref<512x16xf32, #tpu.memory_space<vmem>>) offsets(%dma_start3A_230 : memref<512xi32, #tpu.memory_space<vmem>>) semaphore(%arg13 : memref<!tpu.dma_semaphore, #tpu.memory_space<semaphore_mem>>)
    %dma_wait3A_234 = arith.constant 4608 : i32
    %dma_wait3A_235 = tpu.memref_slice %arg7[%dma_wait3A_234] : memref<10000xi32, #tpu.memory_space<vmem>> -> memref<512xi32, #tpu.memory_space<vmem>>
    %dma_wait3A_236 = arith.constant 0 : i32
    %dma_wait3A_237 = arith.constant 0 : i32
    %dma_wait3A_238 = tpu.memref_slice %arg12[%dma_wait3A_236, %dma_wait3A_237] : memref<10112x16xf32, #tpu.memory_space<vmem_shared>> -> memref<10112x16xf32, #tpu.memory_space<vmem_shared>>
    tpu.wait_indirect_dma semaphore(%arg18 : memref<!tpu.dma_semaphore, #tpu.memory_space<semaphore_mem>>) src(%arg9 : memref<512x16xf32, #tpu.memory_space<vmem>>) dst(%dma_wait3A_238 : memref<10112x16xf32, #tpu.memory_space<vmem_shared>>)
    %dma_start3A_239 = arith.constant 6656 : i32
    %dma_start3A_240 = tpu.memref_slice %arg6[%dma_start3A_239] : memref<10000xi32, #tpu.memory_space<vmem>> -> memref<512xi32, #tpu.memory_space<vmem>>
    %dma_start3A_241 = arith.constant 0 : i32
    %dma_start3A_242 = arith.constant 0 : i32
    %dma_start3A_243 = tpu.memref_slice %arg2[%dma_start3A_241, %dma_start3A_242] : memref<10000x16xf32, #tpu.memory_space<hbm>> -> memref<10000x16xf32, #tpu.memory_space<hbm>>
    tpu.enqueue_indirect_dma source(%dma_start3A_243 : memref<10000x16xf32, #tpu.memory_space<hbm>>) target(%arg9 : memref<512x16xf32, #tpu.memory_space<vmem>>) offsets(%dma_start3A_240 : memref<512xi32, #tpu.memory_space<vmem>>) semaphore(%arg14 : memref<!tpu.dma_semaphore, #tpu.memory_space<semaphore_mem>>)
    %dma_wait3A_244 = arith.constant 5120 : i32
    %dma_wait3A_245 = tpu.memref_slice %arg7[%dma_wait3A_244] : memref<10000xi32, #tpu.memory_space<vmem>> -> memref<512xi32, #tpu.memory_space<vmem>>
    %dma_wait3A_246 = arith.constant 0 : i32
    %dma_wait3A_247 = arith.constant 0 : i32
    %dma_wait3A_248 = tpu.memref_slice %arg12[%dma_wait3A_246, %dma_wait3A_247] : memref<10112x16xf32, #tpu.memory_space<vmem_shared>> -> memref<10112x16xf32, #tpu.memory_space<vmem_shared>>
    tpu.wait_indirect_dma semaphore(%arg19 : memref<!tpu.dma_semaphore, #tpu.memory_space<semaphore_mem>>) src(%arg10 : memref<512x16xf32, #tpu.memory_space<vmem>>) dst(%dma_wait3A_248 : memref<10112x16xf32, #tpu.memory_space<vmem_shared>>)
    %dma_start3A_249 = arith.constant 7168 : i32
    %dma_start3A_250 = tpu.memref_slice %arg6[%dma_start3A_249] : memref<10000xi32, #tpu.memory_space<vmem>> -> memref<512xi32, #tpu.memory_space<vmem>>
    %dma_start3A_251 = arith.constant 0 : i32
    %dma_start3A_252 = arith.constant 0 : i32
    %dma_start3A_253 = tpu.memref_slice %arg2[%dma_start3A_251, %dma_start3A_252] : memref<10000x16xf32, #tpu.memory_space<hbm>> -> memref<10000x16xf32, #tpu.memory_space<hbm>>
    tpu.enqueue_indirect_dma source(%dma_start3A_253 : memref<10000x16xf32, #tpu.memory_space<hbm>>) target(%arg10 : memref<512x16xf32, #tpu.memory_space<vmem>>) offsets(%dma_start3A_250 : memref<512xi32, #tpu.memory_space<vmem>>) semaphore(%arg15 : memref<!tpu.dma_semaphore, #tpu.memory_space<semaphore_mem>>)
    %dma_wait3A_254 = arith.constant 5632 : i32
    %dma_wait3A_255 = tpu.memref_slice %arg7[%dma_wait3A_254] : memref<10000xi32, #tpu.memory_space<vmem>> -> memref<512xi32, #tpu.memory_space<vmem>>
    %dma_wait3A_256 = arith.constant 0 : i32
    %dma_wait3A_257 = arith.constant 0 : i32
    %dma_wait3A_258 = tpu.memref_slice %arg12[%dma_wait3A_256, %dma_wait3A_257] : memref<10112x16xf32, #tpu.memory_space<vmem_shared>> -> memref<10112x16xf32, #tpu.memory_space<vmem_shared>>
    tpu.wait_indirect_dma semaphore(%arg20 : memref<!tpu.dma_semaphore, #tpu.memory_space<semaphore_mem>>) src(%arg11 : memref<512x16xf32, #tpu.memory_space<vmem>>) dst(%dma_wait3A_258 : memref<10112x16xf32, #tpu.memory_space<vmem_shared>>)
    %dma_start3A_259 = arith.constant 7680 : i32
    %dma_start3A_260 = tpu.memref_slice %arg6[%dma_start3A_259] : memref<10000xi32, #tpu.memory_space<vmem>> -> memref<512xi32, #tpu.memory_space<vmem>>
    %dma_start3A_261 = arith.constant 0 : i32
    %dma_start3A_262 = arith.constant 0 : i32
    %dma_start3A_263 = tpu.memref_slice %arg2[%dma_start3A_261, %dma_start3A_262] : memref<10000x16xf32, #tpu.memory_space<hbm>> -> memref<10000x16xf32, #tpu.memory_space<hbm>>
    tpu.enqueue_indirect_dma source(%dma_start3A_263 : memref<10000x16xf32, #tpu.memory_space<hbm>>) target(%arg11 : memref<512x16xf32, #tpu.memory_space<vmem>>) offsets(%dma_start3A_260 : memref<512xi32, #tpu.memory_space<vmem>>) semaphore(%arg16 : memref<!tpu.dma_semaphore, #tpu.memory_space<semaphore_mem>>)
    %dma_wait3A_264 = arith.constant 6144 : i32
    %dma_wait3A_265 = tpu.memref_slice %arg6[%dma_wait3A_264] : memref<10000xi32, #tpu.memory_space<vmem>> -> memref<512xi32, #tpu.memory_space<vmem>>
    %dma_wait3A_266 = arith.constant 0 : i32
    %dma_wait3A_267 = arith.constant 0 : i32
    %dma_wait3A_268 = tpu.memref_slice %arg2[%dma_wait3A_266, %dma_wait3A_267] : memref<10000x16xf32, #tpu.memory_space<hbm>> -> memref<10000x16xf32, #tpu.memory_space<hbm>>
    tpu.wait_indirect_dma semaphore(%arg13 : memref<!tpu.dma_semaphore, #tpu.memory_space<semaphore_mem>>) src(%dma_wait3A_268 : memref<10000x16xf32, #tpu.memory_space<hbm>>) dst(%arg8 : memref<512x16xf32, #tpu.memory_space<vmem>>)
    %dma_start3A_269 = arith.constant 6144 : i32
    %dma_start3A_270 = tpu.memref_slice %arg7[%dma_start3A_269] : memref<10000xi32, #tpu.memory_space<vmem>> -> memref<512xi32, #tpu.memory_space<vmem>>
    %dma_start3A_271 = arith.constant 0 : i32
    %dma_start3A_272 = arith.constant 0 : i32
    %dma_start3A_273 = tpu.memref_slice %arg12[%dma_start3A_271, %dma_start3A_272] : memref<10112x16xf32, #tpu.memory_space<vmem_shared>> -> memref<10112x16xf32, #tpu.memory_space<vmem_shared>>
    tpu.enqueue_indirect_dma source(%arg8 : memref<512x16xf32, #tpu.memory_space<vmem>>) target(%dma_start3A_273 : memref<10112x16xf32, #tpu.memory_space<vmem_shared>>) offsets(%dma_start3A_270 : memref<512xi32, #tpu.memory_space<vmem>>) semaphore(%arg17 : memref<!tpu.dma_semaphore, #tpu.memory_space<semaphore_mem>>) {add = true}
    %dma_wait3A_274 = arith.constant 6656 : i32
    %dma_wait3A_275 = tpu.memref_slice %arg6[%dma_wait3A_274] : memref<10000xi32, #tpu.memory_space<vmem>> -> memref<512xi32, #tpu.memory_space<vmem>>
    %dma_wait3A_276 = arith.constant 0 : i32
    %dma_wait3A_277 = arith.constant 0 : i32
    %dma_wait3A_278 = tpu.memref_slice %arg2[%dma_wait3A_276, %dma_wait3A_277] : memref<10000x16xf32, #tpu.memory_space<hbm>> -> memref<10000x16xf32, #tpu.memory_space<hbm>>
    tpu.wait_indirect_dma semaphore(%arg14 : memref<!tpu.dma_semaphore, #tpu.memory_space<semaphore_mem>>) src(%dma_wait3A_278 : memref<10000x16xf32, #tpu.memory_space<hbm>>) dst(%arg9 : memref<512x16xf32, #tpu.memory_space<vmem>>)
    %dma_start3A_279 = arith.constant 6656 : i32
    %dma_start3A_280 = tpu.memref_slice %arg7[%dma_start3A_279] : memref<10000xi32, #tpu.memory_space<vmem>> -> memref<512xi32, #tpu.memory_space<vmem>>
    %dma_start3A_281 = arith.constant 0 : i32
    %dma_start3A_282 = arith.constant 0 : i32
    %dma_start3A_283 = tpu.memref_slice %arg12[%dma_start3A_281, %dma_start3A_282] : memref<10112x16xf32, #tpu.memory_space<vmem_shared>> -> memref<10112x16xf32, #tpu.memory_space<vmem_shared>>
    tpu.enqueue_indirect_dma source(%arg9 : memref<512x16xf32, #tpu.memory_space<vmem>>) target(%dma_start3A_283 : memref<10112x16xf32, #tpu.memory_space<vmem_shared>>) offsets(%dma_start3A_280 : memref<512xi32, #tpu.memory_space<vmem>>) semaphore(%arg18 : memref<!tpu.dma_semaphore, #tpu.memory_space<semaphore_mem>>) {add = true}
    %dma_wait3A_284 = arith.constant 7168 : i32
    %dma_wait3A_285 = tpu.memref_slice %arg6[%dma_wait3A_284] : memref<10000xi32, #tpu.memory_space<vmem>> -> memref<512xi32, #tpu.memory_space<vmem>>
    %dma_wait3A_286 = arith.constant 0 : i32
    %dma_wait3A_287 = arith.constant 0 : i32
    %dma_wait3A_288 = tpu.memref_slice %arg2[%dma_wait3A_286, %dma_wait3A_287] : memref<10000x16xf32, #tpu.memory_space<hbm>> -> memref<10000x16xf32, #tpu.memory_space<hbm>>
    tpu.wait_indirect_dma semaphore(%arg15 : memref<!tpu.dma_semaphore, #tpu.memory_space<semaphore_mem>>) src(%dma_wait3A_288 : memref<10000x16xf32, #tpu.memory_space<hbm>>) dst(%arg10 : memref<512x16xf32, #tpu.memory_space<vmem>>)
    %dma_start3A_289 = arith.constant 7168 : i32
    %dma_start3A_290 = tpu.memref_slice %arg7[%dma_start3A_289] : memref<10000xi32, #tpu.memory_space<vmem>> -> memref<512xi32, #tpu.memory_space<vmem>>
    %dma_start3A_291 = arith.constant 0 : i32
    %dma_start3A_292 = arith.constant 0 : i32
    %dma_start3A_293 = tpu.memref_slice %arg12[%dma_start3A_291, %dma_start3A_292] : memref<10112x16xf32, #tpu.memory_space<vmem_shared>> -> memref<10112x16xf32, #tpu.memory_space<vmem_shared>>
    tpu.enqueue_indirect_dma source(%arg10 : memref<512x16xf32, #tpu.memory_space<vmem>>) target(%dma_start3A_293 : memref<10112x16xf32, #tpu.memory_space<vmem_shared>>) offsets(%dma_start3A_290 : memref<512xi32, #tpu.memory_space<vmem>>) semaphore(%arg19 : memref<!tpu.dma_semaphore, #tpu.memory_space<semaphore_mem>>) {add = true}
    %dma_wait3A_294 = arith.constant 7680 : i32
    %dma_wait3A_295 = tpu.memref_slice %arg6[%dma_wait3A_294] : memref<10000xi32, #tpu.memory_space<vmem>> -> memref<512xi32, #tpu.memory_space<vmem>>
    %dma_wait3A_296 = arith.constant 0 : i32
    %dma_wait3A_297 = arith.constant 0 : i32
    %dma_wait3A_298 = tpu.memref_slice %arg2[%dma_wait3A_296, %dma_wait3A_297] : memref<10000x16xf32, #tpu.memory_space<hbm>> -> memref<10000x16xf32, #tpu.memory_space<hbm>>
    tpu.wait_indirect_dma semaphore(%arg16 : memref<!tpu.dma_semaphore, #tpu.memory_space<semaphore_mem>>) src(%dma_wait3A_298 : memref<10000x16xf32, #tpu.memory_space<hbm>>) dst(%arg11 : memref<512x16xf32, #tpu.memory_space<vmem>>)
    %dma_start3A_299 = arith.constant 7680 : i32
    %dma_start3A_300 = tpu.memref_slice %arg7[%dma_start3A_299] : memref<10000xi32, #tpu.memory_space<vmem>> -> memref<512xi32, #tpu.memory_space<vmem>>
    %dma_start3A_301 = arith.constant 0 : i32
    %dma_start3A_302 = arith.constant 0 : i32
    %dma_start3A_303 = tpu.memref_slice %arg12[%dma_start3A_301, %dma_start3A_302] : memref<10112x16xf32, #tpu.memory_space<vmem_shared>> -> memref<10112x16xf32, #tpu.memory_space<vmem_shared>>
    tpu.enqueue_indirect_dma source(%arg11 : memref<512x16xf32, #tpu.memory_space<vmem>>) target(%dma_start3A_303 : memref<10112x16xf32, #tpu.memory_space<vmem_shared>>) offsets(%dma_start3A_300 : memref<512xi32, #tpu.memory_space<vmem>>) semaphore(%arg20 : memref<!tpu.dma_semaphore, #tpu.memory_space<semaphore_mem>>) {add = true}
    %dma_wait3A_304 = arith.constant 6144 : i32
    %dma_wait3A_305 = tpu.memref_slice %arg7[%dma_wait3A_304] : memref<10000xi32, #tpu.memory_space<vmem>> -> memref<512xi32, #tpu.memory_space<vmem>>
    %dma_wait3A_306 = arith.constant 0 : i32
    %dma_wait3A_307 = arith.constant 0 : i32
    %dma_wait3A_308 = tpu.memref_slice %arg12[%dma_wait3A_306, %dma_wait3A_307] : memref<10112x16xf32, #tpu.memory_space<vmem_shared>> -> memref<10112x16xf32, #tpu.memory_space<vmem_shared>>
    tpu.wait_indirect_dma semaphore(%arg17 : memref<!tpu.dma_semaphore, #tpu.memory_space<semaphore_mem>>) src(%arg8 : memref<512x16xf32, #tpu.memory_space<vmem>>) dst(%dma_wait3A_308 : memref<10112x16xf32, #tpu.memory_space<vmem_shared>>)
    %dma_start3A_309 = arith.constant 8192 : i32
    %dma_start3A_310 = tpu.memref_slice %arg6[%dma_start3A_309] : memref<10000xi32, #tpu.memory_space<vmem>> -> memref<512xi32, #tpu.memory_space<vmem>>
    %dma_start3A_311 = arith.constant 0 : i32
    %dma_start3A_312 = arith.constant 0 : i32
    %dma_start3A_313 = tpu.memref_slice %arg2[%dma_start3A_311, %dma_start3A_312] : memref<10000x16xf32, #tpu.memory_space<hbm>> -> memref<10000x16xf32, #tpu.memory_space<hbm>>
    tpu.enqueue_indirect_dma source(%dma_start3A_313 : memref<10000x16xf32, #tpu.memory_space<hbm>>) target(%arg8 : memref<512x16xf32, #tpu.memory_space<vmem>>) offsets(%dma_start3A_310 : memref<512xi32, #tpu.memory_space<vmem>>) semaphore(%arg13 : memref<!tpu.dma_semaphore, #tpu.memory_space<semaphore_mem>>)
    %dma_wait3A_314 = arith.constant 6656 : i32
    %dma_wait3A_315 = tpu.memref_slice %arg7[%dma_wait3A_314] : memref<10000xi32, #tpu.memory_space<vmem>> -> memref<512xi32, #tpu.memory_space<vmem>>
    %dma_wait3A_316 = arith.constant 0 : i32
    %dma_wait3A_317 = arith.constant 0 : i32
    %dma_wait3A_318 = tpu.memref_slice %arg12[%dma_wait3A_316, %dma_wait3A_317] : memref<10112x16xf32, #tpu.memory_space<vmem_shared>> -> memref<10112x16xf32, #tpu.memory_space<vmem_shared>>
    tpu.wait_indirect_dma semaphore(%arg18 : memref<!tpu.dma_semaphore, #tpu.memory_space<semaphore_mem>>) src(%arg9 : memref<512x16xf32, #tpu.memory_space<vmem>>) dst(%dma_wait3A_318 : memref<10112x16xf32, #tpu.memory_space<vmem_shared>>)
    %dma_start3A_319 = arith.constant 8704 : i32
    %dma_start3A_320 = tpu.memref_slice %arg6[%dma_start3A_319] : memref<10000xi32, #tpu.memory_space<vmem>> -> memref<512xi32, #tpu.memory_space<vmem>>
    %dma_start3A_321 = arith.constant 0 : i32
    %dma_start3A_322 = arith.constant 0 : i32
    %dma_start3A_323 = tpu.memref_slice %arg2[%dma_start3A_321, %dma_start3A_322] : memref<10000x16xf32, #tpu.memory_space<hbm>> -> memref<10000x16xf32, #tpu.memory_space<hbm>>
    tpu.enqueue_indirect_dma source(%dma_start3A_323 : memref<10000x16xf32, #tpu.memory_space<hbm>>) target(%arg9 : memref<512x16xf32, #tpu.memory_space<vmem>>) offsets(%dma_start3A_320 : memref<512xi32, #tpu.memory_space<vmem>>) semaphore(%arg14 : memref<!tpu.dma_semaphore, #tpu.memory_space<semaphore_mem>>)
    %dma_wait3A_324 = arith.constant 7168 : i32
    %dma_wait3A_325 = tpu.memref_slice %arg7[%dma_wait3A_324] : memref<10000xi32, #tpu.memory_space<vmem>> -> memref<512xi32, #tpu.memory_space<vmem>>
    %dma_wait3A_326 = arith.constant 0 : i32
    %dma_wait3A_327 = arith.constant 0 : i32
    %dma_wait3A_328 = tpu.memref_slice %arg12[%dma_wait3A_326, %dma_wait3A_327] : memref<10112x16xf32, #tpu.memory_space<vmem_shared>> -> memref<10112x16xf32, #tpu.memory_space<vmem_shared>>
    tpu.wait_indirect_dma semaphore(%arg19 : memref<!tpu.dma_semaphore, #tpu.memory_space<semaphore_mem>>) src(%arg10 : memref<512x16xf32, #tpu.memory_space<vmem>>) dst(%dma_wait3A_328 : memref<10112x16xf32, #tpu.memory_space<vmem_shared>>)
    %dma_start3A_329 = arith.constant 9216 : i32
    %dma_start3A_330 = tpu.memref_slice %arg6[%dma_start3A_329] : memref<10000xi32, #tpu.memory_space<vmem>> -> memref<512xi32, #tpu.memory_space<vmem>>
    %dma_start3A_331 = arith.constant 0 : i32
    %dma_start3A_332 = arith.constant 0 : i32
    %dma_start3A_333 = tpu.memref_slice %arg2[%dma_start3A_331, %dma_start3A_332] : memref<10000x16xf32, #tpu.memory_space<hbm>> -> memref<10000x16xf32, #tpu.memory_space<hbm>>
    tpu.enqueue_indirect_dma source(%dma_start3A_333 : memref<10000x16xf32, #tpu.memory_space<hbm>>) target(%arg10 : memref<512x16xf32, #tpu.memory_space<vmem>>) offsets(%dma_start3A_330 : memref<512xi32, #tpu.memory_space<vmem>>) semaphore(%arg15 : memref<!tpu.dma_semaphore, #tpu.memory_space<semaphore_mem>>)
    %dma_wait3A_334 = arith.constant 7680 : i32
    %dma_wait3A_335 = tpu.memref_slice %arg7[%dma_wait3A_334] : memref<10000xi32, #tpu.memory_space<vmem>> -> memref<512xi32, #tpu.memory_space<vmem>>
    %dma_wait3A_336 = arith.constant 0 : i32
    %dma_wait3A_337 = arith.constant 0 : i32
    %dma_wait3A_338 = tpu.memref_slice %arg12[%dma_wait3A_336, %dma_wait3A_337] : memref<10112x16xf32, #tpu.memory_space<vmem_shared>> -> memref<10112x16xf32, #tpu.memory_space<vmem_shared>>
    tpu.wait_indirect_dma semaphore(%arg20 : memref<!tpu.dma_semaphore, #tpu.memory_space<semaphore_mem>>) src(%arg11 : memref<512x16xf32, #tpu.memory_space<vmem>>) dst(%dma_wait3A_338 : memref<10112x16xf32, #tpu.memory_space<vmem_shared>>)
    %dma_start3A_339 = arith.constant 0 : i32
    %dma_start3A_340 = arith.constant 0 : i32
    %dma_start3A_341 = tpu.memref_slice %arg11[%dma_start3A_339, %dma_start3A_340] : memref<512x16xf32, #tpu.memory_space<vmem>> -> memref<272x16xf32, #tpu.memory_space<vmem>>
    %dma_start3A_342 = arith.constant 9728 : i32
    %dma_start3A_343 = tpu.memref_slice %arg6[%dma_start3A_342] : memref<10000xi32, #tpu.memory_space<vmem>> -> memref<272xi32, #tpu.memory_space<vmem>>
    %dma_start3A_344 = arith.constant 0 : i32
    %dma_start3A_345 = arith.constant 0 : i32
    %dma_start3A_346 = tpu.memref_slice %arg2[%dma_start3A_344, %dma_start3A_345] : memref<10000x16xf32, #tpu.memory_space<hbm>> -> memref<10000x16xf32, #tpu.memory_space<hbm>>
    tpu.enqueue_indirect_dma source(%dma_start3A_346 : memref<10000x16xf32, #tpu.memory_space<hbm>>) target(%dma_start3A_341 : memref<272x16xf32, #tpu.memory_space<vmem>>) offsets(%dma_start3A_343 : memref<272xi32, #tpu.memory_space<vmem>>) semaphore(%arg16 : memref<!tpu.dma_semaphore, #tpu.memory_space<semaphore_mem>>)
    %dma_wait3A_347 = arith.constant 8192 : i32
    %dma_wait3A_348 = tpu.memref_slice %arg6[%dma_wait3A_347] : memref<10000xi32, #tpu.memory_space<vmem>> -> memref<512xi32, #tpu.memory_space<vmem>>
    %dma_wait3A_349 = arith.constant 0 : i32
    %dma_wait3A_350 = arith.constant 0 : i32
    %dma_wait3A_351 = tpu.memref_slice %arg2[%dma_wait3A_349, %dma_wait3A_350] : memref<10000x16xf32, #tpu.memory_space<hbm>> -> memref<10000x16xf32, #tpu.memory_space<hbm>>
    tpu.wait_indirect_dma semaphore(%arg13 : memref<!tpu.dma_semaphore, #tpu.memory_space<semaphore_mem>>) src(%dma_wait3A_351 : memref<10000x16xf32, #tpu.memory_space<hbm>>) dst(%arg8 : memref<512x16xf32, #tpu.memory_space<vmem>>)
    %dma_start3A_352 = arith.constant 8192 : i32
    %dma_start3A_353 = tpu.memref_slice %arg7[%dma_start3A_352] : memref<10000xi32, #tpu.memory_space<vmem>> -> memref<512xi32, #tpu.memory_space<vmem>>
    %dma_start3A_354 = arith.constant 0 : i32
    %dma_start3A_355 = arith.constant 0 : i32
    %dma_start3A_356 = tpu.memref_slice %arg12[%dma_start3A_354, %dma_start3A_355] : memref<10112x16xf32, #tpu.memory_space<vmem_shared>> -> memref<10112x16xf32, #tpu.memory_space<vmem_shared>>
    tpu.enqueue_indirect_dma source(%arg8 : memref<512x16xf32, #tpu.memory_space<vmem>>) target(%dma_start3A_356 : memref<10112x16xf32, #tpu.memory_space<vmem_shared>>) offsets(%dma_start3A_353 : memref<512xi32, #tpu.memory_space<vmem>>) semaphore(%arg17 : memref<!tpu.dma_semaphore, #tpu.memory_space<semaphore_mem>>) {add = true}
    %dma_wait3A_357 = arith.constant 8704 : i32
    %dma_wait3A_358 = tpu.memref_slice %arg6[%dma_wait3A_357] : memref<10000xi32, #tpu.memory_space<vmem>> -> memref<512xi32, #tpu.memory_space<vmem>>
    %dma_wait3A_359 = arith.constant 0 : i32
    %dma_wait3A_360 = arith.constant 0 : i32
    %dma_wait3A_361 = tpu.memref_slice %arg2[%dma_wait3A_359, %dma_wait3A_360] : memref<10000x16xf32, #tpu.memory_space<hbm>> -> memref<10000x16xf32, #tpu.memory_space<hbm>>
    tpu.wait_indirect_dma semaphore(%arg14 : memref<!tpu.dma_semaphore, #tpu.memory_space<semaphore_mem>>) src(%dma_wait3A_361 : memref<10000x16xf32, #tpu.memory_space<hbm>>) dst(%arg9 : memref<512x16xf32, #tpu.memory_space<vmem>>)
    %dma_start3A_362 = arith.constant 8704 : i32
    %dma_start3A_363 = tpu.memref_slice %arg7[%dma_start3A_362] : memref<10000xi32, #tpu.memory_space<vmem>> -> memref<512xi32, #tpu.memory_space<vmem>>
    %dma_start3A_364 = arith.constant 0 : i32
    %dma_start3A_365 = arith.constant 0 : i32
    %dma_start3A_366 = tpu.memref_slice %arg12[%dma_start3A_364, %dma_start3A_365] : memref<10112x16xf32, #tpu.memory_space<vmem_shared>> -> memref<10112x16xf32, #tpu.memory_space<vmem_shared>>
    tpu.enqueue_indirect_dma source(%arg9 : memref<512x16xf32, #tpu.memory_space<vmem>>) target(%dma_start3A_366 : memref<10112x16xf32, #tpu.memory_space<vmem_shared>>) offsets(%dma_start3A_363 : memref<512xi32, #tpu.memory_space<vmem>>) semaphore(%arg18 : memref<!tpu.dma_semaphore, #tpu.memory_space<semaphore_mem>>) {add = true}
    %dma_wait3A_367 = arith.constant 9216 : i32
    %dma_wait3A_368 = tpu.memref_slice %arg6[%dma_wait3A_367] : memref<10000xi32, #tpu.memory_space<vmem>> -> memref<512xi32, #tpu.memory_space<vmem>>
    %dma_wait3A_369 = arith.constant 0 : i32
    %dma_wait3A_370 = arith.constant 0 : i32
    %dma_wait3A_371 = tpu.memref_slice %arg2[%dma_wait3A_369, %dma_wait3A_370] : memref<10000x16xf32, #tpu.memory_space<hbm>> -> memref<10000x16xf32, #tpu.memory_space<hbm>>
    tpu.wait_indirect_dma semaphore(%arg15 : memref<!tpu.dma_semaphore, #tpu.memory_space<semaphore_mem>>) src(%dma_wait3A_371 : memref<10000x16xf32, #tpu.memory_space<hbm>>) dst(%arg10 : memref<512x16xf32, #tpu.memory_space<vmem>>)
    %dma_start3A_372 = arith.constant 9216 : i32
    %dma_start3A_373 = tpu.memref_slice %arg7[%dma_start3A_372] : memref<10000xi32, #tpu.memory_space<vmem>> -> memref<512xi32, #tpu.memory_space<vmem>>
    %dma_start3A_374 = arith.constant 0 : i32
    %dma_start3A_375 = arith.constant 0 : i32
    %dma_start3A_376 = tpu.memref_slice %arg12[%dma_start3A_374, %dma_start3A_375] : memref<10112x16xf32, #tpu.memory_space<vmem_shared>> -> memref<10112x16xf32, #tpu.memory_space<vmem_shared>>
    tpu.enqueue_indirect_dma source(%arg10 : memref<512x16xf32, #tpu.memory_space<vmem>>) target(%dma_start3A_376 : memref<10112x16xf32, #tpu.memory_space<vmem_shared>>) offsets(%dma_start3A_373 : memref<512xi32, #tpu.memory_space<vmem>>) semaphore(%arg19 : memref<!tpu.dma_semaphore, #tpu.memory_space<semaphore_mem>>) {add = true}
    %dma_wait3A_377 = arith.constant 0 : i32
    %dma_wait3A_378 = arith.constant 0 : i32
    %dma_wait3A_379 = tpu.memref_slice %arg11[%dma_wait3A_377, %dma_wait3A_378] : memref<512x16xf32, #tpu.memory_space<vmem>> -> memref<272x16xf32, #tpu.memory_space<vmem>>
    %dma_wait3A_380 = arith.constant 9728 : i32
    %dma_wait3A_381 = tpu.memref_slice %arg6[%dma_wait3A_380] : memref<10000xi32, #tpu.memory_space<vmem>> -> memref<272xi32, #tpu.memory_space<vmem>>
    %dma_wait3A_382 = arith.constant 0 : i32
    %dma_wait3A_383 = arith.constant 0 : i32
    %dma_wait3A_384 = tpu.memref_slice %arg2[%dma_wait3A_382, %dma_wait3A_383] : memref<10000x16xf32, #tpu.memory_space<hbm>> -> memref<10000x16xf32, #tpu.memory_space<hbm>>
    tpu.wait_indirect_dma semaphore(%arg16 : memref<!tpu.dma_semaphore, #tpu.memory_space<semaphore_mem>>) src(%dma_wait3A_384 : memref<10000x16xf32, #tpu.memory_space<hbm>>) dst(%dma_wait3A_379 : memref<272x16xf32, #tpu.memory_space<vmem>>)
    %dma_start3A_385 = arith.constant 0 : i32
    %dma_start3A_386 = arith.constant 0 : i32
    %dma_start3A_387 = tpu.memref_slice %arg11[%dma_start3A_385, %dma_start3A_386] : memref<512x16xf32, #tpu.memory_space<vmem>> -> memref<272x16xf32, #tpu.memory_space<vmem>>
    %dma_start3A_388 = arith.constant 9728 : i32
    %dma_start3A_389 = tpu.memref_slice %arg7[%dma_start3A_388] : memref<10000xi32, #tpu.memory_space<vmem>> -> memref<272xi32, #tpu.memory_space<vmem>>
    %dma_start3A_390 = arith.constant 0 : i32
    %dma_start3A_391 = arith.constant 0 : i32
    %dma_start3A_392 = tpu.memref_slice %arg12[%dma_start3A_390, %dma_start3A_391] : memref<10112x16xf32, #tpu.memory_space<vmem_shared>> -> memref<10112x16xf32, #tpu.memory_space<vmem_shared>>
    tpu.enqueue_indirect_dma source(%dma_start3A_387 : memref<272x16xf32, #tpu.memory_space<vmem>>) target(%dma_start3A_392 : memref<10112x16xf32, #tpu.memory_space<vmem_shared>>) offsets(%dma_start3A_389 : memref<272xi32, #tpu.memory_space<vmem>>) semaphore(%arg20 : memref<!tpu.dma_semaphore, #tpu.memory_space<semaphore_mem>>) {add = true}
    %dma_wait3A_393 = arith.constant 8192 : i32
    %dma_wait3A_394 = tpu.memref_slice %arg7[%dma_wait3A_393] : memref<10000xi32, #tpu.memory_space<vmem>> -> memref<512xi32, #tpu.memory_space<vmem>>
    %dma_wait3A_395 = arith.constant 0 : i32
    %dma_wait3A_396 = arith.constant 0 : i32
    %dma_wait3A_397 = tpu.memref_slice %arg12[%dma_wait3A_395, %dma_wait3A_396] : memref<10112x16xf32, #tpu.memory_space<vmem_shared>> -> memref<10112x16xf32, #tpu.memory_space<vmem_shared>>
    tpu.wait_indirect_dma semaphore(%arg17 : memref<!tpu.dma_semaphore, #tpu.memory_space<semaphore_mem>>) src(%arg8 : memref<512x16xf32, #tpu.memory_space<vmem>>) dst(%dma_wait3A_397 : memref<10112x16xf32, #tpu.memory_space<vmem_shared>>)
    %dma_wait3A_398 = arith.constant 8704 : i32
    %dma_wait3A_399 = tpu.memref_slice %arg7[%dma_wait3A_398] : memref<10000xi32, #tpu.memory_space<vmem>> -> memref<512xi32, #tpu.memory_space<vmem>>
    %dma_wait3A_400 = arith.constant 0 : i32
    %dma_wait3A_401 = arith.constant 0 : i32
    %dma_wait3A_402 = tpu.memref_slice %arg12[%dma_wait3A_400, %dma_wait3A_401] : memref<10112x16xf32, #tpu.memory_space<vmem_shared>> -> memref<10112x16xf32, #tpu.memory_space<vmem_shared>>
    tpu.wait_indirect_dma semaphore(%arg18 : memref<!tpu.dma_semaphore, #tpu.memory_space<semaphore_mem>>) src(%arg9 : memref<512x16xf32, #tpu.memory_space<vmem>>) dst(%dma_wait3A_402 : memref<10112x16xf32, #tpu.memory_space<vmem_shared>>)
    %dma_wait3A_403 = arith.constant 9216 : i32
    %dma_wait3A_404 = tpu.memref_slice %arg7[%dma_wait3A_403] : memref<10000xi32, #tpu.memory_space<vmem>> -> memref<512xi32, #tpu.memory_space<vmem>>
    %dma_wait3A_405 = arith.constant 0 : i32
    %dma_wait3A_406 = arith.constant 0 : i32
    %dma_wait3A_407 = tpu.memref_slice %arg12[%dma_wait3A_405, %dma_wait3A_406] : memref<10112x16xf32, #tpu.memory_space<vmem_shared>> -> memref<10112x16xf32, #tpu.memory_space<vmem_shared>>
    tpu.wait_indirect_dma semaphore(%arg19 : memref<!tpu.dma_semaphore, #tpu.memory_space<semaphore_mem>>) src(%arg10 : memref<512x16xf32, #tpu.memory_space<vmem>>) dst(%dma_wait3A_407 : memref<10112x16xf32, #tpu.memory_space<vmem_shared>>)
    %dma_wait3A_408 = arith.constant 0 : i32
    %dma_wait3A_409 = arith.constant 0 : i32
    %dma_wait3A_410 = tpu.memref_slice %arg11[%dma_wait3A_408, %dma_wait3A_409] : memref<512x16xf32, #tpu.memory_space<vmem>> -> memref<272x16xf32, #tpu.memory_space<vmem>>
    %dma_wait3A_411 = arith.constant 9728 : i32
    %dma_wait3A_412 = tpu.memref_slice %arg7[%dma_wait3A_411] : memref<10000xi32, #tpu.memory_space<vmem>> -> memref<272xi32, #tpu.memory_space<vmem>>
    %dma_wait3A_413 = arith.constant 0 : i32
    %dma_wait3A_414 = arith.constant 0 : i32
    %dma_wait3A_415 = tpu.memref_slice %arg12[%dma_wait3A_413, %dma_wait3A_414] : memref<10112x16xf32, #tpu.memory_space<vmem_shared>> -> memref<10112x16xf32, #tpu.memory_space<vmem_shared>>
    tpu.wait_indirect_dma semaphore(%arg20 : memref<!tpu.dma_semaphore, #tpu.memory_space<semaphore_mem>>) src(%dma_wait3A_410 : memref<272x16xf32, #tpu.memory_space<vmem>>) dst(%dma_wait3A_415 : memref<10112x16xf32, #tpu.memory_space<vmem_shared>>)
    %barrier3A_416 = arith.constant 0 : index
    tpu.barrier barrier_id(%barrier3A_416)
    %mul3A_417 = arith.constant 632 : i32
    %mul3A_418 = arith.muli %arg1, %mul3A_417 : i32
    %mul3A_419 = arith.constant 16 : i32
    %mul3A_420 = arith.muli %arg0, %mul3A_419 : i32
    %add3A_421 = arith.addi %mul3A_420, %arg1 : i32
    %mul3A_422 = arith.constant 632 : i32
    %mul3A_423 = arith.muli %add3A_421, %mul3A_422 : i32
    "tpu.region"() ({
      %run_scoped3A_424 = tpu.sem_alloc : memref<!tpu.dma_semaphore, #tpu.memory_space<semaphore_mem>>
      %dma_start3A_425 = arith.constant 0 : i32
      %dma_start3A_426 = tpu.memref_slice %arg5[%mul3A_423, %dma_start3A_425] : memref<20224x16xf32, #tpu.memory_space<hbm>> -> memref<632x16xf32, #tpu.memory_space<hbm>>
      %dma_start3A_427 = arith.constant 0 : i32
      %dma_start3A_428 = tpu.memref_slice %arg12[%mul3A_418, %dma_start3A_427] : memref<10112x16xf32, #tpu.memory_space<vmem_shared>> -> memref<632x16xf32, #tpu.memory_space<vmem_shared>>
      tpu.enqueue_dma source(%dma_start3A_428 : memref<632x16xf32, #tpu.memory_space<vmem_shared>>) target(%dma_start3A_426 : memref<632x16xf32, #tpu.memory_space<hbm>>) target_semaphore(%run_scoped3A_424 : memref<!tpu.dma_semaphore, #tpu.memory_space<semaphore_mem>>)
      %dma_wait3A_429 = arith.constant 0 : i32
      %dma_wait3A_430 = tpu.memref_slice %arg5[%mul3A_423, %dma_wait3A_429] : memref<20224x16xf32, #tpu.memory_space<hbm>> -> memref<632x16xf32, #tpu.memory_space<hbm>>
      %dma_wait3A_431 = arith.constant 0 : i32
      %dma_wait3A_432 = tpu.memref_slice %arg12[%mul3A_418, %dma_wait3A_431] : memref<10112x16xf32, #tpu.memory_space<vmem_shared>> -> memref<632x16xf32, #tpu.memory_space<vmem_shared>>
      tpu.wait_dma2 semaphore(%run_scoped3A_424 : memref<!tpu.dma_semaphore, #tpu.memory_space<semaphore_mem>>) src(%dma_wait3A_432 : memref<632x16xf32, #tpu.memory_space<vmem_shared>>) dst(%dma_wait3A_430 : memref<632x16xf32, #tpu.memory_space<hbm>>)
      tpu.yield
    }) : () -> ()
    return
  }
}

module attributes {stable_mosaic.version = 14 : i64} {
  func.func @_tc1_body(%arg0: memref<10000x128xf32, #tpu.memory_space<vmem>>, %arg1: memref<128x16xf32, #tpu.memory_space<vmem>>, %arg2: memref<20224x16xf32, #tpu.memory_space<vmem>>, %arg3: memref<10000x16xf32, #tpu.memory_space<vmem>>, %arg4: memref<10000x1xf32, #tpu.memory_space<vmem>>) attributes {dimension_semantics = [], scalar_prefetch = 0 : i64, scratch_operands = 0 : i64, tpu.core_type = #tpu.core_type<tc>} {
    %get3A = arith.constant 0 : index
    %get3A_0 = arith.constant 0 : index
    %get3A_1 = vector.load %arg2[%get3A, %get3A_0] : memref<20224x16xf32, #tpu.memory_space<vmem>>, vector<10000x1xf32>
    %get3A_2 = arith.constant 10112 : index
    %get3A_3 = arith.constant 0 : index
    %get3A_4 = vector.load %arg2[%get3A_2, %get3A_3] : memref<20224x16xf32, #tpu.memory_space<vmem>>, vector<10000x1xf32>
    %add3A = arith.addf %get3A_1, %get3A_4 : vector<10000x1xf32>
    %add3A_5 = arith.constant 1.000000e+00 : f32
    %add3A_6 = vector.broadcast %add3A_5 : f32 to vector<10000x1xf32>
    %add3A_7 = arith.addf %add3A, %add3A_6 : vector<10000x1xf32>
    %rsqrt3A = math.rsqrt %add3A_7 : vector<10000x1xf32>
    %get3A_8 = arith.constant 0 : index
    %get3A_9 = arith.constant 0 : index
    %get3A_10 = vector.load %arg0[%get3A_8, %get3A_9] : memref<10000x128xf32, #tpu.memory_space<vmem>>, vector<10000x128xf32>
    %get3A_11 = arith.constant 0 : index
    %get3A_12 = arith.constant 0 : index
    %get3A_13 = vector.load %arg1[%get3A_11, %get3A_12] : memref<128x16xf32, #tpu.memory_space<vmem>>, vector<128x16xf32>
    %dot_general3A = arith.constant dense<0.000000e+00> : vector<10000x16xf32>
    %dot_general3A_14 = tpu.matmul %get3A_10, %get3A_13, %dot_general3A {dimension_numbers = #tpu.dot_dimension_numbers<[1], [0], [0], [1], [0, 0, 1, 1], [], []>, transpose_lhs_hint = false} : vector<10000x128xf32>, vector<128x16xf32>, vector<10000x16xf32> -> vector<10000x16xf32>
    %mul3A = vector.broadcast %rsqrt3A : vector<10000x1xf32> to vector<10000x16xf32>
    %mul3A_15 = arith.mulf %dot_general3A_14, %mul3A : vector<10000x16xf32>
    %swap3A = arith.constant 0 : index
    %swap3A_16 = arith.constant 0 : index
    %swap3A_17 = vector.load %arg3[%swap3A, %swap3A_16] : memref<10000x16xf32, #tpu.memory_space<vmem>>, vector<10000x16xf32>
    tpu.vector_store %arg3[%swap3A, %swap3A_16], %mul3A_15 {strides = array<i32>} : memref<10000x16xf32, #tpu.memory_space<vmem>>, vector<10000x16xf32>,
    %swap3A_18 = arith.constant 0 : index
    %swap3A_19 = arith.constant 0 : index
    %swap3A_20 = vector.load %arg4[%swap3A_18, %swap3A_19] : memref<10000x1xf32, #tpu.memory_space<vmem>>, vector<10000x1xf32>
    tpu.vector_store %arg4[%swap3A_18, %swap3A_19], %rsqrt3A {strides = array<i32>} : memref<10000x1xf32, #tpu.memory_space<vmem>>, vector<10000x1xf32>,
    return
  }
}

module attributes {stable_mosaic.version = 14 : i64} {
  func.func @_tc2_body(%arg0: memref<20224x16xf32, #tpu.memory_space<vmem>>, %arg1: memref<10000x16xf32, #tpu.memory_space<vmem>>, %arg2: memref<10000x1xf32, #tpu.memory_space<vmem>>, %arg3: memref<16x16xf32, #tpu.memory_space<vmem>>, %arg4: memref<1x16xf32, #tpu.memory_space<vmem>>, %arg5: memref<10000x16xf32, #tpu.memory_space<vmem>>) attributes {dimension_semantics = [], scalar_prefetch = 0 : i64, scratch_operands = 0 : i64, tpu.core_type = #tpu.core_type<tc>} {
    %get3A = arith.constant 0 : index
    %get3A_0 = arith.constant 0 : index
    %get3A_1 = vector.load %arg0[%get3A, %get3A_0] : memref<20224x16xf32, #tpu.memory_space<vmem>>, vector<10000x16xf32>
    %get3A_2 = arith.constant 10112 : index
    %get3A_3 = arith.constant 0 : index
    %get3A_4 = vector.load %arg0[%get3A_2, %get3A_3] : memref<20224x16xf32, #tpu.memory_space<vmem>>, vector<10000x16xf32>
    %add3A = arith.addf %get3A_1, %get3A_4 : vector<10000x16xf32>
    %get3A_5 = arith.constant 0 : index
    %get3A_6 = arith.constant 0 : index
    %get3A_7 = vector.load %arg2[%get3A_5, %get3A_6] : memref<10000x1xf32, #tpu.memory_space<vmem>>, vector<10000x1xf32>
    %get3A_8 = arith.constant 0 : index
    %get3A_9 = arith.constant 0 : index
    %get3A_10 = vector.load %arg1[%get3A_8, %get3A_9] : memref<10000x16xf32, #tpu.memory_space<vmem>>, vector<10000x16xf32>
    %add3A_11 = arith.addf %add3A, %get3A_10 : vector<10000x16xf32>
    %mul3A = vector.broadcast %get3A_7 : vector<10000x1xf32> to vector<10000x16xf32>
    %mul3A_12 = arith.mulf %add3A_11, %mul3A : vector<10000x16xf32>
    %get3A_13 = arith.constant 0 : index
    %get3A_14 = arith.constant 0 : index
    %get3A_15 = vector.load %arg4[%get3A_13, %get3A_14] : memref<1x16xf32, #tpu.memory_space<vmem>>, vector<1x16xf32>
    %add3A_16 = vector.broadcast %get3A_15 : vector<1x16xf32> to vector<10000x16xf32>
    %add3A_17 = arith.addf %mul3A_12, %add3A_16 : vector<10000x16xf32>
    %max3A = arith.constant 0.000000e+00 : f32
    %max3A_18 = vector.broadcast %max3A : f32 to vector<10000x16xf32>
    %max3A_19 = arith.maximumf %add3A_17, %max3A_18 : vector<10000x16xf32>
    %get3A_20 = arith.constant 0 : index
    %get3A_21 = arith.constant 0 : index
    %get3A_22 = vector.load %arg3[%get3A_20, %get3A_21] : memref<16x16xf32, #tpu.memory_space<vmem>>, vector<16x16xf32>
    %dot_general3A = arith.constant dense<0.000000e+00> : vector<10000x16xf32>
    %dot_general3A_23 = tpu.matmul %max3A_19, %get3A_22, %dot_general3A {dimension_numbers = #tpu.dot_dimension_numbers<[1], [0], [0], [1], [0, 0, 1, 1], [], []>, transpose_lhs_hint = false} : vector<10000x16xf32>, vector<16x16xf32>, vector<10000x16xf32> -> vector<10000x16xf32>
    %mul3A_24 = vector.broadcast %get3A_7 : vector<10000x1xf32> to vector<10000x16xf32>
    %mul3A_25 = arith.mulf %dot_general3A_23, %mul3A_24 : vector<10000x16xf32>
    %swap3A = arith.constant 0 : index
    %swap3A_26 = arith.constant 0 : index
    %swap3A_27 = vector.load %arg5[%swap3A, %swap3A_26] : memref<10000x16xf32, #tpu.memory_space<vmem>>, vector<10000x16xf32>
    tpu.vector_store %arg5[%swap3A, %swap3A_26], %mul3A_25 {strides = array<i32>} : memref<10000x16xf32, #tpu.memory_space<vmem>>, vector<10000x16xf32>,
    return
  }
}

module attributes {stable_mosaic.version = 14 : i64} {
  func.func @_tc3_body(%arg0: memref<20224x16xf32, #tpu.memory_space<vmem>>, %arg1: memref<10000x16xf32, #tpu.memory_space<vmem>>, %arg2: memref<10000x1xf32, #tpu.memory_space<vmem>>, %arg3: memref<1x16xf32, #tpu.memory_space<vmem>>, %arg4: memref<10000x16xf32, #tpu.memory_space<vmem>>) attributes {dimension_semantics = [], scalar_prefetch = 0 : i64, scratch_operands = 0 : i64, tpu.core_type = #tpu.core_type<tc>} {
    %get3A = arith.constant 0 : index
    %get3A_0 = arith.constant 0 : index
    %get3A_1 = vector.load %arg0[%get3A, %get3A_0] : memref<20224x16xf32, #tpu.memory_space<vmem>>, vector<10000x16xf32>
    %get3A_2 = arith.constant 10112 : index
    %get3A_3 = arith.constant 0 : index
    %get3A_4 = vector.load %arg0[%get3A_2, %get3A_3] : memref<20224x16xf32, #tpu.memory_space<vmem>>, vector<10000x16xf32>
    %add3A = arith.addf %get3A_1, %get3A_4 : vector<10000x16xf32>
    %get3A_5 = arith.constant 0 : index
    %get3A_6 = arith.constant 0 : index
    %get3A_7 = vector.load %arg1[%get3A_5, %get3A_6] : memref<10000x16xf32, #tpu.memory_space<vmem>>, vector<10000x16xf32>
    %add3A_8 = arith.addf %add3A, %get3A_7 : vector<10000x16xf32>
    %get3A_9 = arith.constant 0 : index
    %get3A_10 = arith.constant 0 : index
    %get3A_11 = vector.load %arg2[%get3A_9, %get3A_10] : memref<10000x1xf32, #tpu.memory_space<vmem>>, vector<10000x1xf32>
    %mul3A = vector.broadcast %get3A_11 : vector<10000x1xf32> to vector<10000x16xf32>
    %mul3A_12 = arith.mulf %add3A_8, %mul3A : vector<10000x16xf32>
    %get3A_13 = arith.constant 0 : index
    %get3A_14 = arith.constant 0 : index
    %get3A_15 = vector.load %arg3[%get3A_13, %get3A_14] : memref<1x16xf32, #tpu.memory_space<vmem>>, vector<1x16xf32>
    %add3A_16 = vector.broadcast %get3A_15 : vector<1x16xf32> to vector<10000x16xf32>
    %add3A_17 = arith.addf %mul3A_12, %add3A_16 : vector<10000x16xf32>
    %swap3A = arith.constant 0 : index
    %swap3A_18 = arith.constant 0 : index
    %swap3A_19 = vector.load %arg4[%swap3A, %swap3A_18] : memref<10000x16xf32, #tpu.memory_space<vmem>>, vector<10000x16xf32>
    tpu.vector_store %arg4[%swap3A, %swap3A_18], %add3A_17 {strides = array<i32>} : memref<10000x16xf32, #tpu.memory_space<vmem>>, vector<10000x16xf32>,
    return
  }
}

</mosaic_0001>

<sc_bundles>
// kernel: kernel.11.cloned.1.call-start
scs
__scs_entry_jumppad:
0x0: {  	(pc) =	sbr.rel $0x88, $3  }
0x1: {  	(tag) =	ssettag $0x0;
	lr =	simm.s32 $0x1  }
0x2: {  	[smem:$0x3F9B] =	sst lr;
	_ =	strace $0xD0000000  }
0x3: {  	_ = 	snop  }
0x4: {  	_ = 	snop  }
0x5: {  	_ = 	snop  }
0x6: {  	_ = 	snop  }
0x7: {  	_ = 	snop  }
__scs_overlays_trampoline_lowered:
0x8: {  	[smem:$0x3FAA] =	sst s0  }
0x9: {  	[smem:$0x3FAB] =	sst s1  }
0xa: {  	[smem:$0x3FAC] =	sst s2  }
0xb: {  	[smem:$0x3FAD] =	sst s3  }
0xc: {  	[smem:$0x3FAE] =	sst s4  }
0xd: {  	[smem:$0x3FAF] =	sst s5  }
0xe: {  	[smem:$0x3FB0] =	sst s6  }
0xf: {  	[smem:$0x3FB1] =	sst s7  }
0x10: {  	[smem:$0x3FB2] =	sst s8  }
0x11: {  	[smem:$0x3FB3] =	sst s9;
	s0 =	simm.s32 @!p0 $0x0  }
0x12: {  	s1 =	sld [smem:$0x3F99];
	s0 =	simm.s32 @p0 $0x1  }
0x13: {  	[smem:$0x3FB4] =	sst s0;
	s0 =	simm.s32 @!p1 $0x0  }
0x14: {  	s2 =	sld [smem:$0x3F98];
	s0 =	simm.s32 @p1 $0x1  }
0x15: {  	[smem:$0x3FB5] =	sst s0;
	s0 =	simm.s32 @!p2 $0x0  }
0x16: {  	s3 =	sld [smem:$0x3FDB];
	s0 =	simm.s32 @p2 $0x1  }
0x17: {  	s4 =	simm.s32 $0x1BF5;
	[smem:$0x3FB7] =	sst s0  }
0x18: {  	s0 =	sld [smem:$0x3F9A];
	_ =	swait.ge [sflag:s4], $0x0  }
0x19: {  	s7 =	sld [smem:$0x3F9B]  }
0x1a: {  	s8 =	sadd.s32 $0xFFFFE003, lr  }
0x1b: {  	s9 =	sadd.s32 $0xFFFFFEF7, lr;
	s5 =	simm.s32 $0xFFFFFFFF;
	p2 =	slt.u32 s8, $0xFFFFF086  }
0x1c: {  	p1 =	slt.u32 s9, $0xF7A;
	s5 =	simm.s32 @!p2 $0x0  }
0x1d: {  	s5 =	simm.s32 @p1 $0x1;
	p0 =	seq.s32 s7, s2  }
0x1e: {  	s7 =	smul.u32 @!p0 $0xF7A, s2;
	p2 =	seq.s32 @!p0 s5, $0x0  }
0x1f: {  	s9 =	smul.u32 $0xF7A, s1;
	s8 =	simm.s32 @!p0 $0x1BF5;
	p2 =	por !p2, p0  }
0x20: {  	[sflag:s8] =	ssyncset.s32 @!p0 $0xFFFFF086;
	s6 =	sadd.s32 @!p0 s3, s7;
	s7 =	simm.s32 @!p0 $0x108  }
0x21: {  	s3 =	sadd.s32 s3, s9;
	s6 =	sadd.s32 @!p0 $0x88, s6;
	s7 =	simm.s32 @p2 $0x1082  }
0x22: {  	[simem:s7], [sflag:s8] =	dma.local @!p0 [hbm:s6], $0xF7A  }
0x23: {  	s9 =	sor.u32 $0xD0000000, s2;
	s6 =	simm.s32 $0x108;
	_ =	swait.ge @!p0 [sflag:s8], $0x0  }
0x24: {  	s3 =	sadd.s32 $0x88, s3;
	s6 =	simm.s32 @!p1 $0x1082;
	[sflag:s4] =	ssyncset.s32 $0xFFFFF086  }
0x25: {  	[simem:s6], [sflag:s4] =	dma.local [hbm:s3], $0xF7A  }
0x26: {  	[smem:$0x3F9B] =	sst s1;
	(tag) =	ssettag s2;
	_ =	strace s9  }
0x27: {  	s1 =	sld [smem:$0x3FAB]  }
0x28: {  	s2 =	sld [smem:$0x3FAC]  }
0x29: {  	s4 =	sld [smem:$0x3FAE]  }
0x2a: {  	p0 =	seq.s32 s5, $0x0;
	s5 =	sld [smem:$0x3FAF]  }
0x2b: {  	s6 =	sld [smem:$0x3FB0]  }
0x2c: {  	s7 =	sld [smem:$0x3FB1]  }
0x2d: {  	s3 =	simm.s32 $0x108;
	s8 =	sld [smem:$0x3FB2]  }
0x2e: {  	s3 =	simm.s32 @!p0 $0x1082;
	s9 =	sld [smem:$0x3FB3]  }
0x2f: {  	lr =	sadd.s32 s0, s3;
	s0 =	sld [smem:$0x3FAA]  }
0x30: {  	s3 =	sld [smem:$0x3FAD]  }
0x31: {  	[smem:$0x3FB6] =	sst s10  }
0x32: {  	s10 =	sld [smem:$0x3FB4];
	_ =	sdelay $0x3  }
0x33: {  	p0 =	seq.s32 s10, $0x1;
	s10 =	sld [smem:$0x3FB6];
	_ =	sdelay $0x3  }
0x34: {  	[smem:$0x3FB6] =	sst s10  }
0x35: {  	s10 =	sld [smem:$0x3FB5];
	_ =	sdelay $0x3  }
0x36: {  	p1 =	seq.s32 s10, $0x1;
	s10 =	sld [smem:$0x3FB6];
	_ =	sdelay $0x3  }
0x37: {  	[smem:$0x3FB6] =	sst s10  }
0x38: {  	s10 =	sld [smem:$0x3FB7]  }
0x39: {  	_ = 	snop;
	(pc) =	sbr.ind lr, $3  }
0x3a: {  	_ = 	snop  }
0x3b: {  	_ = 	snop  }
0x3c: {  	p2 =	seq.s32 s10, $0x1;
	s10 =	sld [smem:$0x3FB6]  }
0x3d: {  	_ =	shalt  }
0x3e: {  	_ =	shalt  }
0x3f: {  	_ =	shalt  }
0x40: {  	_ =	shalt  }
0x41: {  	_ =	shalt  }
0x42: {  	_ =	shalt  }
0x43: {  	_ =	shalt  }
0x44: {  	_ =	shalt  }
0x45: {  	_ =	shalt  }
0x46: {  	_ =	shalt  }
0x47: {  	_ =	shalt  }
0x48: {  	_ =	shalt  }
0x49: {  	_ =	shalt  }
0x4a: {  	_ =	shalt  }
0x4b: {  	_ =	shalt  }
0x4c: {  	_ =	shalt  }
0x4d: {  	_ =	shalt  }
0x4e: {  	_ =	shalt  }
0x4f: {  	_ =	shalt  }
0x50: {  	_ =	shalt  }
0x51: {  	_ =	shalt  }
0x52: {  	_ =	shalt  }
0x53: {  	_ =	shalt  }
0x54: {  	_ =	shalt  }
0x55: {  	_ =	shalt  }
0x56: {  	_ =	shalt  }
0x57: {  	_ =	shalt  }
0x58: {  	_ =	shalt  }
0x59: {  	_ =	shalt  }
0x5a: {  	_ =	shalt  }
0x5b: {  	_ =	shalt  }
0x5c: {  	_ =	shalt  }
0x5d: {  	_ =	shalt  }
0x5e: {  	_ =	shalt  }
0x5f: {  	_ =	shalt  }
0x60: {  	_ =	shalt  }
0x61: {  	_ =	shalt  }
0x62: {  	_ =	shalt  }
0x63: {  	_ =	shalt  }
0x64: {  	_ =	shalt  }
0x65: {  	_ =	shalt  }
0x66: {  	_ =	shalt  }
0x67: {  	_ =	shalt  }
0x68: {  	_ =	shalt  }
0x69: {  	_ =	shalt  }
0x6a: {  	_ =	shalt  }
0x6b: {  	_ =	shalt  }
0x6c: {  	_ =	shalt  }
0x6d: {  	_ =	shalt  }
0x6e: {  	_ =	shalt  }
0x6f: {  	_ =	shalt  }
0x70: {  	_ =	shalt  }
0x71: {  	_ =	shalt  }
0x72: {  	_ =	shalt  }
0x73: {  	_ =	shalt  }
0x74: {  	_ =	shalt  }
0x75: {  	_ =	shalt  }
0x76: {  	_ =	shalt  }
0x77: {  	_ =	shalt  }
0x78: {  	_ =	shalt  }
0x79: {  	_ =	shalt  }
0x7a: {  	_ =	shalt  }
0x7b: {  	_ =	shalt  }
0x7c: {  	_ =	shalt  }
0x7d: {  	_ =	shalt  }
0x7e: {  	_ =	shalt  }
0x7f: {  	_ =	shalt  }
0x80: {  	_ =	shalt  }
0x81: {  	_ =	shalt  }
0x82: {  	_ =	shalt  }
0x83: {  	_ =	shalt  }
0x84: {  	_ =	shalt  }
0x85: {  	_ =	shalt  }
0x86: {  	_ =	shalt  }
0x87: {  	_ =	shalt  }
.Lfunc_end0:
.L_simem_size_0:
called_computation.1_lowered:
.L_overlay_start_0:
0x88: {  	s2 =	sld [smem:$0x3FD9]  }
0x89: {  	s3 =	sld [smem:$0x3FFE];
	_ =	sdelay $0x1  }
0x8a: {  	s1 =	srdreg.scid  }
0x8b: {  	s0 =	sand.u32 $0x1, s1  }
0x8c: {  	s17 =	sshll.u32 s0, $0xA;
	s2 =	sadd.s32 s3, s2  }
0x8d: {  	s2 =	sadd.s32 s2, s17  }
0x8e: {  	[smem:$0x3FC2] =	sst s2  }
0x8f: {  	_ = 	snop  }
0x90: {  	s2 =	sld [smem:$0x3FD0];
	(tm) =	ssettm $0x1  }
0x91: {  	s18 =	sld [smem:$0x3FFB];
	_ =	sdelay $0x3  }
0x92: {  	_ =	strace s18  }
0x93: {  	s3 =	sld [smem:$0x3FFC];
	_ =	sdelay $0x3  }
0x94: {  	_ =	strace s3  }
0x95: {  	s3 =	sld [smem:$0x3FFD];
	_ =	sdelay $0x3  }
0x96: {  	_ =	strace s3  }
0x97: {  	_ =	strace $0x8FFFFFFF  }
0x98: {  	s19 =	sld [smem:$0x3FDB];
	_ =	sdelay $0x1  }
0x99: {  	s4 =	simm.s32 $_scs_section_size  }
0x9a: {  	s5 =	simm.s32 $_size__tile_overlayer_lowered;
	s6 =	simm.s32 $_tile_overlayer_lowered  }
0x9b: {  	s22 =	simm.s32 $0x1BFF;
	s21 =	sshll.u32 s6, $0x1;
	s3 =	sadd.s32 s4, s19  }
0x9c: {  	s7 =	simm.s32 $0x0;
	s20 =	sshll.u32 s5, $0x1;
	s5 =	sadd.s32 s21, s3  }
0x9d: {  	[timem:s7], [sflag:s22] =	dma.local [hbm:s5], s20  }
0x9e: {  	_ =	swait.ge [sflag:s22], s20  }
0x9f: {  	s4 =	ssub.s32 $0x0, s20;
	[sflag:s22] =	ssyncset.done $0x0  }
0xa0: {  	[sflag:s22] =	ssyncadd.s32 s4;
	_ =	sdelay $0x1  }
0xa1: {  	s23 =	simm.s32 $0x1B8B  }
0xa2: {  	_ =	swait.ge [sflag:s23], $0x1  }
0xa3: {  	[sflag:s23] =	ssyncset.done $0x0  }
0xa4: {  	s25 =	simm.s32 $0x1B8E;
	s24 =	sld [smem:$0x3FFE];
	[sflag:s23] =	ssyncadd.s32 $0xFFFFFFFF  }
0xa5: {  	s26 =	simm.s32 $execute0_lowered;
	[smem:$0x3FD2] =	sst s25  }
0xa6: {  	s5 =	sshll.u32 s26, $0x1;
	_ =	strace $0x80000049;
	[dreg:$0x1] =	wrdreg $0xFFFFFFFF  }
0xa7: {  	s28 =	simm.s32 $_size_execute0_lowered;
	s3 =	sadd.s32 s3, s5;
	[dreg:$0x0] =	wrdreg $0x0  }
0xa8: {  	s5 =	sshll.u32 s28, $0x1;
	[dreg:$0x2] =	wrdreg s3  }
0xa9: {  	[dreg:$0x3] =	wrdreg s5  }
0xaa: {  	[dreg:$0x4] =	wrdreg $0xC0  }
0xab: {  	_ =	task [dreg:s7], $0x5FFFF  }
0xac: {  	[dreg:$0x1] =	wrdreg $0xFFFFFFFF  }
0xad: {  	[dreg:$0x0] =	wrdreg $0x60  }
0xae: {  	[dreg:$0x2] =	wrdreg s2  }
0xaf: {  	[dreg:$0x3] =	wrdreg s24  }
0xb0: {  	[dreg:$0x4] =	wrdreg $0xCE200  }
0xb1: {  	[dreg:$0x5] =	wrdreg $0x9  }
0xb2: {  	_ =	task.clear_ibuf [dreg:s7], $0x6FFFF;
	_ =	strace $0x90000049  }
0xb3: {  	s29 =	simm.s32 $0x9;
	_ =	strace $0x8000004B  }
0xb4: {  	_ =	swait.ge [sflag:s29], $0x1  }
0xb5: {  	[sflag:s29] =	ssyncadd.s32 $0xFFFFFFFF  }
0xb6: {  	_ =	strace $0x9000004B  }
0xb7: {  	_ =	sfence  }
0xb8: {  	s30 =	sld [smem:$0x0];
	_ =	sdelay $0x2  }
0xb9: {  	s31 =	sshll.u32 s1, $0xD;
	s1 =	sshrl.u32 s1, $0x2  }
0xba: {  	s3 =	sand.u32 $0x4000, s31;
	s1 =	sadd.s32 s1, s30  }
0xbb: {  	s0 =	sor.u32 s3, s0;
	s1 =	sshll.u32 s1, $0x11  }
0xbc: {  	s0 =	sor.u32 s1, s0  }
0xbd: {  	s0 =	sadd.s32 $0x8F2B, s0  }
0xbe: {  	[sflag:s0] =	ssyncadd.remote.s32 $0x1  }
0xbf: {  	_ =	sfence.sel $0xFFFF  }
0xc0: {  	[dreg:$0x0] =	wrdreg $0xFFFFFFFF;
	(pc) =	sbr.abs _section_cstart, $3  }
0xc1: {  	[dreg:$0x1] =	wrdreg $0xFFFFFFFF  }
0xc2: {  	_ =	task.clear_ibuf [dreg:s7], $0x2FFFF;
	_ =	strace $0x9FFFFFFF  }
0xc3: {  	(tm) =	ssettm $0x7FFFFFFF  }
tec
execute0_lowered:
.L_overlay_start_1:
0x0: {  	(tag) =	ssettag $0x1  }
0x1: {  	s3 =	rddreg [dreg:$0x0]  }
0x2: {  	s1 =	rddreg [dreg:$0x1]  }
0x3: {  	s2 =	rddreg [dreg:$0x2];
	s30 =	simm.s32 $0x0  }
0x4: {  	[smem:$0x7FF] =	sst s30;
	s6 =	sadd.s32 $0x15800, s1  }
0x5: {  	s11 =	simm.s32 $0x400;
	_ =	strace $0x8000004A;
	[dreg:$0x4] =	wrdreg s6  }
0x6: {  	s12 =	simm.s32 $0x600;
	[dreg:$0x8] =	wrdreg s11  }
0x7: {  	s0 =	srdreg.scid;
	s13 =	simm.s32 $0x2910;
	[dreg:$0x9] =	wrdreg s12  }
0x8: {  	s21 =	stileid.u32;
	s14 =	simm.s32 $0x2B10;
	[dreg:$0xa] =	wrdreg s13  }
0x9: {  	s15 =	simm.s32 $0x2D10;
	s16 =	simm.s32 $0x800;
	[dreg:$0xb] =	wrdreg s14  }
0xa: {  	s18 =	simm.s32 $0xA00;
	s20 =	simm.s32 $0xC00;
	[dreg:$0xc] =	wrdreg s15  }
0xb: {  	s22 =	simm.s32 $0xE00;
	s24 =	simm.s32 $0x2F10;
	[dreg:$0xd] =	wrdreg s16  }
0xc: {  	s25 =	simm.s32 $0x3110;
	s7 =	simm.s32 $0x3510;
	[dreg:$0xe] =	wrdreg s18  }
0xd: {  	s8 =	simm.s32 $0x1000;
	s9 =	simm.s32 $0x1200;
	[dreg:$0xf] =	wrdreg s20  }
0xe: {  	s31 =	simm.s32 $0x2710;
	s29 =	simm.s32 $0x2200;
	[dreg:$0x10] =	wrdreg s22  }
0xf: {  	p0 =	por $0x0, $0x0;
	s28 =	simm.s32 $0x2600;
	[dreg:$0x11] =	wrdreg s24  }
0x10: {  	s0 =	sand.u32 $0x1, s0;
	s4 =	sshll.u32 s21, $0x1;
	[dreg:$0x12] =	wrdreg s25  }
0x11: {  	s19 =	smul.u32 $0x9E00, s21;
	s26 =	sshll.u32 s21, $0x6;
	[dreg:$0x14] =	wrdreg s7  }
0x12: {  	s4 =	sor.u32 s0, s4;
	s5 =	sshll.u32 s0, $0x4;
	[dreg:$0x15] =	wrdreg s8  }
0x13: {  	s0 =	ssub.s32 $0x2, s0;
	s6 =	simm.s32 $0x3310;
	[dreg:$0x16] =	wrdreg s9  }
0x14: {  	s11 =	simm.s32 $0x1600;
	s7 =	simm.s32 $0x200;
	s12 =	simm.s32 $0x3710  }
0x15: {  	s13 =	simm.s32 $0x3910;
	s14 =	simm.s32 $0x3B10;
	[dreg:$0x13] =	wrdreg s6  }
0x16: {  	s9 =	simm.s32 $0x8E20;
	s15 =	simm.s32 $0x3D10;
	[dreg:$0x18] =	wrdreg s11  }
0x17: {  	s8 =	simm.s32 $0xAE20;
	s16 =	simm.s32 $0x1800;
	[dreg:$0x19] =	wrdreg s12  }
0x18: {  	s18 =	simm.s32 $0x2;
	s20 =	simm.s32 $0x1C00;
	[dreg:$0x1a] =	wrdreg s13  }
0x19: {  	s22 =	simm.s32 $0x1E00;
	s24 =	simm.s32 $0x4110;
	[dreg:$0x1b] =	wrdreg s14  }
0x1a: {  	s25 =	simm.s32 $0x4310;
	s4 =	smul.u32 $0x2710, s4;
	[dreg:$0x1c] =	wrdreg s15  }
0x1b: {  	s5 =	sor.u32 s21, s5;
	s17 =	sshrl.u32 s0, $0x1;
	[dreg:$0x1d] =	wrdreg s16  }
0x1c: {  	s23 =	sshrl.u32 s19, $0x2;
	s6 =	simm.s32 $0x9;
	[dreg:$0x1f] =	wrdreg s20  }
0x1d: {  	s11 =	simm.s32 $0x4E20;
	s19 =	simm.s32 $0x1;
	[smem:$0x7F9] =	sst s22  }
0x1e: {  	s16 =	simm.s32 $0x4;
	s12 =	simm.s32 $0x5;
	[smem:$0x7FB] =	sst s24  }
0x1f: {  	s13 =	simm.s32 $0x6;
	s14 =	simm.s32 $0x7;
	[smem:$0x7FC] =	sst s25  }
0x20: {  	s15 =	simm.s32 $0x8;
	s20 =	simm.s32 $0x110;
	s25 =	simm.s32 $0x4710  }
0x21: {  	s24 =	simm.s32 $0x4910;
	s22 =	simm.s32 $0x4D10;
	s5 =	smul.u32 $0x4F0, s5  }
0x22: {  	s0 =	ssub.s32 s0, s17;
	s17 =	simm.s32 $0x1A00;
	s4 =	sshrl.u32 s4, $0x3  }
0x23: {  	s0 =	smax.u32 s0, $0x1;
	[dreg:$0x1e] =	wrdreg s17;
	s4 =	sadd.s32 s4, s1  }
0x24: {  	s1 =	sadd.s32 s5, s1;
	s5 =	sadd.s32 s23, s2;
	s23 =	simm.s32 $0x3F10  }
0x25: {  	s17 =	simm.s32 $0x3;
	s10 =	sadd.s32 $0x1E00, s4;
	[smem:$0x7FA] =	sst s23  }
0x26: {  	p1 =	sne.s32 s0, $0x1;
	s4 =	sadd.s32 $0xBA40, s4;
	[dreg:$0x5] =	wrdreg s10  }
.Ltmp0:
0x27: {  	s1 =	sadd.s32 $0x15E00, s1;
	[dreg:$0x6] =	wrdreg s4;
	(pc) =	sbr.rel @!p1 .LBB2_1-.Ltmp0, $4  }
0x28: {  	s5 =	sshrl.u32 s5, $0x3;
	s23 =	simm.s32 $0x4B10;
	[dreg:$0x7] =	wrdreg s1  }
0x29: {  	s10 =	simm.s32 $0x1400;
	s1 =	sadd.s32 $0xFFFFFFFF, s0;
	s0 =	rddreg [dreg:$0x4]  }
0x2a: {  	s4 =	sor.u32 $0x1C09, s26;
	s26 =	simm.s32 $0x4510;
	[dreg:$0x17] =	wrdreg s10  }
0x2b: {  	s10 =	simm.s32 $0x6E20;
	[smem:$0x7FD] =	sst s26;
	s26 =	simm.s32 $0x2000  }
0x2c: {  	[spmem:s5], [sflag:s4] =	dma.local [hbm:s0], $0x4F0  }
0x2d: {  	_ =	swait.ge [sflag:s6], $0x4F0  }
0x2e: {  	[sflag:s6] =	ssyncset.done $0x0  }
0x2f: {  	s21 =	rddreg [dreg:$0x5];
	[sflag:s6] =	ssyncadd.s32 $0xFFFFFB10  }
0x30: {  	[tilespmem:s30], [sflag:$0x9] =	stream.linear.gather [hbm4b:s21+s30], $0x2710, $0x38;
	[tilespmem:$0xF5A0] =	vst v63  }
0x31: {  	_ =	swait.ge [sflag:s6], $0x2710  }
0x32: {  	[sflag:s6] =	ssyncset.done $0x0  }
0x33: {  	s21 =	rddreg [dreg:$0x6];
	[sflag:s6] =	ssyncadd.s32 $0xFFFFD8F0  }
0x34: {  	[tilespmem:s31], [sflag:$0x9] =	stream.linear.gather [hbm4b:s21+s30], $0x2710, $0x38;
	[tilespmem:$0xF5A0] =	vst v63  }
0x35: {  	_ =	swait.ge [sflag:s6], $0x2710  }
0x36: {  	[sflag:s6] =	ssyncset.done $0x0  }
0x37: {  	[sflag:s6] =	ssyncadd.s32 $0xFFFFD8F0  }
0x38: {  	[bflag:$0x0] =	sbarrier.arrive $0xFFFF  }
0x39: {  	[tilespmem:s11], [sflag:$0x1] =	stream.indirect.gather [hbm4b:s3+s7], $0x10, s30, s7, $0xb8;
	[tilespmem:$0xF5A0] =	vst v63  }
0x3a: {  	_ = 	snop  }
0x3b: {  	[tilespmem:s10], [sflag:$0x2] =	stream.indirect.gather [hbm4b:s3+s7], $0x10, s7, s7, $0xb8;
	[tilespmem:$0xF5A0] =	vst v63  }
0x3c: {  	s0 =	rddreg [dreg:$0x8]  }
0x3d: {  	[tilespmem:s9], [sflag:$0x3] =	stream.indirect.gather [hbm4b:s3+s7], $0x10, s0, s7, $0xb8;
	[tilespmem:$0xF5A0] =	vst v63  }
0x3e: {  	s21 =	smov.u32 s1;
	s1 =	rddreg [dreg:$0x9]  }
0x3f: {  	[tilespmem:s8], [sflag:$0x4] =	stream.indirect.gather [hbm4b:s3+s7], $0x10, s1, s7, $0xb8;
	[tilespmem:$0xF5A0] =	vst v63  }
0x40: {  	_ =	swait.ge [sflag:s19], $0x2000  }
0x41: {  	[sflag:s19] =	ssyncset.done $0x0  }
0x42: {  	[sflag:s19] =	ssyncadd.s32 $0xFFFFE000  }
0x43: {  	[spmem:s2] =	stream.indirect.scatter.add.f32 [tilespmem:s11], [sflag:$0x5], $0x10, s31, s7, $0xb8;
	[tilespmem:$0xF5A0] =	vst v63  }
0x44: {  	_ =	swait.ge [sflag:s18], $0x2000  }
0x45: {  	[sflag:s18] =	ssyncset.done $0x0  }
0x46: {  	s1 =	rddreg [dreg:$0xa];
	[sflag:s18] =	ssyncadd.s32 $0xFFFFE000  }
0x47: {  	[spmem:s2] =	stream.indirect.scatter.add.f32 [tilespmem:s10], [sflag:$0x6], $0x10, s1, s7, $0xb8;
	[tilespmem:$0xF5A0] =	vst v63  }
0x48: {  	_ =	swait.ge [sflag:s17], $0x2000  }
0x49: {  	[sflag:s17] =	ssyncset.done $0x0  }
0x4a: {  	s1 =	rddreg [dreg:$0xb];
	[sflag:s17] =	ssyncadd.s32 $0xFFFFE000  }
0x4b: {  	[spmem:s2] =	stream.indirect.scatter.add.f32 [tilespmem:s9], [sflag:$0x7], $0x10, s1, s7, $0xb8;
	[tilespmem:$0xF5A0] =	vst v63  }
0x4c: {  	_ =	swait.ge [sflag:s16], $0x2000  }
0x4d: {  	[sflag:s16] =	ssyncset.done $0x0  }
0x4e: {  	s1 =	rddreg [dreg:$0xc];
	[sflag:s16] =	ssyncadd.s32 $0xFFFFE000  }
0x4f: {  	[spmem:s2] =	stream.indirect.scatter.add.f32 [tilespmem:s8], [sflag:$0x8], $0x10, s1, s7, $0xb8;
	[tilespmem:$0xF5A0] =	vst v63  }
0x50: {  	_ =	swait.ge [sflag:s12], $0x2000  }
0x51: {  	[sflag:s12] =	ssyncset.done $0x0  }
0x52: {  	s1 =	rddreg [dreg:$0xd];
	[sflag:s12] =	ssyncadd.s32 $0xFFFFE000  }
0x53: {  	[tilespmem:s11], [sflag:$0x1] =	stream.indirect.gather [hbm4b:s3+s7], $0x10, s1, s7, $0xb8;
	[tilespmem:$0xF5A0] =	vst v63  }
0x54: {  	_ =	swait.ge [sflag:s13], $0x2000  }
0x55: {  	[sflag:s13] =	ssyncset.done $0x0  }
0x56: {  	s1 =	rddreg [dreg:$0xe];
	[sflag:s13] =	ssyncadd.s32 $0xFFFFE000  }
0x57: {  	[tilespmem:s10], [sflag:$0x2] =	stream.indirect.gather [hbm4b:s3+s7], $0x10, s1, s7, $0xb8;
	[tilespmem:$0xF5A0] =	vst v63  }
0x58: {  	_ =	swait.ge [sflag:s14], $0x2000  }
0x59: {  	[sflag:s14] =	ssyncset.done $0x0  }
0x5a: {  	s1 =	rddreg [dreg:$0xf];
	[sflag:s14] =	ssyncadd.s32 $0xFFFFE000  }
0x5b: {  	[tilespmem:s9], [sflag:$0x3] =	stream.indirect.gather [hbm4b:s3+s7], $0x10, s1, s7, $0xb8;
	[tilespmem:$0xF5A0] =	vst v63  }
0x5c: {  	_ =	swait.ge [sflag:s15], $0x2000  }
0x5d: {  	[sflag:s15] =	ssyncset.done $0x0  }
0x5e: {  	s1 =	rddreg [dreg:$0x10];
	[sflag:s15] =	ssyncadd.s32 $0xFFFFE000  }
0x5f: {  	[tilespmem:s8], [sflag:$0x4] =	stream.indirect.gather [hbm4b:s3+s7], $0x10, s1, s7, $0xb8;
	[tilespmem:$0xF5A0] =	vst v63  }
0x60: {  	_ =	swait.ge [sflag:s19], $0x2000  }
0x61: {  	[sflag:s19] =	ssyncset.done $0x0  }
0x62: {  	s1 =	rddreg [dreg:$0x11];
	[sflag:s19] =	ssyncadd.s32 $0xFFFFE000  }
0x63: {  	[spmem:s2] =	stream.indirect.scatter.add.f32 [tilespmem:s11], [sflag:$0x5], $0x10, s1, s7, $0xb8;
	[tilespmem:$0xF5A0] =	vst v63  }
0x64: {  	_ =	swait.ge [sflag:s18], $0x2000  }
0x65: {  	[sflag:s18] =	ssyncset.done $0x0  }
0x66: {  	s1 =	rddreg [dreg:$0x12];
	[sflag:s18] =	ssyncadd.s32 $0xFFFFE000  }
0x67: {  	[spmem:s2] =	stream.indirect.scatter.add.f32 [tilespmem:s10], [sflag:$0x6], $0x10, s1, s7, $0xb8;
	[tilespmem:$0xF5A0] =	vst v63  }
0x68: {  	_ =	swait.ge [sflag:s17], $0x2000  }
0x69: {  	[sflag:s17] =	ssyncset.done $0x0  }
0x6a: {  	s1 =	rddreg [dreg:$0x13];
	[sflag:s17] =	ssyncadd.s32 $0xFFFFE000  }
0x6b: {  	[spmem:s2] =	stream.indirect.scatter.add.f32 [tilespmem:s9], [sflag:$0x7], $0x10, s1, s7, $0xb8;
	[tilespmem:$0xF5A0] =	vst v63  }
0x6c: {  	_ =	swait.ge [sflag:s16], $0x2000  }
0x6d: {  	[sflag:s16] =	ssyncset.done $0x0  }
0x6e: {  	s1 =	rddreg [dreg:$0x14];
	[sflag:s16] =	ssyncadd.s32 $0xFFFFE000  }
0x6f: {  	[spmem:s2] =	stream.indirect.scatter.add.f32 [tilespmem:s8], [sflag:$0x8], $0x10, s1, s7, $0xb8;
	[tilespmem:$0xF5A0] =	vst v63  }
0x70: {  	_ =	swait.ge [sflag:s12], $0x2000  }
0x71: {  	[sflag:s12] =	ssyncset.done $0x0  }
0x72: {  	s1 =	rddreg [dreg:$0x15];
	[sflag:s12] =	ssyncadd.s32 $0xFFFFE000  }
0x73: {  	[tilespmem:s11], [sflag:$0x1] =	stream.indirect.gather [hbm4b:s3+s7], $0x10, s1, s7, $0xb8;
	[tilespmem:$0xF5A0] =	vst v63  }
0x74: {  	_ =	swait.ge [sflag:s13], $0x2000  }
0x75: {  	[sflag:s13] =	ssyncset.done $0x0  }
0x76: {  	s1 =	rddreg [dreg:$0x16];
	[sflag:s13] =	ssyncadd.s32 $0xFFFFE000  }
0x77: {  	[tilespmem:s10], [sflag:$0x2] =	stream.indirect.gather [hbm4b:s3+s7], $0x10, s1, s7, $0xb8;
	[tilespmem:$0xF5A0] =	vst v63  }
0x78: {  	_ =	swait.ge [sflag:s14], $0x2000  }
0x79: {  	[sflag:s14] =	ssyncset.done $0x0  }
0x7a: {  	s1 =	rddreg [dreg:$0x17];
	[sflag:s14] =	ssyncadd.s32 $0xFFFFE000  }
0x7b: {  	[tilespmem:s9], [sflag:$0x3] =	stream.indirect.gather [hbm4b:s3+s7], $0x10, s1, s7, $0xb8;
	[tilespmem:$0xF5A0] =	vst v63  }
0x7c: {  	_ =	swait.ge [sflag:s15], $0x2000  }
0x7d: {  	[sflag:s15] =	ssyncset.done $0x0  }
0x7e: {  	s1 =	rddreg [dreg:$0x18];
	[sflag:s15] =	ssyncadd.s32 $0xFFFFE000  }
0x7f: {  	[tilespmem:s8], [sflag:$0x4] =	stream.indirect.gather [hbm4b:s3+s7], $0x10, s1, s7, $0xb8;
	[tilespmem:$0xF5A0] =	vst v63  }
0x80: {  	_ =	swait.ge [sflag:s19], $0x2000  }
0x81: {  	[sflag:s19] =	ssyncset.done $0x0  }
0x82: {  	s1 =	rddreg [dreg:$0x19];
	[sflag:s19] =	ssyncadd.s32 $0xFFFFE000  }
0x83: {  	[spmem:s2] =	stream.indirect.scatter.add.f32 [tilespmem:s11], [sflag:$0x5], $0x10, s1, s7, $0xb8;
	[tilespmem:$0xF5A0] =	vst v63  }
0x84: {  	_ =	swait.ge [sflag:s18], $0x2000  }
0x85: {  	[sflag:s18] =	ssyncset.done $0x0  }
0x86: {  	s1 =	rddreg [dreg:$0x1a];
	[sflag:s18] =	ssyncadd.s32 $0xFFFFE000  }
0x87: {  	[spmem:s2] =	stream.indirect.scatter.add.f32 [tilespmem:s10], [sflag:$0x6], $0x10, s1, s7, $0xb8;
	[tilespmem:$0xF5A0] =	vst v63  }
0x88: {  	_ =	swait.ge [sflag:s17], $0x2000  }
0x89: {  	[sflag:s17] =	ssyncset.done $0x0  }
0x8a: {  	s1 =	rddreg [dreg:$0x1b];
	[sflag:s17] =	ssyncadd.s32 $0xFFFFE000  }
0x8b: {  	[spmem:s2] =	stream.indirect.scatter.add.f32 [tilespmem:s9], [sflag:$0x7], $0x10, s1, s7, $0xb8;
	[tilespmem:$0xF5A0] =	vst v63  }
0x8c: {  	_ =	swait.ge [sflag:s16], $0x2000  }
0x8d: {  	[sflag:s16] =	ssyncset.done $0x0  }
0x8e: {  	s1 =	rddreg [dreg:$0x1c];
	[sflag:s16] =	ssyncadd.s32 $0xFFFFE000  }
0x8f: {  	[spmem:s2] =	stream.indirect.scatter.add.f32 [tilespmem:s8], [sflag:$0x8], $0x10, s1, s7, $0xb8;
	[tilespmem:$0xF5A0] =	vst v63  }
0x90: {  	_ =	swait.ge [sflag:s12], $0x2000  }
0x91: {  	[sflag:s12] =	ssyncset.done $0x0  }
0x92: {  	s1 =	rddreg [dreg:$0x1d];
	[sflag:s12] =	ssyncadd.s32 $0xFFFFE000  }
0x93: {  	[tilespmem:s11], [sflag:$0x1] =	stream.indirect.gather [hbm4b:s3+s7], $0x10, s1, s7, $0xb8;
	[tilespmem:$0xF5A0] =	vst v63  }
0x94: {  	_ =	swait.ge [sflag:s13], $0x2000  }
0x95: {  	[sflag:s13] =	ssyncset.done $0x0  }
0x96: {  	s1 =	rddreg [dreg:$0x1e];
	[sflag:s13] =	ssyncadd.s32 $0xFFFFE000  }
0x97: {  	[tilespmem:s10], [sflag:$0x2] =	stream.indirect.gather [hbm4b:s3+s7], $0x10, s1, s7, $0xb8;
	[tilespmem:$0xF5A0] =	vst v63  }
0x98: {  	_ =	swait.ge [sflag:s14], $0x2000  }
0x99: {  	[sflag:s14] =	ssyncset.done $0x0  }
0x9a: {  	s1 =	rddreg [dreg:$0x1f];
	[sflag:s14] =	ssyncadd.s32 $0xFFFFE000  }
0x9b: {  	[tilespmem:s9], [sflag:$0x3] =	stream.indirect.gather [hbm4b:s3+s7], $0x10, s1, s7, $0xb8;
	[tilespmem:$0xF5A0] =	vst v63  }
0x9c: {  	_ =	swait.ge [sflag:s15], $0x2000  }
0x9d: {  	s1 =	sld [smem:$0x7F9]  }
0x9e: {  	[sflag:s15] =	ssyncset.done $0x0  }
0x9f: {  	[sflag:s15] =	ssyncadd.s32 $0xFFFFE000  }
0xa0: {  	[tilespmem:s8], [sflag:$0x4] =	stream.indirect.gather [hbm4b:s3+s7], $0x10, s1, s7, $0xb8;
	[tilespmem:$0xF5A0] =	vst v63  }
0xa1: {  	_ =	swait.ge [sflag:s19], $0x2000  }
0xa2: {  	s1 =	sld [smem:$0x7FA]  }
0xa3: {  	[sflag:s19] =	ssyncset.done $0x0  }
0xa4: {  	[sflag:s19] =	ssyncadd.s32 $0xFFFFE000  }
0xa5: {  	[spmem:s2] =	stream.indirect.scatter.add.f32 [tilespmem:s11], [sflag:$0x5], $0x10, s1, s7, $0xb8;
	[tilespmem:$0xF5A0] =	vst v63  }
0xa6: {  	_ =	swait.ge [sflag:s18], $0x2000  }
0xa7: {  	s1 =	sld [smem:$0x7FB]  }
0xa8: {  	[sflag:s18] =	ssyncset.done $0x0  }
0xa9: {  	[sflag:s18] =	ssyncadd.s32 $0xFFFFE000  }
0xaa: {  	[spmem:s2] =	stream.indirect.scatter.add.f32 [tilespmem:s10], [sflag:$0x6], $0x10, s1, s7, $0xb8;
	[tilespmem:$0xF5A0] =	vst v63  }
0xab: {  	_ =	swait.ge [sflag:s17], $0x2000  }
0xac: {  	s1 =	sld [smem:$0x7FC]  }
0xad: {  	[sflag:s17] =	ssyncset.done $0x0  }
0xae: {  	[sflag:s17] =	ssyncadd.s32 $0xFFFFE000  }
0xaf: {  	[spmem:s2] =	stream.indirect.scatter.add.f32 [tilespmem:s9], [sflag:$0x7], $0x10, s1, s7, $0xb8;
	[tilespmem:$0xF5A0] =	vst v63  }
0xb0: {  	_ =	swait.ge [sflag:s16], $0x2000  }
0xb1: {  	s1 =	sld [smem:$0x7FD]  }
0xb2: {  	[sflag:s16] =	ssyncset.done $0x0  }
0xb3: {  	[sflag:s16] =	ssyncadd.s32 $0xFFFFE000  }
0xb4: {  	[spmem:s2] =	stream.indirect.scatter.add.f32 [tilespmem:s8], [sflag:$0x8], $0x10, s1, s7, $0xb8;
	[tilespmem:$0xF5A0] =	vst v63  }
0xb5: {  	_ =	swait.ge [sflag:s12], $0x2000  }
0xb6: {  	[sflag:s12] =	ssyncset.done $0x0  }
0xb7: {  	[sflag:s12] =	ssyncadd.s32 $0xFFFFE000  }
0xb8: {  	[tilespmem:s11], [sflag:$0x1] =	stream.indirect.gather [hbm4b:s3+s7], $0x10, s26, s7, $0xb8;
	[tilespmem:$0xF5A0] =	vst v63  }
0xb9: {  	_ =	swait.ge [sflag:s13], $0x2000  }
0xba: {  	[sflag:s13] =	ssyncset.done $0x0  }
0xbb: {  	[sflag:s13] =	ssyncadd.s32 $0xFFFFE000  }
0xbc: {  	[tilespmem:s10], [sflag:$0x2] =	stream.indirect.gather [hbm4b:s3+s7], $0x10, s29, s7, $0xb8;
	[tilespmem:$0xF5A0] =	vst v63  }
0xbd: {  	_ =	swait.ge [sflag:s14], $0x2000  }
0xbe: {  	[sflag:s14] =	ssyncset.done $0x0  }
0xbf: {  	s1 =	simm.s32 $0x2400;
	[sflag:s14] =	ssyncadd.s32 $0xFFFFE000  }
0xc0: {  	[tilespmem:s9], [sflag:$0x3] =	stream.indirect.gather [hbm4b:s3+s7], $0x10, s1, s7, $0xb8;
	[tilespmem:$0xF5A0] =	vst v63  }
0xc1: {  	_ =	swait.ge [sflag:s15], $0x2000  }
0xc2: {  	[sflag:s15] =	ssyncset.done $0x0  }
0xc3: {  	[sflag:s15] =	ssyncadd.s32 $0xFFFFE000  }
0xc4: {  	[tilespmem:s8], [sflag:$0x4] =	stream.indirect.gather [hbm4b:s3+s20], $0x10, s28, s20, $0xb8;
	[tilespmem:$0xF5A0] =	vst v63  }
0xc5: {  	_ =	swait.ge [sflag:s19], $0x2000  }
0xc6: {  	[sflag:s19] =	ssyncset.done $0x0  }
0xc7: {  	[sflag:s19] =	ssyncadd.s32 $0xFFFFE000  }
0xc8: {  	[spmem:s2] =	stream.indirect.scatter.add.f32 [tilespmem:s11], [sflag:$0x5], $0x10, s25, s7, $0xb8;
	[tilespmem:$0xF5A0] =	vst v63  }
0xc9: {  	_ =	swait.ge [sflag:s18], $0x2000  }
0xca: {  	[sflag:s18] =	ssyncset.done $0x0  }
0xcb: {  	[sflag:s18] =	ssyncadd.s32 $0xFFFFE000  }
0xcc: {  	[spmem:s2] =	stream.indirect.scatter.add.f32 [tilespmem:s10], [sflag:$0x6], $0x10, s24, s7, $0xb8;
	[tilespmem:$0xF5A0] =	vst v63  }
0xcd: {  	_ =	swait.ge [sflag:s17], $0x2000  }
0xce: {  	[sflag:s17] =	ssyncset.done $0x0  }
0xcf: {  	[sflag:s17] =	ssyncadd.s32 $0xFFFFE000  }
0xd0: {  	[spmem:s2] =	stream.indirect.scatter.add.f32 [tilespmem:s9], [sflag:$0x7], $0x10, s23, s7, $0xb8;
	[tilespmem:$0xF5A0] =	vst v63  }
0xd1: {  	_ =	swait.ge [sflag:s16], $0x1100  }
0xd2: {  	[sflag:s16] =	ssyncset.done $0x0  }
0xd3: {  	[sflag:s16] =	ssyncadd.s32 $0xFFFFEF00  }
0xd4: {  	[spmem:s2] =	stream.indirect.scatter.add.f32 [tilespmem:s8], [sflag:$0x8], $0x10, s22, s20, $0xb8;
	[tilespmem:$0xF5A0] =	vst v63  }
0xd5: {  	_ =	swait.ge [sflag:s12], $0x2000  }
0xd6: {  	[sflag:s12] =	ssyncset.done $0x0  }
0xd7: {  	[sflag:s12] =	ssyncadd.s32 $0xFFFFE000  }
0xd8: {  	_ =	swait.ge [sflag:s13], $0x2000  }
0xd9: {  	[sflag:s13] =	ssyncset.done $0x0  }
0xda: {  	[sflag:s13] =	ssyncadd.s32 $0xFFFFE000  }
0xdb: {  	_ =	swait.ge [sflag:s14], $0x2000  }
0xdc: {  	[sflag:s14] =	ssyncset.done $0x0  }
0xdd: {  	[sflag:s14] =	ssyncadd.s32 $0xFFFFE000  }
0xde: {  	_ =	swait.ge [sflag:s15], $0x1100  }
0xdf: {  	[sflag:s15] =	ssyncset.done $0x0  }
0xe0: {  	p1 =	sne.s32 s21, $0x1;
	[sflag:s15] =	ssyncadd.s32 $0xFFFFEF00  }
.Ltmp1:
0xe1: {  	[bflag:$0x0] =	sbarrier.arrive $0xFFFF;
	(pc) =	sbr.rel @!p1 .LBB2_3-.Ltmp1, $4  }
0xe2: {  	s1 =	rddreg [dreg:$0x7]  }
0xe3: {  	[hbm:s1], [sflag:s4] =	dma.local [spmem:s5], $0x4F0  }
0xe4: {  	p0 =	por $0x1, $0x1;
	_ =	swait.ge [sflag:s6], $0x4F0  }
0xe5: {  	s1 =	sadd.s32 $0xFFFFFFFF, s21;
	s0 =	rddreg [dreg:$0x4];
	[sflag:s6] =	ssyncset.done $0x0  }
.LBB2_4:
0xe6: {  	[sflag:s6] =	ssyncadd.s32 $0xFFFFFB10  }
0xe7: {  	[spmem:s5], [sflag:s4] =	dma.local [hbm:s0], $0x4F0  }
0xe8: {  	_ =	swait.ge [sflag:s6], $0x4F0  }
0xe9: {  	[sflag:s6] =	ssyncset.done $0x0  }
0xea: {  	s21 =	rddreg [dreg:$0x5];
	[sflag:s6] =	ssyncadd.s32 $0xFFFFFB10  }
0xeb: {  	[tilespmem:s30], [sflag:$0x9] =	stream.linear.gather [hbm4b:s21+s30], $0x2710, $0x38;
	[tilespmem:$0xF5A0] =	vst v63  }
0xec: {  	_ =	swait.ge [sflag:s6], $0x2710  }
0xed: {  	[sflag:s6] =	ssyncset.done $0x0  }
0xee: {  	s21 =	rddreg [dreg:$0x6];
	[sflag:s6] =	ssyncadd.s32 $0xFFFFD8F0  }
0xef: {  	[tilespmem:s31], [sflag:$0x9] =	stream.linear.gather [hbm4b:s21+s30], $0x2710, $0x38;
	[tilespmem:$0xF5A0] =	vst v63  }
0xf0: {  	_ =	swait.ge [sflag:s6], $0x2710  }
0xf1: {  	[sflag:s6] =	ssyncset.done $0x0  }
0xf2: {  	[sflag:s6] =	ssyncadd.s32 $0xFFFFD8F0  }
0xf3: {  	[bflag:$0x0] =	sbarrier.arrive $0xFFFF  }
0xf4: {  	[tilespmem:s11], [sflag:$0x1] =	stream.indirect.gather [hbm4b:s3+s7], $0x10, s30, s7, $0xb8;
	[tilespmem:$0xF5A0] =	vst v63  }
0xf5: {  	_ = 	snop  }
0xf6: {  	[tilespmem:s10], [sflag:$0x2] =	stream.indirect.gather [hbm4b:s3+s7], $0x10, s7, s7, $0xb8;
	[tilespmem:$0xF5A0] =	vst v63  }
0xf7: {  	s0 =	rddreg [dreg:$0x8]  }
0xf8: {  	[tilespmem:s9], [sflag:$0x3] =	stream.indirect.gather [hbm4b:s3+s7], $0x10, s0, s7, $0xb8;
	[tilespmem:$0xF5A0] =	vst v63  }
0xf9: {  	s21 =	rddreg [dreg:$0x9]  }
0xfa: {  	[tilespmem:s8], [sflag:$0x4] =	stream.indirect.gather [hbm4b:s3+s7], $0x10, s21, s7, $0xb8;
	[tilespmem:$0xF5A0] =	vst v63  }
0xfb: {  	_ =	swait.ge [sflag:s19], $0x2000  }
0xfc: {  	[sflag:s19] =	ssyncset.done $0x0  }
0xfd: {  	[sflag:s19] =	ssyncadd.s32 $0xFFFFE000  }
0xfe: {  	[spmem:s2] =	stream.indirect.scatter.add.f32 [tilespmem:s11], [sflag:$0x5], $0x10, s31, s7, $0xb8;
	[tilespmem:$0xF5A0] =	vst v63  }
0xff: {  	_ =	swait.ge [sflag:s18], $0x2000  }
0x100: {  	[sflag:s18] =	ssyncset.done $0x0  }
0x101: {  	s21 =	rddreg [dreg:$0xa];
	[sflag:s18] =	ssyncadd.s32 $0xFFFFE000  }
0x102: {  	[spmem:s2] =	stream.indirect.scatter.add.f32 [tilespmem:s10], [sflag:$0x6], $0x10, s21, s7, $0xb8;
	[tilespmem:$0xF5A0] =	vst v63  }
0x103: {  	_ =	swait.ge [sflag:s17], $0x2000  }
0x104: {  	[sflag:s17] =	ssyncset.done $0x0  }
0x105: {  	s21 =	rddreg [dreg:$0xb];
	[sflag:s17] =	ssyncadd.s32 $0xFFFFE000  }
0x106: {  	[spmem:s2] =	stream.indirect.scatter.add.f32 [tilespmem:s9], [sflag:$0x7], $0x10, s21, s7, $0xb8;
	[tilespmem:$0xF5A0] =	vst v63  }
0x107: {  	_ =	swait.ge [sflag:s16], $0x2000  }
0x108: {  	[sflag:s16] =	ssyncset.done $0x0  }
0x109: {  	s21 =	rddreg [dreg:$0xc];
	[sflag:s16] =	ssyncadd.s32 $0xFFFFE000  }
0x10a: {  	[spmem:s2] =	stream.indirect.scatter.add.f32 [tilespmem:s8], [sflag:$0x8], $0x10, s21, s7, $0xb8;
	[tilespmem:$0xF5A0] =	vst v63  }
0x10b: {  	_ =	swait.ge [sflag:s12], $0x2000  }
0x10c: {  	[sflag:s12] =	ssyncset.done $0x0  }
0x10d: {  	s21 =	rddreg [dreg:$0xd];
	[sflag:s12] =	ssyncadd.s32 $0xFFFFE000  }
0x10e: {  	[tilespmem:s11], [sflag:$0x1] =	stream.indirect.gather [hbm4b:s3+s7], $0x10, s21, s7, $0xb8;
	[tilespmem:$0xF5A0] =	vst v63  }
0x10f: {  	_ =	swait.ge [sflag:s13], $0x2000  }
0x110: {  	[sflag:s13] =	ssyncset.done $0x0  }
0x111: {  	s21 =	rddreg [dreg:$0xe];
	[sflag:s13] =	ssyncadd.s32 $0xFFFFE000  }
0x112: {  	[tilespmem:s10], [sflag:$0x2] =	stream.indirect.gather [hbm4b:s3+s7], $0x10, s21, s7, $0xb8;
	[tilespmem:$0xF5A0] =	vst v63  }
0x113: {  	_ =	swait.ge [sflag:s14], $0x2000  }
0x114: {  	[sflag:s14] =	ssyncset.done $0x0  }
0x115: {  	s21 =	rddreg [dreg:$0xf];
	[sflag:s14] =	ssyncadd.s32 $0xFFFFE000  }
0x116: {  	[tilespmem:s9], [sflag:$0x3] =	stream.indirect.gather [hbm4b:s3+s7], $0x10, s21, s7, $0xb8;
	[tilespmem:$0xF5A0] =	vst v63  }
0x117: {  	_ =	swait.ge [sflag:s15], $0x2000  }
0x118: {  	[sflag:s15] =	ssyncset.done $0x0  }
0x119: {  	s21 =	rddreg [dreg:$0x10];
	[sflag:s15] =	ssyncadd.s32 $0xFFFFE000  }
0x11a: {  	[tilespmem:s8], [sflag:$0x4] =	stream.indirect.gather [hbm4b:s3+s7], $0x10, s21, s7, $0xb8;
	[tilespmem:$0xF5A0] =	vst v63  }
0x11b: {  	_ =	swait.ge [sflag:s19], $0x2000  }
0x11c: {  	[sflag:s19] =	ssyncset.done $0x0  }
0x11d: {  	s21 =	rddreg [dreg:$0x11];
	[sflag:s19] =	ssyncadd.s32 $0xFFFFE000  }
0x11e: {  	[spmem:s2] =	stream.indirect.scatter.add.f32 [tilespmem:s11], [sflag:$0x5], $0x10, s21, s7, $0xb8;
	[tilespmem:$0xF5A0] =	vst v63  }
0x11f: {  	_ =	swait.ge [sflag:s18], $0x2000  }
0x120: {  	[sflag:s18] =	ssyncset.done $0x0  }
0x121: {  	s21 =	rddreg [dreg:$0x12];
	[sflag:s18] =	ssyncadd.s32 $0xFFFFE000  }
0x122: {  	[spmem:s2] =	stream.indirect.scatter.add.f32 [tilespmem:s10], [sflag:$0x6], $0x10, s21, s7, $0xb8;
	[tilespmem:$0xF5A0] =	vst v63  }
0x123: {  	_ =	swait.ge [sflag:s17], $0x2000  }
0x124: {  	[sflag:s17] =	ssyncset.done $0x0  }
0x125: {  	s21 =	rddreg [dreg:$0x13];
	[sflag:s17] =	ssyncadd.s32 $0xFFFFE000  }
0x126: {  	[spmem:s2] =	stream.indirect.scatter.add.f32 [tilespmem:s9], [sflag:$0x7], $0x10, s21, s7, $0xb8;
	[tilespmem:$0xF5A0] =	vst v63  }
0x127: {  	_ =	swait.ge [sflag:s16], $0x2000  }
0x128: {  	[sflag:s16] =	ssyncset.done $0x0  }
0x129: {  	s21 =	rddreg [dreg:$0x14];
	[sflag:s16] =	ssyncadd.s32 $0xFFFFE000  }
0x12a: {  	[spmem:s2] =	stream.indirect.scatter.add.f32 [tilespmem:s8], [sflag:$0x8], $0x10, s21, s7, $0xb8;
	[tilespmem:$0xF5A0] =	vst v63  }
0x12b: {  	_ =	swait.ge [sflag:s12], $0x2000  }
0x12c: {  	[sflag:s12] =	ssyncset.done $0x0  }
0x12d: {  	s21 =	rddreg [dreg:$0x15];
	[sflag:s12] =	ssyncadd.s32 $0xFFFFE000  }
0x12e: {  	[tilespmem:s11], [sflag:$0x1] =	stream.indirect.gather [hbm4b:s3+s7], $0x10, s21, s7, $0xb8;
	[tilespmem:$0xF5A0] =	vst v63  }
0x12f: {  	_ =	swait.ge [sflag:s13], $0x2000  }
0x130: {  	[sflag:s13] =	ssyncset.done $0x0  }
0x131: {  	s21 =	rddreg [dreg:$0x16];
	[sflag:s13] =	ssyncadd.s32 $0xFFFFE000  }
0x132: {  	[tilespmem:s10], [sflag:$0x2] =	stream.indirect.gather [hbm4b:s3+s7], $0x10, s21, s7, $0xb8;
	[tilespmem:$0xF5A0] =	vst v63  }
0x133: {  	_ =	swait.ge [sflag:s14], $0x2000  }
0x134: {  	[sflag:s14] =	ssyncset.done $0x0  }
0x135: {  	s21 =	rddreg [dreg:$0x17];
	[sflag:s14] =	ssyncadd.s32 $0xFFFFE000  }
0x136: {  	[tilespmem:s9], [sflag:$0x3] =	stream.indirect.gather [hbm4b:s3+s7], $0x10, s21, s7, $0xb8;
	[tilespmem:$0xF5A0] =	vst v63  }
0x137: {  	_ =	swait.ge [sflag:s15], $0x2000  }
0x138: {  	[sflag:s15] =	ssyncset.done $0x0  }
0x139: {  	s21 =	rddreg [dreg:$0x18];
	[sflag:s15] =	ssyncadd.s32 $0xFFFFE000  }
0x13a: {  	[tilespmem:s8], [sflag:$0x4] =	stream.indirect.gather [hbm4b:s3+s7], $0x10, s21, s7, $0xb8;
	[tilespmem:$0xF5A0] =	vst v63  }
0x13b: {  	_ =	swait.ge [sflag:s19], $0x2000  }
0x13c: {  	[sflag:s19] =	ssyncset.done $0x0  }
0x13d: {  	s21 =	rddreg [dreg:$0x19];
	[sflag:s19] =	ssyncadd.s32 $0xFFFFE000  }
0x13e: {  	[spmem:s2] =	stream.indirect.scatter.add.f32 [tilespmem:s11], [sflag:$0x5], $0x10, s21, s7, $0xb8;
	[tilespmem:$0xF5A0] =	vst v63  }
0x13f: {  	_ =	swait.ge [sflag:s18], $0x2000  }
0x140: {  	[sflag:s18] =	ssyncset.done $0x0  }
0x141: {  	s21 =	rddreg [dreg:$0x1a];
	[sflag:s18] =	ssyncadd.s32 $0xFFFFE000  }
0x142: {  	[spmem:s2] =	stream.indirect.scatter.add.f32 [tilespmem:s10], [sflag:$0x6], $0x10, s21, s7, $0xb8;
	[tilespmem:$0xF5A0] =	vst v63  }
0x143: {  	_ =	swait.ge [sflag:s17], $0x2000  }
0x144: {  	[sflag:s17] =	ssyncset.done $0x0  }
0x145: {  	s21 =	rddreg [dreg:$0x1b];
	[sflag:s17] =	ssyncadd.s32 $0xFFFFE000  }
0x146: {  	[spmem:s2] =	stream.indirect.scatter.add.f32 [tilespmem:s9], [sflag:$0x7], $0x10, s21, s7, $0xb8;
	[tilespmem:$0xF5A0] =	vst v63  }
0x147: {  	_ =	swait.ge [sflag:s16], $0x2000  }
0x148: {  	[sflag:s16] =	ssyncset.done $0x0  }
0x149: {  	s21 =	rddreg [dreg:$0x1c];
	[sflag:s16] =	ssyncadd.s32 $0xFFFFE000  }
0x14a: {  	[spmem:s2] =	stream.indirect.scatter.add.f32 [tilespmem:s8], [sflag:$0x8], $0x10, s21, s7, $0xb8;
	[tilespmem:$0xF5A0] =	vst v63  }
0x14b: {  	_ =	swait.ge [sflag:s12], $0x2000  }
0x14c: {  	[sflag:s12] =	ssyncset.done $0x0  }
0x14d: {  	s21 =	rddreg [dreg:$0x1d];
	[sflag:s12] =	ssyncadd.s32 $0xFFFFE000  }
0x14e: {  	[tilespmem:s11], [sflag:$0x1] =	stream.indirect.gather [hbm4b:s3+s7], $0x10, s21, s7, $0xb8;
	[tilespmem:$0xF5A0] =	vst v63  }
0x14f: {  	_ =	swait.ge [sflag:s13], $0x2000  }
0x150: {  	[sflag:s13] =	ssyncset.done $0x0  }
0x151: {  	s21 =	rddreg [dreg:$0x1e];
	[sflag:s13] =	ssyncadd.s32 $0xFFFFE000  }
0x152: {  	[tilespmem:s10], [sflag:$0x2] =	stream.indirect.gather [hbm4b:s3+s7], $0x10, s21, s7, $0xb8;
	[tilespmem:$0xF5A0] =	vst v63  }
0x153: {  	_ =	swait.ge [sflag:s14], $0x2000  }
0x154: {  	[sflag:s14] =	ssyncset.done $0x0  }
0x155: {  	s21 =	rddreg [dreg:$0x1f];
	[sflag:s14] =	ssyncadd.s32 $0xFFFFE000  }
0x156: {  	[tilespmem:s9], [sflag:$0x3] =	stream.indirect.gather [hbm4b:s3+s7], $0x10, s21, s7, $0xb8;
	[tilespmem:$0xF5A0] =	vst v63  }
0x157: {  	_ =	swait.ge [sflag:s15], $0x2000  }
0x158: {  	s21 =	sld [smem:$0x7F9]  }
0x159: {  	[sflag:s15] =	ssyncset.done $0x0  }
0x15a: {  	[sflag:s15] =	ssyncadd.s32 $0xFFFFE000  }
0x15b: {  	[tilespmem:s8], [sflag:$0x4] =	stream.indirect.gather [hbm4b:s3+s7], $0x10, s21, s7, $0xb8;
	[tilespmem:$0xF5A0] =	vst v63  }
0x15c: {  	_ =	swait.ge [sflag:s19], $0x2000  }
0x15d: {  	s21 =	sld [smem:$0x7FA]  }
0x15e: {  	[sflag:s19] =	ssyncset.done $0x0  }
0x15f: {  	[sflag:s19] =	ssyncadd.s32 $0xFFFFE000  }
0x160: {  	[spmem:s2] =	stream.indirect.scatter.add.f32 [tilespmem:s11], [sflag:$0x5], $0x10, s21, s7, $0xb8;
	[tilespmem:$0xF5A0] =	vst v63  }
0x161: {  	_ =	swait.ge [sflag:s18], $0x2000  }
0x162: {  	s21 =	sld [smem:$0x7FB]  }
0x163: {  	[sflag:s18] =	ssyncset.done $0x0  }
0x164: {  	[sflag:s18] =	ssyncadd.s32 $0xFFFFE000  }
0x165: {  	[spmem:s2] =	stream.indirect.scatter.add.f32 [tilespmem:s10], [sflag:$0x6], $0x10, s21, s7, $0xb8;
	[tilespmem:$0xF5A0] =	vst v63  }
0x166: {  	_ =	swait.ge [sflag:s17], $0x2000  }
0x167: {  	s21 =	sld [smem:$0x7FC]  }
0x168: {  	[sflag:s17] =	ssyncset.done $0x0  }
0x169: {  	[sflag:s17] =	ssyncadd.s32 $0xFFFFE000  }
0x16a: {  	[spmem:s2] =	stream.indirect.scatter.add.f32 [tilespmem:s9], [sflag:$0x7], $0x10, s21, s7, $0xb8;
	[tilespmem:$0xF5A0] =	vst v63  }
0x16b: {  	_ =	swait.ge [sflag:s16], $0x2000  }
0x16c: {  	s21 =	sld [smem:$0x7FD]  }
0x16d: {  	[sflag:s16] =	ssyncset.done $0x0  }
0x16e: {  	[sflag:s16] =	ssyncadd.s32 $0xFFFFE000  }
0x16f: {  	[spmem:s2] =	stream.indirect.scatter.add.f32 [tilespmem:s8], [sflag:$0x8], $0x10, s21, s7, $0xb8;
	[tilespmem:$0xF5A0] =	vst v63  }
0x170: {  	_ =	swait.ge [sflag:s12], $0x2000  }
0x171: {  	[sflag:s12] =	ssyncset.done $0x0  }
0x172: {  	[sflag:s12] =	ssyncadd.s32 $0xFFFFE000  }
0x173: {  	[tilespmem:s11], [sflag:$0x1] =	stream.indirect.gather [hbm4b:s3+s7], $0x10, s26, s7, $0xb8;
	[tilespmem:$0xF5A0] =	vst v63  }
0x174: {  	_ =	swait.ge [sflag:s13], $0x2000  }
0x175: {  	[sflag:s13] =	ssyncset.done $0x0  }
0x176: {  	[sflag:s13] =	ssyncadd.s32 $0xFFFFE000  }
0x177: {  	[tilespmem:s10], [sflag:$0x2] =	stream.indirect.gather [hbm4b:s3+s7], $0x10, s29, s7, $0xb8;
	[tilespmem:$0xF5A0] =	vst v63  }
0x178: {  	_ =	swait.ge [sflag:s14], $0x2000  }
0x179: {  	[sflag:s14] =	ssyncset.done $0x0  }
0x17a: {  	s21 =	simm.s32 $0x2400;
	[sflag:s14] =	ssyncadd.s32 $0xFFFFE000  }
0x17b: {  	[tilespmem:s9], [sflag:$0x3] =	stream.indirect.gather [hbm4b:s3+s7], $0x10, s21, s7, $0xb8;
	[tilespmem:$0xF5A0] =	vst v63  }
0x17c: {  	_ =	swait.ge [sflag:s15], $0x2000  }
0x17d: {  	[sflag:s15] =	ssyncset.done $0x0  }
0x17e: {  	[sflag:s15] =	ssyncadd.s32 $0xFFFFE000  }
0x17f: {  	[tilespmem:s8], [sflag:$0x4] =	stream.indirect.gather [hbm4b:s3+s20], $0x10, s28, s20, $0xb8;
	[tilespmem:$0xF5A0] =	vst v63  }
0x180: {  	_ =	swait.ge [sflag:s19], $0x2000  }
0x181: {  	[sflag:s19] =	ssyncset.done $0x0  }
0x182: {  	[sflag:s19] =	ssyncadd.s32 $0xFFFFE000  }
0x183: {  	[spmem:s2] =	stream.indirect.scatter.add.f32 [tilespmem:s11], [sflag:$0x5], $0x10, s25, s7, $0xb8;
	[tilespmem:$0xF5A0] =	vst v63  }
0x184: {  	_ =	swait.ge [sflag:s18], $0x2000  }
0x185: {  	[sflag:s18] =	ssyncset.done $0x0  }
0x186: {  	[sflag:s18] =	ssyncadd.s32 $0xFFFFE000  }
0x187: {  	[spmem:s2] =	stream.indirect.scatter.add.f32 [tilespmem:s10], [sflag:$0x6], $0x10, s24, s7, $0xb8;
	[tilespmem:$0xF5A0] =	vst v63  }
0x188: {  	_ =	swait.ge [sflag:s17], $0x2000  }
0x189: {  	[sflag:s17] =	ssyncset.done $0x0  }
0x18a: {  	[sflag:s17] =	ssyncadd.s32 $0xFFFFE000  }
0x18b: {  	[spmem:s2] =	stream.indirect.scatter.add.f32 [tilespmem:s9], [sflag:$0x7], $0x10, s23, s7, $0xb8;
	[tilespmem:$0xF5A0] =	vst v63  }
0x18c: {  	_ =	swait.ge [sflag:s16], $0x1100  }
0x18d: {  	[sflag:s16] =	ssyncset.done $0x0  }
0x18e: {  	[sflag:s16] =	ssyncadd.s32 $0xFFFFEF00  }
0x18f: {  	[spmem:s2] =	stream.indirect.scatter.add.f32 [tilespmem:s8], [sflag:$0x8], $0x10, s22, s20, $0xb8;
	[tilespmem:$0xF5A0] =	vst v63  }
0x190: {  	_ =	swait.ge [sflag:s12], $0x2000  }
0x191: {  	[sflag:s12] =	ssyncset.done $0x0  }
0x192: {  	[sflag:s12] =	ssyncadd.s32 $0xFFFFE000  }
0x193: {  	_ =	swait.ge [sflag:s13], $0x2000  }
0x194: {  	[sflag:s13] =	ssyncset.done $0x0  }
0x195: {  	[sflag:s13] =	ssyncadd.s32 $0xFFFFE000  }
0x196: {  	_ =	swait.ge [sflag:s14], $0x2000  }
0x197: {  	[sflag:s14] =	ssyncset.done $0x0  }
0x198: {  	[sflag:s14] =	ssyncadd.s32 $0xFFFFE000  }
0x199: {  	_ =	swait.ge [sflag:s15], $0x1100  }
0x19a: {  	[sflag:s15] =	ssyncset.done $0x0  }
0x19b: {  	p1 =	sne.s32 s1, $0x1;
	[sflag:s15] =	ssyncadd.s32 $0xFFFFEF00  }
.Ltmp2:
0x19c: {  	[bflag:$0x0] =	sbarrier.arrive $0xFFFF;
	(pc) =	sbr.rel @p1 .LBB2_4-.Ltmp2, $4  }
0x19d: {  	s21 =	rddreg [dreg:$0x7]  }
0x19e: {  	[hbm:s21], [sflag:s4] =	dma.local [spmem:s5], $0x4F0  }
0x19f: {  	_ =	swait.ge [sflag:s6], $0x4F0  }
0x1a0: {  	s1 =	sadd.s32 $0xFFFFFFFF, s1;
	s0 =	rddreg [dreg:$0x4];
	[sflag:s6] =	ssyncset.done $0x0  }
0x1a1: {  	s22 =	simm.s32 $0x2000;
	s29 =	simm.s32 $0x2200  }
0x1a2: {  	s28 =	simm.s32 $0x2600;
	s26 =	simm.s32 $0x2400;
	s25 =	simm.s32 $0x4710  }
0x1a3: {  	s24 =	simm.s32 $0x4910;
	s23 =	simm.s32 $0x4B10;
	s21 =	stileid.u32  }
.LBB2_6:
0x1a4: {  	[sflag:s6] =	ssyncadd.s32 @p0 $0xFFFFFB10  }
0x1a5: {  	[spmem:s5], [sflag:s4] =	dma.local [hbm:s0], $0x4F0  }
0x1a6: {  	_ =	swait.ge [sflag:s6], $0x4F0  }
0x1a7: {  	[sflag:s6] =	ssyncset.done $0x0  }
0x1a8: {  	s1 =	rddreg [dreg:$0x5];
	[sflag:s6] =	ssyncadd.s32 $0xFFFFFB10  }
0x1a9: {  	[tilespmem:s30], [sflag:$0x9] =	stream.linear.gather [hbm4b:s1+s30], $0x2710, $0x38;
	[tilespmem:$0xF5A0] =	vst v63  }
0x1aa: {  	_ =	swait.ge [sflag:s6], $0x2710  }
0x1ab: {  	[sflag:s6] =	ssyncset.done $0x0  }
0x1ac: {  	s1 =	rddreg [dreg:$0x6];
	[sflag:s6] =	ssyncadd.s32 $0xFFFFD8F0  }
0x1ad: {  	[tilespmem:s31], [sflag:$0x9] =	stream.linear.gather [hbm4b:s1+s30], $0x2710, $0x38;
	[tilespmem:$0xF5A0] =	vst v63  }
0x1ae: {  	_ =	swait.ge [sflag:s6], $0x2710  }
0x1af: {  	[sflag:s6] =	ssyncset.done $0x0  }
0x1b0: {  	[sflag:s6] =	ssyncadd.s32 $0xFFFFD8F0  }
0x1b1: {  	[bflag:$0x0] =	sbarrier.arrive $0xFFFF  }
0x1b2: {  	[tilespmem:s11], [sflag:$0x1] =	stream.indirect.gather [hbm4b:s3+s7], $0x10, s30, s7, $0xb8;
	[tilespmem:$0xF5A0] =	vst v63  }
0x1b3: {  	_ = 	snop  }
0x1b4: {  	[tilespmem:s10], [sflag:$0x2] =	stream.indirect.gather [hbm4b:s3+s7], $0x10, s7, s7, $0xb8;
	[tilespmem:$0xF5A0] =	vst v63  }
0x1b5: {  	s30 =	rddreg [dreg:$0x8]  }
0x1b6: {  	[tilespmem:s9], [sflag:$0x3] =	stream.indirect.gather [hbm4b:s3+s7], $0x10, s30, s7, $0xb8;
	[tilespmem:$0xF5A0] =	vst v63  }
0x1b7: {  	s1 =	rddreg [dreg:$0x9]  }
0x1b8: {  	[tilespmem:s8], [sflag:$0x4] =	stream.indirect.gather [hbm4b:s3+s7], $0x10, s1, s7, $0xb8;
	[tilespmem:$0xF5A0] =	vst v63  }
0x1b9: {  	_ =	swait.ge [sflag:s19], $0x2000  }
0x1ba: {  	[sflag:s19] =	ssyncset.done $0x0  }
0x1bb: {  	[sflag:s19] =	ssyncadd.s32 $0xFFFFE000  }
0x1bc: {  	[spmem:s2] =	stream.indirect.scatter.add.f32 [tilespmem:s11], [sflag:$0x5], $0x10, s31, s7, $0xb8;
	[tilespmem:$0xF5A0] =	vst v63  }
0x1bd: {  	_ =	swait.ge [sflag:s18], $0x2000  }
0x1be: {  	[sflag:s18] =	ssyncset.done $0x0  }
0x1bf: {  	s30 =	rddreg [dreg:$0xa];
	[sflag:s18] =	ssyncadd.s32 $0xFFFFE000  }
0x1c0: {  	[spmem:s2] =	stream.indirect.scatter.add.f32 [tilespmem:s10], [sflag:$0x6], $0x10, s30, s7, $0xb8;
	[tilespmem:$0xF5A0] =	vst v63  }
0x1c1: {  	_ =	swait.ge [sflag:s17], $0x2000  }
0x1c2: {  	[sflag:s17] =	ssyncset.done $0x0  }
0x1c3: {  	s31 =	rddreg [dreg:$0xb];
	[sflag:s17] =	ssyncadd.s32 $0xFFFFE000  }
0x1c4: {  	[spmem:s2] =	stream.indirect.scatter.add.f32 [tilespmem:s9], [sflag:$0x7], $0x10, s31, s7, $0xb8;
	[tilespmem:$0xF5A0] =	vst v63  }
0x1c5: {  	_ =	swait.ge [sflag:s16], $0x2000  }
0x1c6: {  	[sflag:s16] =	ssyncset.done $0x0  }
0x1c7: {  	s1 =	rddreg [dreg:$0xc];
	[sflag:s16] =	ssyncadd.s32 $0xFFFFE000  }
0x1c8: {  	[spmem:s2] =	stream.indirect.scatter.add.f32 [tilespmem:s8], [sflag:$0x8], $0x10, s1, s7, $0xb8;
	[tilespmem:$0xF5A0] =	vst v63  }
0x1c9: {  	_ =	swait.ge [sflag:s12], $0x2000  }
0x1ca: {  	[sflag:s12] =	ssyncset.done $0x0  }
0x1cb: {  	s30 =	rddreg [dreg:$0xd];
	[sflag:s12] =	ssyncadd.s32 $0xFFFFE000  }
0x1cc: {  	[tilespmem:s11], [sflag:$0x1] =	stream.indirect.gather [hbm4b:s3+s7], $0x10, s30, s7, $0xb8;
	[tilespmem:$0xF5A0] =	vst v63  }
0x1cd: {  	_ =	swait.ge [sflag:s13], $0x2000  }
0x1ce: {  	[sflag:s13] =	ssyncset.done $0x0  }
0x1cf: {  	s31 =	rddreg [dreg:$0xe];
	[sflag:s13] =	ssyncadd.s32 $0xFFFFE000  }
0x1d0: {  	[tilespmem:s10], [sflag:$0x2] =	stream.indirect.gather [hbm4b:s3+s7], $0x10, s31, s7, $0xb8;
	[tilespmem:$0xF5A0] =	vst v63  }
0x1d1: {  	_ =	swait.ge [sflag:s14], $0x2000  }
0x1d2: {  	[sflag:s14] =	ssyncset.done $0x0  }
0x1d3: {  	s1 =	rddreg [dreg:$0xf];
	[sflag:s14] =	ssyncadd.s32 $0xFFFFE000  }
0x1d4: {  	[tilespmem:s9], [sflag:$0x3] =	stream.indirect.gather [hbm4b:s3+s7], $0x10, s1, s7, $0xb8;
	[tilespmem:$0xF5A0] =	vst v63  }
0x1d5: {  	_ =	swait.ge [sflag:s15], $0x2000  }
0x1d6: {  	[sflag:s15] =	ssyncset.done $0x0  }
0x1d7: {  	s30 =	rddreg [dreg:$0x10];
	[sflag:s15] =	ssyncadd.s32 $0xFFFFE000  }
0x1d8: {  	[tilespmem:s8], [sflag:$0x4] =	stream.indirect.gather [hbm4b:s3+s7], $0x10, s30, s7, $0xb8;
	[tilespmem:$0xF5A0] =	vst v63  }
0x1d9: {  	_ =	swait.ge [sflag:s19], $0x2000  }
0x1da: {  	[sflag:s19] =	ssyncset.done $0x0  }
0x1db: {  	s31 =	rddreg [dreg:$0x11];
	[sflag:s19] =	ssyncadd.s32 $0xFFFFE000  }
0x1dc: {  	[spmem:s2] =	stream.indirect.scatter.add.f32 [tilespmem:s11], [sflag:$0x5], $0x10, s31, s7, $0xb8;
	[tilespmem:$0xF5A0] =	vst v63  }
0x1dd: {  	_ =	swait.ge [sflag:s18], $0x2000  }
0x1de: {  	[sflag:s18] =	ssyncset.done $0x0  }
0x1df: {  	s1 =	rddreg [dreg:$0x12];
	[sflag:s18] =	ssyncadd.s32 $0xFFFFE000  }
0x1e0: {  	[spmem:s2] =	stream.indirect.scatter.add.f32 [tilespmem:s10], [sflag:$0x6], $0x10, s1, s7, $0xb8;
	[tilespmem:$0xF5A0] =	vst v63  }
0x1e1: {  	_ =	swait.ge [sflag:s17], $0x2000  }
0x1e2: {  	[sflag:s17] =	ssyncset.done $0x0  }
0x1e3: {  	s30 =	rddreg [dreg:$0x13];
	[sflag:s17] =	ssyncadd.s32 $0xFFFFE000  }
0x1e4: {  	[spmem:s2] =	stream.indirect.scatter.add.f32 [tilespmem:s9], [sflag:$0x7], $0x10, s30, s7, $0xb8;
	[tilespmem:$0xF5A0] =	vst v63  }
0x1e5: {  	_ =	swait.ge [sflag:s16], $0x2000  }
0x1e6: {  	[sflag:s16] =	ssyncset.done $0x0  }
0x1e7: {  	s31 =	rddreg [dreg:$0x14];
	[sflag:s16] =	ssyncadd.s32 $0xFFFFE000  }
0x1e8: {  	[spmem:s2] =	stream.indirect.scatter.add.f32 [tilespmem:s8], [sflag:$0x8], $0x10, s31, s7, $0xb8;
	[tilespmem:$0xF5A0] =	vst v63  }
0x1e9: {  	_ =	swait.ge [sflag:s12], $0x2000  }
0x1ea: {  	[sflag:s12] =	ssyncset.done $0x0  }
0x1eb: {  	s1 =	rddreg [dreg:$0x15];
	[sflag:s12] =	ssyncadd.s32 $0xFFFFE000  }
0x1ec: {  	[tilespmem:s11], [sflag:$0x1] =	stream.indirect.gather [hbm4b:s3+s7], $0x10, s1, s7, $0xb8;
	[tilespmem:$0xF5A0] =	vst v63  }
0x1ed: {  	_ =	swait.ge [sflag:s13], $0x2000  }
0x1ee: {  	[sflag:s13] =	ssyncset.done $0x0  }
0x1ef: {  	s30 =	rddreg [dreg:$0x16];
	[sflag:s13] =	ssyncadd.s32 $0xFFFFE000  }
0x1f0: {  	[tilespmem:s10], [sflag:$0x2] =	stream.indirect.gather [hbm4b:s3+s7], $0x10, s30, s7, $0xb8;
	[tilespmem:$0xF5A0] =	vst v63  }
0x1f1: {  	_ =	swait.ge [sflag:s14], $0x2000  }
0x1f2: {  	[sflag:s14] =	ssyncset.done $0x0  }
0x1f3: {  	s31 =	rddreg [dreg:$0x17];
	[sflag:s14] =	ssyncadd.s32 $0xFFFFE000  }
0x1f4: {  	[tilespmem:s9], [sflag:$0x3] =	stream.indirect.gather [hbm4b:s3+s7], $0x10, s31, s7, $0xb8;
	[tilespmem:$0xF5A0] =	vst v63  }
0x1f5: {  	_ =	swait.ge [sflag:s15], $0x2000  }
0x1f6: {  	[sflag:s15] =	ssyncset.done $0x0  }
0x1f7: {  	s1 =	rddreg [dreg:$0x18];
	[sflag:s15] =	ssyncadd.s32 $0xFFFFE000  }
0x1f8: {  	[tilespmem:s8], [sflag:$0x4] =	stream.indirect.gather [hbm4b:s3+s7], $0x10, s1, s7, $0xb8;
	[tilespmem:$0xF5A0] =	vst v63  }
0x1f9: {  	_ =	swait.ge [sflag:s19], $0x2000  }
0x1fa: {  	[sflag:s19] =	ssyncset.done $0x0  }
0x1fb: {  	s30 =	rddreg [dreg:$0x19];
	[sflag:s19] =	ssyncadd.s32 $0xFFFFE000  }
0x1fc: {  	[spmem:s2] =	stream.indirect.scatter.add.f32 [tilespmem:s11], [sflag:$0x5], $0x10, s30, s7, $0xb8;
	[tilespmem:$0xF5A0] =	vst v63  }
0x1fd: {  	_ =	swait.ge [sflag:s18], $0x2000  }
0x1fe: {  	[sflag:s18] =	ssyncset.done $0x0  }
0x1ff: {  	s31 =	rddreg [dreg:$0x1a];
	[sflag:s18] =	ssyncadd.s32 $0xFFFFE000  }
0x200: {  	[spmem:s2] =	stream.indirect.scatter.add.f32 [tilespmem:s10], [sflag:$0x6], $0x10, s31, s7, $0xb8;
	[tilespmem:$0xF5A0] =	vst v63  }
0x201: {  	_ =	swait.ge [sflag:s17], $0x2000  }
0x202: {  	[sflag:s17] =	ssyncset.done $0x0  }
0x203: {  	s1 =	rddreg [dreg:$0x1b];
	[sflag:s17] =	ssyncadd.s32 $0xFFFFE000  }
0x204: {  	[spmem:s2] =	stream.indirect.scatter.add.f32 [tilespmem:s9], [sflag:$0x7], $0x10, s1, s7, $0xb8;
	[tilespmem:$0xF5A0] =	vst v63  }
0x205: {  	_ =	swait.ge [sflag:s16], $0x2000  }
0x206: {  	[sflag:s16] =	ssyncset.done $0x0  }
0x207: {  	s30 =	rddreg [dreg:$0x1c];
	[sflag:s16] =	ssyncadd.s32 $0xFFFFE000  }
0x208: {  	[spmem:s2] =	stream.indirect.scatter.add.f32 [tilespmem:s8], [sflag:$0x8], $0x10, s30, s7, $0xb8;
	[tilespmem:$0xF5A0] =	vst v63  }
0x209: {  	_ =	swait.ge [sflag:s12], $0x2000  }
0x20a: {  	[sflag:s12] =	ssyncset.done $0x0  }
0x20b: {  	s31 =	rddreg [dreg:$0x1d];
	[sflag:s12] =	ssyncadd.s32 $0xFFFFE000  }
0x20c: {  	[tilespmem:s11], [sflag:$0x1] =	stream.indirect.gather [hbm4b:s3+s7], $0x10, s31, s7, $0xb8;
	[tilespmem:$0xF5A0] =	vst v63  }
0x20d: {  	_ =	swait.ge [sflag:s13], $0x2000  }
0x20e: {  	[sflag:s13] =	ssyncset.done $0x0  }
0x20f: {  	s1 =	rddreg [dreg:$0x1e];
	[sflag:s13] =	ssyncadd.s32 $0xFFFFE000  }
0x210: {  	[tilespmem:s10], [sflag:$0x2] =	stream.indirect.gather [hbm4b:s3+s7], $0x10, s1, s7, $0xb8;
	[tilespmem:$0xF5A0] =	vst v63  }
0x211: {  	_ =	swait.ge [sflag:s14], $0x2000  }
0x212: {  	[sflag:s14] =	ssyncset.done $0x0  }
0x213: {  	s30 =	rddreg [dreg:$0x1f];
	[sflag:s14] =	ssyncadd.s32 $0xFFFFE000  }
0x214: {  	[tilespmem:s9], [sflag:$0x3] =	stream.indirect.gather [hbm4b:s3+s7], $0x10, s30, s7, $0xb8;
	[tilespmem:$0xF5A0] =	vst v63  }
0x215: {  	_ =	swait.ge [sflag:s15], $0x2000  }
0x216: {  	s31 =	sld [smem:$0x7F9]  }
0x217: {  	[sflag:s15] =	ssyncset.done $0x0  }
0x218: {  	[sflag:s15] =	ssyncadd.s32 $0xFFFFE000  }
0x219: {  	[tilespmem:s8], [sflag:$0x4] =	stream.indirect.gather [hbm4b:s3+s7], $0x10, s31, s7, $0xb8;
	[tilespmem:$0xF5A0] =	vst v63  }
0x21a: {  	_ =	swait.ge [sflag:s19], $0x2000  }
0x21b: {  	s1 =	sld [smem:$0x7FA]  }
0x21c: {  	[sflag:s19] =	ssyncset.done $0x0  }
0x21d: {  	[sflag:s19] =	ssyncadd.s32 $0xFFFFE000  }
0x21e: {  	[spmem:s2] =	stream.indirect.scatter.add.f32 [tilespmem:s11], [sflag:$0x5], $0x10, s1, s7, $0xb8;
	[tilespmem:$0xF5A0] =	vst v63  }
0x21f: {  	_ =	swait.ge [sflag:s18], $0x2000  }
0x220: {  	s30 =	sld [smem:$0x7FB]  }
0x221: {  	[sflag:s18] =	ssyncset.done $0x0  }
0x222: {  	[sflag:s18] =	ssyncadd.s32 $0xFFFFE000  }
0x223: {  	[spmem:s2] =	stream.indirect.scatter.add.f32 [tilespmem:s10], [sflag:$0x6], $0x10, s30, s7, $0xb8;
	[tilespmem:$0xF5A0] =	vst v63  }
0x224: {  	_ =	swait.ge [sflag:s17], $0x2000  }
0x225: {  	s31 =	sld [smem:$0x7FC]  }
0x226: {  	[sflag:s17] =	ssyncset.done $0x0  }
0x227: {  	[sflag:s17] =	ssyncadd.s32 $0xFFFFE000  }
0x228: {  	[spmem:s2] =	stream.indirect.scatter.add.f32 [tilespmem:s9], [sflag:$0x7], $0x10, s31, s7, $0xb8;
	[tilespmem:$0xF5A0] =	vst v63  }
0x229: {  	_ =	swait.ge [sflag:s16], $0x2000  }
0x22a: {  	s1 =	sld [smem:$0x7FD]  }
0x22b: {  	[sflag:s16] =	ssyncset.done $0x0  }
0x22c: {  	[sflag:s16] =	ssyncadd.s32 $0xFFFFE000  }
0x22d: {  	[spmem:s2] =	stream.indirect.scatter.add.f32 [tilespmem:s8], [sflag:$0x8], $0x10, s1, s7, $0xb8;
	[tilespmem:$0xF5A0] =	vst v63  }
0x22e: {  	_ =	swait.ge [sflag:s12], $0x2000  }
0x22f: {  	[sflag:s12] =	ssyncset.done $0x0  }
0x230: {  	[sflag:s12] =	ssyncadd.s32 $0xFFFFE000  }
0x231: {  	[tilespmem:s11], [sflag:$0x1] =	stream.indirect.gather [hbm4b:s3+s7], $0x10, s22, s7, $0xb8;
	[tilespmem:$0xF5A0] =	vst v63  }
0x232: {  	_ =	swait.ge [sflag:s13], $0x2000  }
0x233: {  	[sflag:s13] =	ssyncset.done $0x0  }
0x234: {  	[sflag:s13] =	ssyncadd.s32 $0xFFFFE000  }
0x235: {  	[tilespmem:s10], [sflag:$0x2] =	stream.indirect.gather [hbm4b:s3+s7], $0x10, s29, s7, $0xb8;
	[tilespmem:$0xF5A0] =	vst v63  }
0x236: {  	_ =	swait.ge [sflag:s14], $0x2000  }
0x237: {  	[sflag:s14] =	ssyncset.done $0x0  }
0x238: {  	[sflag:s14] =	ssyncadd.s32 $0xFFFFE000  }
0x239: {  	[tilespmem:s9], [sflag:$0x3] =	stream.indirect.gather [hbm4b:s3+s7], $0x10, s26, s7, $0xb8;
	[tilespmem:$0xF5A0] =	vst v63  }
0x23a: {  	_ =	swait.ge [sflag:s15], $0x2000  }
0x23b: {  	[sflag:s15] =	ssyncset.done $0x0  }
0x23c: {  	[sflag:s15] =	ssyncadd.s32 $0xFFFFE000  }
0x23d: {  	[tilespmem:s8], [sflag:$0x4] =	stream.indirect.gather [hbm4b:s3+s20], $0x10, s28, s20, $0xb8;
	[tilespmem:$0xF5A0] =	vst v63  }
0x23e: {  	_ =	swait.ge [sflag:s19], $0x2000  }
0x23f: {  	[sflag:s19] =	ssyncset.done $0x0  }
0x240: {  	[sflag:s19] =	ssyncadd.s32 $0xFFFFE000  }
0x241: {  	[spmem:s2] =	stream.indirect.scatter.add.f32 [tilespmem:s11], [sflag:$0x5], $0x10, s25, s7, $0xb8;
	[tilespmem:$0xF5A0] =	vst v63  }
0x242: {  	_ =	swait.ge [sflag:s18], $0x2000  }
0x243: {  	[sflag:s18] =	ssyncset.done $0x0  }
0x244: {  	[sflag:s18] =	ssyncadd.s32 $0xFFFFE000  }
0x245: {  	[spmem:s2] =	stream.indirect.scatter.add.f32 [tilespmem:s10], [sflag:$0x6], $0x10, s24, s7, $0xb8;
	[tilespmem:$0xF5A0] =	vst v63  }
0x246: {  	_ =	swait.ge [sflag:s17], $0x2000  }
0x247: {  	[sflag:s17] =	ssyncset.done $0x0  }
0x248: {  	[sflag:s17] =	ssyncadd.s32 $0xFFFFE000  }
0x249: {  	[spmem:s2] =	stream.indirect.scatter.add.f32 [tilespmem:s9], [sflag:$0x7], $0x10, s23, s7, $0xb8;
	[tilespmem:$0xF5A0] =	vst v63  }
0x24a: {  	_ =	swait.ge [sflag:s16], $0x1100  }
0x24b: {  	[sflag:s16] =	ssyncset.done $0x0  }
0x24c: {  	s30 =	simm.s32 $0x4D10;
	[sflag:s16] =	ssyncadd.s32 $0xFFFFEF00  }
0x24d: {  	[spmem:s2] =	stream.indirect.scatter.add.f32 [tilespmem:s8], [sflag:$0x8], $0x10, s30, s20, $0xb8;
	[tilespmem:$0xF5A0] =	vst v63  }
0x24e: {  	_ =	swait.ge [sflag:s12], $0x2000  }
0x24f: {  	[sflag:s12] =	ssyncset.done $0x0  }
0x250: {  	[sflag:s12] =	ssyncadd.s32 $0xFFFFE000  }
0x251: {  	_ =	swait.ge [sflag:s13], $0x2000  }
0x252: {  	[sflag:s13] =	ssyncset.done $0x0  }
0x253: {  	[sflag:s13] =	ssyncadd.s32 $0xFFFFE000  }
0x254: {  	_ =	swait.ge [sflag:s14], $0x2000  }
0x255: {  	[sflag:s14] =	ssyncset.done $0x0  }
0x256: {  	[sflag:s14] =	ssyncadd.s32 $0xFFFFE000  }
0x257: {  	_ =	swait.ge [sflag:s15], $0x1100  }
0x258: {  	[sflag:s15] =	ssyncset.done $0x0  }
0x259: {  	[sflag:s15] =	ssyncadd.s32 $0xFFFFEF00  }
0x25a: {  	[bflag:$0x0] =	sbarrier.arrive $0xFFFF  }
0x25b: {  	s31 =	rddreg [dreg:$0x7]  }
0x25c: {  	[hbm:s31], [sflag:s4] =	dma.local [spmem:s5], $0x4F0  }
0x25d: {  	_ =	swait.ge [sflag:s6], $0x4F0  }
0x25e: {  	[sflag:s6] =	ssyncset.done $0x0  }
0x25f: {  	[sflag:s6] =	ssyncadd.s32 $0xFFFFFB10  }
0x260: {  	_ =	sfence.sel $0x180000  }
0x261: {  	[bflag:$0x0] =	sbarrier.arrive $0xFFFF  }
0x262: {  	_ =	strace $0x9000004A  }
0x263: {  	[bflag:$0x2] =	sbarrier.arrive $0xFFFF  }
0x264: {  	p0 =	sne.s32 s21, $0x0;
	s0 =	rddreg [dreg:$0x3]  }
0x265: {  	s0 =	sadd.s32 @!p0 $0x100000, s0  }
0x266: {  	[sflag:s0] =	ssyncadd.tile.s32 @!p0 $0x1;
	_ =	shalt  }
.LBB2_1:
.Ltmp3:
0x267: {  	(pc) =	sbr.rel .LBB2_6-.Ltmp3, $4  }
0x268: {  	_ = 	snop  }
0x269: {  	s22 =	simm.s32 $0x2000  }
0x26a: {  	s29 =	simm.s32 $0x2200;
	s28 =	simm.s32 $0x2600;
	s26 =	simm.s32 $0x2400  }
0x26b: {  	s25 =	simm.s32 $0x4710;
	s24 =	simm.s32 $0x4910;
	s23 =	simm.s32 $0x4B10  }
.LBB2_3:
.Ltmp4:
0x26c: {  	(pc) =	sbr.rel .LBB2_6-.Ltmp4, $4  }
0x26d: {  	_ = 	snop  }
0x26e: {  	s22 =	simm.s32 $0x2000;
	s29 =	simm.s32 $0x2200  }
0x26f: {  	s28 =	simm.s32 $0x2600;
	s26 =	simm.s32 $0x2400;
	s25 =	simm.s32 $0x4710  }
0x270: {  	s24 =	simm.s32 $0x4910;
	s23 =	simm.s32 $0x4B10;
	s21 =	stileid.u32  }
.Lfunc_end2:
_tile_overlayer_lowered:
.L_overlay_start_2:
0x271: {  	(tag) =	ssettag $0x2  }
0x272: {  	s0 =	rddreg [dreg:$0x0];
	s2 =	stileid.u32  }
0x273: {  	s1 =	rddreg [dreg:$0x1];
	p0 =	sne.s32 s2, $0x0  }
0x274: {  	s3 =	rddreg [dreg:$0x2];
	[bflag:$0x3] =	sbarrier.arrive $0xFFFF;
	s2 =	simm.s32 @!p0 $0x1C09  }
0x275: {  	[timem:s3], [sflag:s2] =	dma.local @!p0 [hbm:s0], s1  }
0x276: {  	s0 =	simm.s32 @!p0 $0x9  }
0x277: {  	_ =	swait.ge @!p0 [sflag:s0], s1  }
0x278: {  	s1 =	ssub.s32 @!p0 $0x0, s1;
	[sflag:s0] =	ssyncset.done @!p0 $0x0  }
0x279: {  	[sflag:s0] =	ssyncadd.s32 @!p0 s1  }
0x27a: {  	[bflag:$0x3] =	sbarrier.arrive $0xFFFF  }
0x27b: {  	_ =	shalt  }

// kernel: kernel.14.cloned.1.call-start
scs
__scs_entry_jumppad:
0x0: {  	(pc) =	sbr.rel $0x88, $3  }
0x1: {  	(tag) =	ssettag $0x0;
	lr =	simm.s32 $0x1  }
0x2: {  	[smem:$0x3F9B] =	sst lr;
	_ =	strace $0xD0000000  }
0x3: {  	_ = 	snop  }
0x4: {  	_ = 	snop  }
0x5: {  	_ = 	snop  }
0x6: {  	_ = 	snop  }
0x7: {  	_ = 	snop  }
__scs_overlays_trampoline_lowered:
0x8: {  	[smem:$0x3FAA] =	sst s0  }
0x9: {  	[smem:$0x3FAB] =	sst s1  }
0xa: {  	[smem:$0x3FAC] =	sst s2  }
0xb: {  	[smem:$0x3FAD] =	sst s3  }
0xc: {  	[smem:$0x3FAE] =	sst s4  }
0xd: {  	[smem:$0x3FAF] =	sst s5  }
0xe: {  	[smem:$0x3FB0] =	sst s6  }
0xf: {  	[smem:$0x3FB1] =	sst s7  }
0x10: {  	[smem:$0x3FB2] =	sst s8  }
0x11: {  	[smem:$0x3FB3] =	sst s9;
	s0 =	simm.s32 @!p0 $0x0  }
0x12: {  	s1 =	sld [smem:$0x3F99];
	s0 =	simm.s32 @p0 $0x1  }
0x13: {  	[smem:$0x3FB4] =	sst s0;
	s0 =	simm.s32 @!p1 $0x0  }
0x14: {  	s2 =	sld [smem:$0x3F98];
	s0 =	simm.s32 @p1 $0x1  }
0x15: {  	[smem:$0x3FB5] =	sst s0;
	s0 =	simm.s32 @!p2 $0x0  }
0x16: {  	s3 =	sld [smem:$0x3FDB];
	s0 =	simm.s32 @p2 $0x1  }
0x17: {  	s4 =	simm.s32 $0x1BF5;
	[smem:$0x3FB7] =	sst s0  }
0x18: {  	s0 =	sld [smem:$0x3F9A];
	_ =	swait.ge [sflag:s4], $0x0  }
0x19: {  	s7 =	sld [smem:$0x3F9B]  }
0x1a: {  	s8 =	sadd.s32 $0xFFFFE003, lr  }
0x1b: {  	s9 =	sadd.s32 $0xFFFFFEF7, lr;
	s5 =	simm.s32 $0xFFFFFFFF;
	p2 =	slt.u32 s8, $0xFFFFF086  }
0x1c: {  	p1 =	slt.u32 s9, $0xF7A;
	s5 =	simm.s32 @!p2 $0x0  }
0x1d: {  	s5 =	simm.s32 @p1 $0x1;
	p0 =	seq.s32 s7, s2  }
0x1e: {  	s7 =	smul.u32 @!p0 $0xF7A, s2;
	p2 =	seq.s32 @!p0 s5, $0x0  }
0x1f: {  	s9 =	smul.u32 $0xF7A, s1;
	s8 =	simm.s32 @!p0 $0x1BF5;
	p2 =	por !p2, p0  }
0x20: {  	[sflag:s8] =	ssyncset.s32 @!p0 $0xFFFFF086;
	s6 =	sadd.s32 @!p0 s3, s7;
	s7 =	simm.s32 @!p0 $0x108  }
0x21: {  	s3 =	sadd.s32 s3, s9;
	s6 =	sadd.s32 @!p0 $0x88, s6;
	s7 =	simm.s32 @p2 $0x1082  }
0x22: {  	[simem:s7], [sflag:s8] =	dma.local @!p0 [hbm:s6], $0xF7A  }
0x23: {  	s9 =	sor.u32 $0xD0000000, s2;
	s6 =	simm.s32 $0x108;
	_ =	swait.ge @!p0 [sflag:s8], $0x0  }
0x24: {  	s3 =	sadd.s32 $0x88, s3;
	s6 =	simm.s32 @!p1 $0x1082;
	[sflag:s4] =	ssyncset.s32 $0xFFFFF086  }
0x25: {  	[simem:s6], [sflag:s4] =	dma.local [hbm:s3], $0xF7A  }
0x26: {  	[smem:$0x3F9B] =	sst s1;
	(tag) =	ssettag s2;
	_ =	strace s9  }
0x27: {  	s1 =	sld [smem:$0x3FAB]  }
0x28: {  	s2 =	sld [smem:$0x3FAC]  }
0x29: {  	s4 =	sld [smem:$0x3FAE]  }
0x2a: {  	p0 =	seq.s32 s5, $0x0;
	s5 =	sld [smem:$0x3FAF]  }
0x2b: {  	s6 =	sld [smem:$0x3FB0]  }
0x2c: {  	s7 =	sld [smem:$0x3FB1]  }
0x2d: {  	s3 =	simm.s32 $0x108;
	s8 =	sld [smem:$0x3FB2]  }
0x2e: {  	s3 =	simm.s32 @!p0 $0x1082;
	s9 =	sld [smem:$0x3FB3]  }
0x2f: {  	lr =	sadd.s32 s0, s3;
	s0 =	sld [smem:$0x3FAA]  }
0x30: {  	s3 =	sld [smem:$0x3FAD]  }
0x31: {  	[smem:$0x3FB6] =	sst s10  }
0x32: {  	s10 =	sld [smem:$0x3FB4];
	_ =	sdelay $0x3  }
0x33: {  	p0 =	seq.s32 s10, $0x1;
	s10 =	sld [smem:$0x3FB6];
	_ =	sdelay $0x3  }
0x34: {  	[smem:$0x3FB6] =	sst s10  }
0x35: {  	s10 =	sld [smem:$0x3FB5];
	_ =	sdelay $0x3  }
0x36: {  	p1 =	seq.s32 s10, $0x1;
	s10 =	sld [smem:$0x3FB6];
	_ =	sdelay $0x3  }
0x37: {  	[smem:$0x3FB6] =	sst s10  }
0x38: {  	s10 =	sld [smem:$0x3FB7]  }
0x39: {  	_ = 	snop;
	(pc) =	sbr.ind lr, $3  }
0x3a: {  	_ = 	snop  }
0x3b: {  	_ = 	snop  }
0x3c: {  	p2 =	seq.s32 s10, $0x1;
	s10 =	sld [smem:$0x3FB6]  }
0x3d: {  	_ =	shalt  }
0x3e: {  	_ =	shalt  }
0x3f: {  	_ =	shalt  }
0x40: {  	_ =	shalt  }
0x41: {  	_ =	shalt  }
0x42: {  	_ =	shalt  }
0x43: {  	_ =	shalt  }
0x44: {  	_ =	shalt  }
0x45: {  	_ =	shalt  }
0x46: {  	_ =	shalt  }
0x47: {  	_ =	shalt  }
0x48: {  	_ =	shalt  }
0x49: {  	_ =	shalt  }
0x4a: {  	_ =	shalt  }
0x4b: {  	_ =	shalt  }
0x4c: {  	_ =	shalt  }
0x4d: {  	_ =	shalt  }
0x4e: {  	_ =	shalt  }
0x4f: {  	_ =	shalt  }
0x50: {  	_ =	shalt  }
0x51: {  	_ =	shalt  }
0x52: {  	_ =	shalt  }
0x53: {  	_ =	shalt  }
0x54: {  	_ =	shalt  }
0x55: {  	_ =	shalt  }
0x56: {  	_ =	shalt  }
0x57: {  	_ =	shalt  }
0x58: {  	_ =	shalt  }
0x59: {  	_ =	shalt  }
0x5a: {  	_ =	shalt  }
0x5b: {  	_ =	shalt  }
0x5c: {  	_ =	shalt  }
0x5d: {  	_ =	shalt  }
0x5e: {  	_ =	shalt  }
0x5f: {  	_ =	shalt  }
0x60: {  	_ =	shalt  }
0x61: {  	_ =	shalt  }
0x62: {  	_ =	shalt  }
0x63: {  	_ =	shalt  }
0x64: {  	_ =	shalt  }
0x65: {  	_ =	shalt  }
0x66: {  	_ =	shalt  }
0x67: {  	_ =	shalt  }
0x68: {  	_ =	shalt  }
0x69: {  	_ =	shalt  }
0x6a: {  	_ =	shalt  }
0x6b: {  	_ =	shalt  }
0x6c: {  	_ =	shalt  }
0x6d: {  	_ =	shalt  }
0x6e: {  	_ =	shalt  }
0x6f: {  	_ =	shalt  }
0x70: {  	_ =	shalt  }
0x71: {  	_ =	shalt  }
0x72: {  	_ =	shalt  }
0x73: {  	_ =	shalt  }
0x74: {  	_ =	shalt  }
0x75: {  	_ =	shalt  }
0x76: {  	_ =	shalt  }
0x77: {  	_ =	shalt  }
0x78: {  	_ =	shalt  }
0x79: {  	_ =	shalt  }
0x7a: {  	_ =	shalt  }
0x7b: {  	_ =	shalt  }
0x7c: {  	_ =	shalt  }
0x7d: {  	_ =	shalt  }
0x7e: {  	_ =	shalt  }
0x7f: {  	_ =	shalt  }
0x80: {  	_ =	shalt  }
0x81: {  	_ =	shalt  }
0x82: {  	_ =	shalt  }
0x83: {  	_ =	shalt  }
0x84: {  	_ =	shalt  }
0x85: {  	_ =	shalt  }
0x86: {  	_ =	shalt  }
0x87: {  	_ =	shalt  }
.Lfunc_end0:
.L_simem_size_0:
called_computation.2_lowered:
.L_overlay_start_0:
0x88: {  	s2 =	sld [smem:$0x3FD9]  }
0x89: {  	s3 =	sld [smem:$0x3FFE];
	_ =	sdelay $0x1  }
0x8a: {  	s1 =	srdreg.scid  }
0x8b: {  	s0 =	sand.u32 $0x1, s1  }
0x8c: {  	s17 =	sshll.u32 s0, $0xA;
	s2 =	sadd.s32 s3, s2  }
0x8d: {  	s2 =	sadd.s32 s2, s17  }
0x8e: {  	[smem:$0x3FC2] =	sst s2  }
0x8f: {  	_ = 	snop  }
0x90: {  	s2 =	sld [smem:$0x3FD0];
	(tm) =	ssettm $0x1  }
0x91: {  	s18 =	sld [smem:$0x3FFB];
	_ =	sdelay $0x3  }
0x92: {  	_ =	strace s18  }
0x93: {  	s3 =	sld [smem:$0x3FFC];
	_ =	sdelay $0x3  }
0x94: {  	_ =	strace s3  }
0x95: {  	s3 =	sld [smem:$0x3FFD];
	_ =	sdelay $0x3  }
0x96: {  	_ =	strace s3  }
0x97: {  	_ =	strace $0x8FFFFFFF  }
0x98: {  	s19 =	sld [smem:$0x3FDB];
	_ =	sdelay $0x1  }
0x99: {  	s4 =	simm.s32 $_scs_section_size  }
0x9a: {  	s5 =	simm.s32 $_size__tile_overlayer_lowered;
	s6 =	simm.s32 $_tile_overlayer_lowered  }
0x9b: {  	s22 =	simm.s32 $0x1BFF;
	s21 =	sshll.u32 s6, $0x1;
	s3 =	sadd.s32 s4, s19  }
0x9c: {  	s7 =	simm.s32 $0x0;
	s20 =	sshll.u32 s5, $0x1;
	s5 =	sadd.s32 s21, s3  }
0x9d: {  	[timem:s7], [sflag:s22] =	dma.local [hbm:s5], s20  }
0x9e: {  	_ =	swait.ge [sflag:s22], s20  }
0x9f: {  	s4 =	ssub.s32 $0x0, s20;
	[sflag:s22] =	ssyncset.done $0x0  }
0xa0: {  	[sflag:s22] =	ssyncadd.s32 s4;
	_ =	sdelay $0x1  }
0xa1: {  	s23 =	simm.s32 $0x1B8B  }
0xa2: {  	_ =	swait.ge [sflag:s23], $0x1  }
0xa3: {  	[sflag:s23] =	ssyncset.done $0x0  }
0xa4: {  	s25 =	simm.s32 $0x1B8E;
	s24 =	sld [smem:$0x3FFE];
	[sflag:s23] =	ssyncadd.s32 $0xFFFFFFFF  }
0xa5: {  	s26 =	simm.s32 $execute0_lowered;
	[smem:$0x3FD2] =	sst s25  }
0xa6: {  	s5 =	sshll.u32 s26, $0x1;
	_ =	strace $0x8000004C;
	[dreg:$0x1] =	wrdreg $0xFFFFFFFF  }
0xa7: {  	s28 =	simm.s32 $_size_execute0_lowered;
	s3 =	sadd.s32 s3, s5;
	[dreg:$0x0] =	wrdreg $0x0  }
0xa8: {  	s5 =	sshll.u32 s28, $0x1;
	[dreg:$0x2] =	wrdreg s3  }
0xa9: {  	[dreg:$0x3] =	wrdreg s5  }
0xaa: {  	[dreg:$0x4] =	wrdreg $0xC0  }
0xab: {  	_ =	task [dreg:s7], $0x5FFFF  }
0xac: {  	[dreg:$0x1] =	wrdreg $0xFFFFFFFF  }
0xad: {  	[dreg:$0x0] =	wrdreg $0x60  }
0xae: {  	[dreg:$0x2] =	wrdreg s2  }
0xaf: {  	[dreg:$0x3] =	wrdreg s24  }
0xb0: {  	[dreg:$0x4] =	wrdreg $0xCE200  }
0xb1: {  	[dreg:$0x5] =	wrdreg $0x9  }
0xb2: {  	_ =	task.clear_ibuf [dreg:s7], $0x6FFFF;
	_ =	strace $0x9000004C  }
0xb3: {  	s29 =	simm.s32 $0x9;
	_ =	strace $0x8000004E  }
0xb4: {  	_ =	swait.ge [sflag:s29], $0x1  }
0xb5: {  	[sflag:s29] =	ssyncadd.s32 $0xFFFFFFFF  }
0xb6: {  	_ =	strace $0x9000004E  }
0xb7: {  	_ =	sfence  }
0xb8: {  	s30 =	sld [smem:$0x0];
	_ =	sdelay $0x2  }
0xb9: {  	s31 =	sshll.u32 s1, $0xD;
	s1 =	sshrl.u32 s1, $0x2  }
0xba: {  	s3 =	sand.u32 $0x4000, s31;
	s1 =	sadd.s32 s1, s30  }
0xbb: {  	s0 =	sor.u32 s3, s0;
	s1 =	sshll.u32 s1, $0x11  }
0xbc: {  	s0 =	sor.u32 s1, s0  }
0xbd: {  	s0 =	sadd.s32 $0x8F2B, s0  }
0xbe: {  	[sflag:s0] =	ssyncadd.remote.s32 $0x1  }
0xbf: {  	_ =	sfence.sel $0xFFFF  }
0xc0: {  	[dreg:$0x0] =	wrdreg $0xFFFFFFFF;
	(pc) =	sbr.abs _section_cstart, $3  }
0xc1: {  	[dreg:$0x1] =	wrdreg $0xFFFFFFFF  }
0xc2: {  	_ =	task.clear_ibuf [dreg:s7], $0x2FFFF;
	_ =	strace $0x9FFFFFFF  }
0xc3: {  	(tm) =	ssettm $0x7FFFFFFF  }
tec
execute0_lowered:
.L_overlay_start_1:
0x0: {  	(tag) =	ssettag $0x1  }
0x1: {  	s3 =	rddreg [dreg:$0x0]  }
0x2: {  	s1 =	rddreg [dreg:$0x1]  }
0x3: {  	s2 =	rddreg [dreg:$0x2];
	s30 =	simm.s32 $0x0  }
0x4: {  	[smem:$0x7FF] =	sst s30;
	s6 =	sadd.s32 $0x15800, s1  }
0x5: {  	s11 =	simm.s32 $0x400;
	_ =	strace $0x8000004D;
	[dreg:$0x4] =	wrdreg s6  }
0x6: {  	s12 =	simm.s32 $0x600;
	[dreg:$0x8] =	wrdreg s11  }
0x7: {  	s0 =	srdreg.scid;
	s13 =	simm.s32 $0x2910;
	[dreg:$0x9] =	wrdreg s12  }
0x8: {  	s21 =	stileid.u32;
	s14 =	simm.s32 $0x2B10;
	[dreg:$0xa] =	wrdreg s13  }
0x9: {  	s15 =	simm.s32 $0x2D10;
	s16 =	simm.s32 $0x800;
	[dreg:$0xb] =	wrdreg s14  }
0xa: {  	s18 =	simm.s32 $0xA00;
	s20 =	simm.s32 $0xC00;
	[dreg:$0xc] =	wrdreg s15  }
0xb: {  	s22 =	simm.s32 $0xE00;
	s24 =	simm.s32 $0x2F10;
	[dreg:$0xd] =	wrdreg s16  }
0xc: {  	s25 =	simm.s32 $0x3110;
	s7 =	simm.s32 $0x3510;
	[dreg:$0xe] =	wrdreg s18  }
0xd: {  	s8 =	simm.s32 $0x1000;
	s9 =	simm.s32 $0x1200;
	[dreg:$0xf] =	wrdreg s20  }
0xe: {  	s31 =	simm.s32 $0x2710;
	s29 =	simm.s32 $0x2200;
	[dreg:$0x10] =	wrdreg s22  }
0xf: {  	p0 =	por $0x0, $0x0;
	s28 =	simm.s32 $0x2600;
	[dreg:$0x11] =	wrdreg s24  }
0x10: {  	s0 =	sand.u32 $0x1, s0;
	s4 =	sshll.u32 s21, $0x1;
	[dreg:$0x12] =	wrdreg s25  }
0x11: {  	s19 =	smul.u32 $0x9E00, s21;
	s26 =	sshll.u32 s21, $0x6;
	[dreg:$0x14] =	wrdreg s7  }
0x12: {  	s4 =	sor.u32 s0, s4;
	s5 =	sshll.u32 s0, $0x4;
	[dreg:$0x15] =	wrdreg s8  }
0x13: {  	s0 =	ssub.s32 $0x2, s0;
	s6 =	simm.s32 $0x3310;
	[dreg:$0x16] =	wrdreg s9  }
0x14: {  	s11 =	simm.s32 $0x1600;
	s7 =	simm.s32 $0x200;
	s12 =	simm.s32 $0x3710  }
0x15: {  	s13 =	simm.s32 $0x3910;
	s14 =	simm.s32 $0x3B10;
	[dreg:$0x13] =	wrdreg s6  }
0x16: {  	s9 =	simm.s32 $0x8E20;
	s15 =	simm.s32 $0x3D10;
	[dreg:$0x18] =	wrdreg s11  }
0x17: {  	s8 =	simm.s32 $0xAE20;
	s16 =	simm.s32 $0x1800;
	[dreg:$0x19] =	wrdreg s12  }
0x18: {  	s18 =	simm.s32 $0x2;
	s20 =	simm.s32 $0x1C00;
	[dreg:$0x1a] =	wrdreg s13  }
0x19: {  	s22 =	simm.s32 $0x1E00;
	s24 =	simm.s32 $0x4110;
	[dreg:$0x1b] =	wrdreg s14  }
0x1a: {  	s25 =	simm.s32 $0x4310;
	s4 =	smul.u32 $0x2710, s4;
	[dreg:$0x1c] =	wrdreg s15  }
0x1b: {  	s5 =	sor.u32 s21, s5;
	s17 =	sshrl.u32 s0, $0x1;
	[dreg:$0x1d] =	wrdreg s16  }
0x1c: {  	s23 =	sshrl.u32 s19, $0x2;
	s6 =	simm.s32 $0x9;
	[dreg:$0x1f] =	wrdreg s20  }
0x1d: {  	s11 =	simm.s32 $0x4E20;
	s19 =	simm.s32 $0x1;
	[smem:$0x7F9] =	sst s22  }
0x1e: {  	s16 =	simm.s32 $0x4;
	s12 =	simm.s32 $0x5;
	[smem:$0x7FB] =	sst s24  }
0x1f: {  	s13 =	simm.s32 $0x6;
	s14 =	simm.s32 $0x7;
	[smem:$0x7FC] =	sst s25  }
0x20: {  	s15 =	simm.s32 $0x8;
	s20 =	simm.s32 $0x110;
	s25 =	simm.s32 $0x4710  }
0x21: {  	s24 =	simm.s32 $0x4910;
	s22 =	simm.s32 $0x4D10;
	s5 =	smul.u32 $0x4F0, s5  }
0x22: {  	s0 =	ssub.s32 s0, s17;
	s17 =	simm.s32 $0x1A00;
	s4 =	sshrl.u32 s4, $0x3  }
0x23: {  	s0 =	smax.u32 s0, $0x1;
	[dreg:$0x1e] =	wrdreg s17;
	s4 =	sadd.s32 s4, s1  }
0x24: {  	s1 =	sadd.s32 s5, s1;
	s5 =	sadd.s32 s23, s2;
	s23 =	simm.s32 $0x3F10  }
0x25: {  	s17 =	simm.s32 $0x3;
	s10 =	sadd.s32 $0x1E00, s4;
	[smem:$0x7FA] =	sst s23  }
0x26: {  	p1 =	sne.s32 s0, $0x1;
	s4 =	sadd.s32 $0xBA40, s4;
	[dreg:$0x5] =	wrdreg s10  }
.Ltmp0:
0x27: {  	s1 =	sadd.s32 $0x15E00, s1;
	[dreg:$0x6] =	wrdreg s4;
	(pc) =	sbr.rel @!p1 .LBB2_1-.Ltmp0, $4  }
0x28: {  	s5 =	sshrl.u32 s5, $0x3;
	s23 =	simm.s32 $0x4B10;
	[dreg:$0x7] =	wrdreg s1  }
0x29: {  	s10 =	simm.s32 $0x1400;
	s1 =	sadd.s32 $0xFFFFFFFF, s0;
	s0 =	rddreg [dreg:$0x4]  }
0x2a: {  	s4 =	sor.u32 $0x1C09, s26;
	s26 =	simm.s32 $0x4510;
	[dreg:$0x17] =	wrdreg s10  }
0x2b: {  	s10 =	simm.s32 $0x6E20;
	[smem:$0x7FD] =	sst s26;
	s26 =	simm.s32 $0x2000  }
0x2c: {  	[spmem:s5], [sflag:s4] =	dma.local [hbm:s0], $0x4F0  }
0x2d: {  	_ =	swait.ge [sflag:s6], $0x4F0  }
0x2e: {  	[sflag:s6] =	ssyncset.done $0x0  }
0x2f: {  	s21 =	rddreg [dreg:$0x5];
	[sflag:s6] =	ssyncadd.s32 $0xFFFFFB10  }
0x30: {  	[tilespmem:s30], [sflag:$0x9] =	stream.linear.gather [hbm4b:s21+s30], $0x2710, $0x38;
	[tilespmem:$0xF5A0] =	vst v63  }
0x31: {  	_ =	swait.ge [sflag:s6], $0x2710  }
0x32: {  	[sflag:s6] =	ssyncset.done $0x0  }
0x33: {  	s21 =	rddreg [dreg:$0x6];
	[sflag:s6] =	ssyncadd.s32 $0xFFFFD8F0  }
0x34: {  	[tilespmem:s31], [sflag:$0x9] =	stream.linear.gather [hbm4b:s21+s30], $0x2710, $0x38;
	[tilespmem:$0xF5A0] =	vst v63  }
0x35: {  	_ =	swait.ge [sflag:s6], $0x2710  }
0x36: {  	[sflag:s6] =	ssyncset.done $0x0  }
0x37: {  	[sflag:s6] =	ssyncadd.s32 $0xFFFFD8F0  }
0x38: {  	[bflag:$0x0] =	sbarrier.arrive $0xFFFF  }
0x39: {  	[tilespmem:s11], [sflag:$0x1] =	stream.indirect.gather [hbm4b:s3+s7], $0x10, s30, s7, $0xb8;
	[tilespmem:$0xF5A0] =	vst v63  }
0x3a: {  	_ = 	snop  }
0x3b: {  	[tilespmem:s10], [sflag:$0x2] =	stream.indirect.gather [hbm4b:s3+s7], $0x10, s7, s7, $0xb8;
	[tilespmem:$0xF5A0] =	vst v63  }
0x3c: {  	s0 =	rddreg [dreg:$0x8]  }
0x3d: {  	[tilespmem:s9], [sflag:$0x3] =	stream.indirect.gather [hbm4b:s3+s7], $0x10, s0, s7, $0xb8;
	[tilespmem:$0xF5A0] =	vst v63  }
0x3e: {  	s21 =	smov.u32 s1;
	s1 =	rddreg [dreg:$0x9]  }
0x3f: {  	[tilespmem:s8], [sflag:$0x4] =	stream.indirect.gather [hbm4b:s3+s7], $0x10, s1, s7, $0xb8;
	[tilespmem:$0xF5A0] =	vst v63  }
0x40: {  	_ =	swait.ge [sflag:s19], $0x2000  }
0x41: {  	[sflag:s19] =	ssyncset.done $0x0  }
0x42: {  	[sflag:s19] =	ssyncadd.s32 $0xFFFFE000  }
0x43: {  	[spmem:s2] =	stream.indirect.scatter.add.f32 [tilespmem:s11], [sflag:$0x5], $0x10, s31, s7, $0xb8;
	[tilespmem:$0xF5A0] =	vst v63  }
0x44: {  	_ =	swait.ge [sflag:s18], $0x2000  }
0x45: {  	[sflag:s18] =	ssyncset.done $0x0  }
0x46: {  	s1 =	rddreg [dreg:$0xa];
	[sflag:s18] =	ssyncadd.s32 $0xFFFFE000  }
0x47: {  	[spmem:s2] =	stream.indirect.scatter.add.f32 [tilespmem:s10], [sflag:$0x6], $0x10, s1, s7, $0xb8;
	[tilespmem:$0xF5A0] =	vst v63  }
0x48: {  	_ =	swait.ge [sflag:s17], $0x2000  }
0x49: {  	[sflag:s17] =	ssyncset.done $0x0  }
0x4a: {  	s1 =	rddreg [dreg:$0xb];
	[sflag:s17] =	ssyncadd.s32 $0xFFFFE000  }
0x4b: {  	[spmem:s2] =	stream.indirect.scatter.add.f32 [tilespmem:s9], [sflag:$0x7], $0x10, s1, s7, $0xb8;
	[tilespmem:$0xF5A0] =	vst v63  }
0x4c: {  	_ =	swait.ge [sflag:s16], $0x2000  }
0x4d: {  	[sflag:s16] =	ssyncset.done $0x0  }
0x4e: {  	s1 =	rddreg [dreg:$0xc];
	[sflag:s16] =	ssyncadd.s32 $0xFFFFE000  }
0x4f: {  	[spmem:s2] =	stream.indirect.scatter.add.f32 [tilespmem:s8], [sflag:$0x8], $0x10, s1, s7, $0xb8;
	[tilespmem:$0xF5A0] =	vst v63  }
0x50: {  	_ =	swait.ge [sflag:s12], $0x2000  }
0x51: {  	[sflag:s12] =	ssyncset.done $0x0  }
0x52: {  	s1 =	rddreg [dreg:$0xd];
	[sflag:s12] =	ssyncadd.s32 $0xFFFFE000  }
0x53: {  	[tilespmem:s11], [sflag:$0x1] =	stream.indirect.gather [hbm4b:s3+s7], $0x10, s1, s7, $0xb8;
	[tilespmem:$0xF5A0] =	vst v63  }
0x54: {  	_ =	swait.ge [sflag:s13], $0x2000  }
0x55: {  	[sflag:s13] =	ssyncset.done $0x0  }
0x56: {  	s1 =	rddreg [dreg:$0xe];
	[sflag:s13] =	ssyncadd.s32 $0xFFFFE000  }
0x57: {  	[tilespmem:s10], [sflag:$0x2] =	stream.indirect.gather [hbm4b:s3+s7], $0x10, s1, s7, $0xb8;
	[tilespmem:$0xF5A0] =	vst v63  }
0x58: {  	_ =	swait.ge [sflag:s14], $0x2000  }
0x59: {  	[sflag:s14] =	ssyncset.done $0x0  }
0x5a: {  	s1 =	rddreg [dreg:$0xf];
	[sflag:s14] =	ssyncadd.s32 $0xFFFFE000  }
0x5b: {  	[tilespmem:s9], [sflag:$0x3] =	stream.indirect.gather [hbm4b:s3+s7], $0x10, s1, s7, $0xb8;
	[tilespmem:$0xF5A0] =	vst v63  }
0x5c: {  	_ =	swait.ge [sflag:s15], $0x2000  }
0x5d: {  	[sflag:s15] =	ssyncset.done $0x0  }
0x5e: {  	s1 =	rddreg [dreg:$0x10];
	[sflag:s15] =	ssyncadd.s32 $0xFFFFE000  }
0x5f: {  	[tilespmem:s8], [sflag:$0x4] =	stream.indirect.gather [hbm4b:s3+s7], $0x10, s1, s7, $0xb8;
	[tilespmem:$0xF5A0] =	vst v63  }
0x60: {  	_ =	swait.ge [sflag:s19], $0x2000  }
0x61: {  	[sflag:s19] =	ssyncset.done $0x0  }
0x62: {  	s1 =	rddreg [dreg:$0x11];
	[sflag:s19] =	ssyncadd.s32 $0xFFFFE000  }
0x63: {  	[spmem:s2] =	stream.indirect.scatter.add.f32 [tilespmem:s11], [sflag:$0x5], $0x10, s1, s7, $0xb8;
	[tilespmem:$0xF5A0] =	vst v63  }
0x64: {  	_ =	swait.ge [sflag:s18], $0x2000  }
0x65: {  	[sflag:s18] =	ssyncset.done $0x0  }
0x66: {  	s1 =	rddreg [dreg:$0x12];
	[sflag:s18] =	ssyncadd.s32 $0xFFFFE000  }
0x67: {  	[spmem:s2] =	stream.indirect.scatter.add.f32 [tilespmem:s10], [sflag:$0x6], $0x10, s1, s7, $0xb8;
	[tilespmem:$0xF5A0] =	vst v63  }
0x68: {  	_ =	swait.ge [sflag:s17], $0x2000  }
0x69: {  	[sflag:s17] =	ssyncset.done $0x0  }
0x6a: {  	s1 =	rddreg [dreg:$0x13];
	[sflag:s17] =	ssyncadd.s32 $0xFFFFE000  }
0x6b: {  	[spmem:s2] =	stream.indirect.scatter.add.f32 [tilespmem:s9], [sflag:$0x7], $0x10, s1, s7, $0xb8;
	[tilespmem:$0xF5A0] =	vst v63  }
0x6c: {  	_ =	swait.ge [sflag:s16], $0x2000  }
0x6d: {  	[sflag:s16] =	ssyncset.done $0x0  }
0x6e: {  	s1 =	rddreg [dreg:$0x14];
	[sflag:s16] =	ssyncadd.s32 $0xFFFFE000  }
0x6f: {  	[spmem:s2] =	stream.indirect.scatter.add.f32 [tilespmem:s8], [sflag:$0x8], $0x10, s1, s7, $0xb8;
	[tilespmem:$0xF5A0] =	vst v63  }
0x70: {  	_ =	swait.ge [sflag:s12], $0x2000  }
0x71: {  	[sflag:s12] =	ssyncset.done $0x0  }
0x72: {  	s1 =	rddreg [dreg:$0x15];
	[sflag:s12] =	ssyncadd.s32 $0xFFFFE000  }
0x73: {  	[tilespmem:s11], [sflag:$0x1] =	stream.indirect.gather [hbm4b:s3+s7], $0x10, s1, s7, $0xb8;
	[tilespmem:$0xF5A0] =	vst v63  }
0x74: {  	_ =	swait.ge [sflag:s13], $0x2000  }
0x75: {  	[sflag:s13] =	ssyncset.done $0x0  }
0x76: {  	s1 =	rddreg [dreg:$0x16];
	[sflag:s13] =	ssyncadd.s32 $0xFFFFE000  }
0x77: {  	[tilespmem:s10], [sflag:$0x2] =	stream.indirect.gather [hbm4b:s3+s7], $0x10, s1, s7, $0xb8;
	[tilespmem:$0xF5A0] =	vst v63  }
0x78: {  	_ =	swait.ge [sflag:s14], $0x2000  }
0x79: {  	[sflag:s14] =	ssyncset.done $0x0  }
0x7a: {  	s1 =	rddreg [dreg:$0x17];
	[sflag:s14] =	ssyncadd.s32 $0xFFFFE000  }
0x7b: {  	[tilespmem:s9], [sflag:$0x3] =	stream.indirect.gather [hbm4b:s3+s7], $0x10, s1, s7, $0xb8;
	[tilespmem:$0xF5A0] =	vst v63  }
0x7c: {  	_ =	swait.ge [sflag:s15], $0x2000  }
0x7d: {  	[sflag:s15] =	ssyncset.done $0x0  }
0x7e: {  	s1 =	rddreg [dreg:$0x18];
	[sflag:s15] =	ssyncadd.s32 $0xFFFFE000  }
0x7f: {  	[tilespmem:s8], [sflag:$0x4] =	stream.indirect.gather [hbm4b:s3+s7], $0x10, s1, s7, $0xb8;
	[tilespmem:$0xF5A0] =	vst v63  }
0x80: {  	_ =	swait.ge [sflag:s19], $0x2000  }
0x81: {  	[sflag:s19] =	ssyncset.done $0x0  }
0x82: {  	s1 =	rddreg [dreg:$0x19];
	[sflag:s19] =	ssyncadd.s32 $0xFFFFE000  }
0x83: {  	[spmem:s2] =	stream.indirect.scatter.add.f32 [tilespmem:s11], [sflag:$0x5], $0x10, s1, s7, $0xb8;
	[tilespmem:$0xF5A0] =	vst v63  }
0x84: {  	_ =	swait.ge [sflag:s18], $0x2000  }
0x85: {  	[sflag:s18] =	ssyncset.done $0x0  }
0x86: {  	s1 =	rddreg [dreg:$0x1a];
	[sflag:s18] =	ssyncadd.s32 $0xFFFFE000  }
0x87: {  	[spmem:s2] =	stream.indirect.scatter.add.f32 [tilespmem:s10], [sflag:$0x6], $0x10, s1, s7, $0xb8;
	[tilespmem:$0xF5A0] =	vst v63  }
0x88: {  	_ =	swait.ge [sflag:s17], $0x2000  }
0x89: {  	[sflag:s17] =	ssyncset.done $0x0  }
0x8a: {  	s1 =	rddreg [dreg:$0x1b];
	[sflag:s17] =	ssyncadd.s32 $0xFFFFE000  }
0x8b: {  	[spmem:s2] =	stream.indirect.scatter.add.f32 [tilespmem:s9], [sflag:$0x7], $0x10, s1, s7, $0xb8;
	[tilespmem:$0xF5A0] =	vst v63  }
0x8c: {  	_ =	swait.ge [sflag:s16], $0x2000  }
0x8d: {  	[sflag:s16] =	ssyncset.done $0x0  }
0x8e: {  	s1 =	rddreg [dreg:$0x1c];
	[sflag:s16] =	ssyncadd.s32 $0xFFFFE000  }
0x8f: {  	[spmem:s2] =	stream.indirect.scatter.add.f32 [tilespmem:s8], [sflag:$0x8], $0x10, s1, s7, $0xb8;
	[tilespmem:$0xF5A0] =	vst v63  }
0x90: {  	_ =	swait.ge [sflag:s12], $0x2000  }
0x91: {  	[sflag:s12] =	ssyncset.done $0x0  }
0x92: {  	s1 =	rddreg [dreg:$0x1d];
	[sflag:s12] =	ssyncadd.s32 $0xFFFFE000  }
0x93: {  	[tilespmem:s11], [sflag:$0x1] =	stream.indirect.gather [hbm4b:s3+s7], $0x10, s1, s7, $0xb8;
	[tilespmem:$0xF5A0] =	vst v63  }
0x94: {  	_ =	swait.ge [sflag:s13], $0x2000  }
0x95: {  	[sflag:s13] =	ssyncset.done $0x0  }
0x96: {  	s1 =	rddreg [dreg:$0x1e];
	[sflag:s13] =	ssyncadd.s32 $0xFFFFE000  }
0x97: {  	[tilespmem:s10], [sflag:$0x2] =	stream.indirect.gather [hbm4b:s3+s7], $0x10, s1, s7, $0xb8;
	[tilespmem:$0xF5A0] =	vst v63  }
0x98: {  	_ =	swait.ge [sflag:s14], $0x2000  }
0x99: {  	[sflag:s14] =	ssyncset.done $0x0  }
0x9a: {  	s1 =	rddreg [dreg:$0x1f];
	[sflag:s14] =	ssyncadd.s32 $0xFFFFE000  }
0x9b: {  	[tilespmem:s9], [sflag:$0x3] =	stream.indirect.gather [hbm4b:s3+s7], $0x10, s1, s7, $0xb8;
	[tilespmem:$0xF5A0] =	vst v63  }
0x9c: {  	_ =	swait.ge [sflag:s15], $0x2000  }
0x9d: {  	s1 =	sld [smem:$0x7F9]  }
0x9e: {  	[sflag:s15] =	ssyncset.done $0x0  }
0x9f: {  	[sflag:s15] =	ssyncadd.s32 $0xFFFFE000  }
0xa0: {  	[tilespmem:s8], [sflag:$0x4] =	stream.indirect.gather [hbm4b:s3+s7], $0x10, s1, s7, $0xb8;
	[tilespmem:$0xF5A0] =	vst v63  }
0xa1: {  	_ =	swait.ge [sflag:s19], $0x2000  }
0xa2: {  	s1 =	sld [smem:$0x7FA]  }
0xa3: {  	[sflag:s19] =	ssyncset.done $0x0  }
0xa4: {  	[sflag:s19] =	ssyncadd.s32 $0xFFFFE000  }
0xa5: {  	[spmem:s2] =	stream.indirect.scatter.add.f32 [tilespmem:s11], [sflag:$0x5], $0x10, s1, s7, $0xb8;
	[tilespmem:$0xF5A0] =	vst v63  }
0xa6: {  	_ =	swait.ge [sflag:s18], $0x2000  }
0xa7: {  	s1 =	sld [smem:$0x7FB]  }
0xa8: {  	[sflag:s18] =	ssyncset.done $0x0  }
0xa9: {  	[sflag:s18] =	ssyncadd.s32 $0xFFFFE000  }
0xaa: {  	[spmem:s2] =	stream.indirect.scatter.add.f32 [tilespmem:s10], [sflag:$0x6], $0x10, s1, s7, $0xb8;
	[tilespmem:$0xF5A0] =	vst v63  }
0xab: {  	_ =	swait.ge [sflag:s17], $0x2000  }
0xac: {  	s1 =	sld [smem:$0x7FC]  }
0xad: {  	[sflag:s17] =	ssyncset.done $0x0  }
0xae: {  	[sflag:s17] =	ssyncadd.s32 $0xFFFFE000  }
0xaf: {  	[spmem:s2] =	stream.indirect.scatter.add.f32 [tilespmem:s9], [sflag:$0x7], $0x10, s1, s7, $0xb8;
	[tilespmem:$0xF5A0] =	vst v63  }
0xb0: {  	_ =	swait.ge [sflag:s16], $0x2000  }
0xb1: {  	s1 =	sld [smem:$0x7FD]  }
0xb2: {  	[sflag:s16] =	ssyncset.done $0x0  }
0xb3: {  	[sflag:s16] =	ssyncadd.s32 $0xFFFFE000  }
0xb4: {  	[spmem:s2] =	stream.indirect.scatter.add.f32 [tilespmem:s8], [sflag:$0x8], $0x10, s1, s7, $0xb8;
	[tilespmem:$0xF5A0] =	vst v63  }
0xb5: {  	_ =	swait.ge [sflag:s12], $0x2000  }
0xb6: {  	[sflag:s12] =	ssyncset.done $0x0  }
0xb7: {  	[sflag:s12] =	ssyncadd.s32 $0xFFFFE000  }
0xb8: {  	[tilespmem:s11], [sflag:$0x1] =	stream.indirect.gather [hbm4b:s3+s7], $0x10, s26, s7, $0xb8;
	[tilespmem:$0xF5A0] =	vst v63  }
0xb9: {  	_ =	swait.ge [sflag:s13], $0x2000  }
0xba: {  	[sflag:s13] =	ssyncset.done $0x0  }
0xbb: {  	[sflag:s13] =	ssyncadd.s32 $0xFFFFE000  }
0xbc: {  	[tilespmem:s10], [sflag:$0x2] =	stream.indirect.gather [hbm4b:s3+s7], $0x10, s29, s7, $0xb8;
	[tilespmem:$0xF5A0] =	vst v63  }
0xbd: {  	_ =	swait.ge [sflag:s14], $0x2000  }
0xbe: {  	[sflag:s14] =	ssyncset.done $0x0  }
0xbf: {  	s1 =	simm.s32 $0x2400;
	[sflag:s14] =	ssyncadd.s32 $0xFFFFE000  }
0xc0: {  	[tilespmem:s9], [sflag:$0x3] =	stream.indirect.gather [hbm4b:s3+s7], $0x10, s1, s7, $0xb8;
	[tilespmem:$0xF5A0] =	vst v63  }
0xc1: {  	_ =	swait.ge [sflag:s15], $0x2000  }
0xc2: {  	[sflag:s15] =	ssyncset.done $0x0  }
0xc3: {  	[sflag:s15] =	ssyncadd.s32 $0xFFFFE000  }
0xc4: {  	[tilespmem:s8], [sflag:$0x4] =	stream.indirect.gather [hbm4b:s3+s20], $0x10, s28, s20, $0xb8;
	[tilespmem:$0xF5A0] =	vst v63  }
0xc5: {  	_ =	swait.ge [sflag:s19], $0x2000  }
0xc6: {  	[sflag:s19] =	ssyncset.done $0x0  }
0xc7: {  	[sflag:s19] =	ssyncadd.s32 $0xFFFFE000  }
0xc8: {  	[spmem:s2] =	stream.indirect.scatter.add.f32 [tilespmem:s11], [sflag:$0x5], $0x10, s25, s7, $0xb8;
	[tilespmem:$0xF5A0] =	vst v63  }
0xc9: {  	_ =	swait.ge [sflag:s18], $0x2000  }
0xca: {  	[sflag:s18] =	ssyncset.done $0x0  }
0xcb: {  	[sflag:s18] =	ssyncadd.s32 $0xFFFFE000  }
0xcc: {  	[spmem:s2] =	stream.indirect.scatter.add.f32 [tilespmem:s10], [sflag:$0x6], $0x10, s24, s7, $0xb8;
	[tilespmem:$0xF5A0] =	vst v63  }
0xcd: {  	_ =	swait.ge [sflag:s17], $0x2000  }
0xce: {  	[sflag:s17] =	ssyncset.done $0x0  }
0xcf: {  	[sflag:s17] =	ssyncadd.s32 $0xFFFFE000  }
0xd0: {  	[spmem:s2] =	stream.indirect.scatter.add.f32 [tilespmem:s9], [sflag:$0x7], $0x10, s23, s7, $0xb8;
	[tilespmem:$0xF5A0] =	vst v63  }
0xd1: {  	_ =	swait.ge [sflag:s16], $0x1100  }
0xd2: {  	[sflag:s16] =	ssyncset.done $0x0  }
0xd3: {  	[sflag:s16] =	ssyncadd.s32 $0xFFFFEF00  }
0xd4: {  	[spmem:s2] =	stream.indirect.scatter.add.f32 [tilespmem:s8], [sflag:$0x8], $0x10, s22, s20, $0xb8;
	[tilespmem:$0xF5A0] =	vst v63  }
0xd5: {  	_ =	swait.ge [sflag:s12], $0x2000  }
0xd6: {  	[sflag:s12] =	ssyncset.done $0x0  }
0xd7: {  	[sflag:s12] =	ssyncadd.s32 $0xFFFFE000  }
0xd8: {  	_ =	swait.ge [sflag:s13], $0x2000  }
0xd9: {  	[sflag:s13] =	ssyncset.done $0x0  }
0xda: {  	[sflag:s13] =	ssyncadd.s32 $0xFFFFE000  }
0xdb: {  	_ =	swait.ge [sflag:s14], $0x2000  }
0xdc: {  	[sflag:s14] =	ssyncset.done $0x0  }
0xdd: {  	[sflag:s14] =	ssyncadd.s32 $0xFFFFE000  }
0xde: {  	_ =	swait.ge [sflag:s15], $0x1100  }
0xdf: {  	[sflag:s15] =	ssyncset.done $0x0  }
0xe0: {  	p1 =	sne.s32 s21, $0x1;
	[sflag:s15] =	ssyncadd.s32 $0xFFFFEF00  }
.Ltmp1:
0xe1: {  	[bflag:$0x0] =	sbarrier.arrive $0xFFFF;
	(pc) =	sbr.rel @!p1 .LBB2_3-.Ltmp1, $4  }
0xe2: {  	s1 =	rddreg [dreg:$0x7]  }
0xe3: {  	[hbm:s1], [sflag:s4] =	dma.local [spmem:s5], $0x4F0  }
0xe4: {  	p0 =	por $0x1, $0x1;
	_ =	swait.ge [sflag:s6], $0x4F0  }
0xe5: {  	s1 =	sadd.s32 $0xFFFFFFFF, s21;
	s0 =	rddreg [dreg:$0x4];
	[sflag:s6] =	ssyncset.done $0x0  }
.LBB2_4:
0xe6: {  	[sflag:s6] =	ssyncadd.s32 $0xFFFFFB10  }
0xe7: {  	[spmem:s5], [sflag:s4] =	dma.local [hbm:s0], $0x4F0  }
0xe8: {  	_ =	swait.ge [sflag:s6], $0x4F0  }
0xe9: {  	[sflag:s6] =	ssyncset.done $0x0  }
0xea: {  	s21 =	rddreg [dreg:$0x5];
	[sflag:s6] =	ssyncadd.s32 $0xFFFFFB10  }
0xeb: {  	[tilespmem:s30], [sflag:$0x9] =	stream.linear.gather [hbm4b:s21+s30], $0x2710, $0x38;
	[tilespmem:$0xF5A0] =	vst v63  }
0xec: {  	_ =	swait.ge [sflag:s6], $0x2710  }
0xed: {  	[sflag:s6] =	ssyncset.done $0x0  }
0xee: {  	s21 =	rddreg [dreg:$0x6];
	[sflag:s6] =	ssyncadd.s32 $0xFFFFD8F0  }
0xef: {  	[tilespmem:s31], [sflag:$0x9] =	stream.linear.gather [hbm4b:s21+s30], $0x2710, $0x38;
	[tilespmem:$0xF5A0] =	vst v63  }
0xf0: {  	_ =	swait.ge [sflag:s6], $0x2710  }
0xf1: {  	[sflag:s6] =	ssyncset.done $0x0  }
0xf2: {  	[sflag:s6] =	ssyncadd.s32 $0xFFFFD8F0  }
0xf3: {  	[bflag:$0x0] =	sbarrier.arrive $0xFFFF  }
0xf4: {  	[tilespmem:s11], [sflag:$0x1] =	stream.indirect.gather [hbm4b:s3+s7], $0x10, s30, s7, $0xb8;
	[tilespmem:$0xF5A0] =	vst v63  }
0xf5: {  	_ = 	snop  }
0xf6: {  	[tilespmem:s10], [sflag:$0x2] =	stream.indirect.gather [hbm4b:s3+s7], $0x10, s7, s7, $0xb8;
	[tilespmem:$0xF5A0] =	vst v63  }
0xf7: {  	s0 =	rddreg [dreg:$0x8]  }
0xf8: {  	[tilespmem:s9], [sflag:$0x3] =	stream.indirect.gather [hbm4b:s3+s7], $0x10, s0, s7, $0xb8;
	[tilespmem:$0xF5A0] =	vst v63  }
0xf9: {  	s21 =	rddreg [dreg:$0x9]  }
0xfa: {  	[tilespmem:s8], [sflag:$0x4] =	stream.indirect.gather [hbm4b:s3+s7], $0x10, s21, s7, $0xb8;
	[tilespmem:$0xF5A0] =	vst v63  }
0xfb: {  	_ =	swait.ge [sflag:s19], $0x2000  }
0xfc: {  	[sflag:s19] =	ssyncset.done $0x0  }
0xfd: {  	[sflag:s19] =	ssyncadd.s32 $0xFFFFE000  }
0xfe: {  	[spmem:s2] =	stream.indirect.scatter.add.f32 [tilespmem:s11], [sflag:$0x5], $0x10, s31, s7, $0xb8;
	[tilespmem:$0xF5A0] =	vst v63  }
0xff: {  	_ =	swait.ge [sflag:s18], $0x2000  }
0x100: {  	[sflag:s18] =	ssyncset.done $0x0  }
0x101: {  	s21 =	rddreg [dreg:$0xa];
	[sflag:s18] =	ssyncadd.s32 $0xFFFFE000  }
0x102: {  	[spmem:s2] =	stream.indirect.scatter.add.f32 [tilespmem:s10], [sflag:$0x6], $0x10, s21, s7, $0xb8;
	[tilespmem:$0xF5A0] =	vst v63  }
0x103: {  	_ =	swait.ge [sflag:s17], $0x2000  }
0x104: {  	[sflag:s17] =	ssyncset.done $0x0  }
0x105: {  	s21 =	rddreg [dreg:$0xb];
	[sflag:s17] =	ssyncadd.s32 $0xFFFFE000  }
0x106: {  	[spmem:s2] =	stream.indirect.scatter.add.f32 [tilespmem:s9], [sflag:$0x7], $0x10, s21, s7, $0xb8;
	[tilespmem:$0xF5A0] =	vst v63  }
0x107: {  	_ =	swait.ge [sflag:s16], $0x2000  }
0x108: {  	[sflag:s16] =	ssyncset.done $0x0  }
0x109: {  	s21 =	rddreg [dreg:$0xc];
	[sflag:s16] =	ssyncadd.s32 $0xFFFFE000  }
0x10a: {  	[spmem:s2] =	stream.indirect.scatter.add.f32 [tilespmem:s8], [sflag:$0x8], $0x10, s21, s7, $0xb8;
	[tilespmem:$0xF5A0] =	vst v63  }
0x10b: {  	_ =	swait.ge [sflag:s12], $0x2000  }
0x10c: {  	[sflag:s12] =	ssyncset.done $0x0  }
0x10d: {  	s21 =	rddreg [dreg:$0xd];
	[sflag:s12] =	ssyncadd.s32 $0xFFFFE000  }
0x10e: {  	[tilespmem:s11], [sflag:$0x1] =	stream.indirect.gather [hbm4b:s3+s7], $0x10, s21, s7, $0xb8;
	[tilespmem:$0xF5A0] =	vst v63  }
0x10f: {  	_ =	swait.ge [sflag:s13], $0x2000  }
0x110: {  	[sflag:s13] =	ssyncset.done $0x0  }
0x111: {  	s21 =	rddreg [dreg:$0xe];
	[sflag:s13] =	ssyncadd.s32 $0xFFFFE000  }
0x112: {  	[tilespmem:s10], [sflag:$0x2] =	stream.indirect.gather [hbm4b:s3+s7], $0x10, s21, s7, $0xb8;
	[tilespmem:$0xF5A0] =	vst v63  }
0x113: {  	_ =	swait.ge [sflag:s14], $0x2000  }
0x114: {  	[sflag:s14] =	ssyncset.done $0x0  }
0x115: {  	s21 =	rddreg [dreg:$0xf];
	[sflag:s14] =	ssyncadd.s32 $0xFFFFE000  }
0x116: {  	[tilespmem:s9], [sflag:$0x3] =	stream.indirect.gather [hbm4b:s3+s7], $0x10, s21, s7, $0xb8;
	[tilespmem:$0xF5A0] =	vst v63  }
0x117: {  	_ =	swait.ge [sflag:s15], $0x2000  }
0x118: {  	[sflag:s15] =	ssyncset.done $0x0  }
0x119: {  	s21 =	rddreg [dreg:$0x10];
	[sflag:s15] =	ssyncadd.s32 $0xFFFFE000  }
0x11a: {  	[tilespmem:s8], [sflag:$0x4] =	stream.indirect.gather [hbm4b:s3+s7], $0x10, s21, s7, $0xb8;
	[tilespmem:$0xF5A0] =	vst v63  }
0x11b: {  	_ =	swait.ge [sflag:s19], $0x2000  }
0x11c: {  	[sflag:s19] =	ssyncset.done $0x0  }
0x11d: {  	s21 =	rddreg [dreg:$0x11];
	[sflag:s19] =	ssyncadd.s32 $0xFFFFE000  }
0x11e: {  	[spmem:s2] =	stream.indirect.scatter.add.f32 [tilespmem:s11], [sflag:$0x5], $0x10, s21, s7, $0xb8;
	[tilespmem:$0xF5A0] =	vst v63  }
0x11f: {  	_ =	swait.ge [sflag:s18], $0x2000  }
0x120: {  	[sflag:s18] =	ssyncset.done $0x0  }
0x121: {  	s21 =	rddreg [dreg:$0x12];
	[sflag:s18] =	ssyncadd.s32 $0xFFFFE000  }
0x122: {  	[spmem:s2] =	stream.indirect.scatter.add.f32 [tilespmem:s10], [sflag:$0x6], $0x10, s21, s7, $0xb8;
	[tilespmem:$0xF5A0] =	vst v63  }
0x123: {  	_ =	swait.ge [sflag:s17], $0x2000  }
0x124: {  	[sflag:s17] =	ssyncset.done $0x0  }
0x125: {  	s21 =	rddreg [dreg:$0x13];
	[sflag:s17] =	ssyncadd.s32 $0xFFFFE000  }
0x126: {  	[spmem:s2] =	stream.indirect.scatter.add.f32 [tilespmem:s9], [sflag:$0x7], $0x10, s21, s7, $0xb8;
	[tilespmem:$0xF5A0] =	vst v63  }
0x127: {  	_ =	swait.ge [sflag:s16], $0x2000  }
0x128: {  	[sflag:s16] =	ssyncset.done $0x0  }
0x129: {  	s21 =	rddreg [dreg:$0x14];
	[sflag:s16] =	ssyncadd.s32 $0xFFFFE000  }
0x12a: {  	[spmem:s2] =	stream.indirect.scatter.add.f32 [tilespmem:s8], [sflag:$0x8], $0x10, s21, s7, $0xb8;
	[tilespmem:$0xF5A0] =	vst v63  }
0x12b: {  	_ =	swait.ge [sflag:s12], $0x2000  }
0x12c: {  	[sflag:s12] =	ssyncset.done $0x0  }
0x12d: {  	s21 =	rddreg [dreg:$0x15];
	[sflag:s12] =	ssyncadd.s32 $0xFFFFE000  }
0x12e: {  	[tilespmem:s11], [sflag:$0x1] =	stream.indirect.gather [hbm4b:s3+s7], $0x10, s21, s7, $0xb8;
	[tilespmem:$0xF5A0] =	vst v63  }
0x12f: {  	_ =	swait.ge [sflag:s13], $0x2000  }
0x130: {  	[sflag:s13] =	ssyncset.done $0x0  }
0x131: {  	s21 =	rddreg [dreg:$0x16];
	[sflag:s13] =	ssyncadd.s32 $0xFFFFE000  }
0x132: {  	[tilespmem:s10], [sflag:$0x2] =	stream.indirect.gather [hbm4b:s3+s7], $0x10, s21, s7, $0xb8;
	[tilespmem:$0xF5A0] =	vst v63  }
0x133: {  	_ =	swait.ge [sflag:s14], $0x2000  }
0x134: {  	[sflag:s14] =	ssyncset.done $0x0  }
0x135: {  	s21 =	rddreg [dreg:$0x17];
	[sflag:s14] =	ssyncadd.s32 $0xFFFFE000  }
0x136: {  	[tilespmem:s9], [sflag:$0x3] =	stream.indirect.gather [hbm4b:s3+s7], $0x10, s21, s7, $0xb8;
	[tilespmem:$0xF5A0] =	vst v63  }
0x137: {  	_ =	swait.ge [sflag:s15], $0x2000  }
0x138: {  	[sflag:s15] =	ssyncset.done $0x0  }
0x139: {  	s21 =	rddreg [dreg:$0x18];
	[sflag:s15] =	ssyncadd.s32 $0xFFFFE000  }
0x13a: {  	[tilespmem:s8], [sflag:$0x4] =	stream.indirect.gather [hbm4b:s3+s7], $0x10, s21, s7, $0xb8;
	[tilespmem:$0xF5A0] =	vst v63  }
0x13b: {  	_ =	swait.ge [sflag:s19], $0x2000  }
0x13c: {  	[sflag:s19] =	ssyncset.done $0x0  }
0x13d: {  	s21 =	rddreg [dreg:$0x19];
	[sflag:s19] =	ssyncadd.s32 $0xFFFFE000  }
0x13e: {  	[spmem:s2] =	stream.indirect.scatter.add.f32 [tilespmem:s11], [sflag:$0x5], $0x10, s21, s7, $0xb8;
	[tilespmem:$0xF5A0] =	vst v63  }
0x13f: {  	_ =	swait.ge [sflag:s18], $0x2000  }
0x140: {  	[sflag:s18] =	ssyncset.done $0x0  }
0x141: {  	s21 =	rddreg [dreg:$0x1a];
	[sflag:s18] =	ssyncadd.s32 $0xFFFFE000  }
0x142: {  	[spmem:s2] =	stream.indirect.scatter.add.f32 [tilespmem:s10], [sflag:$0x6], $0x10, s21, s7, $0xb8;
	[tilespmem:$0xF5A0] =	vst v63  }
0x143: {  	_ =	swait.ge [sflag:s17], $0x2000  }
0x144: {  	[sflag:s17] =	ssyncset.done $0x0  }
0x145: {  	s21 =	rddreg [dreg:$0x1b];
	[sflag:s17] =	ssyncadd.s32 $0xFFFFE000  }
0x146: {  	[spmem:s2] =	stream.indirect.scatter.add.f32 [tilespmem:s9], [sflag:$0x7], $0x10, s21, s7, $0xb8;
	[tilespmem:$0xF5A0] =	vst v63  }
0x147: {  	_ =	swait.ge [sflag:s16], $0x2000  }
0x148: {  	[sflag:s16] =	ssyncset.done $0x0  }
0x149: {  	s21 =	rddreg [dreg:$0x1c];
	[sflag:s16] =	ssyncadd.s32 $0xFFFFE000  }
0x14a: {  	[spmem:s2] =	stream.indirect.scatter.add.f32 [tilespmem:s8], [sflag:$0x8], $0x10, s21, s7, $0xb8;
	[tilespmem:$0xF5A0] =	vst v63  }
0x14b: {  	_ =	swait.ge [sflag:s12], $0x2000  }
0x14c: {  	[sflag:s12] =	ssyncset.done $0x0  }
0x14d: {  	s21 =	rddreg [dreg:$0x1d];
	[sflag:s12] =	ssyncadd.s32 $0xFFFFE000  }
0x14e: {  	[tilespmem:s11], [sflag:$0x1] =	stream.indirect.gather [hbm4b:s3+s7], $0x10, s21, s7, $0xb8;
	[tilespmem:$0xF5A0] =	vst v63  }
0x14f: {  	_ =	swait.ge [sflag:s13], $0x2000  }
0x150: {  	[sflag:s13] =	ssyncset.done $0x0  }
0x151: {  	s21 =	rddreg [dreg:$0x1e];
	[sflag:s13] =	ssyncadd.s32 $0xFFFFE000  }
0x152: {  	[tilespmem:s10], [sflag:$0x2] =	stream.indirect.gather [hbm4b:s3+s7], $0x10, s21, s7, $0xb8;
	[tilespmem:$0xF5A0] =	vst v63  }
0x153: {  	_ =	swait.ge [sflag:s14], $0x2000  }
0x154: {  	[sflag:s14] =	ssyncset.done $0x0  }
0x155: {  	s21 =	rddreg [dreg:$0x1f];
	[sflag:s14] =	ssyncadd.s32 $0xFFFFE000  }
0x156: {  	[tilespmem:s9], [sflag:$0x3] =	stream.indirect.gather [hbm4b:s3+s7], $0x10, s21, s7, $0xb8;
	[tilespmem:$0xF5A0] =	vst v63  }
0x157: {  	_ =	swait.ge [sflag:s15], $0x2000  }
0x158: {  	s21 =	sld [smem:$0x7F9]  }
0x159: {  	[sflag:s15] =	ssyncset.done $0x0  }
0x15a: {  	[sflag:s15] =	ssyncadd.s32 $0xFFFFE000  }
0x15b: {  	[tilespmem:s8], [sflag:$0x4] =	stream.indirect.gather [hbm4b:s3+s7], $0x10, s21, s7, $0xb8;
	[tilespmem:$0xF5A0] =	vst v63  }
0x15c: {  	_ =	swait.ge [sflag:s19], $0x2000  }
0x15d: {  	s21 =	sld [smem:$0x7FA]  }
0x15e: {  	[sflag:s19] =	ssyncset.done $0x0  }
0x15f: {  	[sflag:s19] =	ssyncadd.s32 $0xFFFFE000  }
0x160: {  	[spmem:s2] =	stream.indirect.scatter.add.f32 [tilespmem:s11], [sflag:$0x5], $0x10, s21, s7, $0xb8;
	[tilespmem:$0xF5A0] =	vst v63  }
0x161: {  	_ =	swait.ge [sflag:s18], $0x2000  }
0x162: {  	s21 =	sld [smem:$0x7FB]  }
0x163: {  	[sflag:s18] =	ssyncset.done $0x0  }
0x164: {  	[sflag:s18] =	ssyncadd.s32 $0xFFFFE000  }
0x165: {  	[spmem:s2] =	stream.indirect.scatter.add.f32 [tilespmem:s10], [sflag:$0x6], $0x10, s21, s7, $0xb8;
	[tilespmem:$0xF5A0] =	vst v63  }
0x166: {  	_ =	swait.ge [sflag:s17], $0x2000  }
0x167: {  	s21 =	sld [smem:$0x7FC]  }
0x168: {  	[sflag:s17] =	ssyncset.done $0x0  }
0x169: {  	[sflag:s17] =	ssyncadd.s32 $0xFFFFE000  }
0x16a: {  	[spmem:s2] =	stream.indirect.scatter.add.f32 [tilespmem:s9], [sflag:$0x7], $0x10, s21, s7, $0xb8;
	[tilespmem:$0xF5A0] =	vst v63  }
0x16b: {  	_ =	swait.ge [sflag:s16], $0x2000  }
0x16c: {  	s21 =	sld [smem:$0x7FD]  }
0x16d: {  	[sflag:s16] =	ssyncset.done $0x0  }
0x16e: {  	[sflag:s16] =	ssyncadd.s32 $0xFFFFE000  }
0x16f: {  	[spmem:s2] =	stream.indirect.scatter.add.f32 [tilespmem:s8], [sflag:$0x8], $0x10, s21, s7, $0xb8;
	[tilespmem:$0xF5A0] =	vst v63  }
0x170: {  	_ =	swait.ge [sflag:s12], $0x2000  }
0x171: {  	[sflag:s12] =	ssyncset.done $0x0  }
0x172: {  	[sflag:s12] =	ssyncadd.s32 $0xFFFFE000  }
0x173: {  	[tilespmem:s11], [sflag:$0x1] =	stream.indirect.gather [hbm4b:s3+s7], $0x10, s26, s7, $0xb8;
	[tilespmem:$0xF5A0] =	vst v63  }
0x174: {  	_ =	swait.ge [sflag:s13], $0x2000  }
0x175: {  	[sflag:s13] =	ssyncset.done $0x0  }
0x176: {  	[sflag:s13] =	ssyncadd.s32 $0xFFFFE000  }
0x177: {  	[tilespmem:s10], [sflag:$0x2] =	stream.indirect.gather [hbm4b:s3+s7], $0x10, s29, s7, $0xb8;
	[tilespmem:$0xF5A0] =	vst v63  }
0x178: {  	_ =	swait.ge [sflag:s14], $0x2000  }
0x179: {  	[sflag:s14] =	ssyncset.done $0x0  }
0x17a: {  	s21 =	simm.s32 $0x2400;
	[sflag:s14] =	ssyncadd.s32 $0xFFFFE000  }
0x17b: {  	[tilespmem:s9], [sflag:$0x3] =	stream.indirect.gather [hbm4b:s3+s7], $0x10, s21, s7, $0xb8;
	[tilespmem:$0xF5A0] =	vst v63  }
0x17c: {  	_ =	swait.ge [sflag:s15], $0x2000  }
0x17d: {  	[sflag:s15] =	ssyncset.done $0x0  }
0x17e: {  	[sflag:s15] =	ssyncadd.s32 $0xFFFFE000  }
0x17f: {  	[tilespmem:s8], [sflag:$0x4] =	stream.indirect.gather [hbm4b:s3+s20], $0x10, s28, s20, $0xb8;
	[tilespmem:$0xF5A0] =	vst v63  }
0x180: {  	_ =	swait.ge [sflag:s19], $0x2000  }
0x181: {  	[sflag:s19] =	ssyncset.done $0x0  }
0x182: {  	[sflag:s19] =	ssyncadd.s32 $0xFFFFE000  }
0x183: {  	[spmem:s2] =	stream.indirect.scatter.add.f32 [tilespmem:s11], [sflag:$0x5], $0x10, s25, s7, $0xb8;
	[tilespmem:$0xF5A0] =	vst v63  }
0x184: {  	_ =	swait.ge [sflag:s18], $0x2000  }
0x185: {  	[sflag:s18] =	ssyncset.done $0x0  }
0x186: {  	[sflag:s18] =	ssyncadd.s32 $0xFFFFE000  }
0x187: {  	[spmem:s2] =	stream.indirect.scatter.add.f32 [tilespmem:s10], [sflag:$0x6], $0x10, s24, s7, $0xb8;
	[tilespmem:$0xF5A0] =	vst v63  }
0x188: {  	_ =	swait.ge [sflag:s17], $0x2000  }
0x189: {  	[sflag:s17] =	ssyncset.done $0x0  }
0x18a: {  	[sflag:s17] =	ssyncadd.s32 $0xFFFFE000  }
0x18b: {  	[spmem:s2] =	stream.indirect.scatter.add.f32 [tilespmem:s9], [sflag:$0x7], $0x10, s23, s7, $0xb8;
	[tilespmem:$0xF5A0] =	vst v63  }
0x18c: {  	_ =	swait.ge [sflag:s16], $0x1100  }
0x18d: {  	[sflag:s16] =	ssyncset.done $0x0  }
0x18e: {  	[sflag:s16] =	ssyncadd.s32 $0xFFFFEF00  }
0x18f: {  	[spmem:s2] =	stream.indirect.scatter.add.f32 [tilespmem:s8], [sflag:$0x8], $0x10, s22, s20, $0xb8;
	[tilespmem:$0xF5A0] =	vst v63  }
0x190: {  	_ =	swait.ge [sflag:s12], $0x2000  }
0x191: {  	[sflag:s12] =	ssyncset.done $0x0  }
0x192: {  	[sflag:s12] =	ssyncadd.s32 $0xFFFFE000  }
0x193: {  	_ =	swait.ge [sflag:s13], $0x2000  }
0x194: {  	[sflag:s13] =	ssyncset.done $0x0  }
0x195: {  	[sflag:s13] =	ssyncadd.s32 $0xFFFFE000  }
0x196: {  	_ =	swait.ge [sflag:s14], $0x2000  }
0x197: {  	[sflag:s14] =	ssyncset.done $0x0  }
0x198: {  	[sflag:s14] =	ssyncadd.s32 $0xFFFFE000  }
0x199: {  	_ =	swait.ge [sflag:s15], $0x1100  }
0x19a: {  	[sflag:s15] =	ssyncset.done $0x0  }
0x19b: {  	p1 =	sne.s32 s1, $0x1;
	[sflag:s15] =	ssyncadd.s32 $0xFFFFEF00  }
.Ltmp2:
0x19c: {  	[bflag:$0x0] =	sbarrier.arrive $0xFFFF;
	(pc) =	sbr.rel @p1 .LBB2_4-.Ltmp2, $4  }
0x19d: {  	s21 =	rddreg [dreg:$0x7]  }
0x19e: {  	[hbm:s21], [sflag:s4] =	dma.local [spmem:s5], $0x4F0  }
0x19f: {  	_ =	swait.ge [sflag:s6], $0x4F0  }
0x1a0: {  	s1 =	sadd.s32 $0xFFFFFFFF, s1;
	s0 =	rddreg [dreg:$0x4];
	[sflag:s6] =	ssyncset.done $0x0  }
0x1a1: {  	s22 =	simm.s32 $0x2000;
	s29 =	simm.s32 $0x2200  }
0x1a2: {  	s28 =	simm.s32 $0x2600;
	s26 =	simm.s32 $0x2400;
	s25 =	simm.s32 $0x4710  }
0x1a3: {  	s24 =	simm.s32 $0x4910;
	s23 =	simm.s32 $0x4B10;
	s21 =	stileid.u32  }
.LBB2_6:
0x1a4: {  	[sflag:s6] =	ssyncadd.s32 @p0 $0xFFFFFB10  }
0x1a5: {  	[spmem:s5], [sflag:s4] =	dma.local [hbm:s0], $0x4F0  }
0x1a6: {  	_ =	swait.ge [sflag:s6], $0x4F0  }
0x1a7: {  	[sflag:s6] =	ssyncset.done $0x0  }
0x1a8: {  	s1 =	rddreg [dreg:$0x5];
	[sflag:s6] =	ssyncadd.s32 $0xFFFFFB10  }
0x1a9: {  	[tilespmem:s30], [sflag:$0x9] =	stream.linear.gather [hbm4b:s1+s30], $0x2710, $0x38;
	[tilespmem:$0xF5A0] =	vst v63  }
0x1aa: {  	_ =	swait.ge [sflag:s6], $0x2710  }
0x1ab: {  	[sflag:s6] =	ssyncset.done $0x0  }
0x1ac: {  	s1 =	rddreg [dreg:$0x6];
	[sflag:s6] =	ssyncadd.s32 $0xFFFFD8F0  }
0x1ad: {  	[tilespmem:s31], [sflag:$0x9] =	stream.linear.gather [hbm4b:s1+s30], $0x2710, $0x38;
	[tilespmem:$0xF5A0] =	vst v63  }
0x1ae: {  	_ =	swait.ge [sflag:s6], $0x2710  }
0x1af: {  	[sflag:s6] =	ssyncset.done $0x0  }
0x1b0: {  	[sflag:s6] =	ssyncadd.s32 $0xFFFFD8F0  }
0x1b1: {  	[bflag:$0x0] =	sbarrier.arrive $0xFFFF  }
0x1b2: {  	[tilespmem:s11], [sflag:$0x1] =	stream.indirect.gather [hbm4b:s3+s7], $0x10, s30, s7, $0xb8;
	[tilespmem:$0xF5A0] =	vst v63  }
0x1b3: {  	_ = 	snop  }
0x1b4: {  	[tilespmem:s10], [sflag:$0x2] =	stream.indirect.gather [hbm4b:s3+s7], $0x10, s7, s7, $0xb8;
	[tilespmem:$0xF5A0] =	vst v63  }
0x1b5: {  	s30 =	rddreg [dreg:$0x8]  }
0x1b6: {  	[tilespmem:s9], [sflag:$0x3] =	stream.indirect.gather [hbm4b:s3+s7], $0x10, s30, s7, $0xb8;
	[tilespmem:$0xF5A0] =	vst v63  }
0x1b7: {  	s1 =	rddreg [dreg:$0x9]  }
0x1b8: {  	[tilespmem:s8], [sflag:$0x4] =	stream.indirect.gather [hbm4b:s3+s7], $0x10, s1, s7, $0xb8;
	[tilespmem:$0xF5A0] =	vst v63  }
0x1b9: {  	_ =	swait.ge [sflag:s19], $0x2000  }
0x1ba: {  	[sflag:s19] =	ssyncset.done $0x0  }
0x1bb: {  	[sflag:s19] =	ssyncadd.s32 $0xFFFFE000  }
0x1bc: {  	[spmem:s2] =	stream.indirect.scatter.add.f32 [tilespmem:s11], [sflag:$0x5], $0x10, s31, s7, $0xb8;
	[tilespmem:$0xF5A0] =	vst v63  }
0x1bd: {  	_ =	swait.ge [sflag:s18], $0x2000  }
0x1be: {  	[sflag:s18] =	ssyncset.done $0x0  }
0x1bf: {  	s30 =	rddreg [dreg:$0xa];
	[sflag:s18] =	ssyncadd.s32 $0xFFFFE000  }
0x1c0: {  	[spmem:s2] =	stream.indirect.scatter.add.f32 [tilespmem:s10], [sflag:$0x6], $0x10, s30, s7, $0xb8;
	[tilespmem:$0xF5A0] =	vst v63  }
0x1c1: {  	_ =	swait.ge [sflag:s17], $0x2000  }
0x1c2: {  	[sflag:s17] =	ssyncset.done $0x0  }
0x1c3: {  	s31 =	rddreg [dreg:$0xb];
	[sflag:s17] =	ssyncadd.s32 $0xFFFFE000  }
0x1c4: {  	[spmem:s2] =	stream.indirect.scatter.add.f32 [tilespmem:s9], [sflag:$0x7], $0x10, s31, s7, $0xb8;
	[tilespmem:$0xF5A0] =	vst v63  }
0x1c5: {  	_ =	swait.ge [sflag:s16], $0x2000  }
0x1c6: {  	[sflag:s16] =	ssyncset.done $0x0  }
0x1c7: {  	s1 =	rddreg [dreg:$0xc];
	[sflag:s16] =	ssyncadd.s32 $0xFFFFE000  }
0x1c8: {  	[spmem:s2] =	stream.indirect.scatter.add.f32 [tilespmem:s8], [sflag:$0x8], $0x10, s1, s7, $0xb8;
	[tilespmem:$0xF5A0] =	vst v63  }
0x1c9: {  	_ =	swait.ge [sflag:s12], $0x2000  }
0x1ca: {  	[sflag:s12] =	ssyncset.done $0x0  }
0x1cb: {  	s30 =	rddreg [dreg:$0xd];
	[sflag:s12] =	ssyncadd.s32 $0xFFFFE000  }
0x1cc: {  	[tilespmem:s11], [sflag:$0x1] =	stream.indirect.gather [hbm4b:s3+s7], $0x10, s30, s7, $0xb8;
	[tilespmem:$0xF5A0] =	vst v63  }
0x1cd: {  	_ =	swait.ge [sflag:s13], $0x2000  }
0x1ce: {  	[sflag:s13] =	ssyncset.done $0x0  }
0x1cf: {  	s31 =	rddreg [dreg:$0xe];
	[sflag:s13] =	ssyncadd.s32 $0xFFFFE000  }
0x1d0: {  	[tilespmem:s10], [sflag:$0x2] =	stream.indirect.gather [hbm4b:s3+s7], $0x10, s31, s7, $0xb8;
	[tilespmem:$0xF5A0] =	vst v63  }
0x1d1: {  	_ =	swait.ge [sflag:s14], $0x2000  }
0x1d2: {  	[sflag:s14] =	ssyncset.done $0x0  }
0x1d3: {  	s1 =	rddreg [dreg:$0xf];
	[sflag:s14] =	ssyncadd.s32 $0xFFFFE000  }
0x1d4: {  	[tilespmem:s9], [sflag:$0x3] =	stream.indirect.gather [hbm4b:s3+s7], $0x10, s1, s7, $0xb8;
	[tilespmem:$0xF5A0] =	vst v63  }
0x1d5: {  	_ =	swait.ge [sflag:s15], $0x2000  }
0x1d6: {  	[sflag:s15] =	ssyncset.done $0x0  }
0x1d7: {  	s30 =	rddreg [dreg:$0x10];
	[sflag:s15] =	ssyncadd.s32 $0xFFFFE000  }
0x1d8: {  	[tilespmem:s8], [sflag:$0x4] =	stream.indirect.gather [hbm4b:s3+s7], $0x10, s30, s7, $0xb8;
	[tilespmem:$0xF5A0] =	vst v63  }
0x1d9: {  	_ =	swait.ge [sflag:s19], $0x2000  }
0x1da: {  	[sflag:s19] =	ssyncset.done $0x0  }
0x1db: {  	s31 =	rddreg [dreg:$0x11];
	[sflag:s19] =	ssyncadd.s32 $0xFFFFE000  }
0x1dc: {  	[spmem:s2] =	stream.indirect.scatter.add.f32 [tilespmem:s11], [sflag:$0x5], $0x10, s31, s7, $0xb8;
	[tilespmem:$0xF5A0] =	vst v63  }
0x1dd: {  	_ =	swait.ge [sflag:s18], $0x2000  }
0x1de: {  	[sflag:s18] =	ssyncset.done $0x0  }
0x1df: {  	s1 =	rddreg [dreg:$0x12];
	[sflag:s18] =	ssyncadd.s32 $0xFFFFE000  }
0x1e0: {  	[spmem:s2] =	stream.indirect.scatter.add.f32 [tilespmem:s10], [sflag:$0x6], $0x10, s1, s7, $0xb8;
	[tilespmem:$0xF5A0] =	vst v63  }
0x1e1: {  	_ =	swait.ge [sflag:s17], $0x2000  }
0x1e2: {  	[sflag:s17] =	ssyncset.done $0x0  }
0x1e3: {  	s30 =	rddreg [dreg:$0x13];
	[sflag:s17] =	ssyncadd.s32 $0xFFFFE000  }
0x1e4: {  	[spmem:s2] =	stream.indirect.scatter.add.f32 [tilespmem:s9], [sflag:$0x7], $0x10, s30, s7, $0xb8;
	[tilespmem:$0xF5A0] =	vst v63  }
0x1e5: {  	_ =	swait.ge [sflag:s16], $0x2000  }
0x1e6: {  	[sflag:s16] =	ssyncset.done $0x0  }
0x1e7: {  	s31 =	rddreg [dreg:$0x14];
	[sflag:s16] =	ssyncadd.s32 $0xFFFFE000  }
0x1e8: {  	[spmem:s2] =	stream.indirect.scatter.add.f32 [tilespmem:s8], [sflag:$0x8], $0x10, s31, s7, $0xb8;
	[tilespmem:$0xF5A0] =	vst v63  }
0x1e9: {  	_ =	swait.ge [sflag:s12], $0x2000  }
0x1ea: {  	[sflag:s12] =	ssyncset.done $0x0  }
0x1eb: {  	s1 =	rddreg [dreg:$0x15];
	[sflag:s12] =	ssyncadd.s32 $0xFFFFE000  }
0x1ec: {  	[tilespmem:s11], [sflag:$0x1] =	stream.indirect.gather [hbm4b:s3+s7], $0x10, s1, s7, $0xb8;
	[tilespmem:$0xF5A0] =	vst v63  }
0x1ed: {  	_ =	swait.ge [sflag:s13], $0x2000  }
0x1ee: {  	[sflag:s13] =	ssyncset.done $0x0  }
0x1ef: {  	s30 =	rddreg [dreg:$0x16];
	[sflag:s13] =	ssyncadd.s32 $0xFFFFE000  }
0x1f0: {  	[tilespmem:s10], [sflag:$0x2] =	stream.indirect.gather [hbm4b:s3+s7], $0x10, s30, s7, $0xb8;
	[tilespmem:$0xF5A0] =	vst v63  }
0x1f1: {  	_ =	swait.ge [sflag:s14], $0x2000  }
0x1f2: {  	[sflag:s14] =	ssyncset.done $0x0  }
0x1f3: {  	s31 =	rddreg [dreg:$0x17];
	[sflag:s14] =	ssyncadd.s32 $0xFFFFE000  }
0x1f4: {  	[tilespmem:s9], [sflag:$0x3] =	stream.indirect.gather [hbm4b:s3+s7], $0x10, s31, s7, $0xb8;
	[tilespmem:$0xF5A0] =	vst v63  }
0x1f5: {  	_ =	swait.ge [sflag:s15], $0x2000  }
0x1f6: {  	[sflag:s15] =	ssyncset.done $0x0  }
0x1f7: {  	s1 =	rddreg [dreg:$0x18];
	[sflag:s15] =	ssyncadd.s32 $0xFFFFE000  }
0x1f8: {  	[tilespmem:s8], [sflag:$0x4] =	stream.indirect.gather [hbm4b:s3+s7], $0x10, s1, s7, $0xb8;
	[tilespmem:$0xF5A0] =	vst v63  }
0x1f9: {  	_ =	swait.ge [sflag:s19], $0x2000  }
0x1fa: {  	[sflag:s19] =	ssyncset.done $0x0  }
0x1fb: {  	s30 =	rddreg [dreg:$0x19];
	[sflag:s19] =	ssyncadd.s32 $0xFFFFE000  }
0x1fc: {  	[spmem:s2] =	stream.indirect.scatter.add.f32 [tilespmem:s11], [sflag:$0x5], $0x10, s30, s7, $0xb8;
	[tilespmem:$0xF5A0] =	vst v63  }
0x1fd: {  	_ =	swait.ge [sflag:s18], $0x2000  }
0x1fe: {  	[sflag:s18] =	ssyncset.done $0x0  }
0x1ff: {  	s31 =	rddreg [dreg:$0x1a];
	[sflag:s18] =	ssyncadd.s32 $0xFFFFE000  }
0x200: {  	[spmem:s2] =	stream.indirect.scatter.add.f32 [tilespmem:s10], [sflag:$0x6], $0x10, s31, s7, $0xb8;
	[tilespmem:$0xF5A0] =	vst v63  }
0x201: {  	_ =	swait.ge [sflag:s17], $0x2000  }
0x202: {  	[sflag:s17] =	ssyncset.done $0x0  }
0x203: {  	s1 =	rddreg [dreg:$0x1b];
	[sflag:s17] =	ssyncadd.s32 $0xFFFFE000  }
0x204: {  	[spmem:s2] =	stream.indirect.scatter.add.f32 [tilespmem:s9], [sflag:$0x7], $0x10, s1, s7, $0xb8;
	[tilespmem:$0xF5A0] =	vst v63  }
0x205: {  	_ =	swait.ge [sflag:s16], $0x2000  }
0x206: {  	[sflag:s16] =	ssyncset.done $0x0  }
0x207: {  	s30 =	rddreg [dreg:$0x1c];
	[sflag:s16] =	ssyncadd.s32 $0xFFFFE000  }
0x208: {  	[spmem:s2] =	stream.indirect.scatter.add.f32 [tilespmem:s8], [sflag:$0x8], $0x10, s30, s7, $0xb8;
	[tilespmem:$0xF5A0] =	vst v63  }
0x209: {  	_ =	swait.ge [sflag:s12], $0x2000  }
0x20a: {  	[sflag:s12] =	ssyncset.done $0x0  }
0x20b: {  	s31 =	rddreg [dreg:$0x1d];
	[sflag:s12] =	ssyncadd.s32 $0xFFFFE000  }
0x20c: {  	[tilespmem:s11], [sflag:$0x1] =	stream.indirect.gather [hbm4b:s3+s7], $0x10, s31, s7, $0xb8;
	[tilespmem:$0xF5A0] =	vst v63  }
0x20d: {  	_ =	swait.ge [sflag:s13], $0x2000  }
0x20e: {  	[sflag:s13] =	ssyncset.done $0x0  }
0x20f: {  	s1 =	rddreg [dreg:$0x1e];
	[sflag:s13] =	ssyncadd.s32 $0xFFFFE000  }
0x210: {  	[tilespmem:s10], [sflag:$0x2] =	stream.indirect.gather [hbm4b:s3+s7], $0x10, s1, s7, $0xb8;
	[tilespmem:$0xF5A0] =	vst v63  }
0x211: {  	_ =	swait.ge [sflag:s14], $0x2000  }
0x212: {  	[sflag:s14] =	ssyncset.done $0x0  }
0x213: {  	s30 =	rddreg [dreg:$0x1f];
	[sflag:s14] =	ssyncadd.s32 $0xFFFFE000  }
0x214: {  	[tilespmem:s9], [sflag:$0x3] =	stream.indirect.gather [hbm4b:s3+s7], $0x10, s30, s7, $0xb8;
	[tilespmem:$0xF5A0] =	vst v63  }
0x215: {  	_ =	swait.ge [sflag:s15], $0x2000  }
0x216: {  	s31 =	sld [smem:$0x7F9]  }
0x217: {  	[sflag:s15] =	ssyncset.done $0x0  }
0x218: {  	[sflag:s15] =	ssyncadd.s32 $0xFFFFE000  }
0x219: {  	[tilespmem:s8], [sflag:$0x4] =	stream.indirect.gather [hbm4b:s3+s7], $0x10, s31, s7, $0xb8;
	[tilespmem:$0xF5A0] =	vst v63  }
0x21a: {  	_ =	swait.ge [sflag:s19], $0x2000  }
0x21b: {  	s1 =	sld [smem:$0x7FA]  }
0x21c: {  	[sflag:s19] =	ssyncset.done $0x0  }
0x21d: {  	[sflag:s19] =	ssyncadd.s32 $0xFFFFE000  }
0x21e: {  	[spmem:s2] =	stream.indirect.scatter.add.f32 [tilespmem:s11], [sflag:$0x5], $0x10, s1, s7, $0xb8;
	[tilespmem:$0xF5A0] =	vst v63  }
0x21f: {  	_ =	swait.ge [sflag:s18], $0x2000  }
0x220: {  	s30 =	sld [smem:$0x7FB]  }
0x221: {  	[sflag:s18] =	ssyncset.done $0x0  }
0x222: {  	[sflag:s18] =	ssyncadd.s32 $0xFFFFE000  }
0x223: {  	[spmem:s2] =	stream.indirect.scatter.add.f32 [tilespmem:s10], [sflag:$0x6], $0x10, s30, s7, $0xb8;
	[tilespmem:$0xF5A0] =	vst v63  }
0x224: {  	_ =	swait.ge [sflag:s17], $0x2000  }
0x225: {  	s31 =	sld [smem:$0x7FC]  }
0x226: {  	[sflag:s17] =	ssyncset.done $0x0  }
0x227: {  	[sflag:s17] =	ssyncadd.s32 $0xFFFFE000  }
0x228: {  	[spmem:s2] =	stream.indirect.scatter.add.f32 [tilespmem:s9], [sflag:$0x7], $0x10, s31, s7, $0xb8;
	[tilespmem:$0xF5A0] =	vst v63  }
0x229: {  	_ =	swait.ge [sflag:s16], $0x2000  }
0x22a: {  	s1 =	sld [smem:$0x7FD]  }
0x22b: {  	[sflag:s16] =	ssyncset.done $0x0  }
0x22c: {  	[sflag:s16] =	ssyncadd.s32 $0xFFFFE000  }
0x22d: {  	[spmem:s2] =	stream.indirect.scatter.add.f32 [tilespmem:s8], [sflag:$0x8], $0x10, s1, s7, $0xb8;
	[tilespmem:$0xF5A0] =	vst v63  }
0x22e: {  	_ =	swait.ge [sflag:s12], $0x2000  }
0x22f: {  	[sflag:s12] =	ssyncset.done $0x0  }
0x230: {  	[sflag:s12] =	ssyncadd.s32 $0xFFFFE000  }
0x231: {  	[tilespmem:s11], [sflag:$0x1] =	stream.indirect.gather [hbm4b:s3+s7], $0x10, s22, s7, $0xb8;
	[tilespmem:$0xF5A0] =	vst v63  }
0x232: {  	_ =	swait.ge [sflag:s13], $0x2000  }
0x233: {  	[sflag:s13] =	ssyncset.done $0x0  }
0x234: {  	[sflag:s13] =	ssyncadd.s32 $0xFFFFE000  }
0x235: {  	[tilespmem:s10], [sflag:$0x2] =	stream.indirect.gather [hbm4b:s3+s7], $0x10, s29, s7, $0xb8;
	[tilespmem:$0xF5A0] =	vst v63  }
0x236: {  	_ =	swait.ge [sflag:s14], $0x2000  }
0x237: {  	[sflag:s14] =	ssyncset.done $0x0  }
0x238: {  	[sflag:s14] =	ssyncadd.s32 $0xFFFFE000  }
0x239: {  	[tilespmem:s9], [sflag:$0x3] =	stream.indirect.gather [hbm4b:s3+s7], $0x10, s26, s7, $0xb8;
	[tilespmem:$0xF5A0] =	vst v63  }
0x23a: {  	_ =	swait.ge [sflag:s15], $0x2000  }
0x23b: {  	[sflag:s15] =	ssyncset.done $0x0  }
0x23c: {  	[sflag:s15] =	ssyncadd.s32 $0xFFFFE000  }
0x23d: {  	[tilespmem:s8], [sflag:$0x4] =	stream.indirect.gather [hbm4b:s3+s20], $0x10, s28, s20, $0xb8;
	[tilespmem:$0xF5A0] =	vst v63  }
0x23e: {  	_ =	swait.ge [sflag:s19], $0x2000  }
0x23f: {  	[sflag:s19] =	ssyncset.done $0x0  }
0x240: {  	[sflag:s19] =	ssyncadd.s32 $0xFFFFE000  }
0x241: {  	[spmem:s2] =	stream.indirect.scatter.add.f32 [tilespmem:s11], [sflag:$0x5], $0x10, s25, s7, $0xb8;
	[tilespmem:$0xF5A0] =	vst v63  }
0x242: {  	_ =	swait.ge [sflag:s18], $0x2000  }
0x243: {  	[sflag:s18] =	ssyncset.done $0x0  }
0x244: {  	[sflag:s18] =	ssyncadd.s32 $0xFFFFE000  }
0x245: {  	[spmem:s2] =	stream.indirect.scatter.add.f32 [tilespmem:s10], [sflag:$0x6], $0x10, s24, s7, $0xb8;
	[tilespmem:$0xF5A0] =	vst v63  }
0x246: {  	_ =	swait.ge [sflag:s17], $0x2000  }
0x247: {  	[sflag:s17] =	ssyncset.done $0x0  }
0x248: {  	[sflag:s17] =	ssyncadd.s32 $0xFFFFE000  }
0x249: {  	[spmem:s2] =	stream.indirect.scatter.add.f32 [tilespmem:s9], [sflag:$0x7], $0x10, s23, s7, $0xb8;
	[tilespmem:$0xF5A0] =	vst v63  }
0x24a: {  	_ =	swait.ge [sflag:s16], $0x1100  }
0x24b: {  	[sflag:s16] =	ssyncset.done $0x0  }
0x24c: {  	s30 =	simm.s32 $0x4D10;
	[sflag:s16] =	ssyncadd.s32 $0xFFFFEF00  }
0x24d: {  	[spmem:s2] =	stream.indirect.scatter.add.f32 [tilespmem:s8], [sflag:$0x8], $0x10, s30, s20, $0xb8;
	[tilespmem:$0xF5A0] =	vst v63  }
0x24e: {  	_ =	swait.ge [sflag:s12], $0x2000  }
0x24f: {  	[sflag:s12] =	ssyncset.done $0x0  }
0x250: {  	[sflag:s12] =	ssyncadd.s32 $0xFFFFE000  }
0x251: {  	_ =	swait.ge [sflag:s13], $0x2000  }
0x252: {  	[sflag:s13] =	ssyncset.done $0x0  }
0x253: {  	[sflag:s13] =	ssyncadd.s32 $0xFFFFE000  }
0x254: {  	_ =	swait.ge [sflag:s14], $0x2000  }
0x255: {  	[sflag:s14] =	ssyncset.done $0x0  }
0x256: {  	[sflag:s14] =	ssyncadd.s32 $0xFFFFE000  }
0x257: {  	_ =	swait.ge [sflag:s15], $0x1100  }
0x258: {  	[sflag:s15] =	ssyncset.done $0x0  }
0x259: {  	[sflag:s15] =	ssyncadd.s32 $0xFFFFEF00  }
0x25a: {  	[bflag:$0x0] =	sbarrier.arrive $0xFFFF  }
0x25b: {  	s31 =	rddreg [dreg:$0x7]  }
0x25c: {  	[hbm:s31], [sflag:s4] =	dma.local [spmem:s5], $0x4F0  }
0x25d: {  	_ =	swait.ge [sflag:s6], $0x4F0  }
0x25e: {  	[sflag:s6] =	ssyncset.done $0x0  }
0x25f: {  	[sflag:s6] =	ssyncadd.s32 $0xFFFFFB10  }
0x260: {  	_ =	sfence.sel $0x180000  }
0x261: {  	[bflag:$0x0] =	sbarrier.arrive $0xFFFF  }
0x262: {  	_ =	strace $0x9000004D  }
0x263: {  	[bflag:$0x2] =	sbarrier.arrive $0xFFFF  }
0x264: {  	p0 =	sne.s32 s21, $0x0;
	s0 =	rddreg [dreg:$0x3]  }
0x265: {  	s0 =	sadd.s32 @!p0 $0x100000, s0  }
0x266: {  	[sflag:s0] =	ssyncadd.tile.s32 @!p0 $0x1;
	_ =	shalt  }
.LBB2_1:
.Ltmp3:
0x267: {  	(pc) =	sbr.rel .LBB2_6-.Ltmp3, $4  }
0x268: {  	_ = 	snop  }
0x269: {  	s22 =	simm.s32 $0x2000  }
0x26a: {  	s29 =	simm.s32 $0x2200;
	s28 =	simm.s32 $0x2600;
	s26 =	simm.s32 $0x2400  }
0x26b: {  	s25 =	simm.s32 $0x4710;
	s24 =	simm.s32 $0x4910;
	s23 =	simm.s32 $0x4B10  }
.LBB2_3:
.Ltmp4:
0x26c: {  	(pc) =	sbr.rel .LBB2_6-.Ltmp4, $4  }
0x26d: {  	_ = 	snop  }
0x26e: {  	s22 =	simm.s32 $0x2000;
	s29 =	simm.s32 $0x2200  }
0x26f: {  	s28 =	simm.s32 $0x2600;
	s26 =	simm.s32 $0x2400;
	s25 =	simm.s32 $0x4710  }
0x270: {  	s24 =	simm.s32 $0x4910;
	s23 =	simm.s32 $0x4B10;
	s21 =	stileid.u32  }
.Lfunc_end2:
_tile_overlayer_lowered:
.L_overlay_start_2:
0x271: {  	(tag) =	ssettag $0x2  }
0x272: {  	s0 =	rddreg [dreg:$0x0];
	s2 =	stileid.u32  }
0x273: {  	s1 =	rddreg [dreg:$0x1];
	p0 =	sne.s32 s2, $0x0  }
0x274: {  	s3 =	rddreg [dreg:$0x2];
	[bflag:$0x3] =	sbarrier.arrive $0xFFFF;
	s2 =	simm.s32 @!p0 $0x1C09  }
0x275: {  	[timem:s3], [sflag:s2] =	dma.local @!p0 [hbm:s0], s1  }
0x276: {  	s0 =	simm.s32 @!p0 $0x9  }
0x277: {  	_ =	swait.ge @!p0 [sflag:s0], s1  }
0x278: {  	s1 =	ssub.s32 @!p0 $0x0, s1;
	[sflag:s0] =	ssyncset.done @!p0 $0x0  }
0x279: {  	[sflag:s0] =	ssyncadd.s32 @!p0 s1  }
0x27a: {  	[bflag:$0x3] =	sbarrier.arrive $0xFFFF  }
0x27b: {  	_ =	shalt  }

// kernel: kernel.8.cloned.1.call-start
scs
__scs_entry_jumppad:
0x0: {  	(pc) =	sbr.rel $0x88, $3  }
0x1: {  	(tag) =	ssettag $0x0;
	lr =	simm.s32 $0x1  }
0x2: {  	[smem:$0x3F9B] =	sst lr;
	_ =	strace $0xD0000000  }
0x3: {  	_ = 	snop  }
0x4: {  	_ = 	snop  }
0x5: {  	_ = 	snop  }
0x6: {  	_ = 	snop  }
0x7: {  	_ = 	snop  }
__scs_overlays_trampoline_lowered:
0x8: {  	[smem:$0x3FAA] =	sst s0  }
0x9: {  	[smem:$0x3FAB] =	sst s1  }
0xa: {  	[smem:$0x3FAC] =	sst s2  }
0xb: {  	[smem:$0x3FAD] =	sst s3  }
0xc: {  	[smem:$0x3FAE] =	sst s4  }
0xd: {  	[smem:$0x3FAF] =	sst s5  }
0xe: {  	[smem:$0x3FB0] =	sst s6  }
0xf: {  	[smem:$0x3FB1] =	sst s7  }
0x10: {  	[smem:$0x3FB2] =	sst s8  }
0x11: {  	[smem:$0x3FB3] =	sst s9;
	s0 =	simm.s32 @!p0 $0x0  }
0x12: {  	s1 =	sld [smem:$0x3F99];
	s0 =	simm.s32 @p0 $0x1  }
0x13: {  	[smem:$0x3FB4] =	sst s0;
	s0 =	simm.s32 @!p1 $0x0  }
0x14: {  	s2 =	sld [smem:$0x3F98];
	s0 =	simm.s32 @p1 $0x1  }
0x15: {  	[smem:$0x3FB5] =	sst s0;
	s0 =	simm.s32 @!p2 $0x0  }
0x16: {  	s3 =	sld [smem:$0x3FDB];
	s0 =	simm.s32 @p2 $0x1  }
0x17: {  	s4 =	simm.s32 $0x1BF5;
	[smem:$0x3FB7] =	sst s0  }
0x18: {  	s0 =	sld [smem:$0x3F9A];
	_ =	swait.ge [sflag:s4], $0x0  }
0x19: {  	s7 =	sld [smem:$0x3F9B]  }
0x1a: {  	s8 =	sadd.s32 $0xFFFFE003, lr  }
0x1b: {  	s9 =	sadd.s32 $0xFFFFFEF7, lr;
	s5 =	simm.s32 $0xFFFFFFFF;
	p2 =	slt.u32 s8, $0xFFFFF086  }
0x1c: {  	p1 =	slt.u32 s9, $0xF7A;
	s5 =	simm.s32 @!p2 $0x0  }
0x1d: {  	s5 =	simm.s32 @p1 $0x1;
	p0 =	seq.s32 s7, s2  }
0x1e: {  	s7 =	smul.u32 @!p0 $0xF7A, s2;
	p2 =	seq.s32 @!p0 s5, $0x0  }
0x1f: {  	s9 =	smul.u32 $0xF7A, s1;
	s8 =	simm.s32 @!p0 $0x1BF5;
	p2 =	por !p2, p0  }
0x20: {  	[sflag:s8] =	ssyncset.s32 @!p0 $0xFFFFF086;
	s6 =	sadd.s32 @!p0 s3, s7;
	s7 =	simm.s32 @!p0 $0x108  }
0x21: {  	s3 =	sadd.s32 s3, s9;
	s6 =	sadd.s32 @!p0 $0x88, s6;
	s7 =	simm.s32 @p2 $0x1082  }
0x22: {  	[simem:s7], [sflag:s8] =	dma.local @!p0 [hbm:s6], $0xF7A  }
0x23: {  	s9 =	sor.u32 $0xD0000000, s2;
	s6 =	simm.s32 $0x108;
	_ =	swait.ge @!p0 [sflag:s8], $0x0  }
0x24: {  	s3 =	sadd.s32 $0x88, s3;
	s6 =	simm.s32 @!p1 $0x1082;
	[sflag:s4] =	ssyncset.s32 $0xFFFFF086  }
0x25: {  	[simem:s6], [sflag:s4] =	dma.local [hbm:s3], $0xF7A  }
0x26: {  	[smem:$0x3F9B] =	sst s1;
	(tag) =	ssettag s2;
	_ =	strace s9  }
0x27: {  	s1 =	sld [smem:$0x3FAB]  }
0x28: {  	s2 =	sld [smem:$0x3FAC]  }
0x29: {  	s4 =	sld [smem:$0x3FAE]  }
0x2a: {  	p0 =	seq.s32 s5, $0x0;
	s5 =	sld [smem:$0x3FAF]  }
0x2b: {  	s6 =	sld [smem:$0x3FB0]  }
0x2c: {  	s7 =	sld [smem:$0x3FB1]  }
0x2d: {  	s3 =	simm.s32 $0x108;
	s8 =	sld [smem:$0x3FB2]  }
0x2e: {  	s3 =	simm.s32 @!p0 $0x1082;
	s9 =	sld [smem:$0x3FB3]  }
0x2f: {  	lr =	sadd.s32 s0, s3;
	s0 =	sld [smem:$0x3FAA]  }
0x30: {  	s3 =	sld [smem:$0x3FAD]  }
0x31: {  	[smem:$0x3FB6] =	sst s10  }
0x32: {  	s10 =	sld [smem:$0x3FB4];
	_ =	sdelay $0x3  }
0x33: {  	p0 =	seq.s32 s10, $0x1;
	s10 =	sld [smem:$0x3FB6];
	_ =	sdelay $0x3  }
0x34: {  	[smem:$0x3FB6] =	sst s10  }
0x35: {  	s10 =	sld [smem:$0x3FB5];
	_ =	sdelay $0x3  }
0x36: {  	p1 =	seq.s32 s10, $0x1;
	s10 =	sld [smem:$0x3FB6];
	_ =	sdelay $0x3  }
0x37: {  	[smem:$0x3FB6] =	sst s10  }
0x38: {  	s10 =	sld [smem:$0x3FB7]  }
0x39: {  	_ = 	snop;
	(pc) =	sbr.ind lr, $3  }
0x3a: {  	_ = 	snop  }
0x3b: {  	_ = 	snop  }
0x3c: {  	p2 =	seq.s32 s10, $0x1;
	s10 =	sld [smem:$0x3FB6]  }
0x3d: {  	_ =	shalt  }
0x3e: {  	_ =	shalt  }
0x3f: {  	_ =	shalt  }
0x40: {  	_ =	shalt  }
0x41: {  	_ =	shalt  }
0x42: {  	_ =	shalt  }
0x43: {  	_ =	shalt  }
0x44: {  	_ =	shalt  }
0x45: {  	_ =	shalt  }
0x46: {  	_ =	shalt  }
0x47: {  	_ =	shalt  }
0x48: {  	_ =	shalt  }
0x49: {  	_ =	shalt  }
0x4a: {  	_ =	shalt  }
0x4b: {  	_ =	shalt  }
0x4c: {  	_ =	shalt  }
0x4d: {  	_ =	shalt  }
0x4e: {  	_ =	shalt  }
0x4f: {  	_ =	shalt  }
0x50: {  	_ =	shalt  }
0x51: {  	_ =	shalt  }
0x52: {  	_ =	shalt  }
0x53: {  	_ =	shalt  }
0x54: {  	_ =	shalt  }
0x55: {  	_ =	shalt  }
0x56: {  	_ =	shalt  }
0x57: {  	_ =	shalt  }
0x58: {  	_ =	shalt  }
0x59: {  	_ =	shalt  }
0x5a: {  	_ =	shalt  }
0x5b: {  	_ =	shalt  }
0x5c: {  	_ =	shalt  }
0x5d: {  	_ =	shalt  }
0x5e: {  	_ =	shalt  }
0x5f: {  	_ =	shalt  }
0x60: {  	_ =	shalt  }
0x61: {  	_ =	shalt  }
0x62: {  	_ =	shalt  }
0x63: {  	_ =	shalt  }
0x64: {  	_ =	shalt  }
0x65: {  	_ =	shalt  }
0x66: {  	_ =	shalt  }
0x67: {  	_ =	shalt  }
0x68: {  	_ =	shalt  }
0x69: {  	_ =	shalt  }
0x6a: {  	_ =	shalt  }
0x6b: {  	_ =	shalt  }
0x6c: {  	_ =	shalt  }
0x6d: {  	_ =	shalt  }
0x6e: {  	_ =	shalt  }
0x6f: {  	_ =	shalt  }
0x70: {  	_ =	shalt  }
0x71: {  	_ =	shalt  }
0x72: {  	_ =	shalt  }
0x73: {  	_ =	shalt  }
0x74: {  	_ =	shalt  }
0x75: {  	_ =	shalt  }
0x76: {  	_ =	shalt  }
0x77: {  	_ =	shalt  }
0x78: {  	_ =	shalt  }
0x79: {  	_ =	shalt  }
0x7a: {  	_ =	shalt  }
0x7b: {  	_ =	shalt  }
0x7c: {  	_ =	shalt  }
0x7d: {  	_ =	shalt  }
0x7e: {  	_ =	shalt  }
0x7f: {  	_ =	shalt  }
0x80: {  	_ =	shalt  }
0x81: {  	_ =	shalt  }
0x82: {  	_ =	shalt  }
0x83: {  	_ =	shalt  }
0x84: {  	_ =	shalt  }
0x85: {  	_ =	shalt  }
0x86: {  	_ =	shalt  }
0x87: {  	_ =	shalt  }
.Lfunc_end0:
.L_simem_size_0:
called_computation_lowered:
.L_overlay_start_0:
0x88: {  	s2 =	sld [smem:$0x3FD9]  }
0x89: {  	s3 =	sld [smem:$0x3FFE];
	_ =	sdelay $0x1  }
0x8a: {  	s1 =	srdreg.scid  }
0x8b: {  	s0 =	sand.u32 $0x1, s1  }
0x8c: {  	s17 =	sshll.u32 s0, $0xA;
	s2 =	sadd.s32 s3, s2  }
0x8d: {  	s2 =	sadd.s32 s2, s17  }
0x8e: {  	[smem:$0x3FC2] =	sst s2  }
0x8f: {  	_ = 	snop  }
0x90: {  	s2 =	sld [smem:$0x3FD0];
	(tm) =	ssettm $0x1  }
0x91: {  	s18 =	sld [smem:$0x3FFB];
	_ =	sdelay $0x3  }
0x92: {  	_ =	strace s18  }
0x93: {  	s3 =	sld [smem:$0x3FFC];
	_ =	sdelay $0x3  }
0x94: {  	_ =	strace s3  }
0x95: {  	s3 =	sld [smem:$0x3FFD];
	_ =	sdelay $0x3  }
0x96: {  	_ =	strace s3  }
0x97: {  	_ =	strace $0x8FFFFFFF  }
0x98: {  	s19 =	sld [smem:$0x3FDB];
	_ =	sdelay $0x1  }
0x99: {  	s4 =	simm.s32 $_scs_section_size  }
0x9a: {  	s5 =	simm.s32 $_size__tile_overlayer_lowered;
	s6 =	simm.s32 $_tile_overlayer_lowered  }
0x9b: {  	s22 =	simm.s32 $0x1BFF;
	s21 =	sshll.u32 s6, $0x1;
	s3 =	sadd.s32 s4, s19  }
0x9c: {  	s7 =	simm.s32 $0x0;
	s20 =	sshll.u32 s5, $0x1;
	s5 =	sadd.s32 s21, s3  }
0x9d: {  	[timem:s7], [sflag:s22] =	dma.local [hbm:s5], s20  }
0x9e: {  	_ =	swait.ge [sflag:s22], s20  }
0x9f: {  	s4 =	ssub.s32 $0x0, s20;
	[sflag:s22] =	ssyncset.done $0x0  }
0xa0: {  	[sflag:s22] =	ssyncadd.s32 s4;
	_ =	sdelay $0x1  }
0xa1: {  	s23 =	simm.s32 $0x1B8B  }
0xa2: {  	_ =	swait.ge [sflag:s23], $0x1  }
0xa3: {  	[sflag:s23] =	ssyncset.done $0x0  }
0xa4: {  	s25 =	simm.s32 $0x1B8E;
	s24 =	sld [smem:$0x3FFE];
	[sflag:s23] =	ssyncadd.s32 $0xFFFFFFFF  }
0xa5: {  	s26 =	simm.s32 $execute0_lowered;
	[smem:$0x3FD2] =	sst s25  }
0xa6: {  	s5 =	sshll.u32 s26, $0x1;
	_ =	strace $0x80000046;
	[dreg:$0x1] =	wrdreg $0xFFFFFFFF  }
0xa7: {  	s28 =	simm.s32 $_size_execute0_lowered;
	s3 =	sadd.s32 s3, s5;
	[dreg:$0x0] =	wrdreg $0x0  }
0xa8: {  	s5 =	sshll.u32 s28, $0x1;
	[dreg:$0x2] =	wrdreg s3  }
0xa9: {  	[dreg:$0x3] =	wrdreg s5  }
0xaa: {  	[dreg:$0x4] =	wrdreg $0xC0  }
0xab: {  	_ =	task [dreg:s7], $0x5FFFF  }
0xac: {  	[dreg:$0x1] =	wrdreg $0xFFFFFFFF  }
0xad: {  	[dreg:$0x0] =	wrdreg $0x60  }
0xae: {  	[dreg:$0x2] =	wrdreg s24  }
0xaf: {  	[dreg:$0x3] =	wrdreg s2  }
0xb0: {  	[dreg:$0x4] =	wrdreg $0x47100  }
0xb1: {  	[dreg:$0x5] =	wrdreg $0x9  }
0xb2: {  	_ =	task.clear_ibuf [dreg:s7], $0x6FFFF;
	_ =	strace $0x90000046  }
0xb3: {  	s29 =	simm.s32 $0x9;
	_ =	strace $0x80000048  }
0xb4: {  	_ =	swait.ge [sflag:s29], $0x1  }
0xb5: {  	[sflag:s29] =	ssyncadd.s32 $0xFFFFFFFF  }
0xb6: {  	_ =	strace $0x90000048  }
0xb7: {  	_ =	sfence  }
0xb8: {  	s30 =	sld [smem:$0x0];
	_ =	sdelay $0x2  }
0xb9: {  	s31 =	sshll.u32 s1, $0xD;
	s1 =	sshrl.u32 s1, $0x2  }
0xba: {  	s3 =	sand.u32 $0x4000, s31;
	s1 =	sadd.s32 s1, s30  }
0xbb: {  	s0 =	sor.u32 s3, s0;
	s1 =	sshll.u32 s1, $0x11  }
0xbc: {  	s0 =	sor.u32 s1, s0  }
0xbd: {  	s0 =	sadd.s32 $0x8F2B, s0  }
0xbe: {  	[sflag:s0] =	ssyncadd.remote.s32 $0x1  }
0xbf: {  	_ =	sfence.sel $0xFFFF  }
0xc0: {  	[dreg:$0x0] =	wrdreg $0xFFFFFFFF;
	(pc) =	sbr.abs _section_cstart, $3  }
0xc1: {  	[dreg:$0x1] =	wrdreg $0xFFFFFFFF  }
0xc2: {  	_ =	task.clear_ibuf [dreg:s7], $0x2FFFF;
	_ =	strace $0x9FFFFFFF  }
0xc3: {  	(tm) =	ssettm $0x7FFFFFFF  }
tec
execute0_lowered:
.L_overlay_start_1:
0x0: {  	(tag) =	ssettag $0x1  }
0x1: {  	s4 =	rddreg [dreg:$0x0]  }
0x2: {  	s0 =	rddreg [dreg:$0x1];
	s1 =	srdreg.scid  }
0x3: {  	s20 =	stileid.u32;
	s2 =	rddreg [dreg:$0x2]  }
0x4: {  	s3 =	simm.s32 $0x0;
	s24 =	simm.s32 $0x400;
	[dreg:$0x5] =	wrdreg s0  }
0x5: {  	s1 =	sand.u32 $0x1, s1;
	s5 =	sshll.u32 s20, $0x1;
	[smem:$0x7FF] =	sst s3  }
0x6: {  	s7 =	smul.u32 $0x9E00, s20;
	s8 =	sadd.s32 $0x15800, s4;
	s5 =	sor.u32 s1, s5  }
0x7: {  	s22 =	sshll.u32 s20, $0x6;
	s6 =	sshll.u32 s1, $0x4;
	s5 =	smul.u32 $0x2710, s5  }
0x8: {  	_ =	strace $0x80000047;
	[dreg:$0x4] =	wrdreg s8;
	s6 =	sor.u32 s20, s6  }
0x9: {  	[dreg:$0x8] =	wrdreg s24;
	s6 =	smul.u32 $0x4F0, s6;
	s5 =	sshrl.u32 s5, $0x3  }
0xa: {  	s7 =	sshrl.u32 s7, $0x2;
	s8 =	rddreg [dreg:$0x4];
	s5 =	sadd.s32 s4, s5  }
0xb: {  	s21 =	sadd.s32 s7, s2;
	s4 =	sadd.s32 s6, s4;
	s5 =	sadd.s32 $0xBA40, s5  }
0xc: {  	s6 =	sshrl.u32 s21, $0x3;
	s23 =	sadd.s32 $0x15E00, s4;
	[dreg:$0x6] =	wrdreg s5  }
0xd: {  	s4 =	sor.u32 $0x1C05, s22;
	[dreg:$0x7] =	wrdreg s23;
	s5 =	simm.s32 $0x5  }
0xe: {  	[spmem:s6], [sflag:s4] =	dma.local [hbm:s8], $0x4F0  }
0xf: {  	_ =	swait.ge [sflag:s5], $0x4F0  }
0x10: {  	[sflag:s5] =	ssyncset.done $0x0  }
0x11: {  	s7 =	simm.s32 $0x2710;
	s25 =	rddreg [dreg:$0x5];
	[sflag:s5] =	ssyncadd.s32 $0xFFFFFB10  }
0x12: {  	[tilespmem:s7], [sflag:$0x5] =	stream.linear.gather [hbm4b:s25+s3], $0x2000, $0x38;
	[tilespmem:$0x6E90] =	vst v63  }
0x13: {  	_ =	swait.ge [sflag:s5], $0x2000  }
0x14: {  	[sflag:s5] =	ssyncset.done $0x0  }
0x15: {  	s26 =	rddreg [dreg:$0x6];
	[sflag:s5] =	ssyncadd.s32 $0xFFFFE000  }
0x16: {  	[tilespmem:s3], [sflag:$0x5] =	stream.linear.gather [hbm4b:s26+s3], $0x2710, $0x38;
	[tilespmem:$0x6E90] =	vst v63  }
0x17: {  	_ =	swait.ge [sflag:s5], $0x2710  }
0x18: {  	[sflag:s5] =	ssyncset.done $0x0  }
0x19: {  	[sflag:s5] =	ssyncadd.s32 $0xFFFFD8F0  }
0x1a: {  	s8 =	simm.s32 $0x200;
	[bflag:$0x0] =	sbarrier.arrive $0xFFFF  }
0x1b: {  	[spmem:s2] =	stream.indirect.scatter.add.f32 [tilespmem:s7], [sflag:$0x1], $0x10, s3, s8, $0xb8;
	[tilespmem:$0x6E90] =	vst v63  }
0x1c: {  	_ = 	snop  }
0x1d: {  	[spmem:s2] =	stream.indirect.scatter.add.f32 [tilespmem:s7], [sflag:$0x2], $0x10, s8, s8, $0xb8;
	[tilespmem:$0x6E90] =	vst v63  }
0x1e: {  	s9 =	rddreg [dreg:$0x8]  }
0x1f: {  	[spmem:s2] =	stream.indirect.scatter.add.f32 [tilespmem:s7], [sflag:$0x3], $0x10, s9, s8, $0xb8;
	[tilespmem:$0x6E90] =	vst v63  }
0x20: {  	s10 =	simm.s32 $0x1;
	s9 =	simm.s32 $0x600  }
0x21: {  	[spmem:s2] =	stream.indirect.scatter.add.f32 [tilespmem:s7], [sflag:$0x4], $0x10, s9, s8, $0xb8;
	[tilespmem:$0x6E90] =	vst v63  }
0x22: {  	_ =	swait.ge [sflag:s10], $0x2000  }
0x23: {  	[sflag:s10] =	ssyncset.done $0x0  }
0x24: {  	s11 =	simm.s32 $0x800;
	s12 =	simm.s32 $0x2;
	[sflag:s10] =	ssyncadd.s32 $0xFFFFE000  }
0x25: {  	[spmem:s2] =	stream.indirect.scatter.add.f32 [tilespmem:s7], [sflag:$0x1], $0x10, s11, s8, $0xb8;
	[tilespmem:$0x6E90] =	vst v63  }
0x26: {  	_ =	swait.ge [sflag:s12], $0x2000  }
0x27: {  	[sflag:s12] =	ssyncset.done $0x0  }
0x28: {  	s13 =	simm.s32 $0xA00;
	s14 =	simm.s32 $0x3;
	[sflag:s12] =	ssyncadd.s32 $0xFFFFE000  }
0x29: {  	[spmem:s2] =	stream.indirect.scatter.add.f32 [tilespmem:s7], [sflag:$0x2], $0x10, s13, s8, $0xb8;
	[tilespmem:$0x6E90] =	vst v63  }
0x2a: {  	_ =	swait.ge [sflag:s14], $0x2000  }
0x2b: {  	[sflag:s14] =	ssyncset.done $0x0  }
0x2c: {  	s15 =	simm.s32 $0xC00;
	s16 =	simm.s32 $0x4;
	[sflag:s14] =	ssyncadd.s32 $0xFFFFE000  }
0x2d: {  	[spmem:s2] =	stream.indirect.scatter.add.f32 [tilespmem:s7], [sflag:$0x3], $0x10, s15, s8, $0xb8;
	[tilespmem:$0x6E90] =	vst v63  }
0x2e: {  	_ =	swait.ge [sflag:s16], $0x2000  }
0x2f: {  	[sflag:s16] =	ssyncset.done $0x0  }
0x30: {  	s17 =	simm.s32 $0xE00;
	[sflag:s16] =	ssyncadd.s32 $0xFFFFE000  }
0x31: {  	[spmem:s2] =	stream.indirect.scatter.add.f32 [tilespmem:s7], [sflag:$0x4], $0x10, s17, s8, $0xb8;
	[tilespmem:$0x6E90] =	vst v63  }
0x32: {  	_ =	swait.ge [sflag:s10], $0x2000  }
0x33: {  	[sflag:s10] =	ssyncset.done $0x0  }
0x34: {  	s18 =	simm.s32 $0x1000;
	[sflag:s10] =	ssyncadd.s32 $0xFFFFE000  }
0x35: {  	[spmem:s2] =	stream.indirect.scatter.add.f32 [tilespmem:s7], [sflag:$0x1], $0x10, s18, s8, $0xb8;
	[tilespmem:$0x6E90] =	vst v63  }
0x36: {  	_ =	swait.ge [sflag:s12], $0x2000  }
0x37: {  	[sflag:s12] =	ssyncset.done $0x0  }
0x38: {  	s19 =	simm.s32 $0x1200;
	[sflag:s12] =	ssyncadd.s32 $0xFFFFE000  }
0x39: {  	[spmem:s2] =	stream.indirect.scatter.add.f32 [tilespmem:s7], [sflag:$0x2], $0x10, s19, s8, $0xb8;
	[tilespmem:$0x6E90] =	vst v63  }
0x3a: {  	_ =	swait.ge [sflag:s14], $0x2000  }
0x3b: {  	[sflag:s14] =	ssyncset.done $0x0  }
0x3c: {  	s20 =	simm.s32 $0x1400;
	[sflag:s14] =	ssyncadd.s32 $0xFFFFE000  }
0x3d: {  	[spmem:s2] =	stream.indirect.scatter.add.f32 [tilespmem:s7], [sflag:$0x3], $0x10, s20, s8, $0xb8;
	[tilespmem:$0x6E90] =	vst v63  }
0x3e: {  	_ =	swait.ge [sflag:s16], $0x2000  }
0x3f: {  	[sflag:s16] =	ssyncset.done $0x0  }
0x40: {  	s21 =	simm.s32 $0x1600;
	[sflag:s16] =	ssyncadd.s32 $0xFFFFE000  }
0x41: {  	[spmem:s2] =	stream.indirect.scatter.add.f32 [tilespmem:s7], [sflag:$0x4], $0x10, s21, s8, $0xb8;
	[tilespmem:$0x6E90] =	vst v63  }
0x42: {  	_ =	swait.ge [sflag:s10], $0x2000  }
0x43: {  	[sflag:s10] =	ssyncset.done $0x0  }
0x44: {  	s22 =	simm.s32 $0x1800;
	[sflag:s10] =	ssyncadd.s32 $0xFFFFE000  }
0x45: {  	[spmem:s2] =	stream.indirect.scatter.add.f32 [tilespmem:s7], [sflag:$0x1], $0x10, s22, s8, $0xb8;
	[tilespmem:$0x6E90] =	vst v63  }
0x46: {  	_ =	swait.ge [sflag:s12], $0x2000  }
0x47: {  	[sflag:s12] =	ssyncset.done $0x0  }
0x48: {  	s23 =	simm.s32 $0x1A00;
	[sflag:s12] =	ssyncadd.s32 $0xFFFFE000  }
0x49: {  	[spmem:s2] =	stream.indirect.scatter.add.f32 [tilespmem:s7], [sflag:$0x2], $0x10, s23, s8, $0xb8;
	[tilespmem:$0x6E90] =	vst v63  }
0x4a: {  	_ =	swait.ge [sflag:s14], $0x2000  }
0x4b: {  	[sflag:s14] =	ssyncset.done $0x0  }
0x4c: {  	s24 =	simm.s32 $0x1C00;
	[sflag:s14] =	ssyncadd.s32 $0xFFFFE000  }
0x4d: {  	[spmem:s2] =	stream.indirect.scatter.add.f32 [tilespmem:s7], [sflag:$0x3], $0x10, s24, s8, $0xb8;
	[tilespmem:$0x6E90] =	vst v63  }
0x4e: {  	_ =	swait.ge [sflag:s16], $0x2000  }
0x4f: {  	[sflag:s16] =	ssyncset.done $0x0  }
0x50: {  	s25 =	simm.s32 $0x1E00;
	[sflag:s16] =	ssyncadd.s32 $0xFFFFE000  }
0x51: {  	[spmem:s2] =	stream.indirect.scatter.add.f32 [tilespmem:s7], [sflag:$0x4], $0x10, s25, s8, $0xb8;
	[tilespmem:$0x6E90] =	vst v63  }
0x52: {  	_ =	swait.ge [sflag:s10], $0x2000  }
0x53: {  	[sflag:s10] =	ssyncset.done $0x0  }
0x54: {  	s26 =	simm.s32 $0x2000;
	[sflag:s10] =	ssyncadd.s32 $0xFFFFE000  }
0x55: {  	[spmem:s2] =	stream.indirect.scatter.add.f32 [tilespmem:s7], [sflag:$0x1], $0x10, s26, s8, $0xb8;
	[tilespmem:$0x6E90] =	vst v63  }
0x56: {  	_ =	swait.ge [sflag:s12], $0x2000  }
0x57: {  	[sflag:s12] =	ssyncset.done $0x0  }
0x58: {  	s28 =	simm.s32 $0x2200;
	[sflag:s12] =	ssyncadd.s32 $0xFFFFE000  }
0x59: {  	[spmem:s2] =	stream.indirect.scatter.add.f32 [tilespmem:s7], [sflag:$0x2], $0x10, s28, s8, $0xb8;
	[tilespmem:$0x6E90] =	vst v63  }
0x5a: {  	_ =	swait.ge [sflag:s14], $0x2000  }
0x5b: {  	[sflag:s14] =	ssyncset.done $0x0  }
0x5c: {  	s29 =	simm.s32 $0x2400;
	[sflag:s14] =	ssyncadd.s32 $0xFFFFE000  }
0x5d: {  	[spmem:s2] =	stream.indirect.scatter.add.f32 [tilespmem:s7], [sflag:$0x3], $0x10, s29, s8, $0xb8;
	[tilespmem:$0x6E90] =	vst v63  }
0x5e: {  	_ =	swait.ge [sflag:s16], $0x2000  }
0x5f: {  	[sflag:s16] =	ssyncset.done $0x0  }
0x60: {  	s30 =	simm.s32 $0x110;
	s31 =	simm.s32 $0x2600;
	[sflag:s16] =	ssyncadd.s32 $0xFFFFE000  }
0x61: {  	[spmem:s2] =	stream.indirect.scatter.add.f32 [tilespmem:s7], [sflag:$0x4], $0x10, s31, s30, $0xb8;
	[tilespmem:$0x6E90] =	vst v63  }
0x62: {  	_ =	swait.ge [sflag:s10], $0x2000  }
0x63: {  	[sflag:s10] =	ssyncset.done $0x0  }
0x64: {  	[sflag:s10] =	ssyncadd.s32 $0xFFFFE000  }
0x65: {  	_ =	swait.ge [sflag:s12], $0x2000  }
0x66: {  	[sflag:s12] =	ssyncset.done $0x0  }
0x67: {  	[sflag:s12] =	ssyncadd.s32 $0xFFFFE000  }
0x68: {  	_ =	swait.ge [sflag:s14], $0x2000  }
0x69: {  	[sflag:s14] =	ssyncset.done $0x0  }
0x6a: {  	[sflag:s14] =	ssyncadd.s32 $0xFFFFE000  }
0x6b: {  	_ =	swait.ge [sflag:s16], $0x1100  }
0x6c: {  	[sflag:s16] =	ssyncset.done $0x0  }
0x6d: {  	[sflag:s16] =	ssyncadd.s32 $0xFFFFEF00  }
0x6e: {  	[bflag:$0x0] =	sbarrier.arrive $0xFFFF  }
0x6f: {  	s1 =	ssub.s32 $0x2, s1;
	s0 =	rddreg [dreg:$0x7]  }
0x70: {  	[dreg:$0x9] =	wrdreg s0;
	s0 =	sshrl.u32 s1, $0x1  }
0x71: {  	s0 =	ssub.s32 s1, s0  }
0x72: {  	s0 =	smax.u32 s0, $0x1  }
0x73: {  	p0 =	sne.s32 s0, $0x1  }
.Ltmp0:
0x74: {  	_ = 	snop;
	(pc) =	sbr.rel @!p0 .LBB2_2-.Ltmp0, $4  }
0x75: {  	_ = 	snop  }
0x76: {  	s1 =	rddreg [dreg:$0x9]  }
0x77: {  	[hbm:s1], [sflag:s4] =	dma.local [spmem:s6], $0x4F0  }
0x78: {  	s1 =	sadd.s32 $0xFFFFFFFF, s0;
	_ =	swait.ge [sflag:s5], $0x4F0  }
.LBB2_1:
0x79: {  	[sflag:s5] =	ssyncset.done $0x0  }
0x7a: {  	s0 =	rddreg [dreg:$0x4];
	[sflag:s5] =	ssyncadd.s32 $0xFFFFFB10  }
0x7b: {  	[spmem:s6], [sflag:s4] =	dma.local [hbm:s0], $0x4F0  }
0x7c: {  	_ =	swait.ge [sflag:s5], $0x4F0  }
0x7d: {  	[sflag:s5] =	ssyncset.done $0x0  }
0x7e: {  	s0 =	rddreg [dreg:$0x5];
	[sflag:s5] =	ssyncadd.s32 $0xFFFFFB10  }
0x7f: {  	[tilespmem:s7], [sflag:$0x5] =	stream.linear.gather [hbm4b:s0+s3], $0x2000, $0x38;
	[tilespmem:$0x6E90] =	vst v63  }
0x80: {  	_ =	swait.ge [sflag:s5], $0x2000  }
0x81: {  	[sflag:s5] =	ssyncset.done $0x0  }
0x82: {  	s0 =	rddreg [dreg:$0x6];
	[sflag:s5] =	ssyncadd.s32 $0xFFFFE000  }
0x83: {  	[tilespmem:s3], [sflag:$0x5] =	stream.linear.gather [hbm4b:s0+s3], $0x2710, $0x38;
	[tilespmem:$0x6E90] =	vst v63  }
0x84: {  	_ =	swait.ge [sflag:s5], $0x2710  }
0x85: {  	[sflag:s5] =	ssyncset.done $0x0  }
0x86: {  	[sflag:s5] =	ssyncadd.s32 $0xFFFFD8F0  }
0x87: {  	[bflag:$0x0] =	sbarrier.arrive $0xFFFF  }
0x88: {  	[spmem:s2] =	stream.indirect.scatter.add.f32 [tilespmem:s7], [sflag:$0x1], $0x10, s3, s8, $0xb8;
	[tilespmem:$0x6E90] =	vst v63  }
0x89: {  	_ = 	snop  }
0x8a: {  	[spmem:s2] =	stream.indirect.scatter.add.f32 [tilespmem:s7], [sflag:$0x2], $0x10, s8, s8, $0xb8;
	[tilespmem:$0x6E90] =	vst v63  }
0x8b: {  	s0 =	rddreg [dreg:$0x8]  }
0x8c: {  	[spmem:s2] =	stream.indirect.scatter.add.f32 [tilespmem:s7], [sflag:$0x3], $0x10, s0, s8, $0xb8;
	[tilespmem:$0x6E90] =	vst v63  }
0x8d: {  	_ = 	snop  }
0x8e: {  	[spmem:s2] =	stream.indirect.scatter.add.f32 [tilespmem:s7], [sflag:$0x4], $0x10, s9, s8, $0xb8;
	[tilespmem:$0x6E90] =	vst v63  }
0x8f: {  	_ =	swait.ge [sflag:s10], $0x2000  }
0x90: {  	[sflag:s10] =	ssyncset.done $0x0  }
0x91: {  	[sflag:s10] =	ssyncadd.s32 $0xFFFFE000  }
0x92: {  	[spmem:s2] =	stream.indirect.scatter.add.f32 [tilespmem:s7], [sflag:$0x1], $0x10, s11, s8, $0xb8;
	[tilespmem:$0x6E90] =	vst v63  }
0x93: {  	_ =	swait.ge [sflag:s12], $0x2000  }
0x94: {  	[sflag:s12] =	ssyncset.done $0x0  }
0x95: {  	[sflag:s12] =	ssyncadd.s32 $0xFFFFE000  }
0x96: {  	[spmem:s2] =	stream.indirect.scatter.add.f32 [tilespmem:s7], [sflag:$0x2], $0x10, s13, s8, $0xb8;
	[tilespmem:$0x6E90] =	vst v63  }
0x97: {  	_ =	swait.ge [sflag:s14], $0x2000  }
0x98: {  	[sflag:s14] =	ssyncset.done $0x0  }
0x99: {  	[sflag:s14] =	ssyncadd.s32 $0xFFFFE000  }
0x9a: {  	[spmem:s2] =	stream.indirect.scatter.add.f32 [tilespmem:s7], [sflag:$0x3], $0x10, s15, s8, $0xb8;
	[tilespmem:$0x6E90] =	vst v63  }
0x9b: {  	_ =	swait.ge [sflag:s16], $0x2000  }
0x9c: {  	[sflag:s16] =	ssyncset.done $0x0  }
0x9d: {  	[sflag:s16] =	ssyncadd.s32 $0xFFFFE000  }
0x9e: {  	[spmem:s2] =	stream.indirect.scatter.add.f32 [tilespmem:s7], [sflag:$0x4], $0x10, s17, s8, $0xb8;
	[tilespmem:$0x6E90] =	vst v63  }
0x9f: {  	_ =	swait.ge [sflag:s10], $0x2000  }
0xa0: {  	[sflag:s10] =	ssyncset.done $0x0  }
0xa1: {  	[sflag:s10] =	ssyncadd.s32 $0xFFFFE000  }
0xa2: {  	[spmem:s2] =	stream.indirect.scatter.add.f32 [tilespmem:s7], [sflag:$0x1], $0x10, s18, s8, $0xb8;
	[tilespmem:$0x6E90] =	vst v63  }
0xa3: {  	_ =	swait.ge [sflag:s12], $0x2000  }
0xa4: {  	[sflag:s12] =	ssyncset.done $0x0  }
0xa5: {  	[sflag:s12] =	ssyncadd.s32 $0xFFFFE000  }
0xa6: {  	[spmem:s2] =	stream.indirect.scatter.add.f32 [tilespmem:s7], [sflag:$0x2], $0x10, s19, s8, $0xb8;
	[tilespmem:$0x6E90] =	vst v63  }
0xa7: {  	_ =	swait.ge [sflag:s14], $0x2000  }
0xa8: {  	[sflag:s14] =	ssyncset.done $0x0  }
0xa9: {  	[sflag:s14] =	ssyncadd.s32 $0xFFFFE000  }
0xaa: {  	[spmem:s2] =	stream.indirect.scatter.add.f32 [tilespmem:s7], [sflag:$0x3], $0x10, s20, s8, $0xb8;
	[tilespmem:$0x6E90] =	vst v63  }
0xab: {  	_ =	swait.ge [sflag:s16], $0x2000  }
0xac: {  	[sflag:s16] =	ssyncset.done $0x0  }
0xad: {  	[sflag:s16] =	ssyncadd.s32 $0xFFFFE000  }
0xae: {  	[spmem:s2] =	stream.indirect.scatter.add.f32 [tilespmem:s7], [sflag:$0x4], $0x10, s21, s8, $0xb8;
	[tilespmem:$0x6E90] =	vst v63  }
0xaf: {  	_ =	swait.ge [sflag:s10], $0x2000  }
0xb0: {  	[sflag:s10] =	ssyncset.done $0x0  }
0xb1: {  	[sflag:s10] =	ssyncadd.s32 $0xFFFFE000  }
0xb2: {  	[spmem:s2] =	stream.indirect.scatter.add.f32 [tilespmem:s7], [sflag:$0x1], $0x10, s22, s8, $0xb8;
	[tilespmem:$0x6E90] =	vst v63  }
0xb3: {  	_ =	swait.ge [sflag:s12], $0x2000  }
0xb4: {  	[sflag:s12] =	ssyncset.done $0x0  }
0xb5: {  	[sflag:s12] =	ssyncadd.s32 $0xFFFFE000  }
0xb6: {  	[spmem:s2] =	stream.indirect.scatter.add.f32 [tilespmem:s7], [sflag:$0x2], $0x10, s23, s8, $0xb8;
	[tilespmem:$0x6E90] =	vst v63  }
0xb7: {  	_ =	swait.ge [sflag:s14], $0x2000  }
0xb8: {  	[sflag:s14] =	ssyncset.done $0x0  }
0xb9: {  	[sflag:s14] =	ssyncadd.s32 $0xFFFFE000  }
0xba: {  	[spmem:s2] =	stream.indirect.scatter.add.f32 [tilespmem:s7], [sflag:$0x3], $0x10, s24, s8, $0xb8;
	[tilespmem:$0x6E90] =	vst v63  }
0xbb: {  	_ =	swait.ge [sflag:s16], $0x2000  }
0xbc: {  	[sflag:s16] =	ssyncset.done $0x0  }
0xbd: {  	[sflag:s16] =	ssyncadd.s32 $0xFFFFE000  }
0xbe: {  	[spmem:s2] =	stream.indirect.scatter.add.f32 [tilespmem:s7], [sflag:$0x4], $0x10, s25, s8, $0xb8;
	[tilespmem:$0x6E90] =	vst v63  }
0xbf: {  	_ =	swait.ge [sflag:s10], $0x2000  }
0xc0: {  	[sflag:s10] =	ssyncset.done $0x0  }
0xc1: {  	[sflag:s10] =	ssyncadd.s32 $0xFFFFE000  }
0xc2: {  	[spmem:s2] =	stream.indirect.scatter.add.f32 [tilespmem:s7], [sflag:$0x1], $0x10, s26, s8, $0xb8;
	[tilespmem:$0x6E90] =	vst v63  }
0xc3: {  	_ =	swait.ge [sflag:s12], $0x2000  }
0xc4: {  	[sflag:s12] =	ssyncset.done $0x0  }
0xc5: {  	[sflag:s12] =	ssyncadd.s32 $0xFFFFE000  }
0xc6: {  	[spmem:s2] =	stream.indirect.scatter.add.f32 [tilespmem:s7], [sflag:$0x2], $0x10, s28, s8, $0xb8;
	[tilespmem:$0x6E90] =	vst v63  }
0xc7: {  	_ =	swait.ge [sflag:s14], $0x2000  }
0xc8: {  	[sflag:s14] =	ssyncset.done $0x0  }
0xc9: {  	[sflag:s14] =	ssyncadd.s32 $0xFFFFE000  }
0xca: {  	[spmem:s2] =	stream.indirect.scatter.add.f32 [tilespmem:s7], [sflag:$0x3], $0x10, s29, s8, $0xb8;
	[tilespmem:$0x6E90] =	vst v63  }
0xcb: {  	_ =	swait.ge [sflag:s16], $0x2000  }
0xcc: {  	[sflag:s16] =	ssyncset.done $0x0  }
0xcd: {  	[sflag:s16] =	ssyncadd.s32 $0xFFFFE000  }
0xce: {  	[spmem:s2] =	stream.indirect.scatter.add.f32 [tilespmem:s7], [sflag:$0x4], $0x10, s31, s30, $0xb8;
	[tilespmem:$0x6E90] =	vst v63  }
0xcf: {  	_ =	swait.ge [sflag:s10], $0x2000  }
0xd0: {  	[sflag:s10] =	ssyncset.done $0x0  }
0xd1: {  	[sflag:s10] =	ssyncadd.s32 $0xFFFFE000  }
0xd2: {  	_ =	swait.ge [sflag:s12], $0x2000  }
0xd3: {  	[sflag:s12] =	ssyncset.done $0x0  }
0xd4: {  	[sflag:s12] =	ssyncadd.s32 $0xFFFFE000  }
0xd5: {  	_ =	swait.ge [sflag:s14], $0x2000  }
0xd6: {  	[sflag:s14] =	ssyncset.done $0x0  }
0xd7: {  	[sflag:s14] =	ssyncadd.s32 $0xFFFFE000  }
0xd8: {  	_ =	swait.ge [sflag:s16], $0x1100  }
0xd9: {  	p0 =	sne.s32 s1, $0x1;
	[sflag:s16] =	ssyncset.done $0x0  }
.Ltmp1:
0xda: {  	[sflag:s16] =	ssyncadd.s32 $0xFFFFEF00;
	(pc) =	sbr.rel @p0 .LBB2_1-.Ltmp1, $4  }
0xdb: {  	[bflag:$0x0] =	sbarrier.arrive $0xFFFF  }
0xdc: {  	s0 =	rddreg [dreg:$0x7]  }
0xdd: {  	[hbm:s0], [sflag:s4] =	dma.local [spmem:s6], $0x4F0  }
0xde: {  	s1 =	sadd.s32 $0xFFFFFFFF, s1;
	_ =	swait.ge [sflag:s5], $0x4F0  }
.LBB2_2:
0xdf: {  	[sflag:s5] =	ssyncset.done $0x0  }
0xe0: {  	[sflag:s5] =	ssyncadd.s32 $0xFFFFFB10  }
0xe1: {  	_ =	sfence.sel $0x180000  }
0xe2: {  	[bflag:$0x0] =	sbarrier.arrive $0xFFFF  }
0xe3: {  	_ =	strace $0x90000047  }
0xe4: {  	s0 =	stileid.u32;
	[bflag:$0x2] =	sbarrier.arrive $0xFFFF  }
0xe5: {  	p0 =	sne.s32 s0, $0x0;
	s0 =	rddreg [dreg:$0x3]  }
0xe6: {  	s0 =	sadd.s32 @!p0 $0x100000, s0  }
0xe7: {  	[sflag:s0] =	ssyncadd.tile.s32 @!p0 $0x1;
	_ =	shalt  }
.Lfunc_end2:
_tile_overlayer_lowered:
.L_overlay_start_2:
0xe8: {  	(tag) =	ssettag $0x2  }
0xe9: {  	s0 =	rddreg [dreg:$0x0];
	s2 =	stileid.u32  }
0xea: {  	s1 =	rddreg [dreg:$0x1];
	p0 =	sne.s32 s2, $0x0  }
0xeb: {  	s3 =	rddreg [dreg:$0x2];
	[bflag:$0x3] =	sbarrier.arrive $0xFFFF;
	s2 =	simm.s32 @!p0 $0x1C05  }
0xec: {  	[timem:s3], [sflag:s2] =	dma.local @!p0 [hbm:s0], s1  }
0xed: {  	s0 =	simm.s32 @!p0 $0x5  }
0xee: {  	_ =	swait.ge @!p0 [sflag:s0], s1  }
0xef: {  	s1 =	ssub.s32 @!p0 $0x0, s1;
	[sflag:s0] =	ssyncset.done @!p0 $0x0  }
0xf0: {  	[sflag:s0] =	ssyncadd.s32 @!p0 s1  }
0xf1: {  	[bflag:$0x3] =	sbarrier.arrive $0xFFFF  }
0xf2: {  	_ =	shalt  }

</sc_bundles>
